<compile_context>
chip_gen: v7x
topology: tpu7x:2x2x1
jax: 0.10.2.dev20260603
libtpu: 0.0.44.dev20260713+nightly
codegen_flags: <defaults>
</compile_context>

<pallas_src>
import functools

import jax
import jax.numpy as jnp
from jax import lax
from jax.experimental import pallas as pl
from jax.experimental.pallas import tpu as pltpu
from jax.experimental.pallas import tpu_sc as plsc

TOPK = 8
NG = 64
D = 2048
ROWS = 16384
NW = 32
BR = 1024
NCHUNK = 2
CH = ROWS // NCHUNK



def _scores_block(x_ref, w_ref, b_ref, s_ref):
    logits = jnp.dot(x_ref[...], w_ref[...], preferred_element_type=jnp.float32)
    logits = logits + b_ref[...]
    e = jnp.exp(logits - jnp.max(logits, axis=1, keepdims=True))
    s_ref[:, 0:NG] = e / jnp.sum(e, axis=1, keepdims=True)


def _scores_tc_chunk(hs, wt, b2, c):
    off = c * (CH // BR)
    return pl.pallas_call(
        _scores_block,
        grid=(CH // BR,),
        in_specs=[
            pl.BlockSpec((BR, D), lambda ii: (ii + off, 0)),
            pl.BlockSpec((D, NG), lambda ii: (0, 0)),
            pl.BlockSpec((1, NG), lambda ii: (0, 0)),
        ],
        out_specs=pl.BlockSpec((BR, 2 * NG), lambda ii: (ii, 0)),
        out_shape=jax.ShapeDtypeStruct((CH, 2 * NG), jnp.float32),
    )(hs, wt, b2)



def _merge(ka, va, kb, vb):
    kbr = lax.rev(kb, (0,))
    vbr = lax.rev(vb, (0,))
    take_a = ka >= kbr
    kk = jnp.where(take_a, ka, kbr)
    vv = jnp.where(take_a, va, vbr)
    return plsc.sort_key_val(kk, vv, descending=True)


def _make_sc_topk(rows):
    rpw = rows // NW

    def body(s_hbm, idx_hbm, w_hbm, sv, iv, wv):
        wid = lax.axis_index("s") * 2 + lax.axis_index("c")
        pltpu.sync_copy(s_hbm.at[pl.ds(wid * rpw, rpw)], sv)
        lane = lax.iota(jnp.int32, 16)
        lane_f = lane.astype(jnp.float32)
        lt8 = lane < 8

        @plsc.parallel_loop(0, rpw, step=1, unroll=8)
        def row(r):
            ks, vs = [], []
            for j in range(4):
                sc = sv[r, pl.ds(16 * j, 16)]
                ij = lane + (16 * j)
                kj = jnp.where(sc == 0.0, (-1.0 - 16.0 * j) - lane_f, sc)
                kj, ij = plsc.sort_key_val(kj, ij, descending=True)
                ks.append(kj)
                vs.append(ij)
            k01, i01 = _merge(ks[0], vs[0], ks[1], vs[1])
            k23, i23 = _merge(ks[2], vs[2], ks[3], vs[3])
            kt, it = _merge(k01, i01, k23, i23)
            wt = jnp.maximum(kt, 0.0)
            denom = jnp.sum(jnp.where(lt8, wt, 0.0)) + 1e-20
            plsc.store_compressed(iv.at[pl.ds(r * 8, 16)], it, mask=lt8)
            plsc.store_compressed(wv.at[pl.ds(r * 8, 16)], wt / denom, mask=lt8)

        pltpu.sync_copy(iv.at[pl.ds(0, rpw * 8)],
                        idx_hbm.at[pl.ds(wid * (rpw * 8), rpw * 8)])
        pltpu.sync_copy(wv.at[pl.ds(0, rpw * 8)],
                        w_hbm.at[pl.ds(wid * (rpw * 8), rpw * 8)])

    return pl.kernel(
        body,
        mesh=plsc.VectorSubcoreMesh(core_axis_name="c", subcore_axis_name="s"),
        out_type=[
            jax.ShapeDtypeStruct((rows * 8,), jnp.int32),
            jax.ShapeDtypeStruct((rows * 8,), jnp.float32),
        ],
        scratch_types=[
            pltpu.VMEM((rpw, 128), jnp.float32),
            pltpu.VMEM((rpw * 8 + 8,), jnp.int32),
            pltpu.VMEM((rpw * 8 + 8,), jnp.float32),
        ],
        compiler_params=pltpu.CompilerParams(needs_layout_passes=False),
    )


_sc_topk_chunk = _make_sc_topk(CH)



def kernel(x, weight, bias):
    bsz, seq_len, h = x.shape
    hs = x.reshape(-1, h)
    wt = weight.T
    b2 = bias.reshape(1, NG)
    idx_parts, w_parts = [], []
    for c in range(NCHUNK):
        scores = _scores_tc_chunk(hs, wt, b2, c)
        idx_flat, w_flat = _sc_topk_chunk(scores)
        idx_parts.append(idx_flat)
        w_parts.append(w_flat)
    if NCHUNK == 1:
        idx = idx_parts[0].reshape(ROWS, TOPK)
        w = w_parts[0].reshape(ROWS, TOPK)
    else:
        idx = jnp.concatenate(idx_parts).reshape(ROWS, TOPK)
        w = jnp.concatenate(w_parts).reshape(ROWS, TOPK)
    aux_loss = jnp.zeros((), dtype=jnp.float32)
    return (idx, w, aux_loss)

# --- scband reference (transcript-rebuilt; emitter-appended) ---
"""Pipeline reference for scband-gate-9517647528205 (READ-ONLY COPY).

The authoritative reference and input builder live on the scoring server;
editing this copy changes nothing except your own understanding.
"""

import jax, jax.numpy as jnp
import numpy as np

TOP_K = 8
N_GROUPS = 64
DIM = 2048

def setup_inputs(seed: int = 0) -> dict:
    key = jax.random.key(seed)
    k1, k2, k3 = jax.random.split(key, 3)
    x = jax.random.normal(k1, (4, 4096, DIM), dtype=jnp.float32)
    weight = jax.random.normal(k2, (N_GROUPS, DIM), dtype=jnp.float32)
    bias = jax.random.normal(k3, (N_GROUPS,), dtype=jnp.float32)
    return {"x": x, "weight": weight, "bias": bias}

def reference(x, weight, bias):
    bsz, seq_len, h = x.shape
    hidden_states = x.reshape(-1, h)
    logits = hidden_states @ weight.T + bias
    scores = jax.nn.softmax(logits, axis=-1)
    topk_weight, topk_idx = jax.lax.top_k(scores, TOP_K)
    denominator = jnp.sum(topk_weight, axis=-1, keepdims=True) + 1e-20
    topk_weight = topk_weight / denominator
    aux_loss = jnp.asarray(0.0, dtype=jnp.float32)  # eval mode: no aux loss
    return (topk_idx, topk_weight, aux_loss)

if __name__ == "__main__":
    import jax
    _d = setup_inputs()
    print(jax.jit(kernel)(*tuple(_d.values())))

</pallas_src>

<mosaic_0001>
#map = affine_map<(d0, d1) -> (0, 0)>
#map1 = affine_map<(d0, d1) -> (0)>
module attributes {stable_mosaic.version = 14 : i64} {
  func.func @body(%arg0: i32, %arg1: i32, %arg2: memref<8192x128xf32, #tpu.memory_space<hbm>>, %arg3: memref<65536xi32, #tpu.memory_space<hbm>>, %arg4: memref<65536xf32, #tpu.memory_space<hbm>>, %arg5: memref<256x128xf32, #tpu.memory_space<vmem>>, %arg6: memref<2056xi32, #tpu.memory_space<vmem>>, %arg7: memref<2056xf32, #tpu.memory_space<vmem>>) attributes {dimension_semantics = [#tpu.dimension_semantics<core_parallel>, #tpu.dimension_semantics<subcore_parallel>], iteration_bounds = array<i64: 2, 16>, scalar_prefetch = 0 : i64, scratch_operands = 3 : i64, tpu.core_type = #tpu.core_type<sc_vector_subcore>, window_params = [{transform_indices = #map}, {transform_indices = #map1}, {transform_indices = #map1}]} {
    %mul3A = arith.constant 2 : i32
    %mul3A_0 = arith.muli %arg1, %mul3A : i32
    %add3A = arith.addi %mul3A_0, %arg0 : i32
    %mul3A_1 = arith.constant 256 : i32
    %mul3A_2 = arith.muli %add3A, %mul3A_1 : i32
    "tpu.region"() ({
      %run_scoped3A = tpu.sem_alloc : memref<!tpu.dma_semaphore, #tpu.memory_space<semaphore_mem>>
      %dma_start3A = arith.constant 0 : i32
      %dma_start3A_11 = tpu.memref_slice %arg2[%mul3A_2, %dma_start3A] : memref<8192x128xf32, #tpu.memory_space<hbm>> -> memref<256x128xf32, #tpu.memory_space<hbm>>
      %dma_start3A_12 = arith.constant 0 : i32
      %dma_start3A_13 = tpu.memref_slice %arg2[%mul3A_2, %dma_start3A_12] : memref<8192x128xf32, #tpu.memory_space<hbm>> -> memref<256x128xf32, #tpu.memory_space<hbm>>
      tpu.enqueue_dma source(%dma_start3A_13 : memref<256x128xf32, #tpu.memory_space<hbm>>) target(%arg5 : memref<256x128xf32, #tpu.memory_space<vmem>>) target_semaphore(%run_scoped3A : memref<!tpu.dma_semaphore, #tpu.memory_space<semaphore_mem>>)
      %dma_wait3A = arith.constant 0 : i32
      %dma_wait3A_14 = tpu.memref_slice %arg2[%mul3A_2, %dma_wait3A] : memref<8192x128xf32, #tpu.memory_space<hbm>> -> memref<256x128xf32, #tpu.memory_space<hbm>>
      %dma_wait3A_15 = arith.constant 0 : i32
      %dma_wait3A_16 = tpu.memref_slice %arg2[%mul3A_2, %dma_wait3A_15] : memref<8192x128xf32, #tpu.memory_space<hbm>> -> memref<256x128xf32, #tpu.memory_space<hbm>>
      tpu.wait_dma2 semaphore(%run_scoped3A : memref<!tpu.dma_semaphore, #tpu.memory_space<semaphore_mem>>) src(%dma_wait3A_16 : memref<256x128xf32, #tpu.memory_space<hbm>>) dst(%arg5 : memref<256x128xf32, #tpu.memory_space<vmem>>)
      tpu.yield
    }) : () -> ()
    %iota3A = tpu.iota {dimensions = array<i32: 0>} : vector<16xi32>
    %convert_element_type3A = arith.sitofp %iota3A : vector<16xi32> to vector<16xf32>
    %lt3A = arith.constant 8 : i32
    %lt3A_3 = vector.broadcast %lt3A : i32 to vector<16xi32>
    %lt3A_4 = arith.cmpi slt, %iota3A, %lt3A_3 : vector<16xi32>
    %parallel_loop3A = arith.constant 0 : i32
    %parallel_loop3A_5 = arith.constant 256 : i32
    %parallel_loop3A_6 = arith.constant 1 : i32
    scf.for %parallel_loop3A_11 = %parallel_loop3A to %parallel_loop3A_5 step %parallel_loop3A_6  : i32 {
      %parallel_loop3A_12 = arith.index_cast %parallel_loop3A_11 : i32 to index
      %parallel_loop3A_13 = arith.constant 0 : index
      %parallel_loop3A_14 = tpu.vector_load %arg5[%parallel_loop3A_12, %parallel_loop3A_13] {strides = array<i32>} : memref<256x128xf32, #tpu.memory_space<vmem>>, vector<16xf32>,
      %parallel_loop3A_15 = arith.constant 0 : i32
      %parallel_loop3A_16 = vector.broadcast %parallel_loop3A_15 : i32 to vector<16xi32>
      %parallel_loop3A_17 = arith.addi %iota3A, %parallel_loop3A_16 : vector<16xi32>
      %parallel_loop3A_18 = arith.constant 0.000000e+00 : f32
      %parallel_loop3A_19 = vector.broadcast %parallel_loop3A_18 : f32 to vector<16xf32>
      %parallel_loop3A_20 = arith.cmpf oeq, %parallel_loop3A_14, %parallel_loop3A_19 : vector<16xf32>
      %parallel_loop3A_21 = arith.constant -1.000000e+00 : f32
      %parallel_loop3A_22 = vector.broadcast %parallel_loop3A_21 : f32 to vector<16xf32>
      %parallel_loop3A_23 = arith.subf %parallel_loop3A_22, %convert_element_type3A : vector<16xf32>
      %parallel_loop3A_24 = arith.select %parallel_loop3A_20, %parallel_loop3A_23, %parallel_loop3A_14 : vector<16xi1>, vector<16xf32>
      %parallel_loop3A_25 = arith.constant dense<true> : vector<16xi1>
      %parallel_loop3A_26, %parallel_loop3A_27, %parallel_loop3A_28 = tpu.sort %parallel_loop3A_24, %parallel_loop3A_17 masked %parallel_loop3A_25 {descending = true} : (vector<16xf32>, vector<16xi32>, vector<16xi1>) -> (vector<16xi1>, vector<16xf32>, vector<16xi32>)
      %parallel_loop3A_29 = arith.index_cast %parallel_loop3A_11 : i32 to index
      %parallel_loop3A_30 = arith.constant 16 : index
      %parallel_loop3A_31 = tpu.vector_load %arg5[%parallel_loop3A_29, %parallel_loop3A_30] {strides = array<i32>} : memref<256x128xf32, #tpu.memory_space<vmem>>, vector<16xf32>,
      %parallel_loop3A_32 = arith.constant 16 : i32
      %parallel_loop3A_33 = vector.broadcast %parallel_loop3A_32 : i32 to vector<16xi32>
      %parallel_loop3A_34 = arith.addi %iota3A, %parallel_loop3A_33 : vector<16xi32>
      %parallel_loop3A_35 = arith.constant 0.000000e+00 : f32
      %parallel_loop3A_36 = vector.broadcast %parallel_loop3A_35 : f32 to vector<16xf32>
      %parallel_loop3A_37 = arith.cmpf oeq, %parallel_loop3A_31, %parallel_loop3A_36 : vector<16xf32>
      %parallel_loop3A_38 = arith.constant -1.700000e+01 : f32
      %parallel_loop3A_39 = vector.broadcast %parallel_loop3A_38 : f32 to vector<16xf32>
      %parallel_loop3A_40 = arith.subf %parallel_loop3A_39, %convert_element_type3A : vector<16xf32>
      %parallel_loop3A_41 = arith.select %parallel_loop3A_37, %parallel_loop3A_40, %parallel_loop3A_31 : vector<16xi1>, vector<16xf32>
      %parallel_loop3A_42 = arith.constant dense<true> : vector<16xi1>
      %parallel_loop3A_43, %parallel_loop3A_44, %parallel_loop3A_45 = tpu.sort %parallel_loop3A_41, %parallel_loop3A_34 masked %parallel_loop3A_42 {descending = true} : (vector<16xf32>, vector<16xi32>, vector<16xi1>) -> (vector<16xi1>, vector<16xf32>, vector<16xi32>)
      %parallel_loop3A_46 = arith.index_cast %parallel_loop3A_11 : i32 to index
      %parallel_loop3A_47 = arith.constant 32 : index
      %parallel_loop3A_48 = tpu.vector_load %arg5[%parallel_loop3A_46, %parallel_loop3A_47] {strides = array<i32>} : memref<256x128xf32, #tpu.memory_space<vmem>>, vector<16xf32>,
      %parallel_loop3A_49 = arith.constant 32 : i32
      %parallel_loop3A_50 = vector.broadcast %parallel_loop3A_49 : i32 to vector<16xi32>
      %parallel_loop3A_51 = arith.addi %iota3A, %parallel_loop3A_50 : vector<16xi32>
      %parallel_loop3A_52 = arith.constant 0.000000e+00 : f32
      %parallel_loop3A_53 = vector.broadcast %parallel_loop3A_52 : f32 to vector<16xf32>
      %parallel_loop3A_54 = arith.cmpf oeq, %parallel_loop3A_48, %parallel_loop3A_53 : vector<16xf32>
      %parallel_loop3A_55 = arith.constant -3.300000e+01 : f32
      %parallel_loop3A_56 = vector.broadcast %parallel_loop3A_55 : f32 to vector<16xf32>
      %parallel_loop3A_57 = arith.subf %parallel_loop3A_56, %convert_element_type3A : vector<16xf32>
      %parallel_loop3A_58 = arith.select %parallel_loop3A_54, %parallel_loop3A_57, %parallel_loop3A_48 : vector<16xi1>, vector<16xf32>
      %parallel_loop3A_59 = arith.constant dense<true> : vector<16xi1>
      %parallel_loop3A_60, %parallel_loop3A_61, %parallel_loop3A_62 = tpu.sort %parallel_loop3A_58, %parallel_loop3A_51 masked %parallel_loop3A_59 {descending = true} : (vector<16xf32>, vector<16xi32>, vector<16xi1>) -> (vector<16xi1>, vector<16xf32>, vector<16xi32>)
      %parallel_loop3A_63 = arith.index_cast %parallel_loop3A_11 : i32 to index
      %parallel_loop3A_64 = arith.constant 48 : index
      %parallel_loop3A_65 = tpu.vector_load %arg5[%parallel_loop3A_63, %parallel_loop3A_64] {strides = array<i32>} : memref<256x128xf32, #tpu.memory_space<vmem>>, vector<16xf32>,
      %parallel_loop3A_66 = arith.constant 48 : i32
      %parallel_loop3A_67 = vector.broadcast %parallel_loop3A_66 : i32 to vector<16xi32>
      %parallel_loop3A_68 = arith.addi %iota3A, %parallel_loop3A_67 : vector<16xi32>
      %parallel_loop3A_69 = arith.constant 0.000000e+00 : f32
      %parallel_loop3A_70 = vector.broadcast %parallel_loop3A_69 : f32 to vector<16xf32>
      %parallel_loop3A_71 = arith.cmpf oeq, %parallel_loop3A_65, %parallel_loop3A_70 : vector<16xf32>
      %parallel_loop3A_72 = arith.constant -4.900000e+01 : f32
      %parallel_loop3A_73 = vector.broadcast %parallel_loop3A_72 : f32 to vector<16xf32>
      %parallel_loop3A_74 = arith.subf %parallel_loop3A_73, %convert_element_type3A : vector<16xf32>
      %parallel_loop3A_75 = arith.select %parallel_loop3A_71, %parallel_loop3A_74, %parallel_loop3A_65 : vector<16xi1>, vector<16xf32>
      %parallel_loop3A_76 = arith.constant dense<true> : vector<16xi1>
      %parallel_loop3A_77, %parallel_loop3A_78, %parallel_loop3A_79 = tpu.sort %parallel_loop3A_75, %parallel_loop3A_68 masked %parallel_loop3A_76 {descending = true} : (vector<16xf32>, vector<16xi32>, vector<16xi1>) -> (vector<16xi1>, vector<16xf32>, vector<16xi32>)
      %parallel_loop3A_80 = arith.constant 15 : i32
      %parallel_loop3A_81 = vector.broadcast %parallel_loop3A_80 : i32 to vector<16xi32>
      %parallel_loop3A_82 = tpu.iota {dimensions = array<i32: 0>} : vector<16xi32>
      %parallel_loop3A_83 = arith.subi %parallel_loop3A_81, %parallel_loop3A_82 : vector<16xi32>
      %parallel_loop3A_84 = tpu.dynamic_gather %parallel_loop3A_44[%parallel_loop3A_83] in [0] : vector<16xf32>, vector<16xi32> -> vector<16xf32>
      %parallel_loop3A_85 = arith.constant 15 : i32
      %parallel_loop3A_86 = vector.broadcast %parallel_loop3A_85 : i32 to vector<16xi32>
      %parallel_loop3A_87 = tpu.iota {dimensions = array<i32: 0>} : vector<16xi32>
      %parallel_loop3A_88 = arith.subi %parallel_loop3A_86, %parallel_loop3A_87 : vector<16xi32>
      %parallel_loop3A_89 = tpu.dynamic_gather %parallel_loop3A_45[%parallel_loop3A_88] in [0] : vector<16xi32>, vector<16xi32> -> vector<16xi32>
      %parallel_loop3A_90 = arith.cmpf oge, %parallel_loop3A_27, %parallel_loop3A_84 : vector<16xf32>
      %parallel_loop3A_91 = arith.select %parallel_loop3A_90, %parallel_loop3A_27, %parallel_loop3A_84 : vector<16xi1>, vector<16xf32>
      %parallel_loop3A_92 = arith.select %parallel_loop3A_90, %parallel_loop3A_28, %parallel_loop3A_89 : vector<16xi1>, vector<16xi32>
      %parallel_loop3A_93 = arith.constant dense<true> : vector<16xi1>
      %parallel_loop3A_94, %parallel_loop3A_95, %parallel_loop3A_96 = tpu.sort %parallel_loop3A_91, %parallel_loop3A_92 masked %parallel_loop3A_93 {descending = true} : (vector<16xf32>, vector<16xi32>, vector<16xi1>) -> (vector<16xi1>, vector<16xf32>, vector<16xi32>)
      %parallel_loop3A_97 = arith.constant 15 : i32
      %parallel_loop3A_98 = vector.broadcast %parallel_loop3A_97 : i32 to vector<16xi32>
      %parallel_loop3A_99 = tpu.iota {dimensions = array<i32: 0>} : vector<16xi32>
      %parallel_loop3A_100 = arith.subi %parallel_loop3A_98, %parallel_loop3A_99 : vector<16xi32>
      %parallel_loop3A_101 = tpu.dynamic_gather %parallel_loop3A_78[%parallel_loop3A_100] in [0] : vector<16xf32>, vector<16xi32> -> vector<16xf32>
      %parallel_loop3A_102 = arith.constant 15 : i32
      %parallel_loop3A_103 = vector.broadcast %parallel_loop3A_102 : i32 to vector<16xi32>
      %parallel_loop3A_104 = tpu.iota {dimensions = array<i32: 0>} : vector<16xi32>
      %parallel_loop3A_105 = arith.subi %parallel_loop3A_103, %parallel_loop3A_104 : vector<16xi32>
      %parallel_loop3A_106 = tpu.dynamic_gather %parallel_loop3A_79[%parallel_loop3A_105] in [0] : vector<16xi32>, vector<16xi32> -> vector<16xi32>
      %parallel_loop3A_107 = arith.cmpf oge, %parallel_loop3A_61, %parallel_loop3A_101 : vector<16xf32>
      %parallel_loop3A_108 = arith.select %parallel_loop3A_107, %parallel_loop3A_61, %parallel_loop3A_101 : vector<16xi1>, vector<16xf32>
      %parallel_loop3A_109 = arith.select %parallel_loop3A_107, %parallel_loop3A_62, %parallel_loop3A_106 : vector<16xi1>, vector<16xi32>
      %parallel_loop3A_110 = arith.constant dense<true> : vector<16xi1>
      %parallel_loop3A_111, %parallel_loop3A_112, %parallel_loop3A_113 = tpu.sort %parallel_loop3A_108, %parallel_loop3A_109 masked %parallel_loop3A_110 {descending = true} : (vector<16xf32>, vector<16xi32>, vector<16xi1>) -> (vector<16xi1>, vector<16xf32>, vector<16xi32>)
      %parallel_loop3A_114 = arith.constant 15 : i32
      %parallel_loop3A_115 = vector.broadcast %parallel_loop3A_114 : i32 to vector<16xi32>
      %parallel_loop3A_116 = tpu.iota {dimensions = array<i32: 0>} : vector<16xi32>
      %parallel_loop3A_117 = arith.subi %parallel_loop3A_115, %parallel_loop3A_116 : vector<16xi32>
      %parallel_loop3A_118 = tpu.dynamic_gather %parallel_loop3A_112[%parallel_loop3A_117] in [0] : vector<16xf32>, vector<16xi32> -> vector<16xf32>
      %parallel_loop3A_119 = arith.constant 15 : i32
      %parallel_loop3A_120 = vector.broadcast %parallel_loop3A_119 : i32 to vector<16xi32>
      %parallel_loop3A_121 = tpu.iota {dimensions = array<i32: 0>} : vector<16xi32>
      %parallel_loop3A_122 = arith.subi %parallel_loop3A_120, %parallel_loop3A_121 : vector<16xi32>
      %parallel_loop3A_123 = tpu.dynamic_gather %parallel_loop3A_113[%parallel_loop3A_122] in [0] : vector<16xi32>, vector<16xi32> -> vector<16xi32>
      %parallel_loop3A_124 = arith.cmpf oge, %parallel_loop3A_95, %parallel_loop3A_118 : vector<16xf32>
      %parallel_loop3A_125 = arith.select %parallel_loop3A_124, %parallel_loop3A_95, %parallel_loop3A_118 : vector<16xi1>, vector<16xf32>
      %parallel_loop3A_126 = arith.select %parallel_loop3A_124, %parallel_loop3A_96, %parallel_loop3A_123 : vector<16xi1>, vector<16xi32>
      %parallel_loop3A_127 = arith.constant dense<true> : vector<16xi1>
      %parallel_loop3A_128, %parallel_loop3A_129, %parallel_loop3A_130 = tpu.sort %parallel_loop3A_125, %parallel_loop3A_126 masked %parallel_loop3A_127 {descending = true} : (vector<16xf32>, vector<16xi32>, vector<16xi1>) -> (vector<16xi1>, vector<16xf32>, vector<16xi32>)
      %parallel_loop3A_131 = arith.constant 0.000000e+00 : f32
      %parallel_loop3A_132 = vector.broadcast %parallel_loop3A_131 : f32 to vector<16xf32>
      %parallel_loop3A_133 = arith.maximumf %parallel_loop3A_129, %parallel_loop3A_132 : vector<16xf32>
      %parallel_loop3A_134 = arith.constant 0.000000e+00 : f32
      %parallel_loop3A_135 = vector.broadcast %parallel_loop3A_134 : f32 to vector<16xf32>
      %parallel_loop3A_136 = arith.select %lt3A_4, %parallel_loop3A_133, %parallel_loop3A_135 : vector<16xi1>, vector<16xf32>
      %parallel_loop3A_137 = arith.constant true
      %parallel_loop3A_138 = vector.broadcast %parallel_loop3A_137 : i1 to vector<16xi1>
      %parallel_loop3A_139 = tpu.scan <sum>, %parallel_loop3A_136 masked %parallel_loop3A_138 : vector<16xf32>, vector<16xi1> -> vector<16xf32>
      %parallel_loop3A_140 = vector.extract %parallel_loop3A_139[15] : f32 from vector<16xf32>
      %parallel_loop3A_141 = arith.constant 9.99999968E-21 : f32
      %parallel_loop3A_142 = arith.addf %parallel_loop3A_140, %parallel_loop3A_141 : f32
      %parallel_loop3A_143 = arith.constant 8 : i32
      %parallel_loop3A_144 = arith.muli %parallel_loop3A_11, %parallel_loop3A_143 : i32
      %parallel_loop3A_145 = arith.index_cast %parallel_loop3A_144 : i32 to index
      %parallel_loop3A_146 = tpu.vector_load %arg6[%parallel_loop3A_145] masked %lt3A_4 {strides = array<i32>} : memref<2056xi32, #tpu.memory_space<vmem>>, vector<16xi32>, vector<16xi1>
      tpu.vector_store %arg6[%parallel_loop3A_145], %parallel_loop3A_130 masked %lt3A_4 {strides = array<i32>} : memref<2056xi32, #tpu.memory_space<vmem>>, vector<16xi32>, vector<16xi1>
      %parallel_loop3A_147 = arith.constant 8 : i32
      %parallel_loop3A_148 = arith.muli %parallel_loop3A_11, %parallel_loop3A_147 : i32
      %parallel_loop3A_149 = vector.broadcast %parallel_loop3A_142 : f32 to vector<16xf32>
      %parallel_loop3A_150 = arith.divf %parallel_loop3A_133, %parallel_loop3A_149 : vector<16xf32>
      %parallel_loop3A_151 = arith.index_cast %parallel_loop3A_148 : i32 to index
      %parallel_loop3A_152 = tpu.vector_load %arg7[%parallel_loop3A_151] masked %lt3A_4 {strides = array<i32>} : memref<2056xf32, #tpu.memory_space<vmem>>, vector<16xf32>, vector<16xi1>
      tpu.vector_store %arg7[%parallel_loop3A_151], %parallel_loop3A_150 masked %lt3A_4 {strides = array<i32>} : memref<2056xf32, #tpu.memory_space<vmem>>, vector<16xf32>, vector<16xi1>
    } {sc.loop_unroll_factor = 8 : i64, sc.parallel_access}
    %mul3A_7 = arith.constant 2048 : i32
    %mul3A_8 = arith.muli %add3A, %mul3A_7 : i32
    "tpu.region"() ({
      %run_scoped3A = tpu.sem_alloc : memref<!tpu.dma_semaphore, #tpu.memory_space<semaphore_mem>>
      %dma_start3A = arith.constant 0 : i32
      %dma_start3A_11 = tpu.memref_slice %arg6[%dma_start3A] : memref<2056xi32, #tpu.memory_space<vmem>> -> memref<2048xi32, #tpu.memory_space<vmem>>
      %dma_start3A_12 = tpu.memref_slice %arg3[%mul3A_8] : memref<65536xi32, #tpu.memory_space<hbm>> -> memref<2048xi32, #tpu.memory_space<hbm>>
      %dma_start3A_13 = tpu.memref_slice %arg3[%mul3A_8] : memref<65536xi32, #tpu.memory_space<hbm>> -> memref<2048xi32, #tpu.memory_space<hbm>>
      %dma_start3A_14 = arith.constant 0 : i32
      %dma_start3A_15 = tpu.memref_slice %arg6[%dma_start3A_14] : memref<2056xi32, #tpu.memory_space<vmem>> -> memref<2048xi32, #tpu.memory_space<vmem>>
      tpu.enqueue_dma source(%dma_start3A_15 : memref<2048xi32, #tpu.memory_space<vmem>>) target(%dma_start3A_13 : memref<2048xi32, #tpu.memory_space<hbm>>) target_semaphore(%run_scoped3A : memref<!tpu.dma_semaphore, #tpu.memory_space<semaphore_mem>>)
      %dma_wait3A = arith.constant 0 : i32
      %dma_wait3A_16 = tpu.memref_slice %arg6[%dma_wait3A] : memref<2056xi32, #tpu.memory_space<vmem>> -> memref<2048xi32, #tpu.memory_space<vmem>>
      %dma_wait3A_17 = tpu.memref_slice %arg3[%mul3A_8] : memref<65536xi32, #tpu.memory_space<hbm>> -> memref<2048xi32, #tpu.memory_space<hbm>>
      %dma_wait3A_18 = tpu.memref_slice %arg3[%mul3A_8] : memref<65536xi32, #tpu.memory_space<hbm>> -> memref<2048xi32, #tpu.memory_space<hbm>>
      %dma_wait3A_19 = arith.constant 0 : i32
      %dma_wait3A_20 = tpu.memref_slice %arg6[%dma_wait3A_19] : memref<2056xi32, #tpu.memory_space<vmem>> -> memref<2048xi32, #tpu.memory_space<vmem>>
      tpu.wait_dma2 semaphore(%run_scoped3A : memref<!tpu.dma_semaphore, #tpu.memory_space<semaphore_mem>>) src(%dma_wait3A_20 : memref<2048xi32, #tpu.memory_space<vmem>>) dst(%dma_wait3A_18 : memref<2048xi32, #tpu.memory_space<hbm>>)
      tpu.yield
    }) : () -> ()
    %mul3A_9 = arith.constant 2048 : i32
    %mul3A_10 = arith.muli %add3A, %mul3A_9 : i32
    "tpu.region"() ({
      %run_scoped3A = tpu.sem_alloc : memref<!tpu.dma_semaphore, #tpu.memory_space<semaphore_mem>>
      %dma_start3A = arith.constant 0 : i32
      %dma_start3A_11 = tpu.memref_slice %arg7[%dma_start3A] : memref<2056xf32, #tpu.memory_space<vmem>> -> memref<2048xf32, #tpu.memory_space<vmem>>
      %dma_start3A_12 = tpu.memref_slice %arg4[%mul3A_10] : memref<65536xf32, #tpu.memory_space<hbm>> -> memref<2048xf32, #tpu.memory_space<hbm>>
      %dma_start3A_13 = tpu.memref_slice %arg4[%mul3A_10] : memref<65536xf32, #tpu.memory_space<hbm>> -> memref<2048xf32, #tpu.memory_space<hbm>>
      %dma_start3A_14 = arith.constant 0 : i32
      %dma_start3A_15 = tpu.memref_slice %arg7[%dma_start3A_14] : memref<2056xf32, #tpu.memory_space<vmem>> -> memref<2048xf32, #tpu.memory_space<vmem>>
      tpu.enqueue_dma source(%dma_start3A_15 : memref<2048xf32, #tpu.memory_space<vmem>>) target(%dma_start3A_13 : memref<2048xf32, #tpu.memory_space<hbm>>) target_semaphore(%run_scoped3A : memref<!tpu.dma_semaphore, #tpu.memory_space<semaphore_mem>>)
      %dma_wait3A = arith.constant 0 : i32
      %dma_wait3A_16 = tpu.memref_slice %arg7[%dma_wait3A] : memref<2056xf32, #tpu.memory_space<vmem>> -> memref<2048xf32, #tpu.memory_space<vmem>>
      %dma_wait3A_17 = tpu.memref_slice %arg4[%mul3A_10] : memref<65536xf32, #tpu.memory_space<hbm>> -> memref<2048xf32, #tpu.memory_space<hbm>>
      %dma_wait3A_18 = tpu.memref_slice %arg4[%mul3A_10] : memref<65536xf32, #tpu.memory_space<hbm>> -> memref<2048xf32, #tpu.memory_space<hbm>>
      %dma_wait3A_19 = arith.constant 0 : i32
      %dma_wait3A_20 = tpu.memref_slice %arg7[%dma_wait3A_19] : memref<2056xf32, #tpu.memory_space<vmem>> -> memref<2048xf32, #tpu.memory_space<vmem>>
      tpu.wait_dma2 semaphore(%run_scoped3A : memref<!tpu.dma_semaphore, #tpu.memory_space<semaphore_mem>>) src(%dma_wait3A_20 : memref<2048xf32, #tpu.memory_space<vmem>>) dst(%dma_wait3A_18 : memref<2048xf32, #tpu.memory_space<hbm>>)
      tpu.yield
    }) : () -> ()
    return
  }
}

#map = affine_map<(d0, d1) -> (0, 0)>
#map1 = affine_map<(d0, d1) -> (0)>
module attributes {stable_mosaic.version = 14 : i64} {
  func.func @body(%arg0: i32, %arg1: i32, %arg2: memref<8192x128xf32, #tpu.memory_space<hbm>>, %arg3: memref<65536xi32, #tpu.memory_space<hbm>>, %arg4: memref<65536xf32, #tpu.memory_space<hbm>>, %arg5: memref<256x128xf32, #tpu.memory_space<vmem>>, %arg6: memref<2056xi32, #tpu.memory_space<vmem>>, %arg7: memref<2056xf32, #tpu.memory_space<vmem>>) attributes {dimension_semantics = [#tpu.dimension_semantics<core_parallel>, #tpu.dimension_semantics<subcore_parallel>], iteration_bounds = array<i64: 2, 16>, scalar_prefetch = 0 : i64, scratch_operands = 3 : i64, tpu.core_type = #tpu.core_type<sc_vector_subcore>, window_params = [{transform_indices = #map}, {transform_indices = #map1}, {transform_indices = #map1}]} {
    %mul3A = arith.constant 2 : i32
    %mul3A_0 = arith.muli %arg1, %mul3A : i32
    %add3A = arith.addi %mul3A_0, %arg0 : i32
    %mul3A_1 = arith.constant 256 : i32
    %mul3A_2 = arith.muli %add3A, %mul3A_1 : i32
    "tpu.region"() ({
      %run_scoped3A = tpu.sem_alloc : memref<!tpu.dma_semaphore, #tpu.memory_space<semaphore_mem>>
      %dma_start3A = arith.constant 0 : i32
      %dma_start3A_11 = tpu.memref_slice %arg2[%mul3A_2, %dma_start3A] : memref<8192x128xf32, #tpu.memory_space<hbm>> -> memref<256x128xf32, #tpu.memory_space<hbm>>
      %dma_start3A_12 = arith.constant 0 : i32
      %dma_start3A_13 = tpu.memref_slice %arg2[%mul3A_2, %dma_start3A_12] : memref<8192x128xf32, #tpu.memory_space<hbm>> -> memref<256x128xf32, #tpu.memory_space<hbm>>
      tpu.enqueue_dma source(%dma_start3A_13 : memref<256x128xf32, #tpu.memory_space<hbm>>) target(%arg5 : memref<256x128xf32, #tpu.memory_space<vmem>>) target_semaphore(%run_scoped3A : memref<!tpu.dma_semaphore, #tpu.memory_space<semaphore_mem>>)
      %dma_wait3A = arith.constant 0 : i32
      %dma_wait3A_14 = tpu.memref_slice %arg2[%mul3A_2, %dma_wait3A] : memref<8192x128xf32, #tpu.memory_space<hbm>> -> memref<256x128xf32, #tpu.memory_space<hbm>>
      %dma_wait3A_15 = arith.constant 0 : i32
      %dma_wait3A_16 = tpu.memref_slice %arg2[%mul3A_2, %dma_wait3A_15] : memref<8192x128xf32, #tpu.memory_space<hbm>> -> memref<256x128xf32, #tpu.memory_space<hbm>>
      tpu.wait_dma2 semaphore(%run_scoped3A : memref<!tpu.dma_semaphore, #tpu.memory_space<semaphore_mem>>) src(%dma_wait3A_16 : memref<256x128xf32, #tpu.memory_space<hbm>>) dst(%arg5 : memref<256x128xf32, #tpu.memory_space<vmem>>)
      tpu.yield
    }) : () -> ()
    %iota3A = tpu.iota {dimensions = array<i32: 0>} : vector<16xi32>
    %convert_element_type3A = arith.sitofp %iota3A : vector<16xi32> to vector<16xf32>
    %lt3A = arith.constant 8 : i32
    %lt3A_3 = vector.broadcast %lt3A : i32 to vector<16xi32>
    %lt3A_4 = arith.cmpi slt, %iota3A, %lt3A_3 : vector<16xi32>
    %parallel_loop3A = arith.constant 0 : i32
    %parallel_loop3A_5 = arith.constant 256 : i32
    %parallel_loop3A_6 = arith.constant 1 : i32
    scf.for %parallel_loop3A_11 = %parallel_loop3A to %parallel_loop3A_5 step %parallel_loop3A_6  : i32 {
      %parallel_loop3A_12 = arith.index_cast %parallel_loop3A_11 : i32 to index
      %parallel_loop3A_13 = arith.constant 0 : index
      %parallel_loop3A_14 = tpu.vector_load %arg5[%parallel_loop3A_12, %parallel_loop3A_13] {strides = array<i32>} : memref<256x128xf32, #tpu.memory_space<vmem>>, vector<16xf32>,
      %parallel_loop3A_15 = arith.constant 0 : i32
      %parallel_loop3A_16 = vector.broadcast %parallel_loop3A_15 : i32 to vector<16xi32>
      %parallel_loop3A_17 = arith.addi %iota3A, %parallel_loop3A_16 : vector<16xi32>
      %parallel_loop3A_18 = arith.constant 0.000000e+00 : f32
      %parallel_loop3A_19 = vector.broadcast %parallel_loop3A_18 : f32 to vector<16xf32>
      %parallel_loop3A_20 = arith.cmpf oeq, %parallel_loop3A_14, %parallel_loop3A_19 : vector<16xf32>
      %parallel_loop3A_21 = arith.constant -1.000000e+00 : f32
      %parallel_loop3A_22 = vector.broadcast %parallel_loop3A_21 : f32 to vector<16xf32>
      %parallel_loop3A_23 = arith.subf %parallel_loop3A_22, %convert_element_type3A : vector<16xf32>
      %parallel_loop3A_24 = arith.select %parallel_loop3A_20, %parallel_loop3A_23, %parallel_loop3A_14 : vector<16xi1>, vector<16xf32>
      %parallel_loop3A_25 = arith.constant dense<true> : vector<16xi1>
      %parallel_loop3A_26, %parallel_loop3A_27, %parallel_loop3A_28 = tpu.sort %parallel_loop3A_24, %parallel_loop3A_17 masked %parallel_loop3A_25 {descending = true} : (vector<16xf32>, vector<16xi32>, vector<16xi1>) -> (vector<16xi1>, vector<16xf32>, vector<16xi32>)
      %parallel_loop3A_29 = arith.index_cast %parallel_loop3A_11 : i32 to index
      %parallel_loop3A_30 = arith.constant 16 : index
      %parallel_loop3A_31 = tpu.vector_load %arg5[%parallel_loop3A_29, %parallel_loop3A_30] {strides = array<i32>} : memref<256x128xf32, #tpu.memory_space<vmem>>, vector<16xf32>,
      %parallel_loop3A_32 = arith.constant 16 : i32
      %parallel_loop3A_33 = vector.broadcast %parallel_loop3A_32 : i32 to vector<16xi32>
      %parallel_loop3A_34 = arith.addi %iota3A, %parallel_loop3A_33 : vector<16xi32>
      %parallel_loop3A_35 = arith.constant 0.000000e+00 : f32
      %parallel_loop3A_36 = vector.broadcast %parallel_loop3A_35 : f32 to vector<16xf32>
      %parallel_loop3A_37 = arith.cmpf oeq, %parallel_loop3A_31, %parallel_loop3A_36 : vector<16xf32>
      %parallel_loop3A_38 = arith.constant -1.700000e+01 : f32
      %parallel_loop3A_39 = vector.broadcast %parallel_loop3A_38 : f32 to vector<16xf32>
      %parallel_loop3A_40 = arith.subf %parallel_loop3A_39, %convert_element_type3A : vector<16xf32>
      %parallel_loop3A_41 = arith.select %parallel_loop3A_37, %parallel_loop3A_40, %parallel_loop3A_31 : vector<16xi1>, vector<16xf32>
      %parallel_loop3A_42 = arith.constant dense<true> : vector<16xi1>
      %parallel_loop3A_43, %parallel_loop3A_44, %parallel_loop3A_45 = tpu.sort %parallel_loop3A_41, %parallel_loop3A_34 masked %parallel_loop3A_42 {descending = true} : (vector<16xf32>, vector<16xi32>, vector<16xi1>) -> (vector<16xi1>, vector<16xf32>, vector<16xi32>)
      %parallel_loop3A_46 = arith.index_cast %parallel_loop3A_11 : i32 to index
      %parallel_loop3A_47 = arith.constant 32 : index
      %parallel_loop3A_48 = tpu.vector_load %arg5[%parallel_loop3A_46, %parallel_loop3A_47] {strides = array<i32>} : memref<256x128xf32, #tpu.memory_space<vmem>>, vector<16xf32>,
      %parallel_loop3A_49 = arith.constant 32 : i32
      %parallel_loop3A_50 = vector.broadcast %parallel_loop3A_49 : i32 to vector<16xi32>
      %parallel_loop3A_51 = arith.addi %iota3A, %parallel_loop3A_50 : vector<16xi32>
      %parallel_loop3A_52 = arith.constant 0.000000e+00 : f32
      %parallel_loop3A_53 = vector.broadcast %parallel_loop3A_52 : f32 to vector<16xf32>
      %parallel_loop3A_54 = arith.cmpf oeq, %parallel_loop3A_48, %parallel_loop3A_53 : vector<16xf32>
      %parallel_loop3A_55 = arith.constant -3.300000e+01 : f32
      %parallel_loop3A_56 = vector.broadcast %parallel_loop3A_55 : f32 to vector<16xf32>
      %parallel_loop3A_57 = arith.subf %parallel_loop3A_56, %convert_element_type3A : vector<16xf32>
      %parallel_loop3A_58 = arith.select %parallel_loop3A_54, %parallel_loop3A_57, %parallel_loop3A_48 : vector<16xi1>, vector<16xf32>
      %parallel_loop3A_59 = arith.constant dense<true> : vector<16xi1>
      %parallel_loop3A_60, %parallel_loop3A_61, %parallel_loop3A_62 = tpu.sort %parallel_loop3A_58, %parallel_loop3A_51 masked %parallel_loop3A_59 {descending = true} : (vector<16xf32>, vector<16xi32>, vector<16xi1>) -> (vector<16xi1>, vector<16xf32>, vector<16xi32>)
      %parallel_loop3A_63 = arith.index_cast %parallel_loop3A_11 : i32 to index
      %parallel_loop3A_64 = arith.constant 48 : index
      %parallel_loop3A_65 = tpu.vector_load %arg5[%parallel_loop3A_63, %parallel_loop3A_64] {strides = array<i32>} : memref<256x128xf32, #tpu.memory_space<vmem>>, vector<16xf32>,
      %parallel_loop3A_66 = arith.constant 48 : i32
      %parallel_loop3A_67 = vector.broadcast %parallel_loop3A_66 : i32 to vector<16xi32>
      %parallel_loop3A_68 = arith.addi %iota3A, %parallel_loop3A_67 : vector<16xi32>
      %parallel_loop3A_69 = arith.constant 0.000000e+00 : f32
      %parallel_loop3A_70 = vector.broadcast %parallel_loop3A_69 : f32 to vector<16xf32>
      %parallel_loop3A_71 = arith.cmpf oeq, %parallel_loop3A_65, %parallel_loop3A_70 : vector<16xf32>
      %parallel_loop3A_72 = arith.constant -4.900000e+01 : f32
      %parallel_loop3A_73 = vector.broadcast %parallel_loop3A_72 : f32 to vector<16xf32>
      %parallel_loop3A_74 = arith.subf %parallel_loop3A_73, %convert_element_type3A : vector<16xf32>
      %parallel_loop3A_75 = arith.select %parallel_loop3A_71, %parallel_loop3A_74, %parallel_loop3A_65 : vector<16xi1>, vector<16xf32>
      %parallel_loop3A_76 = arith.constant dense<true> : vector<16xi1>
      %parallel_loop3A_77, %parallel_loop3A_78, %parallel_loop3A_79 = tpu.sort %parallel_loop3A_75, %parallel_loop3A_68 masked %parallel_loop3A_76 {descending = true} : (vector<16xf32>, vector<16xi32>, vector<16xi1>) -> (vector<16xi1>, vector<16xf32>, vector<16xi32>)
      %parallel_loop3A_80 = arith.constant 15 : i32
      %parallel_loop3A_81 = vector.broadcast %parallel_loop3A_80 : i32 to vector<16xi32>
      %parallel_loop3A_82 = tpu.iota {dimensions = array<i32: 0>} : vector<16xi32>
      %parallel_loop3A_83 = arith.subi %parallel_loop3A_81, %parallel_loop3A_82 : vector<16xi32>
      %parallel_loop3A_84 = tpu.dynamic_gather %parallel_loop3A_44[%parallel_loop3A_83] in [0] : vector<16xf32>, vector<16xi32> -> vector<16xf32>
      %parallel_loop3A_85 = arith.constant 15 : i32
      %parallel_loop3A_86 = vector.broadcast %parallel_loop3A_85 : i32 to vector<16xi32>
      %parallel_loop3A_87 = tpu.iota {dimensions = array<i32: 0>} : vector<16xi32>
      %parallel_loop3A_88 = arith.subi %parallel_loop3A_86, %parallel_loop3A_87 : vector<16xi32>
      %parallel_loop3A_89 = tpu.dynamic_gather %parallel_loop3A_45[%parallel_loop3A_88] in [0] : vector<16xi32>, vector<16xi32> -> vector<16xi32>
      %parallel_loop3A_90 = arith.cmpf oge, %parallel_loop3A_27, %parallel_loop3A_84 : vector<16xf32>
      %parallel_loop3A_91 = arith.select %parallel_loop3A_90, %parallel_loop3A_27, %parallel_loop3A_84 : vector<16xi1>, vector<16xf32>
      %parallel_loop3A_92 = arith.select %parallel_loop3A_90, %parallel_loop3A_28, %parallel_loop3A_89 : vector<16xi1>, vector<16xi32>
      %parallel_loop3A_93 = arith.constant dense<true> : vector<16xi1>
      %parallel_loop3A_94, %parallel_loop3A_95, %parallel_loop3A_96 = tpu.sort %parallel_loop3A_91, %parallel_loop3A_92 masked %parallel_loop3A_93 {descending = true} : (vector<16xf32>, vector<16xi32>, vector<16xi1>) -> (vector<16xi1>, vector<16xf32>, vector<16xi32>)
      %parallel_loop3A_97 = arith.constant 15 : i32
      %parallel_loop3A_98 = vector.broadcast %parallel_loop3A_97 : i32 to vector<16xi32>
      %parallel_loop3A_99 = tpu.iota {dimensions = array<i32: 0>} : vector<16xi32>
      %parallel_loop3A_100 = arith.subi %parallel_loop3A_98, %parallel_loop3A_99 : vector<16xi32>
      %parallel_loop3A_101 = tpu.dynamic_gather %parallel_loop3A_78[%parallel_loop3A_100] in [0] : vector<16xf32>, vector<16xi32> -> vector<16xf32>
      %parallel_loop3A_102 = arith.constant 15 : i32
      %parallel_loop3A_103 = vector.broadcast %parallel_loop3A_102 : i32 to vector<16xi32>
      %parallel_loop3A_104 = tpu.iota {dimensions = array<i32: 0>} : vector<16xi32>
      %parallel_loop3A_105 = arith.subi %parallel_loop3A_103, %parallel_loop3A_104 : vector<16xi32>
      %parallel_loop3A_106 = tpu.dynamic_gather %parallel_loop3A_79[%parallel_loop3A_105] in [0] : vector<16xi32>, vector<16xi32> -> vector<16xi32>
      %parallel_loop3A_107 = arith.cmpf oge, %parallel_loop3A_61, %parallel_loop3A_101 : vector<16xf32>
      %parallel_loop3A_108 = arith.select %parallel_loop3A_107, %parallel_loop3A_61, %parallel_loop3A_101 : vector<16xi1>, vector<16xf32>
      %parallel_loop3A_109 = arith.select %parallel_loop3A_107, %parallel_loop3A_62, %parallel_loop3A_106 : vector<16xi1>, vector<16xi32>
      %parallel_loop3A_110 = arith.constant dense<true> : vector<16xi1>
      %parallel_loop3A_111, %parallel_loop3A_112, %parallel_loop3A_113 = tpu.sort %parallel_loop3A_108, %parallel_loop3A_109 masked %parallel_loop3A_110 {descending = true} : (vector<16xf32>, vector<16xi32>, vector<16xi1>) -> (vector<16xi1>, vector<16xf32>, vector<16xi32>)
      %parallel_loop3A_114 = arith.constant 15 : i32
      %parallel_loop3A_115 = vector.broadcast %parallel_loop3A_114 : i32 to vector<16xi32>
      %parallel_loop3A_116 = tpu.iota {dimensions = array<i32: 0>} : vector<16xi32>
      %parallel_loop3A_117 = arith.subi %parallel_loop3A_115, %parallel_loop3A_116 : vector<16xi32>
      %parallel_loop3A_118 = tpu.dynamic_gather %parallel_loop3A_112[%parallel_loop3A_117] in [0] : vector<16xf32>, vector<16xi32> -> vector<16xf32>
      %parallel_loop3A_119 = arith.constant 15 : i32
      %parallel_loop3A_120 = vector.broadcast %parallel_loop3A_119 : i32 to vector<16xi32>
      %parallel_loop3A_121 = tpu.iota {dimensions = array<i32: 0>} : vector<16xi32>
      %parallel_loop3A_122 = arith.subi %parallel_loop3A_120, %parallel_loop3A_121 : vector<16xi32>
      %parallel_loop3A_123 = tpu.dynamic_gather %parallel_loop3A_113[%parallel_loop3A_122] in [0] : vector<16xi32>, vector<16xi32> -> vector<16xi32>
      %parallel_loop3A_124 = arith.cmpf oge, %parallel_loop3A_95, %parallel_loop3A_118 : vector<16xf32>
      %parallel_loop3A_125 = arith.select %parallel_loop3A_124, %parallel_loop3A_95, %parallel_loop3A_118 : vector<16xi1>, vector<16xf32>
      %parallel_loop3A_126 = arith.select %parallel_loop3A_124, %parallel_loop3A_96, %parallel_loop3A_123 : vector<16xi1>, vector<16xi32>
      %parallel_loop3A_127 = arith.constant dense<true> : vector<16xi1>
      %parallel_loop3A_128, %parallel_loop3A_129, %parallel_loop3A_130 = tpu.sort %parallel_loop3A_125, %parallel_loop3A_126 masked %parallel_loop3A_127 {descending = true} : (vector<16xf32>, vector<16xi32>, vector<16xi1>) -> (vector<16xi1>, vector<16xf32>, vector<16xi32>)
      %parallel_loop3A_131 = arith.constant 0.000000e+00 : f32
      %parallel_loop3A_132 = vector.broadcast %parallel_loop3A_131 : f32 to vector<16xf32>
      %parallel_loop3A_133 = arith.maximumf %parallel_loop3A_129, %parallel_loop3A_132 : vector<16xf32>
      %parallel_loop3A_134 = arith.constant 0.000000e+00 : f32
      %parallel_loop3A_135 = vector.broadcast %parallel_loop3A_134 : f32 to vector<16xf32>
      %parallel_loop3A_136 = arith.select %lt3A_4, %parallel_loop3A_133, %parallel_loop3A_135 : vector<16xi1>, vector<16xf32>
      %parallel_loop3A_137 = arith.constant true
      %parallel_loop3A_138 = vector.broadcast %parallel_loop3A_137 : i1 to vector<16xi1>
      %parallel_loop3A_139 = tpu.scan <sum>, %parallel_loop3A_136 masked %parallel_loop3A_138 : vector<16xf32>, vector<16xi1> -> vector<16xf32>
      %parallel_loop3A_140 = vector.extract %parallel_loop3A_139[15] : f32 from vector<16xf32>
      %parallel_loop3A_141 = arith.constant 9.99999968E-21 : f32
      %parallel_loop3A_142 = arith.addf %parallel_loop3A_140, %parallel_loop3A_141 : f32
      %parallel_loop3A_143 = arith.constant 8 : i32
      %parallel_loop3A_144 = arith.muli %parallel_loop3A_11, %parallel_loop3A_143 : i32
      %parallel_loop3A_145 = arith.index_cast %parallel_loop3A_144 : i32 to index
      %parallel_loop3A_146 = tpu.vector_load %arg6[%parallel_loop3A_145] masked %lt3A_4 {strides = array<i32>} : memref<2056xi32, #tpu.memory_space<vmem>>, vector<16xi32>, vector<16xi1>
      tpu.vector_store %arg6[%parallel_loop3A_145], %parallel_loop3A_130 masked %lt3A_4 {strides = array<i32>} : memref<2056xi32, #tpu.memory_space<vmem>>, vector<16xi32>, vector<16xi1>
      %parallel_loop3A_147 = arith.constant 8 : i32
      %parallel_loop3A_148 = arith.muli %parallel_loop3A_11, %parallel_loop3A_147 : i32
      %parallel_loop3A_149 = vector.broadcast %parallel_loop3A_142 : f32 to vector<16xf32>
      %parallel_loop3A_150 = arith.divf %parallel_loop3A_133, %parallel_loop3A_149 : vector<16xf32>
      %parallel_loop3A_151 = arith.index_cast %parallel_loop3A_148 : i32 to index
      %parallel_loop3A_152 = tpu.vector_load %arg7[%parallel_loop3A_151] masked %lt3A_4 {strides = array<i32>} : memref<2056xf32, #tpu.memory_space<vmem>>, vector<16xf32>, vector<16xi1>
      tpu.vector_store %arg7[%parallel_loop3A_151], %parallel_loop3A_150 masked %lt3A_4 {strides = array<i32>} : memref<2056xf32, #tpu.memory_space<vmem>>, vector<16xf32>, vector<16xi1>
    } {sc.loop_unroll_factor = 8 : i64, sc.parallel_access}
    %mul3A_7 = arith.constant 2048 : i32
    %mul3A_8 = arith.muli %add3A, %mul3A_7 : i32
    "tpu.region"() ({
      %run_scoped3A = tpu.sem_alloc : memref<!tpu.dma_semaphore, #tpu.memory_space<semaphore_mem>>
      %dma_start3A = arith.constant 0 : i32
      %dma_start3A_11 = tpu.memref_slice %arg6[%dma_start3A] : memref<2056xi32, #tpu.memory_space<vmem>> -> memref<2048xi32, #tpu.memory_space<vmem>>
      %dma_start3A_12 = tpu.memref_slice %arg3[%mul3A_8] : memref<65536xi32, #tpu.memory_space<hbm>> -> memref<2048xi32, #tpu.memory_space<hbm>>
      %dma_start3A_13 = tpu.memref_slice %arg3[%mul3A_8] : memref<65536xi32, #tpu.memory_space<hbm>> -> memref<2048xi32, #tpu.memory_space<hbm>>
      %dma_start3A_14 = arith.constant 0 : i32
      %dma_start3A_15 = tpu.memref_slice %arg6[%dma_start3A_14] : memref<2056xi32, #tpu.memory_space<vmem>> -> memref<2048xi32, #tpu.memory_space<vmem>>
      tpu.enqueue_dma source(%dma_start3A_15 : memref<2048xi32, #tpu.memory_space<vmem>>) target(%dma_start3A_13 : memref<2048xi32, #tpu.memory_space<hbm>>) target_semaphore(%run_scoped3A : memref<!tpu.dma_semaphore, #tpu.memory_space<semaphore_mem>>)
      %dma_wait3A = arith.constant 0 : i32
      %dma_wait3A_16 = tpu.memref_slice %arg6[%dma_wait3A] : memref<2056xi32, #tpu.memory_space<vmem>> -> memref<2048xi32, #tpu.memory_space<vmem>>
      %dma_wait3A_17 = tpu.memref_slice %arg3[%mul3A_8] : memref<65536xi32, #tpu.memory_space<hbm>> -> memref<2048xi32, #tpu.memory_space<hbm>>
      %dma_wait3A_18 = tpu.memref_slice %arg3[%mul3A_8] : memref<65536xi32, #tpu.memory_space<hbm>> -> memref<2048xi32, #tpu.memory_space<hbm>>
      %dma_wait3A_19 = arith.constant 0 : i32
      %dma_wait3A_20 = tpu.memref_slice %arg6[%dma_wait3A_19] : memref<2056xi32, #tpu.memory_space<vmem>> -> memref<2048xi32, #tpu.memory_space<vmem>>
      tpu.wait_dma2 semaphore(%run_scoped3A : memref<!tpu.dma_semaphore, #tpu.memory_space<semaphore_mem>>) src(%dma_wait3A_20 : memref<2048xi32, #tpu.memory_space<vmem>>) dst(%dma_wait3A_18 : memref<2048xi32, #tpu.memory_space<hbm>>)
      tpu.yield
    }) : () -> ()
    %mul3A_9 = arith.constant 2048 : i32
    %mul3A_10 = arith.muli %add3A, %mul3A_9 : i32
    "tpu.region"() ({
      %run_scoped3A = tpu.sem_alloc : memref<!tpu.dma_semaphore, #tpu.memory_space<semaphore_mem>>
      %dma_start3A = arith.constant 0 : i32
      %dma_start3A_11 = tpu.memref_slice %arg7[%dma_start3A] : memref<2056xf32, #tpu.memory_space<vmem>> -> memref<2048xf32, #tpu.memory_space<vmem>>
      %dma_start3A_12 = tpu.memref_slice %arg4[%mul3A_10] : memref<65536xf32, #tpu.memory_space<hbm>> -> memref<2048xf32, #tpu.memory_space<hbm>>
      %dma_start3A_13 = tpu.memref_slice %arg4[%mul3A_10] : memref<65536xf32, #tpu.memory_space<hbm>> -> memref<2048xf32, #tpu.memory_space<hbm>>
      %dma_start3A_14 = arith.constant 0 : i32
      %dma_start3A_15 = tpu.memref_slice %arg7[%dma_start3A_14] : memref<2056xf32, #tpu.memory_space<vmem>> -> memref<2048xf32, #tpu.memory_space<vmem>>
      tpu.enqueue_dma source(%dma_start3A_15 : memref<2048xf32, #tpu.memory_space<vmem>>) target(%dma_start3A_13 : memref<2048xf32, #tpu.memory_space<hbm>>) target_semaphore(%run_scoped3A : memref<!tpu.dma_semaphore, #tpu.memory_space<semaphore_mem>>)
      %dma_wait3A = arith.constant 0 : i32
      %dma_wait3A_16 = tpu.memref_slice %arg7[%dma_wait3A] : memref<2056xf32, #tpu.memory_space<vmem>> -> memref<2048xf32, #tpu.memory_space<vmem>>
      %dma_wait3A_17 = tpu.memref_slice %arg4[%mul3A_10] : memref<65536xf32, #tpu.memory_space<hbm>> -> memref<2048xf32, #tpu.memory_space<hbm>>
      %dma_wait3A_18 = tpu.memref_slice %arg4[%mul3A_10] : memref<65536xf32, #tpu.memory_space<hbm>> -> memref<2048xf32, #tpu.memory_space<hbm>>
      %dma_wait3A_19 = arith.constant 0 : i32
      %dma_wait3A_20 = tpu.memref_slice %arg7[%dma_wait3A_19] : memref<2056xf32, #tpu.memory_space<vmem>> -> memref<2048xf32, #tpu.memory_space<vmem>>
      tpu.wait_dma2 semaphore(%run_scoped3A : memref<!tpu.dma_semaphore, #tpu.memory_space<semaphore_mem>>) src(%dma_wait3A_20 : memref<2048xf32, #tpu.memory_space<vmem>>) dst(%dma_wait3A_18 : memref<2048xf32, #tpu.memory_space<hbm>>)
      tpu.yield
    }) : () -> ()
    return
  }
}

module attributes {stable_mosaic.version = 14 : i64} {
  func.func @_scores_block(%arg0: i32, %arg1: memref<1024x2048xf32, #tpu.memory_space<vmem>>, %arg2: memref<2048x64xf32, #tpu.memory_space<vmem>>, %arg3: memref<1x64xf32, #tpu.memory_space<vmem>>, %arg4: memref<1024x128xf32, #tpu.memory_space<vmem>>) attributes {dimension_semantics = [#tpu.dimension_semantics<arbitrary>], iteration_bounds = array<i64: 8>, scalar_prefetch = 0 : i64, scratch_operands = 0 : i64, tpu.core_type = #tpu.core_type<tc>, window_params = [{transform_indices = @transform_0, window_bounds = array<i64: 1024, 2048>}, {pipeline_mode = #tpu.pipeline_mode<synchronous>, transform_indices = @transform_1, window_bounds = array<i64: 2048, 64>}, {pipeline_mode = #tpu.pipeline_mode<synchronous>, transform_indices = @transform_2, window_bounds = array<i64: 1, 64>}, {transform_indices = @transform_3, window_bounds = array<i64: 1024, 128>}]} {
    %get3A = arith.constant 0 : index
    %get3A_0 = arith.constant 0 : index
    %get3A_1 = vector.load %arg1[%get3A, %get3A_0] : memref<1024x2048xf32, #tpu.memory_space<vmem>>, vector<1024x2048xf32>
    %get3A_2 = arith.constant 0 : index
    %get3A_3 = arith.constant 0 : index
    %get3A_4 = vector.load %arg2[%get3A_2, %get3A_3] : memref<2048x64xf32, #tpu.memory_space<vmem>>, vector<2048x64xf32>
    %dot_general3A = arith.constant dense<0.000000e+00> : vector<1024x64xf32>
    %dot_general3A_5 = tpu.matmul %get3A_1, %get3A_4, %dot_general3A {dimension_numbers = #tpu.dot_dimension_numbers<[1], [0], [0], [1], [0, 0, 1, 1], [], []>, transpose_lhs_hint = false} : vector<1024x2048xf32>, vector<2048x64xf32>, vector<1024x64xf32> -> vector<1024x64xf32>
    %get3A_6 = arith.constant 0 : index
    %get3A_7 = arith.constant 0 : index
    %get3A_8 = vector.load %arg3[%get3A_6, %get3A_7] : memref<1x64xf32, #tpu.memory_space<vmem>>, vector<1x64xf32>
    %add3A = vector.broadcast %get3A_8 : vector<1x64xf32> to vector<1024x64xf32>
    %add3A_9 = arith.addf %dot_general3A_5, %add3A : vector<1024x64xf32>
    %reduce_max3A = arith.constant dense<0xFF800000> : vector<1024xf32>
    %reduce_max3A_10 = vector.multi_reduction <maximumf>, %add3A_9, %reduce_max3A [1] : vector<1024x64xf32> to vector<1024xf32>
    %broadcast_in_dim3A = vector.shape_cast %reduce_max3A_10 : vector<1024xf32> to vector<1024x1xf32>
    %sub3A = vector.broadcast %broadcast_in_dim3A : vector<1024x1xf32> to vector<1024x64xf32>
    %sub3A_11 = arith.subf %add3A_9, %sub3A : vector<1024x64xf32>
    %exp3A = math.exp %sub3A_11 : vector<1024x64xf32>
    %reduce_sum3A = arith.constant dense<0.000000e+00> : vector<1024xf32>
    %reduce_sum3A_12 = vector.multi_reduction <add>, %exp3A, %reduce_sum3A [1] : vector<1024x64xf32> to vector<1024xf32>
    %broadcast_in_dim3A_13 = vector.shape_cast %reduce_sum3A_12 : vector<1024xf32> to vector<1024x1xf32>
    %div3A = vector.broadcast %broadcast_in_dim3A_13 : vector<1024x1xf32> to vector<1024x64xf32>
    %div3A_14 = arith.divf %exp3A, %div3A : vector<1024x64xf32>
    %swap3A = arith.constant 0 : index
    %swap3A_15 = arith.constant 0 : index
    %swap3A_16 = vector.load %arg4[%swap3A, %swap3A_15] : memref<1024x128xf32, #tpu.memory_space<vmem>>, vector<1024x64xf32>
    tpu.vector_store %arg4[%swap3A, %swap3A_15], %div3A_14 {strides = array<i32>} : memref<1024x128xf32, #tpu.memory_space<vmem>>, vector<1024x64xf32>,
    return
  }
  func.func @transform_0(%arg0: i32) -> (i32, i32) {
    %add3A = arith.constant 0 : i32
    %add3A_0 = arith.addi %arg0, %add3A : i32
    %c0_i32 = arith.constant 0 : i32
    %c0_i32_1 = arith.constant 0 : i32
    return %add3A_0, %c0_i32 : i32, i32
  }
  func.func @transform_1(%arg0: i32) -> (i32, i32) {
    %c0_i32 = arith.constant 0 : i32
    %c0_i32_0 = arith.constant 0 : i32
    %c0_i32_1 = arith.constant 0 : i32
    return %c0_i32, %c0_i32_0 : i32, i32
  }
  func.func @transform_2(%arg0: i32) -> (i32, i32) {
    %c0_i32 = arith.constant 0 : i32
    %c0_i32_0 = arith.constant 0 : i32
    %c0_i32_1 = arith.constant 0 : i32
    return %c0_i32, %c0_i32_0 : i32, i32
  }
  func.func @transform_3(%arg0: i32) -> (i32, i32) {
    %c0_i32 = arith.constant 0 : i32
    %c0_i32_0 = arith.constant 0 : i32
    return %arg0, %c0_i32 : i32, i32
  }
}

module attributes {stable_mosaic.version = 14 : i64} {
  func.func @_scores_block(%arg0: i32, %arg1: memref<1024x2048xf32, #tpu.memory_space<vmem>>, %arg2: memref<2048x64xf32, #tpu.memory_space<vmem>>, %arg3: memref<1x64xf32, #tpu.memory_space<vmem>>, %arg4: memref<1024x128xf32, #tpu.memory_space<vmem>>) attributes {dimension_semantics = [#tpu.dimension_semantics<arbitrary>], iteration_bounds = array<i64: 8>, scalar_prefetch = 0 : i64, scratch_operands = 0 : i64, tpu.core_type = #tpu.core_type<tc>, window_params = [{transform_indices = @transform_0, window_bounds = array<i64: 1024, 2048>}, {pipeline_mode = #tpu.pipeline_mode<synchronous>, transform_indices = @transform_1, window_bounds = array<i64: 2048, 64>}, {pipeline_mode = #tpu.pipeline_mode<synchronous>, transform_indices = @transform_2, window_bounds = array<i64: 1, 64>}, {transform_indices = @transform_3, window_bounds = array<i64: 1024, 128>}]} {
    %get3A = arith.constant 0 : index
    %get3A_0 = arith.constant 0 : index
    %get3A_1 = vector.load %arg1[%get3A, %get3A_0] : memref<1024x2048xf32, #tpu.memory_space<vmem>>, vector<1024x2048xf32>
    %get3A_2 = arith.constant 0 : index
    %get3A_3 = arith.constant 0 : index
    %get3A_4 = vector.load %arg2[%get3A_2, %get3A_3] : memref<2048x64xf32, #tpu.memory_space<vmem>>, vector<2048x64xf32>
    %dot_general3A = arith.constant dense<0.000000e+00> : vector<1024x64xf32>
    %dot_general3A_5 = tpu.matmul %get3A_1, %get3A_4, %dot_general3A {dimension_numbers = #tpu.dot_dimension_numbers<[1], [0], [0], [1], [0, 0, 1, 1], [], []>, transpose_lhs_hint = false} : vector<1024x2048xf32>, vector<2048x64xf32>, vector<1024x64xf32> -> vector<1024x64xf32>
    %get3A_6 = arith.constant 0 : index
    %get3A_7 = arith.constant 0 : index
    %get3A_8 = vector.load %arg3[%get3A_6, %get3A_7] : memref<1x64xf32, #tpu.memory_space<vmem>>, vector<1x64xf32>
    %add3A = vector.broadcast %get3A_8 : vector<1x64xf32> to vector<1024x64xf32>
    %add3A_9 = arith.addf %dot_general3A_5, %add3A : vector<1024x64xf32>
    %reduce_max3A = arith.constant dense<0xFF800000> : vector<1024xf32>
    %reduce_max3A_10 = vector.multi_reduction <maximumf>, %add3A_9, %reduce_max3A [1] : vector<1024x64xf32> to vector<1024xf32>
    %broadcast_in_dim3A = vector.shape_cast %reduce_max3A_10 : vector<1024xf32> to vector<1024x1xf32>
    %sub3A = vector.broadcast %broadcast_in_dim3A : vector<1024x1xf32> to vector<1024x64xf32>
    %sub3A_11 = arith.subf %add3A_9, %sub3A : vector<1024x64xf32>
    %exp3A = math.exp %sub3A_11 : vector<1024x64xf32>
    %reduce_sum3A = arith.constant dense<0.000000e+00> : vector<1024xf32>
    %reduce_sum3A_12 = vector.multi_reduction <add>, %exp3A, %reduce_sum3A [1] : vector<1024x64xf32> to vector<1024xf32>
    %broadcast_in_dim3A_13 = vector.shape_cast %reduce_sum3A_12 : vector<1024xf32> to vector<1024x1xf32>
    %div3A = vector.broadcast %broadcast_in_dim3A_13 : vector<1024x1xf32> to vector<1024x64xf32>
    %div3A_14 = arith.divf %exp3A, %div3A : vector<1024x64xf32>
    %swap3A = arith.constant 0 : index
    %swap3A_15 = arith.constant 0 : index
    %swap3A_16 = vector.load %arg4[%swap3A, %swap3A_15] : memref<1024x128xf32, #tpu.memory_space<vmem>>, vector<1024x64xf32>
    tpu.vector_store %arg4[%swap3A, %swap3A_15], %div3A_14 {strides = array<i32>} : memref<1024x128xf32, #tpu.memory_space<vmem>>, vector<1024x64xf32>,
    return
  }
  func.func @transform_0(%arg0: i32) -> (i32, i32) {
    %add3A = arith.constant 8 : i32
    %add3A_0 = arith.addi %arg0, %add3A : i32
    %c0_i32 = arith.constant 0 : i32
    %c0_i32_1 = arith.constant 0 : i32
    return %add3A_0, %c0_i32 : i32, i32
  }
  func.func @transform_1(%arg0: i32) -> (i32, i32) {
    %c0_i32 = arith.constant 0 : i32
    %c0_i32_0 = arith.constant 0 : i32
    %c0_i32_1 = arith.constant 0 : i32
    return %c0_i32, %c0_i32_0 : i32, i32
  }
  func.func @transform_2(%arg0: i32) -> (i32, i32) {
    %c0_i32 = arith.constant 0 : i32
    %c0_i32_0 = arith.constant 0 : i32
    %c0_i32_1 = arith.constant 0 : i32
    return %c0_i32, %c0_i32_0 : i32, i32
  }
  func.func @transform_3(%arg0: i32) -> (i32, i32) {
    %c0_i32 = arith.constant 0 : i32
    %c0_i32_0 = arith.constant 0 : i32
    return %arg0, %c0_i32 : i32, i32
  }
}

</mosaic_0001>

<sc_bundles>
// kernel: kernel.6.cloned.1.call-start
scs
__scs_entry_jumppad:
0x0: {  	(pc) =	sbr.rel $0x88, $3  }
0x1: {  	(tag) =	ssettag $0x0;
	lr =	simm.s32 $0x1  }
0x2: {  	[smem:$0x3F9E] =	sst lr;
	_ =	strace $0xD0000000  }
0x3: {  	_ = 	snop  }
0x4: {  	_ = 	snop  }
0x5: {  	_ = 	snop  }
0x6: {  	_ = 	snop  }
0x7: {  	_ = 	snop  }
__scs_overlays_trampoline_lowered:
0x8: {  	[smem:$0x3FAD] =	sst s0  }
0x9: {  	[smem:$0x3FAE] =	sst s1  }
0xa: {  	[smem:$0x3FAF] =	sst s2  }
0xb: {  	[smem:$0x3FB0] =	sst s3  }
0xc: {  	[smem:$0x3FB1] =	sst s4  }
0xd: {  	[smem:$0x3FB2] =	sst s5  }
0xe: {  	[smem:$0x3FB3] =	sst s6  }
0xf: {  	[smem:$0x3FB4] =	sst s7  }
0x10: {  	[smem:$0x3FB5] =	sst s8  }
0x11: {  	[smem:$0x3FB6] =	sst s9;
	s0 =	simm.s32 @!p0 $0x0  }
0x12: {  	s1 =	sld [smem:$0x3F9C];
	s0 =	simm.s32 @p0 $0x1  }
0x13: {  	[smem:$0x3FB7] =	sst s0;
	s0 =	simm.s32 @!p1 $0x0  }
0x14: {  	s2 =	sld [smem:$0x3F9B];
	s0 =	simm.s32 @p1 $0x1  }
0x15: {  	[smem:$0x3FB8] =	sst s0;
	s0 =	simm.s32 @!p2 $0x0  }
0x16: {  	s3 =	sld [smem:$0x3FDB];
	s0 =	simm.s32 @p2 $0x1  }
0x17: {  	s4 =	simm.s32 $0x1BF5;
	[smem:$0x3FBA] =	sst s0  }
0x18: {  	s0 =	sld [smem:$0x3F9D];
	_ =	swait.ge [sflag:s4], $0x0  }
0x19: {  	s7 =	sld [smem:$0x3F9E]  }
0x1a: {  	s8 =	sadd.s32 $0xFFFFE003, lr  }
0x1b: {  	s9 =	sadd.s32 $0xFFFFFEF7, lr;
	s5 =	simm.s32 $0xFFFFFFFF;
	p2 =	slt.u32 s8, $0xFFFFF086  }
0x1c: {  	p1 =	slt.u32 s9, $0xF7A;
	s5 =	simm.s32 @!p2 $0x0  }
0x1d: {  	s5 =	simm.s32 @p1 $0x1;
	p0 =	seq.s32 s7, s2  }
0x1e: {  	s7 =	smul.u32 @!p0 $0xF7A, s2;
	p2 =	seq.s32 @!p0 s5, $0x0  }
0x1f: {  	s9 =	smul.u32 $0xF7A, s1;
	s8 =	simm.s32 @!p0 $0x1BF5;
	p2 =	por !p2, p0  }
0x20: {  	[sflag:s8] =	ssyncset.s32 @!p0 $0xFFFFF086;
	s6 =	sadd.s32 @!p0 s3, s7;
	s7 =	simm.s32 @!p0 $0x108  }
0x21: {  	s3 =	sadd.s32 s3, s9;
	s6 =	sadd.s32 @!p0 $0x88, s6;
	s7 =	simm.s32 @p2 $0x1082  }
0x22: {  	[simem:s7], [sflag:s8] =	dma.local @!p0 [hbm:s6], $0xF7A  }
0x23: {  	s9 =	sor.u32 $0xD0000000, s2;
	s6 =	simm.s32 $0x108;
	_ =	swait.ge @!p0 [sflag:s8], $0x0  }
0x24: {  	s3 =	sadd.s32 $0x88, s3;
	s6 =	simm.s32 @!p1 $0x1082;
	[sflag:s4] =	ssyncset.s32 $0xFFFFF086  }
0x25: {  	[simem:s6], [sflag:s4] =	dma.local [hbm:s3], $0xF7A  }
0x26: {  	[smem:$0x3F9E] =	sst s1;
	(tag) =	ssettag s2;
	_ =	strace s9  }
0x27: {  	s1 =	sld [smem:$0x3FAE]  }
0x28: {  	s2 =	sld [smem:$0x3FAF]  }
0x29: {  	s4 =	sld [smem:$0x3FB1]  }
0x2a: {  	p0 =	seq.s32 s5, $0x0;
	s5 =	sld [smem:$0x3FB2]  }
0x2b: {  	s6 =	sld [smem:$0x3FB3]  }
0x2c: {  	s7 =	sld [smem:$0x3FB4]  }
0x2d: {  	s3 =	simm.s32 $0x108;
	s8 =	sld [smem:$0x3FB5]  }
0x2e: {  	s3 =	simm.s32 @!p0 $0x1082;
	s9 =	sld [smem:$0x3FB6]  }
0x2f: {  	lr =	sadd.s32 s0, s3;
	s0 =	sld [smem:$0x3FAD]  }
0x30: {  	s3 =	sld [smem:$0x3FB0]  }
0x31: {  	[smem:$0x3FB9] =	sst s10  }
0x32: {  	s10 =	sld [smem:$0x3FB7];
	_ =	sdelay $0x3  }
0x33: {  	p0 =	seq.s32 s10, $0x1;
	s10 =	sld [smem:$0x3FB9];
	_ =	sdelay $0x3  }
0x34: {  	[smem:$0x3FB9] =	sst s10  }
0x35: {  	s10 =	sld [smem:$0x3FB8];
	_ =	sdelay $0x3  }
0x36: {  	p1 =	seq.s32 s10, $0x1;
	s10 =	sld [smem:$0x3FB9];
	_ =	sdelay $0x3  }
0x37: {  	[smem:$0x3FB9] =	sst s10  }
0x38: {  	s10 =	sld [smem:$0x3FBA]  }
0x39: {  	_ = 	snop;
	(pc) =	sbr.ind lr, $3  }
0x3a: {  	_ = 	snop  }
0x3b: {  	_ = 	snop  }
0x3c: {  	p2 =	seq.s32 s10, $0x1;
	s10 =	sld [smem:$0x3FB9]  }
0x3d: {  	_ =	shalt  }
0x3e: {  	_ =	shalt  }
0x3f: {  	_ =	shalt  }
0x40: {  	_ =	shalt  }
0x41: {  	_ =	shalt  }
0x42: {  	_ =	shalt  }
0x43: {  	_ =	shalt  }
0x44: {  	_ =	shalt  }
0x45: {  	_ =	shalt  }
0x46: {  	_ =	shalt  }
0x47: {  	_ =	shalt  }
0x48: {  	_ =	shalt  }
0x49: {  	_ =	shalt  }
0x4a: {  	_ =	shalt  }
0x4b: {  	_ =	shalt  }
0x4c: {  	_ =	shalt  }
0x4d: {  	_ =	shalt  }
0x4e: {  	_ =	shalt  }
0x4f: {  	_ =	shalt  }
0x50: {  	_ =	shalt  }
0x51: {  	_ =	shalt  }
0x52: {  	_ =	shalt  }
0x53: {  	_ =	shalt  }
0x54: {  	_ =	shalt  }
0x55: {  	_ =	shalt  }
0x56: {  	_ =	shalt  }
0x57: {  	_ =	shalt  }
0x58: {  	_ =	shalt  }
0x59: {  	_ =	shalt  }
0x5a: {  	_ =	shalt  }
0x5b: {  	_ =	shalt  }
0x5c: {  	_ =	shalt  }
0x5d: {  	_ =	shalt  }
0x5e: {  	_ =	shalt  }
0x5f: {  	_ =	shalt  }
0x60: {  	_ =	shalt  }
0x61: {  	_ =	shalt  }
0x62: {  	_ =	shalt  }
0x63: {  	_ =	shalt  }
0x64: {  	_ =	shalt  }
0x65: {  	_ =	shalt  }
0x66: {  	_ =	shalt  }
0x67: {  	_ =	shalt  }
0x68: {  	_ =	shalt  }
0x69: {  	_ =	shalt  }
0x6a: {  	_ =	shalt  }
0x6b: {  	_ =	shalt  }
0x6c: {  	_ =	shalt  }
0x6d: {  	_ =	shalt  }
0x6e: {  	_ =	shalt  }
0x6f: {  	_ =	shalt  }
0x70: {  	_ =	shalt  }
0x71: {  	_ =	shalt  }
0x72: {  	_ =	shalt  }
0x73: {  	_ =	shalt  }
0x74: {  	_ =	shalt  }
0x75: {  	_ =	shalt  }
0x76: {  	_ =	shalt  }
0x77: {  	_ =	shalt  }
0x78: {  	_ =	shalt  }
0x79: {  	_ =	shalt  }
0x7a: {  	_ =	shalt  }
0x7b: {  	_ =	shalt  }
0x7c: {  	_ =	shalt  }
0x7d: {  	_ =	shalt  }
0x7e: {  	_ =	shalt  }
0x7f: {  	_ =	shalt  }
0x80: {  	_ =	shalt  }
0x81: {  	_ =	shalt  }
0x82: {  	_ =	shalt  }
0x83: {  	_ =	shalt  }
0x84: {  	_ =	shalt  }
0x85: {  	_ =	shalt  }
0x86: {  	_ =	shalt  }
0x87: {  	_ =	shalt  }
.Lfunc_end0:
.L_simem_size_0:
called_computation_lowered:
.L_overlay_start_0:
0x88: {  	s2 =	sld [smem:$0x3FD9]  }
0x89: {  	s3 =	sld [smem:$0x3FFE];
	_ =	sdelay $0x1  }
0x8a: {  	s1 =	srdreg.scid  }
0x8b: {  	s0 =	sand.u32 $0x1, s1  }
0x8c: {  	s16 =	sshll.u32 s0, $0xA;
	s2 =	sadd.s32 s3, s2  }
0x8d: {  	s2 =	sadd.s32 s2, s16  }
0x8e: {  	[smem:$0x3FC5] =	sst s2  }
0x8f: {  	_ = 	snop  }
0x90: {  	(tm) =	ssettm $0x1  }
0x91: {  	s17 =	sld [smem:$0x3FFB];
	_ =	sdelay $0x3  }
0x92: {  	_ =	strace s17  }
0x93: {  	s2 =	sld [smem:$0x3FFC];
	_ =	sdelay $0x3  }
0x94: {  	_ =	strace s2  }
0x95: {  	s2 =	sld [smem:$0x3FFD];
	_ =	sdelay $0x3  }
0x96: {  	_ =	strace s2  }
0x97: {  	_ =	strace $0x8FFFFFFF  }
0x98: {  	s18 =	sld [smem:$0x3FDB];
	_ =	sdelay $0x1  }
0x99: {  	s19 =	simm.s32 $_scs_section_size  }
0x9a: {  	s4 =	simm.s32 $_size__tile_overlayer_lowered;
	s5 =	simm.s32 $_tile_overlayer_lowered  }
0x9b: {  	s22 =	simm.s32 $0x1BFF;
	s21 =	sshll.u32 s5, $0x1;
	s2 =	sadd.s32 s19, s18  }
0x9c: {  	s6 =	simm.s32 $0x0;
	s20 =	sshll.u32 s4, $0x1;
	s4 =	sadd.s32 s21, s2  }
0x9d: {  	[timem:s6], [sflag:s22] =	dma.local [hbm:s4], s20  }
0x9e: {  	_ =	swait.ge [sflag:s22], s20  }
0x9f: {  	s3 =	ssub.s32 $0x0, s20;
	[sflag:s22] =	ssyncset.done $0x0  }
0xa0: {  	[sflag:s22] =	ssyncadd.s32 s3;
	_ =	sdelay $0x1  }
0xa1: {  	s23 =	simm.s32 $0x1B8B  }
0xa2: {  	_ =	swait.ge [sflag:s23], $0x1  }
0xa3: {  	[sflag:s23] =	ssyncset.done $0x0  }
0xa4: {  	s25 =	simm.s32 $0x1B8E;
	s24 =	sld [smem:$0x3FFE];
	[sflag:s23] =	ssyncadd.s32 $0xFFFFFFFF  }
0xa5: {  	s26 =	simm.s32 $execute0_lowered;
	[smem:$0x3FD2] =	sst s25  }
0xa6: {  	s4 =	sshll.u32 s26, $0x1;
	_ =	strace $0x80000046;
	[dreg:$0x1] =	wrdreg $0xFFFFFFFF  }
0xa7: {  	s28 =	simm.s32 $_size_execute0_lowered;
	s2 =	sadd.s32 s2, s4;
	[dreg:$0x0] =	wrdreg $0x0  }
0xa8: {  	s4 =	sshll.u32 s28, $0x1;
	[dreg:$0x2] =	wrdreg s2  }
0xa9: {  	[dreg:$0x3] =	wrdreg s4  }
0xaa: {  	[dreg:$0x4] =	wrdreg $0xC0  }
0xab: {  	_ =	task [dreg:s6], $0x5FFFF  }
0xac: {  	[dreg:$0x1] =	wrdreg $0xFFFFFFFF  }
0xad: {  	[dreg:$0x0] =	wrdreg $0x60  }
0xae: {  	[dreg:$0x2] =	wrdreg s24  }
0xaf: {  	[dreg:$0x3] =	wrdreg $0x9  }
0xb0: {  	_ =	task.clear_ibuf [dreg:s6], $0x4FFFF;
	_ =	strace $0x90000046  }
0xb1: {  	s29 =	simm.s32 $0x9;
	_ =	strace $0x80000048  }
0xb2: {  	_ =	swait.ge [sflag:s29], $0x1  }
0xb3: {  	[sflag:s29] =	ssyncadd.s32 $0xFFFFFFFF  }
0xb4: {  	_ =	strace $0x90000048  }
0xb5: {  	_ =	sfence  }
0xb6: {  	s30 =	sld [smem:$0x0];
	_ =	sdelay $0x2  }
0xb7: {  	s31 =	sshll.u32 s1, $0xD;
	s1 =	sshrl.u32 s1, $0x2  }
0xb8: {  	s3 =	sand.u32 $0x4000, s31;
	s1 =	sadd.s32 s1, s30  }
0xb9: {  	s0 =	sor.u32 s3, s0;
	s1 =	sshll.u32 s1, $0x11  }
0xba: {  	s0 =	sor.u32 s1, s0  }
0xbb: {  	s0 =	sadd.s32 $0x8F2B, s0  }
0xbc: {  	[sflag:s0] =	ssyncadd.remote.s32 $0x1  }
0xbd: {  	_ =	sfence.sel $0xFFFF  }
0xbe: {  	[dreg:$0x0] =	wrdreg $0xFFFFFFFF;
	(pc) =	sbr.abs _section_cstart, $3  }
0xbf: {  	[dreg:$0x1] =	wrdreg $0xFFFFFFFF  }
0xc0: {  	_ =	task.clear_ibuf [dreg:s6], $0x2FFFF;
	_ =	strace $0x9FFFFFFF  }
0xc1: {  	(tm) =	ssettm $0x7FFFFFFF  }
tec
execute0_lowered:
.L_overlay_start_1:
0x0: {  	(tag) =	ssettag $0x1  }
0x1: {  	v0 =	vimm.f32 $-1.600000000e+01;
	vm14 =	vcmask $0x300  }
0x2: {  	vm13 =	vcmask $0x704;
	vm12 =	vcmask $0xB08;
	vm11 =	vcmask $0xF0C  }
0x3: {  	vm10 =	vcmask $0x1310;
	vm9 =	vcmask $0x1714;
	vm8 =	vcmask $0x1B18  }
0x4: {  	vm7 =	vcmask $0x1F1C;
	vm6 =	vcmask $0x2320;
	vm5 =	vcmask $0x2724  }
0x5: {  	vm4 =	vcmask $0x2B28;
	vm3 =	vcmask $0x2F2C;
	vm2 =	vcmask $0x3330  }
0x6: {  	vm1 =	vcmask $0x3734;
	v1 =	vimm.f32 $-3.200000000e+01;
	vm0 =	vcmask $0x3B38  }
0x7: {  	v3 =	vimm.f32 $-4.800000000e+01;
	v4 =	vimm.f32 $-6.400000000e+01;
	v0 =	vsel vm14, $0xBF800000, v0  }
0x8: {  	v2 =	vsel vm14, $0xC1880000, v1;
	v1 =	vlaneseq.u32;
	v3 =	vsel vm14, $0xC2040000, v3  }
0x9: {  	v4 =	vsel vm14, $0xC2440000, v4;
	v0 =	vsel vm13, $0xC0000000, v0;
	v2 =	vsel vm13, $0xC1900000, v2  }
0xa: {  	v3 =	vsel vm13, $0xC2080000, v3;
	v4 =	vsel vm13, $0xC2480000, v4;
	v8 =	vmul.u32 $0xFFFFFFFF, v1  }
0xb: {  	v7 =	vor.u32 $0x30, v1;
	v0 =	vsel vm12, $0xC0400000, v0;
	v2 =	vsel vm12, $0xC1980000, v2  }
0xc: {  	v3 =	vsel vm12, $0xC20C0000, v3;
	v4 =	vsel vm12, $0xC24C0000, v4;
	v0 =	vsel vm11, $0xC0800000, v0  }
0xd: {  	v2 =	vsel vm11, $0xC1A00000, v2;
	v3 =	vsel vm11, $0xC2100000, v3;
	v4 =	vsel vm11, $0xC2500000, v4  }
0xe: {  	v8 =	vadd.s32 $0xF, v8;
	v0 =	vsel vm10, $0xC0A00000, v0;
	v2 =	vsel vm10, $0xC1A80000, v2  }
0xf: {  	v3 =	vsel vm10, $0xC2140000, v3;
	v4 =	vsel vm10, $0xC2540000, v4;
	v0 =	vsel vm9, $0xC0C00000, v0  }
0x10: {  	v2 =	vsel vm9, $0xC1B00000, v2;
	v3 =	vsel vm9, $0xC2180000, v3;
	v4 =	vsel vm9, $0xC2580000, v4  }
0x11: {  	v0 =	vsel vm8, $0xC0E00000, v0;
	v2 =	vsel vm8, $0xC1B80000, v2;
	v3 =	vsel vm8, $0xC21C0000, v3  }
0x12: {  	v4 =	vsel vm8, $0xC25C0000, v4;
	v0 =	vsel vm7, $0xC1000000, v0;
	v2 =	vsel vm7, $0xC1C00000, v2  }
0x13: {  	v3 =	vsel vm7, $0xC2200000, v3;
	v4 =	vsel vm7, $0xC2600000, v4;
	v0 =	vsel vm6, $0xC1100000, v0  }
0x14: {  	v2 =	vsel vm6, $0xC1C80000, v2;
	v3 =	vsel vm6, $0xC2240000, v3;
	v4 =	vsel vm6, $0xC2640000, v4  }
0x15: {  	s1 =	srdreg.scid;
	s3 =	stileid.u32;
	v0 =	vsel vm5, $0xC1200000, v0;
	v2 =	vsel vm5, $0xC1D00000, v2;
	v3 =	vsel vm5, $0xC2280000, v3  }
0x16: {  	s1 =	sand.u32 $0x1, s1;
	s3 =	sshll.u32 s3, $0x1;
	v4 =	vsel vm5, $0xC2680000, v4;
	v0 =	vsel vm4, $0xC1300000, v0;
	v2 =	vsel vm4, $0xC1D80000, v2  }
0x17: {  	s0 =	rddreg [dreg:$0x0];
	s2 =	simm.s32 $0x0;
	s3 =	sor.u32 s1, s3;
	v3 =	vsel vm4, $0xC22C0000, v3;
	v4 =	vsel vm4, $0xC26C0000, v4;
	v0 =	vsel vm3, $0xC1400000, v0  }
0x18: {  	s7 =	simm.s32 $0x1;
	[smem:$0x7FF] =	sst s2;
	s4 =	sshll.u32 s3, $0xC;
	v2 =	vsel vm3, $0xC1E00000, v2;
	v5 =	vsel vm3, $0xC2300000, v3;
	v4 =	vsel vm3, $0xC2700000, v4  }
0x19: {  	_ =	strace $0x80000047;
	s3 =	sshll.u32 s3, $0x8;
	s4 =	sadd.s32 s4, s0;
	v3 =	vor.u32 $0x10, v1;
	v0 =	vsel vm2, $0xC1500000, v0;
	v2 =	vsel vm2, $0xC1E80000, v2  }
0x1a: {  	s1 =	ssub.s32 $0x2, s1;
	s0 =	sadd.s32 s3, s0;
	s30 =	sadd.s32 $0x1A00, s4;
	v5 =	vsel vm2, $0xC2340000, v5;
	v4 =	vsel vm2, $0xC2740000, v4;
	v0 =	vsel vm1, $0xC1600000, v0  }
0x1b: {  	s29 =	sshrl.u32 s1, $0x1;
	s31 =	sadd.s32 $0x23A00, s0;
	[dreg:$0x2] =	wrdreg s30;
	v2 =	vsel vm1, $0xC1F00000, v2;
	v5 =	vsel vm1, $0xC2380000, v5;
	v6 =	vsel vm1, $0xC2780000, v4  }
0x1c: {  	s1 =	ssub.s32 s1, s29;
	s0 =	sadd.s32 $0x21A00, s0;
	[dreg:$0x3] =	wrdreg s31;
	v0 =	vsel vm0, $0xC1700000, v0;
	v2 =	vsel vm0, $0xC1F80000, v2;
	v4 =	vsel vm0, $0xC23C0000, v5  }
0x1d: {  	s10 =	simm.s32 $0x0;
	s6 =	smax.u32 s1, $0x1;
	[dreg:$0x4] =	wrdreg s0;
	v5 =	vor.u32 $0x20, v1;
	v6 =	vsel vm0, $0xC27C0000, v6;
	vm0 =	vmmov $0xff  }
.LBB2_1:
0x1e: {  	s0 =	rddreg [dreg:$0x2]  }
0x1f: {  	[tilespmem:s2], [sflag:$0x1] =	stream.linear.gather [hbm4b:s0+s2], $0x8000, $0x38;
	[tilespmem:$0x9100] =	vst v63  }
0x20: {  	_ =	swait.ge [sflag:s7], $0x8000  }
0x21: {  	[sflag:s7] =	ssyncset.done $0x0  }
0x22: {  	s0 =	simm.s32 $0x200;
	[sflag:s7] =	ssyncadd.s32 $0xFFFF8000  }
0x23: {  	v9 =	vld [tilespmem:s0+$0xFFFFFE10]  }
0x24: {  	v10 =	vld [tilespmem:s0+$0xFFFFFE30];
	_ =	sdelay $0x1  }
0x25: {  	v11 =	vld [tilespmem:s0+$0xFFFFFE20];
	_ =	sdelay $0x1  }
0x26: {  	v12 =	vld [tilespmem:s0+$0xFFFFFE00];
	vm1 =	veq.f32 v9, $0.0e+00  }
0x27: {  	v9 =	vsel vm1, v2, v9;
	vm1 =	veq.f32 v10, $0.0e+00  }
0x28: {  	(xrf1) =	vsort.dscd.msk.f32 $0xffff, v9, v3;
	v9 =	vsel vm1, v6, v10  }
0x29: {  	vm1 =	veq.f32 v11, $0.0e+00;
	(xrf1) =	vsort.dscd.msk.f32 $0xffff, v9, v7  }
0x2a: {  	v9 =	vsel vm1, v4, v11  }
0x2b: {  	vm1 =	veq.f32 v12, $0.0e+00;
	(xrf1) =	vsort.dscd.msk.f32 $0xffff, v9, v5  }
0x2c: {  	v9 =	vsel vm1, v0, v12  }
0x2d: {  	(xrf1) =	vsort.dscd.msk.f32 $0xffff, v9, v1;
	_ =	sdelay $0x8  }
0x2e: {  	v9, v10, _ =	vpop (xrf1)  }
0x2f: {  	v11, v12, _ =	vpop (xrf1)  }
0x30: {  	v11 =	vperm.xlane v11, v8  }
0x31: {  	v12 =	vperm.xlane v12, v8;
	v13, v14, _ =	vpop (xrf1)  }
0x32: {  	v9 =	vperm.xlane v9, v8;
	vm1 =	vge.f32 v13, v11  }
0x33: {  	v10 =	vperm.xlane v10, v8;
	v11 =	vsel vm1, v13, v11;
	v12 =	vsel vm1, v14, v12;
	v13, v14, _ =	vpop (xrf1)  }
0x34: {  	vm1 =	vge.f32 v13, v9;
	(xrf1) =	vsort.dscd.msk.f32 $0xffff, v11, v12  }
0x35: {  	v9 =	vsel vm1, v13, v9;
	v10 =	vsel vm1, v14, v10  }
0x36: {  	(xrf1) =	vsort.dscd.msk.f32 $0xffff, v9, v10;
	_ =	sdelay $0xb  }
0x37: {  	v9, v10, _ =	vpop (xrf1)  }
0x38: {  	v9 =	vperm.xlane v9, v8  }
0x39: {  	v10 =	vperm.xlane v10, v8;
	v11, v12, _ =	vpop (xrf1)  }
0x3a: {  	vm1 =	vge.f32 v11, v9  }
0x3b: {  	v9 =	vsel vm1, v11, v9;
	v10 =	vsel vm1, v12, v10  }
0x3c: {  	(xrf1) =	vsort.dscd.msk.f32 $0xffff, v9, v10;
	_ =	sdelay $0xd  }
0x3d: {  	v9, v10, _ =	vpop (xrf1)  }
0x3e: {  	v9 =	vmax.f32 v9, $0.0e+00  }
0x3f: {  	v11 =	vnsel vm0, $0x0, v9  }
0x40: {  	(xrf2) =	vadd.scan.msk.f32 $0xffff, v11;
	_ =	sdelay $0x9  }
0x41: {  	v11, _, _ =	vpop (xrf2)  }
0x42: {  	(v2sf) =	vpush v11, $0xF;
	_ =	sdelay $0x8  }
0x43: {  	s29 =	simm.s32 $0x600  }
0x44: {  	v11 =	vld [tilespmem:s29+$0xFFFFFE10]  }
0x45: {  	v12 =	vld [tilespmem:s29+$0xFFFFFE30];
	_ =	sdelay $0x2  }
0x46: {  	v13 =	vld [tilespmem:s29+$0xFFFFFE20]  }
0x47: {  	v14 =	vld [tilespmem:s29+$0xFFFFFE00];
	vm1 =	veq.f32 v11, $0.0e+00;
	s1 =	spop (v2sf)  }
0x48: {  	v11 =	vsel vm1, v2, v11;
	vm1 =	veq.f32 v12, $0.0e+00;
	s1 =	sadd.f32 $9.999999680e-21, s1  }
0x49: {  	(xrf1) =	vsort.dscd.msk.f32 $0xffff, v11, v3;
	v11 =	vsel vm1, v6, v12  }
0x4a: {  	(xrf1) =	vsort.dscd.msk.f32 $0xffff, v11, v7;
	v11 =	vmov s1  }
0x4b: {  	vm1 =	veq.f32 v13, $0.0e+00;
	(erf) = vrcp.f32 v11  }
0x4c: {  	vm2 =	veq.f32 v14, $0.0e+00;
	v12 =	vsel vm1, v4, v13  }
0x4d: {  	(xrf1) =	vsort.dscd.msk.f32 $0xffff, v12, v5;
	v11 =	vsel vm2, v0, v14  }
0x4e: {  	(xrf1) =	vsort.dscd.msk.f32 $0xffff, v11, v1;
	_ =	sdelay $0x5  }
0x4f: {  	v11 =	vpop (erf)  }
0x50: {  	v9 =	vmul.f32 v11, v9  }
0x51: {  	s23 =	simm.s32 $0x8020  }
0x52: {  	s22 =	simm.s32 $0x88A0;
	[tilespmem:s23+$0xFFFFFFE0] =	vst.msk $0xff, v10  }
0x53: {  	v10, v11, _ =	vpop (xrf1);
	[tilespmem:s22+$0xFFFFFFE0] =	vst.msk $0xff, v9  }
0x54: {  	v13 =	vld [tilespmem:s0+$0xFFFFFE90];
	v9, v12, _ =	vpop (xrf1)  }
0x55: {  	v14 =	vld [tilespmem:s0+$0xFFFFFEB0];
	v9 =	vperm.xlane v9, v8  }
0x56: {  	v10 =	vperm.xlane v10, v8;
	v12 =	vperm.xlane v12, v8;
	v15, v16, _ =	vpop (xrf1)  }
0x57: {  	v11 =	vperm.xlane v11, v8;
	v19 =	vld [tilespmem:s0+$0xFFFFFEA0];
	v17, v18, _ =	vpop (xrf1);
	vm1 =	vge.f32 v15, v9  }
0x58: {  	v9 =	vsel vm1, v15, v9;
	v12 =	vsel vm1, v16, v12;
	vm1 =	vge.f32 v17, v10  }
0x59: {  	(xrf1) =	vsort.dscd.msk.f32 $0xffff, v9, v12;
	v9 =	vsel vm1, v17, v10;
	v10 =	vsel vm1, v18, v11;
	vm1 =	veq.f32 v13, $0.0e+00;
	v11 =	vld [tilespmem:s0+$0xFFFFFE80]  }
0x5a: {  	(xrf1) =	vsort.dscd.msk.f32 $0xffff, v9, v10;
	v9 =	vsel vm1, v2, v13;
	vm1 =	veq.f32 v14, $0.0e+00  }
0x5b: {  	(xrf1) =	vsort.dscd.msk.f32 $0xffff, v9, v3;
	v9 =	vsel vm1, v6, v14  }
0x5c: {  	vm1 =	veq.f32 v19, $0.0e+00;
	(xrf1) =	vsort.dscd.msk.f32 $0xffff, v9, v7  }
0x5d: {  	v9 =	vsel vm1, v4, v19  }
0x5e: {  	(xrf1) =	vsort.dscd.msk.f32 $0xffff, v9, v5;
	vm1 =	veq.f32 v11, $0.0e+00  }
0x5f: {  	v9 =	vsel vm1, v0, v11  }
0x60: {  	(xrf1) =	vsort.dscd.msk.f32 $0xffff, v9, v1;
	_ =	sdelay $0x6  }
0x61: {  	v9, v10, _ =	vpop (xrf1)  }
0x62: {  	v11, v12, _ =	vpop (xrf1)  }
0x63: {  	v9 =	vperm.xlane v9, v8;
	v13, v14, _ =	vpop (xrf1)  }
0x64: {  	v10 =	vperm.xlane v10, v8;
	v15, v16, _ =	vpop (xrf1)  }
0x65: {  	vm1 =	vge.f32 v11, v9;
	v15 =	vperm.xlane v15, v8  }
0x66: {  	v9 =	vsel vm1, v11, v9;
	v10 =	vsel vm1, v12, v10;
	v11, v12, _ =	vpop (xrf1);
	v16 =	vperm.xlane v16, v8  }
0x67: {  	(xrf1) =	vsort.dscd.msk.f32 $0xffff, v9, v10;
	v9 =	vperm.xlane v13, v8;
	vm1 =	vge.f32 v11, v15  }
0x68: {  	v10 =	vperm.xlane v14, v8;
	v11 =	vsel vm1, v11, v15;
	v12 =	vsel vm1, v12, v16;
	v13, v14, _ =	vpop (xrf1)  }
0x69: {  	vm1 =	vge.f32 v13, v9;
	(xrf1) =	vsort.dscd.msk.f32 $0xffff, v11, v12  }
0x6a: {  	v9 =	vsel vm1, v13, v9;
	v10 =	vsel vm1, v14, v10  }
0x6b: {  	(xrf1) =	vsort.dscd.msk.f32 $0xffff, v9, v10;
	_ =	sdelay $0xa  }
0x6c: {  	v9, v10, _ =	vpop (xrf1)  }
0x6d: {  	v11, v12, _ =	vpop (xrf1)  }
0x6e: {  	v11 =	vperm.xlane v11, v8  }
0x6f: {  	v12 =	vperm.xlane v12, v8;
	v13, v14, _ =	vpop (xrf1)  }
0x70: {  	vm1 =	vge.f32 v13, v11  }
0x71: {  	v11 =	vsel vm1, v13, v11;
	v12 =	vsel vm1, v14, v12  }
0x72: {  	(xrf1) =	vsort.dscd.msk.f32 $0xffff, v11, v12  }
0x73: {  	v9 =	vmax.f32 v9, $0.0e+00  }
0x74: {  	v11 =	vnsel vm0, $0x0, v9  }
0x75: {  	(xrf2) =	vadd.scan.msk.f32 $0xffff, v11;
	_ =	sdelay $0x9  }
0x76: {  	v11, _, _ =	vpop (xrf2)  }
0x77: {  	(v2sf) =	vpush v11, $0xF;
	v12, v13, _ =	vpop (xrf1)  }
0x78: {  	v11 =	vmax.f32 v12, $0.0e+00  }
0x79: {  	v12 =	vnsel vm0, $0x0, v11  }
0x7a: {  	(xrf2) =	vadd.scan.msk.f32 $0xffff, v12;
	_ =	sdelay $0x4  }
0x7b: {  	s24 =	simm.s32 $0xA00  }
0x7c: {  	v12 =	vld [tilespmem:s24+$0xFFFFFE10]  }
0x7d: {  	v14 =	vld [tilespmem:s24+$0xFFFFFE30];
	_ =	sdelay $0x1  }
0x7e: {  	v15 =	vld [tilespmem:s24+$0xFFFFFE20]  }
0x7f: {  	v16, _, _ =	vpop (xrf2)  }
0x80: {  	v17 =	vld [tilespmem:s24+$0xFFFFFE00];
	vm1 =	veq.f32 v12, $0.0e+00;
	(v2sf) =	vpush v16, $0xF  }
0x81: {  	v12 =	vsel vm1, v2, v12;
	vm1 =	veq.f32 v14, $0.0e+00;
	s8 =	spop (v2sf)  }
0x82: {  	(xrf1) =	vsort.dscd.msk.f32 $0xffff, v12, v3;
	v12 =	vsel vm1, v6, v14;
	s1 =	sadd.f32 $9.999999680e-21, s8  }
0x83: {  	vm1 =	veq.f32 v15, $0.0e+00;
	(xrf1) =	vsort.dscd.msk.f32 $0xffff, v12, v7  }
0x84: {  	v12 =	vsel vm1, v4, v15;
	v14 =	vmov s1  }
0x85: {  	vm1 =	veq.f32 v17, $0.0e+00;
	(xrf1) =	vsort.dscd.msk.f32 $0xffff, v12, v5;
	(erf) = vrcp.f32 v14  }
0x86: {  	v12 =	vsel vm1, v0, v17  }
0x87: {  	(xrf1) =	vsort.dscd.msk.f32 $0xffff, v12, v1;
	_ =	sdelay $0x6  }
0x88: {  	v12 =	vpop (erf)  }
0x89: {  	s28 =	simm.s32 $0x8060;
	v9 =	vmul.f32 v12, v9;
	s9 =	spop (v2sf)  }
0x8a: {  	s26 =	simm.s32 $0x88E0;
	[tilespmem:s28+$0xFFFFFFE0] =	vst.msk $0xff, v10;
	v12, v14, _ =	vpop (xrf1);
	s1 =	sadd.f32 $9.999999680e-21, s9  }
0x8b: {  	v10, v15, _ =	vpop (xrf1);
	[tilespmem:s26+$0xFFFFFFE0] =	vst.msk $0xff, v9  }
0x8c: {  	v9 =	vperm.xlane v10, v8;
	v10 =	vld [tilespmem:s29+$0xFFFFFE90];
	v16 =	vmov s1  }
0x8d: {  	v15 =	vperm.xlane v15, v8;
	v17, v18, _ =	vpop (xrf1);
	(erf) = vrcp.f32 v16;
	v16 =	vld [tilespmem:s29+$0xFFFFFEB0]  }
0x8e: {  	v12 =	vperm.xlane v12, v8;
	v19 =	vld [tilespmem:s29+$0xFFFFFEA0];
	vm1 =	vge.f32 v17, v9  }
0x8f: {  	v14 =	vperm.xlane v14, v8;
	v9 =	vsel vm1, v17, v9;
	v15 =	vsel vm1, v18, v15;
	v17, v18, _ =	vpop (xrf1)  }
0x90: {  	vm1 =	vge.f32 v17, v12;
	(xrf1) =	vsort.dscd.msk.f32 $0xffff, v9, v15  }
0x91: {  	v9 =	vsel vm1, v17, v12;
	v12 =	vsel vm1, v18, v14;
	vm1 =	veq.f32 v10, $0.0e+00  }
0x92: {  	(xrf1) =	vsort.dscd.msk.f32 $0xffff, v9, v12;
	v9 =	vsel vm1, v2, v10;
	vm1 =	veq.f32 v16, $0.0e+00  }
0x93: {  	v14 =	vld [tilespmem:s29+$0xFFFFFE80];
	(xrf1) =	vsort.dscd.msk.f32 $0xffff, v9, v3;
	v9 =	vsel vm1, v6, v16;
	vm1 =	veq.f32 v19, $0.0e+00  }
0x94: {  	(xrf1) =	vsort.dscd.msk.f32 $0xffff, v9, v7;
	v9 =	vsel vm1, v4, v19;
	_ =	sdelay $0x2  }
0x95: {  	(xrf1) =	vsort.dscd.msk.f32 $0xffff, v9, v5;
	v9 =	vpop (erf)  }
0x96: {  	vm1 =	veq.f32 v14, $0.0e+00;
	v9 =	vmul.f32 v9, v11  }
0x97: {  	[tilespmem:s23+$0xFFFFFFE8] =	vst.msk $0xff, v13;
	v10 =	vsel vm1, v0, v14  }
0x98: {  	(xrf1) =	vsort.dscd.msk.f32 $0xffff, v10, v1;
	[tilespmem:s22+$0xFFFFFFE8] =	vst.msk $0xff, v9  }
0x99: {  	v9 =	vld [tilespmem:s0+$0xFFFFFF30]  }
0x9a: {  	v10 =	vld [tilespmem:s0+$0xFFFFFF10]  }
0x9b: {  	v11 =	vld [tilespmem:s0+$0xFFFFFF20]  }
0x9c: {  	v12, v13, _ =	vpop (xrf1)  }
0x9d: {  	v12 =	vperm.xlane v12, v8  }
0x9e: {  	v14 =	vld [tilespmem:s0+$0xFFFFFF00];
	vm1 =	veq.f32 v9, $0.0e+00  }
0x9f: {  	v13 =	vperm.xlane v13, v8;
	v15, v16, _ =	vpop (xrf1);
	vm2 =	veq.f32 v10, $0.0e+00;
	v9 =	vsel vm1, v6, v9  }
0xa0: {  	v17, v18, _ =	vpop (xrf1);
	vm1 =	vge.f32 v15, v12;
	v10 =	vsel vm2, v2, v10;
	vm2 =	veq.f32 v11, $0.0e+00  }
0xa1: {  	(xrf1) =	vsort.dscd.msk.f32 $0xffff, v9, v7;
	v9 =	vsel vm1, v15, v12;
	v12, v15, _ =	vpop (xrf1);
	v11 =	vsel vm2, v4, v11  }
0xa2: {  	(xrf1) =	vsort.dscd.msk.f32 $0xffff, v10, v3;
	v12 =	vperm.xlane v12, v8  }
0xa3: {  	v10 =	vsel vm1, v16, v13;
	vm1 =	veq.f32 v14, $0.0e+00;
	(xrf1) =	vsort.dscd.msk.f32 $0xffff, v11, v5  }
0xa4: {  	v11, v13, _ =	vpop (xrf1);
	(xrf1) =	vsort.dscd.msk.f32 $0xffff, v9, v10;
	v9 =	vperm.xlane v15, v8;
	v10 =	vsel vm1, v0, v14  }
0xa5: {  	v14 =	vperm.xlane v17, v8;
	vm1 =	vge.f32 v11, v12;
	(xrf1) =	vsort.dscd.msk.f32 $0xffff, v10, v1  }
0xa6: {  	v10 =	vperm.xlane v18, v8;
	v11 =	vsel vm1, v11, v12;
	v9 =	vsel vm1, v13, v9;
	v12, v13, _ =	vpop (xrf1)  }
0xa7: {  	vm1 =	vge.f32 v12, v14;
	(xrf1) =	vsort.dscd.msk.f32 $0xffff, v11, v9  }
0xa8: {  	v9 =	vsel vm1, v12, v14;
	v10 =	vsel vm1, v13, v10  }
0xa9: {  	(xrf1) =	vsort.dscd.msk.f32 $0xffff, v9, v10;
	_ =	sdelay $0x5  }
0xaa: {  	v9, v10, _ =	vpop (xrf1)  }
0xab: {  	v11, v12, _ =	vpop (xrf1);
	v9 =	vperm.xlane v9, v8  }
0xac: {  	v10 =	vperm.xlane v10, v8;
	v13, v14, _ =	vpop (xrf1)  }
0xad: {  	vm1 =	vge.f32 v13, v9  }
0xae: {  	v15, v16, _ =	vpop (xrf1);
	v10 =	vsel vm1, v14, v10  }
0xaf: {  	v17, v18, _ =	vpop (xrf1);
	v9 =	vsel vm1, v13, v9  }
0xb0: {  	v11 =	vperm.xlane v11, v8;
	v19, v20, _ =	vpop (xrf1)  }
0xb1: {  	v12 =	vperm.xlane v12, v8;
	v13 =	vperm.xlane v19, v8  }
0xb2: {  	vm1 =	vge.f32 v17, v11;
	(xrf1) =	vsort.dscd.msk.f32 $0xffff, v9, v10;
	v14 =	vperm.xlane v20, v8;
	v9, v10, _ =	vpop (xrf1)  }
0xb3: {  	v11 =	vsel vm1, v17, v11;
	v12 =	vsel vm1, v18, v12;
	vm1 =	vge.f32 v9, v13  }
0xb4: {  	(xrf1) =	vsort.dscd.msk.f32 $0xffff, v11, v12;
	v9 =	vsel vm1, v9, v13;
	v10 =	vsel vm1, v10, v14  }
0xb5: {  	(xrf1) =	vsort.dscd.msk.f32 $0xffff, v9, v10;
	_ =	sdelay $0x6  }
0xb6: {  	v9 =	vmax.f32 v15, $0.0e+00  }
0xb7: {  	v10 =	vnsel vm0, $0x0, v9  }
0xb8: {  	(xrf2) =	vadd.scan.msk.f32 $0xffff, v10;
	_ =	sdelay $0x2  }
0xb9: {  	v10, v11, _ =	vpop (xrf1)  }
0xba: {  	v12, v13, _ =	vpop (xrf1)  }
0xbb: {  	v14, v15, _ =	vpop (xrf1)  }
0xbc: {  	v14 =	vmax.f32 v14, $0.0e+00  }
0xbd: {  	v10 =	vperm.xlane v10, v8;
	v17 =	vnsel vm0, $0x0, v14  }
0xbe: {  	v11 =	vperm.xlane v11, v8;
	(xrf2) =	vadd.scan.msk.f32 $0xffff, v17  }
0xbf: {  	vm1 =	vge.f32 v12, v10  }
0xc0: {  	v10 =	vsel vm1, v12, v10;
	v11 =	vsel vm1, v13, v11;
	v17, _, _ =	vpop (xrf2)  }
0xc1: {  	s19 =	simm.s32 $0xE00;
	(xrf1) =	vsort.dscd.msk.f32 $0xffff, v10, v11;
	(v2sf) =	vpush v17, $0xF  }
0xc2: {  	v10 =	vld [tilespmem:s19+$0xFFFFFE10]  }
0xc3: {  	v11 =	vld [tilespmem:s19+$0xFFFFFE30];
	_ =	sdelay $0x1  }
0xc4: {  	v12 =	vld [tilespmem:s19+$0xFFFFFE20]  }
0xc5: {  	v13 =	vld [tilespmem:s19+$0xFFFFFE00]  }
0xc6: {  	vm1 =	veq.f32 v10, $0.0e+00  }
0xc7: {  	v10 =	vsel vm1, v2, v10;
	vm1 =	veq.f32 v11, $0.0e+00;
	v17, _, _ =	vpop (xrf2)  }
0xc8: {  	(xrf1) =	vsort.dscd.msk.f32 $0xffff, v10, v3;
	v10 =	vsel vm1, v6, v11;
	(v2sf) =	vpush v17, $0xF  }
0xc9: {  	vm1 =	veq.f32 v12, $0.0e+00;
	(xrf1) =	vsort.dscd.msk.f32 $0xffff, v10, v7  }
0xca: {  	vm2 =	veq.f32 v13, $0.0e+00;
	v10 =	vsel vm1, v4, v12  }
0xcb: {  	(xrf1) =	vsort.dscd.msk.f32 $0xffff, v10, v5;
	v10 =	vsel vm2, v0, v13;
	_ =	sdelay $0x2  }
0xcc: {  	(xrf1) =	vsort.dscd.msk.f32 $0xffff, v10, v1;
	v10, v11, _ =	vpop (xrf1)  }
0xcd: {  	v10 =	vmax.f32 v10, $0.0e+00;
	s11 =	spop (v2sf)  }
0xce: {  	v12 =	vnsel vm0, $0x0, v10;
	s1 =	sadd.f32 $9.999999680e-21, s11  }
0xcf: {  	(xrf2) =	vadd.scan.msk.f32 $0xffff, v12  }
0xd0: {  	v12 =	vmov s1  }
0xd1: {  	(erf) = vrcp.f32 v12;
	_ =	sdelay $0x2  }
0xd2: {  	v12, v13, _ =	vpop (xrf1)  }
0xd3: {  	v17, v18, _ =	vpop (xrf1);
	s12 =	spop (v2sf)  }
0xd4: {  	v17 =	vperm.xlane v17, v8;
	s1 =	sadd.f32 $9.999999680e-21, s12  }
0xd5: {  	v20, v21, _ =	vpop (xrf1)  }
0xd6: {  	v18 =	vperm.xlane v18, v8;
	vm1 =	vge.f32 v20, v17;
	v19 =	vmov s1  }
0xd7: {  	v17 =	vsel vm1, v20, v17;
	v20, _, _ =	vpop (xrf2);
	(erf) = vrcp.f32 v19  }
0xd8: {  	v12 =	vperm.xlane v12, v8;
	v18 =	vsel vm1, v21, v18;
	v21 =	vpop (erf)  }
0xd9: {  	s11 =	simm.s32 $0x80A0;
	v13 =	vperm.xlane v13, v8;
	v19, v22, _ =	vpop (xrf1);
	v9 =	vmul.f32 v21, v9  }
0xda: {  	[tilespmem:s11+$0xFFFFFFE0] =	vst.msk $0xff, v16;
	s12 =	simm.s32 $0x8920;
	(xrf1) =	vsort.dscd.msk.f32 $0xffff, v17, v18;
	(v2sf) =	vpush v20, $0xF;
	vm1 =	vge.f32 v19, v12  }
0xdb: {  	v12 =	vsel vm1, v19, v12;
	v13 =	vsel vm1, v22, v13;
	[tilespmem:s12+$0xFFFFFFE0] =	vst.msk $0xff, v9  }
0xdc: {  	(xrf1) =	vsort.dscd.msk.f32 $0xffff, v12, v13;
	v9 =	vld [tilespmem:s24+$0xFFFFFE90]  }
0xdd: {  	v12 =	vld [tilespmem:s24+$0xFFFFFEB0];
	_ =	sdelay $0x1  }
0xde: {  	v13 =	vld [tilespmem:s24+$0xFFFFFEA0]  }
0xdf: {  	v16 =	vpop (erf)  }
0xe0: {  	[tilespmem:s28+$0xFFFFFFE8] =	vst.msk $0xff, v15;
	v15 =	vld [tilespmem:s24+$0xFFFFFE80];
	v14 =	vmul.f32 v16, v14;
	vm1 =	veq.f32 v9, $0.0e+00  }
0xe1: {  	v9 =	vsel vm1, v2, v9;
	vm1 =	veq.f32 v12, $0.0e+00  }
0xe2: {  	[tilespmem:s26+$0xFFFFFFE8] =	vst.msk $0xff, v14;
	(xrf1) =	vsort.dscd.msk.f32 $0xffff, v9, v3;
	v9 =	vsel vm1, v6, v12  }
0xe3: {  	vm2 =	veq.f32 v13, $0.0e+00;
	v14 =	vld [tilespmem:s29+$0xFFFFFF30];
	(xrf1) =	vsort.dscd.msk.f32 $0xffff, v9, v7  }
0xe4: {  	v13 =	vsel vm2, v4, v13;
	v12 =	vld [tilespmem:s29+$0xFFFFFF10]  }
0xe5: {  	vm1 =	veq.f32 v15, $0.0e+00;
	v9 =	vld [tilespmem:s29+$0xFFFFFF20];
	(xrf1) =	vsort.dscd.msk.f32 $0xffff, v13, v5  }
0xe6: {  	v15 =	vsel vm1, v0, v15  }
0xe7: {  	v17 =	vld [tilespmem:s29+$0xFFFFFF00];
	v13, v16, _ =	vpop (xrf1)  }
0xe8: {  	v13 =	vperm.xlane v13, v8;
	s13 =	spop (v2sf);
	(xrf1) =	vsort.dscd.msk.f32 $0xffff, v15, v1;
	vm1 =	veq.f32 v14, $0.0e+00  }
0xe9: {  	v16 =	vperm.xlane v16, v8;
	s1 =	sadd.f32 $9.999999680e-21, s13;
	vm2 =	veq.f32 v12, $0.0e+00;
	v15, v18, _ =	vpop (xrf1);
	v14 =	vsel vm1, v6, v14  }
0xea: {  	v12 =	vsel vm2, v2, v12;
	vm2 =	veq.f32 v9, $0.0e+00;
	vm1 =	vge.f32 v15, v13;
	(xrf1) =	vsort.dscd.msk.f32 $0xffff, v14, v7  }
0xeb: {  	v9 =	vsel vm2, v4, v9;
	v13 =	vsel vm1, v15, v13;
	(xrf1) =	vsort.dscd.msk.f32 $0xffff, v12, v3;
	v12 =	vmov s1  }
0xec: {  	v14 =	vsel vm1, v18, v16;
	vm1 =	veq.f32 v17, $0.0e+00;
	(erf) = vrcp.f32 v12  }
0xed: {  	(xrf1) =	vsort.dscd.msk.f32 $0xffff, v9, v5;
	v9 =	vsel vm1, v0, v17  }
0xee: {  	(xrf1) =	vsort.dscd.msk.f32 $0xffff, v13, v14  }
0xef: {  	(xrf1) =	vsort.dscd.msk.f32 $0xffff, v9, v1  }
0xf0: {  	v9, v12, _ =	vpop (xrf1)  }
0xf1: {  	v13, v14, _ =	vpop (xrf1)  }
0xf2: {  	v13 =	vperm.xlane v13, v8  }
0xf3: {  	v15, v16, _ =	vpop (xrf1)  }
0xf4: {  	v14 =	vperm.xlane v14, v8;
	vm1 =	vge.f32 v15, v13  }
0xf5: {  	v9 =	vperm.xlane v9, v8;
	v17 =	vpop (erf);
	v13 =	vsel vm1, v15, v13  }
0xf6: {  	v12 =	vperm.xlane v12, v8;
	v14 =	vsel vm1, v16, v14;
	v15, v16, _ =	vpop (xrf1);
	v10 =	vmul.f32 v17, v10  }
0xf7: {  	[tilespmem:s23+$0xFFFFFFF0] =	vst.msk $0xff, v11;
	vm1 =	vge.f32 v15, v9;
	(xrf1) =	vsort.dscd.msk.f32 $0xffff, v13, v14  }
0xf8: {  	v9 =	vsel vm1, v15, v9;
	[tilespmem:s22+$0xFFFFFFF0] =	vst.msk $0xff, v10;
	v10 =	vsel vm1, v16, v12  }
0xf9: {  	v11, v13, _ =	vpop (xrf1);
	v15 =	vld [tilespmem:s0+$0xFFFFFF90];
	(xrf1) =	vsort.dscd.msk.f32 $0xffff, v9, v10  }
0xfa: {  	v16 =	vld [tilespmem:s0+$0xFFFFFFB0];
	v12, v14, _ =	vpop (xrf1)  }
0xfb: {  	v19 =	vld [tilespmem:s0+$0xFFFFFF80];
	v9 =	vperm.xlane v11, v8;
	v10, v11, _ =	vpop (xrf1)  }
0xfc: {  	v22 =	vld [tilespmem:s0+$0xFFFFFFA0];
	v13 =	vperm.xlane v13, v8;
	v12 =	vperm.xlane v12, v8;
	v17, v18, _ =	vpop (xrf1)  }
0xfd: {  	v14 =	vperm.xlane v14, v8;
	vm1 =	vge.f32 v10, v9;
	v20, v21, _ =	vpop (xrf1)  }
0xfe: {  	v9 =	vsel vm1, v10, v9;
	v10 =	vsel vm1, v11, v13;
	vm1 =	vge.f32 v20, v12  }
0xff: {  	(xrf1) =	vsort.dscd.msk.f32 $0xffff, v9, v10;
	v9 =	vsel vm1, v20, v12;
	v10 =	vsel vm1, v21, v14;
	vm1 =	veq.f32 v15, $0.0e+00  }
0x100: {  	vm2 =	veq.f32 v19, $0.0e+00;
	(xrf1) =	vsort.dscd.msk.f32 $0xffff, v9, v10;
	v9 =	vsel vm1, v2, v15;
	vm1 =	veq.f32 v16, $0.0e+00  }
0x101: {  	v10 =	vsel vm2, v0, v19;
	(xrf1) =	vsort.dscd.msk.f32 $0xffff, v9, v3;
	v9 =	vsel vm1, v6, v16;
	vm1 =	veq.f32 v22, $0.0e+00  }
0x102: {  	(xrf1) =	vsort.dscd.msk.f32 $0xffff, v9, v7;
	v9 =	vsel vm1, v4, v22  }
0x103: {  	(xrf1) =	vsort.dscd.msk.f32 $0xffff, v10, v1  }
0x104: {  	(xrf1) =	vsort.dscd.msk.f32 $0xffff, v9, v5  }
0x105: {  	v9, v10, _ =	vpop (xrf1)  }
0x106: {  	v9 =	vperm.xlane v9, v8  }
0x107: {  	v10 =	vperm.xlane v10, v8;
	v11, v12, _ =	vpop (xrf1)  }
0x108: {  	vm1 =	vge.f32 v11, v9  }
0x109: {  	v10 =	vsel vm1, v12, v10  }
0x10a: {  	v9 =	vsel vm1, v11, v9;
	_ =	sdelay $0x2  }
0x10b: {  	(xrf1) =	vsort.dscd.msk.f32 $0xffff, v9, v10;
	v9, v10, _ =	vpop (xrf1)  }
0x10c: {  	v13 =	vmax.f32 v17, $0.0e+00;
	v11, v12, _ =	vpop (xrf1)  }
0x10d: {  	v16 =	vnsel vm0, $0x0, v13;
	v9 =	vperm.xlane v9, v8;
	v14, v15, _ =	vpop (xrf1)  }
0x10e: {  	(xrf2) =	vadd.scan.msk.f32 $0xffff, v16;
	v10 =	vperm.xlane v10, v8;
	v17, v19, _ =	vpop (xrf1)  }
0x10f: {  	vm1 =	vge.f32 v11, v9;
	v16 =	vperm.xlane v17, v8;
	v17, v20, _ =	vpop (xrf1)  }
0x110: {  	v9 =	vsel vm1, v11, v9;
	v10 =	vsel vm1, v12, v10;
	v11 =	vperm.xlane v19, v8;
	v12, v19, _ =	vpop (xrf1)  }
0x111: {  	v15 =	vperm.xlane v15, v8;
	v14 =	vperm.xlane v14, v8;
	vm1 =	vge.f32 v12, v16  }
0x112: {  	(xrf1) =	vsort.dscd.msk.f32 $0xffff, v9, v10;
	v9 =	vsel vm1, v12, v16;
	v10 =	vsel vm1, v19, v11  }
0x113: {  	vm1 =	vge.f32 v17, v14;
	(xrf1) =	vsort.dscd.msk.f32 $0xffff, v9, v10  }
0x114: {  	v9 =	vsel vm1, v17, v14;
	v10 =	vsel vm1, v20, v15  }
0x115: {  	(xrf1) =	vsort.dscd.msk.f32 $0xffff, v9, v10;
	_ =	sdelay $0x2  }
0x116: {  	v11, _, _ =	vpop (xrf2)  }
0x117: {  	v9, v10, _ =	vpop (xrf1)  }
0x118: {  	(v2sf) =	vpush v11, $0xF;
	v12 =	vmax.f32 v9, $0.0e+00  }
0x119: {  	v9 =	vnsel vm0, $0x0, v12  }
0x11a: {  	(xrf2) =	vadd.scan.msk.f32 $0xffff, v9  }
0x11b: {  	s17 =	simm.s32 $0x1200  }
0x11c: {  	v11 =	vld [tilespmem:s17+$0xFFFFFE10];
	_ =	sdelay $0x1  }
0x11d: {  	v14, v9, _ =	vpop (xrf1)  }
0x11e: {  	v15, v16, _ =	vpop (xrf1)  }
0x11f: {  	v15 =	vperm.xlane v15, v8;
	v16 =	vperm.xlane v16, v8  }
0x120: {  	vm1 =	veq.f32 v11, $0.0e+00;
	v19, v20, _ =	vpop (xrf1)  }
0x121: {  	v11 =	vsel vm1, v2, v11;
	vm1 =	vge.f32 v19, v15  }
0x122: {  	v17 =	vld [tilespmem:s17+$0xFFFFFE30];
	(xrf1) =	vsort.dscd.msk.f32 $0xffff, v11, v3;
	v11 =	vsel vm1, v19, v15;
	v15 =	vsel vm1, v20, v16  }
0x123: {  	v16, _, _ =	vpop (xrf2);
	(xrf1) =	vsort.dscd.msk.f32 $0xffff, v11, v15  }
0x124: {  	v21 =	vld [tilespmem:s17+$0xFFFFFE20];
	(v2sf) =	vpush v16, $0xF  }
0x125: {  	v19 =	vld [tilespmem:s17+$0xFFFFFE00]  }
0x126: {  	s14 =	spop (v2sf)  }
0x127: {  	s1 =	sadd.f32 $9.999999680e-21, s14;
	vm1 =	veq.f32 v17, $0.0e+00  }
0x128: {  	v11 =	vsel vm1, v6, v17  }
0x129: {  	vm1 =	veq.f32 v21, $0.0e+00;
	v15 =	vmov s1;
	(xrf1) =	vsort.dscd.msk.f32 $0xffff, v11, v7  }
0x12a: {  	v11 =	vsel vm1, v4, v21;
	(erf) = vrcp.f32 v15;
	vm2 =	veq.f32 v19, $0.0e+00  }
0x12b: {  	(xrf1) =	vsort.dscd.msk.f32 $0xffff, v11, v5;
	v11 =	vsel vm2, v0, v19  }
0x12c: {  	(xrf1) =	vsort.dscd.msk.f32 $0xffff, v11, v1;
	v11 =	vmax.f32 v14, $0.0e+00  }
0x12d: {  	v14 =	vnsel vm0, $0x0, v11;
	_ =	sdelay $0x2  }
0x12e: {  	(xrf2) =	vadd.scan.msk.f32 $0xffff, v14;
	v14, v15, _ =	vpop (xrf1)  }
0x12f: {  	v16, v17, _ =	vpop (xrf1)  }
0x130: {  	v16 =	vmax.f32 v16, $0.0e+00  }
0x131: {  	v19 =	vpop (erf);
	s15 =	spop (v2sf);
	v20 =	vnsel vm0, $0x0, v16  }
0x132: {  	s14 =	simm.s32 $0x80E0;
	v13 =	vmul.f32 v19, v13;
	s1 =	sadd.f32 $9.999999680e-21, s15  }
0x133: {  	s13 =	simm.s32 $0x8960;
	[tilespmem:s14+$0xFFFFFFE0] =	vst.msk $0xff, v18  }
0x134: {  	[tilespmem:s13+$0xFFFFFFE0] =	vst.msk $0xff, v13;
	v18 =	vmov s1  }
0x135: {  	(xrf2) =	vadd.scan.msk.f32 $0xffff, v20;
	v19, v20, _ =	vpop (xrf1);
	(erf) = vrcp.f32 v18;
	v18 =	vld [tilespmem:s19+$0xFFFFFE90]  }
0x136: {  	v24 =	vld [tilespmem:s19+$0xFFFFFEB0];
	v13 =	vperm.xlane v19, v8  }
0x137: {  	v14 =	vperm.xlane v14, v8;
	v19 =	vperm.xlane v20, v8;
	v20, v21, _ =	vpop (xrf1)  }
0x138: {  	v15 =	vperm.xlane v15, v8;
	v22, v23, _ =	vpop (xrf1);
	vm1 =	vge.f32 v20, v13  }
0x139: {  	v13 =	vsel vm1, v20, v13;
	v19 =	vsel vm1, v21, v19;
	vm1 =	vge.f32 v22, v14  }
0x13a: {  	v20, _, _ =	vpop (xrf2);
	(xrf1) =	vsort.dscd.msk.f32 $0xffff, v13, v19;
	v14 =	vsel vm1, v22, v14;
	v15 =	vsel vm1, v23, v15;
	vm1 =	veq.f32 v18, $0.0e+00  }
0x13b: {  	v13 =	vld [tilespmem:s19+$0xFFFFFEA0];
	(v2sf) =	vpush v20, $0xF;
	(xrf1) =	vsort.dscd.msk.f32 $0xffff, v14, v15;
	v15 =	vsel vm1, v2, v18;
	vm1 =	veq.f32 v24, $0.0e+00  }
0x13c: {  	v14 =	vld [tilespmem:s19+$0xFFFFFE80];
	v18 =	vsel vm1, v6, v24;
	_ =	sdelay $0x1  }
0x13d: {  	(xrf1) =	vsort.dscd.msk.f32 $0xffff, v15, v3  }
0x13e: {  	(xrf1) =	vsort.dscd.msk.f32 $0xffff, v18, v7;
	v18 =	vpop (erf)  }
0x13f: {  	v15, _, _ =	vpop (xrf2);
	vm1 =	veq.f32 v13, $0.0e+00;
	v12 =	vmul.f32 v18, v12  }
0x140: {  	[tilespmem:s11+$0xFFFFFFE8] =	vst.msk $0xff, v10;
	(v2sf) =	vpush v15, $0xF;
	v13 =	vsel vm1, v4, v13;
	vm1 =	veq.f32 v14, $0.0e+00  }
0x141: {  	(xrf1) =	vsort.dscd.msk.f32 $0xffff, v13, v5;
	v10 =	vsel vm1, v0, v14;
	[tilespmem:s12+$0xFFFFFFE8] =	vst.msk $0xff, v12  }
0x142: {  	(xrf1) =	vsort.dscd.msk.f32 $0xffff, v10, v1;
	v10 =	vld [tilespmem:s24+$0xFFFFFF30]  }
0x143: {  	v12 =	vld [tilespmem:s24+$0xFFFFFF10];
	_ =	sdelay $0x1  }
0x144: {  	v13 =	vld [tilespmem:s24+$0xFFFFFF20];
	_ =	sdelay $0x2  }
0x145: {  	v14, v15, _ =	vpop (xrf1);
	vm1 =	veq.f32 v10, $0.0e+00;
	vm2 =	veq.f32 v12, $0.0e+00  }
0x146: {  	v18 =	vld [tilespmem:s24+$0xFFFFFF00];
	v14 =	vperm.xlane v14, v8;
	v10 =	vsel vm1, v6, v10;
	s16 =	spop (v2sf);
	v12 =	vsel vm2, v2, v12  }
0x147: {  	v19, v20, _ =	vpop (xrf1);
	v15 =	vperm.xlane v15, v8;
	vm1 =	veq.f32 v13, $0.0e+00;
	(xrf1) =	vsort.dscd.msk.f32 $0xffff, v10, v7;
	s1 =	sadd.f32 $9.999999680e-21, s16  }
0x148: {  	v10 =	vsel vm1, v4, v13;
	vm2 =	vge.f32 v19, v14;
	(xrf1) =	vsort.dscd.msk.f32 $0xffff, v12, v3  }
0x149: {  	v12, v13, _ =	vpop (xrf1);
	(xrf1) =	vsort.dscd.msk.f32 $0xffff, v10, v5;
	v10 =	vmov s1;
	v15 =	vsel vm2, v20, v15  }
0x14a: {  	v14 =	vsel vm2, v19, v14;
	v19, v21, _ =	vpop (xrf1);
	(erf) = vrcp.f32 v10  }
0x14b: {  	vm1 =	veq.f32 v18, $0.0e+00;
	v10 =	vperm.xlane v19, v8  }
0x14c: {  	(xrf1) =	vsort.dscd.msk.f32 $0xffff, v14, v15;
	v14 =	vsel vm1, v0, v18;
	s18 =	spop (v2sf);
	v19 =	vperm.xlane v21, v8;
	v15, v18, _ =	vpop (xrf1)  }
0x14d: {  	v12 =	vperm.xlane v12, v8;
	(xrf1) =	vsort.dscd.msk.f32 $0xffff, v14, v1;
	s1 =	sadd.f32 $9.999999680e-21, s18;
	vm1 =	vge.f32 v15, v10  }
0x14e: {  	v10 =	vsel vm1, v15, v10;
	v14 =	vsel vm1, v18, v19;
	v15, v18, _ =	vpop (xrf1)  }
0x14f: {  	v19 =	vmov s1;
	vm1 =	vge.f32 v15, v12  }
0x150: {  	v13 =	vperm.xlane v13, v8;
	(xrf1) =	vsort.dscd.msk.f32 $0xffff, v10, v14;
	(erf) = vrcp.f32 v19;
	v10 =	vsel vm1, v15, v12;
	_ =	sdelay $0x1  }
0x151: {  	v12 =	vsel vm1, v18, v13  }
0x152: {  	(xrf1) =	vsort.dscd.msk.f32 $0xffff, v10, v12;
	v10 =	vpop (erf)  }
0x153: {  	v10 =	vmul.f32 v10, v11;
	_ =	sdelay $0x1  }
0x154: {  	[tilespmem:s28+$0xFFFFFFF0] =	vst.msk $0xff, v9;
	v11, v12, _ =	vpop (xrf1)  }
0x155: {  	v13, v14, _ =	vpop (xrf1);
	[tilespmem:s26+$0xFFFFFFF0] =	vst.msk $0xff, v10  }
0x156: {  	v11 =	vperm.xlane v11, v8;
	v18 =	vld [tilespmem:s29+$0xFFFFFF90];
	v10, v15, _ =	vpop (xrf1)  }
0x157: {  	v12 =	vperm.xlane v12, v8;
	v19 =	vld [tilespmem:s29+$0xFFFFFFB0];
	v13 =	vperm.xlane v13, v8;
	v20 =	vpop (erf)  }
0x158: {  	v14 =	vperm.xlane v14, v8;
	v21, v9, _ =	vpop (xrf1);
	v16 =	vmul.f32 v20, v16  }
0x159: {  	[tilespmem:s23+$0xFFFFFFF8] =	vst.msk $0xff, v17;
	v22 =	vld [tilespmem:s29+$0xFFFFFF80];
	vm1 =	vge.f32 v10, v11;
	v20, v23, _ =	vpop (xrf1)  }
0x15a: {  	v24 =	vld [tilespmem:s29+$0xFFFFFFA0];
	v10 =	vsel vm1, v10, v11;
	v11 =	vsel vm1, v15, v12;
	vm1 =	vge.f32 v20, v13;
	[tilespmem:s22+$0xFFFFFFF8] =	vst.msk $0xff, v16  }
0x15b: {  	(xrf1) =	vsort.dscd.msk.f32 $0xffff, v10, v11;
	v10 =	vsel vm1, v20, v13;
	v11 =	vsel vm1, v23, v14;
	vm1 =	veq.f32 v18, $0.0e+00  }
0x15c: {  	v12 =	vld [tilespmem:s0+$0x0];
	(xrf1) =	vsort.dscd.msk.f32 $0xffff, v10, v11;
	v10 =	vsel vm1, v2, v18;
	vm1 =	veq.f32 v19, $0.0e+00  }
0x15d: {  	v13, v14, _ =	vpop (xrf1);
	v11 =	vld [tilespmem:s0+$0x10];
	(xrf1) =	vsort.dscd.msk.f32 $0xffff, v10, v3;
	v10 =	vsel vm1, v6, v19  }
0x15e: {  	vm2 =	veq.f32 v22, $0.0e+00;
	v13 =	vperm.xlane v13, v8;
	(xrf1) =	vsort.dscd.msk.f32 $0xffff, v10, v7  }
0x15f: {  	v15 =	vld [tilespmem:s0+$0x30];
	v18 =	vsel vm2, v0, v22;
	v14 =	vperm.xlane v14, v8;
	vm1 =	veq.f32 v24, $0.0e+00;
	v16, v17, _ =	vpop (xrf1)  }
0x160: {  	v10 =	vld [tilespmem:s0+$0x20];
	v19 =	vsel vm1, v4, v24;
	vm2 =	vge.f32 v16, v13;
	(xrf1) =	vsort.dscd.msk.f32 $0xffff, v18, v1  }
0x161: {  	v13 =	vsel vm2, v16, v13;
	v14 =	vsel vm2, v17, v14;
	(xrf1) =	vsort.dscd.msk.f32 $0xffff, v19, v5;
	vm1 =	veq.f32 v12, $0.0e+00  }
0x162: {  	(xrf1) =	vsort.dscd.msk.f32 $0xffff, v13, v14;
	v12 =	vsel vm1, v0, v12;
	vm1 =	veq.f32 v11, $0.0e+00  }
0x163: {  	v11 =	vsel vm1, v2, v11;
	(xrf1) =	vsort.dscd.msk.f32 $0xffff, v12, v1  }
0x164: {  	vm1 =	veq.f32 v15, $0.0e+00;
	(xrf1) =	vsort.dscd.msk.f32 $0xffff, v11, v3  }
0x165: {  	v12 =	vsel vm1, v6, v15;
	vm1 =	veq.f32 v10, $0.0e+00  }
0x166: {  	(xrf1) =	vsort.dscd.msk.f32 $0xffff, v12, v7;
	v10 =	vsel vm1, v4, v10;
	_ =	sdelay $0x1  }
0x167: {  	(xrf1) =	vsort.dscd.msk.f32 $0xffff, v10, v5  }
0x168: {  	v10, v11, _ =	vpop (xrf1)  }
0x169: {  	v12, v13, _ =	vpop (xrf1)  }
0x16a: {  	v10 =	vperm.xlane v10, v8;
	v14, v15, _ =	vpop (xrf1)  }
0x16b: {  	v16 =	vmax.f32 v21, $0.0e+00;
	v17, v18, _ =	vpop (xrf1)  }
0x16c: {  	v19 =	vnsel vm0, $0x0, v16;
	vm1 =	vge.f32 v12, v10;
	v17 =	vperm.xlane v17, v8  }
0x16d: {  	v11 =	vperm.xlane v11, v8;
	v10 =	vsel vm1, v12, v10;
	v20, v21, _ =	vpop (xrf1);
	v12 =	vperm.xlane v18, v8  }
0x16e: {  	v22, v23, _ =	vpop (xrf1)  }
0x16f: {  	(xrf2) =	vadd.scan.msk.f32 $0xffff, v19;
	v11 =	vsel vm1, v13, v11;
	v13, v18, _ =	vpop (xrf1);
	vm2 =	vge.f32 v22, v17  }
0x170: {  	v14 =	vperm.xlane v14, v8;
	(xrf1) =	vsort.dscd.msk.f32 $0xffff, v10, v11;
	v19, v24, _ =	vpop (xrf1);
	v11 =	vsel vm2, v23, v12  }
0x171: {  	v10 =	vsel vm2, v22, v17;
	v12, v17, _ =	vpop (xrf1)  }
0x172: {  	v15 =	vperm.xlane v15, v8;
	vm1 =	vge.f32 v20, v14  }
0x173: {  	v14 =	vsel vm1, v20, v14;
	(xrf1) =	vsort.dscd.msk.f32 $0xffff, v10, v11;
	v10 =	vperm.xlane v12, v8;
	v11, v12, _ =	vpop (xrf1)  }
0x174: {  	v15 =	vsel vm1, v21, v15;
	v17 =	vperm.xlane v17, v8;
	v11 =	vperm.xlane v11, v8  }
0x175: {  	v20, v21, _ =	vpop (xrf1);
	vm1 =	vge.f32 v19, v10;
	v12 =	vperm.xlane v12, v8;
	(xrf1) =	vsort.dscd.msk.f32 $0xffff, v14, v15  }
0x176: {  	v10 =	vsel vm1, v19, v10;
	v14 =	vsel vm1, v24, v17;
	vm2 =	vge.f32 v20, v11  }
0x177: {  	(xrf1) =	vsort.dscd.msk.f32 $0xffff, v10, v14;
	v11 =	vsel vm2, v20, v11;
	v12 =	vsel vm2, v21, v12  }
0x178: {  	(xrf1) =	vsort.dscd.msk.f32 $0xffff, v11, v12;
	_ =	sdelay $0x2  }
0x179: {  	v15 =	vmax.f32 v13, $0.0e+00;
	v10, _, _ =	vpop (xrf2)  }
0x17a: {  	(v2sf) =	vpush v10, $0xF;
	v10 =	vnsel vm0, $0x0, v15  }
0x17b: {  	(xrf2) =	vadd.scan.msk.f32 $0xffff, v10  }
0x17c: {  	s18 =	simm.s32 $0x1600  }
0x17d: {  	v12 =	vld [tilespmem:s18+$0xFFFFFE10];
	_ =	sdelay $0x1  }
0x17e: {  	v17 =	vld [tilespmem:s18+$0xFFFFFE30];
	v10, v11, _ =	vpop (xrf1)  }
0x17f: {  	v13, v14, _ =	vpop (xrf1)  }
0x180: {  	v19, v20, _ =	vpop (xrf1)  }
0x181: {  	vm1 =	veq.f32 v12, $0.0e+00;
	v13 =	vperm.xlane v13, v8;
	v21 =	vld [tilespmem:s18+$0xFFFFFE00]  }
0x182: {  	v12 =	vsel vm1, v2, v12;
	v14 =	vperm.xlane v14, v8;
	v24 =	vld [tilespmem:s18+$0xFFFFFE20];
	v22, v23, _ =	vpop (xrf1)  }
0x183: {  	vm1 =	veq.f32 v17, $0.0e+00;
	vm2 =	vge.f32 v19, v13;
	(xrf1) =	vsort.dscd.msk.f32 $0xffff, v12, v3;
	v25, v26, _ =	vpop (xrf1)  }
0x184: {  	v13 =	vsel vm2, v19, v13;
	v19, _, _ =	vpop (xrf2);
	v12 =	vsel vm2, v20, v14;
	v14 =	vperm.xlane v25, v8  }
0x185: {  	(v2sf) =	vpush v19, $0xF;
	(xrf1) =	vsort.dscd.msk.f32 $0xffff, v13, v12;
	v13 =	vsel vm1, v6, v17;
	v12 =	vperm.xlane v26, v8  }
0x186: {  	(xrf1) =	vsort.dscd.msk.f32 $0xffff, v13, v7;
	vm1 =	vge.f32 v22, v14  }
0x187: {  	v13 =	vsel vm1, v22, v14;
	v12 =	vsel vm1, v23, v12;
	vm1 =	veq.f32 v24, $0.0e+00  }
0x188: {  	s20 =	spop (v2sf);
	(xrf1) =	vsort.dscd.msk.f32 $0xffff, v13, v12;
	v12 =	vsel vm1, v4, v24  }
0x189: {  	s1 =	sadd.f32 $9.999999680e-21, s20;
	(xrf1) =	vsort.dscd.msk.f32 $0xffff, v12, v5;
	_ =	sdelay $0x1  }
0x18a: {  	vm1 =	veq.f32 v21, $0.0e+00;
	v12 =	vmov s1  }
0x18b: {  	v13 =	vsel vm1, v0, v21;
	(erf) = vrcp.f32 v12  }
0x18c: {  	(xrf1) =	vsort.dscd.msk.f32 $0xffff, v13, v1;
	_ =	sdelay $0x1  }
0x18d: {  	v17 =	vmax.f32 v10, $0.0e+00  }
0x18e: {  	v10 =	vnsel vm0, $0x0, v17;
	_ =	sdelay $0x1  }
0x18f: {  	(xrf2) =	vadd.scan.msk.f32 $0xffff, v10;
	v13, v19, _ =	vpop (xrf1)  }
0x190: {  	v10, v12, _ =	vpop (xrf1)  }
0x191: {  	s21 =	spop (v2sf);
	v21, v22, _ =	vpop (xrf1)  }
0x192: {  	s1 =	sadd.f32 $9.999999680e-21, s21;
	v20 =	vpop (erf)  }
0x193: {  	v14 =	vmax.f32 v10, $0.0e+00;
	v21 =	vperm.xlane v21, v8;
	v16 =	vmul.f32 v20, v16;
	v20, v10, _ =	vpop (xrf1)  }
0x194: {  	s15 =	simm.s32 $0x8120;
	v22 =	vperm.xlane v22, v8;
	v23 =	vmov s1;
	v25, v26, _ =	vpop (xrf1)  }
0x195: {  	s16 =	simm.s32 $0x89A0;
	[tilespmem:s15+$0xFFFFFFE0] =	vst.msk $0xff, v9;
	vm1 =	vge.f32 v25, v21  }
0x196: {  	(erf) = vrcp.f32 v23;
	[tilespmem:s16+$0xFFFFFFE0] =	vst.msk $0xff, v16;
	v16 =	vperm.xlane v19, v8;
	v19 =	vsel vm1, v25, v21  }
0x197: {  	v9 =	vperm.xlane v13, v8  }
0x198: {  	v21 =	vsel vm1, v26, v22;
	v22, v23, _ =	vpop (xrf1)  }
0x199: {  	v24 =	vnsel vm0, $0x0, v14;
	v13 =	vmax.f32 v20, $0.0e+00;
	vm1 =	vge.f32 v22, v9;
	(xrf1) =	vsort.dscd.msk.f32 $0xffff, v19, v21;
	v19, _, _ =	vpop (xrf2)  }
0x19a: {  	(xrf2) =	vadd.scan.msk.f32 $0xffff, v24;
	v24 =	vld [tilespmem:s17+$0xFFFFFE90];
	v9 =	vsel vm1, v22, v9;
	v16 =	vsel vm1, v23, v16;
	(v2sf) =	vpush v19, $0xF  }
0x19b: {  	v20 =	vld [tilespmem:s17+$0xFFFFFEB0];
	(xrf1) =	vsort.dscd.msk.f32 $0xffff, v9, v16;
	v19 =	vnsel vm0, $0x0, v13  }
0x19c: {  	v9 =	vld [tilespmem:s17+$0xFFFFFEA0];
	(xrf2) =	vadd.scan.msk.f32 $0xffff, v19;
	_ =	sdelay $0x1  }
0x19d: {  	v16 =	vld [tilespmem:s17+$0xFFFFFE80]  }
0x19e: {  	vm1 =	veq.f32 v24, $0.0e+00;
	v21 =	vpop (erf)  }
0x19f: {  	v19 =	vsel vm1, v2, v24;
	vm1 =	veq.f32 v20, $0.0e+00;
	v15 =	vmul.f32 v21, v15  }
0x1a0: {  	[tilespmem:s14+$0xFFFFFFE8] =	vst.msk $0xff, v18;
	(xrf1) =	vsort.dscd.msk.f32 $0xffff, v19, v3;
	v19 =	vsel vm1, v6, v20;
	vm1 =	veq.f32 v9, $0.0e+00  }
0x1a1: {  	(xrf1) =	vsort.dscd.msk.f32 $0xffff, v19, v7;
	[tilespmem:s13+$0xFFFFFFE8] =	vst.msk $0xff, v15;
	v9 =	vsel vm1, v4, v9  }
0x1a2: {  	vm1 =	veq.f32 v16, $0.0e+00;
	(xrf1) =	vsort.dscd.msk.f32 $0xffff, v9, v5;
	v9 =	vld [tilespmem:s19+$0xFFFFFF30]  }
0x1a3: {  	v15 =	vsel vm1, v0, v16;
	v16 =	vld [tilespmem:s19+$0xFFFFFF10]  }
0x1a4: {  	v20, _, _ =	vpop (xrf2);
	(xrf1) =	vsort.dscd.msk.f32 $0xffff, v15, v1;
	v15 =	vld [tilespmem:s19+$0xFFFFFF20]  }
0x1a5: {  	(v2sf) =	vpush v20, $0xF;
	v18, _, _ =	vpop (xrf2)  }
0x1a6: {  	v21 =	vld [tilespmem:s19+$0xFFFFFF00];
	v19, v20, _ =	vpop (xrf1)  }
0x1a7: {  	vm1 =	veq.f32 v9, $0.0e+00;
	(v2sf) =	vpush v18, $0xF;
	v18 =	vperm.xlane v19, v8  }
0x1a8: {  	vm2 =	veq.f32 v16, $0.0e+00;
	v20 =	vperm.xlane v20, v8;
	v9 =	vsel vm1, v6, v9;
	v19, v22, _ =	vpop (xrf1);
	s25 =	spop (v2sf)  }
0x1a9: {  	v16 =	vsel vm2, v2, v16;
	vm2 =	veq.f32 v15, $0.0e+00;
	(xrf1) =	vsort.dscd.msk.f32 $0xffff, v9, v7;
	vm1 =	vge.f32 v19, v18;
	s1 =	sadd.f32 $9.999999680e-21, s25  }
0x1aa: {  	v15 =	vsel vm2, v4, v15;
	(xrf1) =	vsort.dscd.msk.f32 $0xffff, v16, v3;
	v16 =	vsel vm1, v22, v20  }
0x1ab: {  	v9 =	vsel vm1, v19, v18;
	vm1 =	veq.f32 v21, $0.0e+00;
	(xrf1) =	vsort.dscd.msk.f32 $0xffff, v15, v5;
	v15 =	vmov s1  }
0x1ac: {  	(xrf1) =	vsort.dscd.msk.f32 $0xffff, v9, v16;
	v9 =	vsel vm1, v0, v21;
	_ =	sdelay $0x1  }
0x1ad: {  	(erf) = vrcp.f32 v15;
	v15, v16, _ =	vpop (xrf1)  }
0x1ae: {  	(xrf1) =	vsort.dscd.msk.f32 $0xffff, v9, v1;
	v9, v18, _ =	vpop (xrf1)  }
0x1af: {  	v9 =	vperm.xlane v9, v8  }
0x1b0: {  	v19, v20, _ =	vpop (xrf1)  }
0x1b1: {  	v15 =	vperm.xlane v15, v8;
	v18 =	vperm.xlane v18, v8;
	vm1 =	vge.f32 v19, v9  }
0x1b2: {  	v9 =	vsel vm1, v19, v9;
	v19, v21, _ =	vpop (xrf1)  }
0x1b3: {  	s3 =	spop (v2sf);
	v18 =	vsel vm1, v20, v18;
	vm1 =	vge.f32 v19, v15  }
0x1b4: {  	s1 =	sadd.f32 $9.999999680e-21, s3;
	v16 =	vperm.xlane v16, v8;
	(xrf1) =	vsort.dscd.msk.f32 $0xffff, v9, v18;
	v9 =	vsel vm1, v19, v15;
	_ =	sdelay $0x1  }
0x1b5: {  	v20 =	vmov s1;
	v15 =	vsel vm1, v21, v16  }
0x1b6: {  	(erf) = vrcp.f32 v20;
	(xrf1) =	vsort.dscd.msk.f32 $0xffff, v9, v15;
	v9 =	vpop (erf)  }
0x1b7: {  	s4 =	spop (v2sf);
	v9 =	vmul.f32 v9, v17  }
0x1b8: {  	[tilespmem:s11+$0xFFFFFFF0] =	vst.msk $0xff, v11;
	s1 =	sadd.f32 $9.999999680e-21, s4  }
0x1b9: {  	v15, v16, _ =	vpop (xrf1);
	[tilespmem:s12+$0xFFFFFFF0] =	vst.msk $0xff, v9  }
0x1ba: {  	v21 =	vmov s1;
	v11, v17, _ =	vpop (xrf1);
	v20 =	vld [tilespmem:s24+$0xFFFFFF90]  }
0x1bb: {  	(erf) = vrcp.f32 v21;
	v15 =	vperm.xlane v15, v8;
	v18, v19, _ =	vpop (xrf1);
	v23 =	vld [tilespmem:s24+$0xFFFFFFB0]  }
0x1bc: {  	v16 =	vperm.xlane v16, v8;
	v11 =	vperm.xlane v11, v8;
	v26 =	vld [tilespmem:s24+$0xFFFFFFA0];
	v22, v9, _ =	vpop (xrf1)  }
0x1bd: {  	v17 =	vperm.xlane v17, v8;
	vm1 =	vge.f32 v18, v15;
	v25 =	vld [tilespmem:s24+$0xFFFFFF80];
	v21, v24, _ =	vpop (xrf1)  }
0x1be: {  	v15 =	vsel vm1, v18, v15;
	v16 =	vsel vm1, v19, v16;
	vm2 =	vge.f32 v21, v11  }
0x1bf: {  	v18 =	vpop (erf);
	(xrf1) =	vsort.dscd.msk.f32 $0xffff, v15, v16;
	v11 =	vsel vm2, v21, v11;
	v15 =	vsel vm2, v24, v17;
	vm1 =	veq.f32 v20, $0.0e+00  }
0x1c0: {  	v14 =	vmul.f32 v18, v14;
	(xrf1) =	vsort.dscd.msk.f32 $0xffff, v11, v15;
	v11 =	vsel vm1, v2, v20;
	vm1 =	veq.f32 v23, $0.0e+00  }
0x1c1: {  	[tilespmem:s28+$0xFFFFFFF8] =	vst.msk $0xff, v12;
	(xrf1) =	vsort.dscd.msk.f32 $0xffff, v11, v3;
	v11 =	vsel vm1, v6, v23;
	vm1 =	veq.f32 v26, $0.0e+00  }
0x1c2: {  	[tilespmem:s26+$0xFFFFFFF8] =	vst.msk $0xff, v14;
	vm2 =	veq.f32 v25, $0.0e+00;
	v17 =	vsel vm1, v4, v26  }
0x1c3: {  	v12 =	vld [tilespmem:s29+$0x0];
	v14 =	vsel vm2, v0, v25;
	(xrf1) =	vsort.dscd.msk.f32 $0xffff, v11, v7  }
0x1c4: {  	v16 =	vld [tilespmem:s29+$0x10];
	(xrf1) =	vsort.dscd.msk.f32 $0xffff, v14, v1;
	v11, v15, _ =	vpop (xrf1)  }
0x1c5: {  	v19 =	vld [tilespmem:s29+$0x30];
	(xrf1) =	vsort.dscd.msk.f32 $0xffff, v17, v5;
	v11 =	vperm.xlane v11, v8;
	v17 =	vpop (erf)  }
0x1c6: {  	v14, v18, _ =	vpop (xrf1);
	v15 =	vperm.xlane v15, v8;
	v13 =	vmul.f32 v17, v13;
	v17 =	vld [tilespmem:s29+$0x20]  }
0x1c7: {  	vm1 =	vge.f32 v14, v11  }
0x1c8: {  	[tilespmem:s23+$0x0] =	vst.msk $0xff, v10;
	v10 =	vsel vm1, v14, v11;
	v11 =	vsel vm1, v18, v15;
	vm1 =	veq.f32 v12, $0.0e+00  }
0x1c9: {  	(xrf1) =	vsort.dscd.msk.f32 $0xffff, v10, v11;
	v10 =	vsel vm1, v0, v12;
	vm1 =	veq.f32 v16, $0.0e+00  }
0x1ca: {  	[tilespmem:s22+$0x0] =	vst.msk $0xff, v13;
	v11 =	vsel vm1, v2, v16;
	vm1 =	veq.f32 v19, $0.0e+00;
	(xrf1) =	vsort.dscd.msk.f32 $0xffff, v10, v1  }
0x1cb: {  	v12 =	vld [tilespmem:s0+$0x90];
	v13 =	vsel vm1, v6, v19;
	(xrf1) =	vsort.dscd.msk.f32 $0xffff, v11, v3;
	vm1 =	veq.f32 v17, $0.0e+00  }
0x1cc: {  	v10 =	vld [tilespmem:s0+$0xB0];
	(xrf1) =	vsort.dscd.msk.f32 $0xffff, v13, v7;
	v11 =	vsel vm1, v4, v17  }
0x1cd: {  	(xrf1) =	vsort.dscd.msk.f32 $0xffff, v11, v5;
	v11 =	vmax.f32 v22, $0.0e+00  }
0x1ce: {  	v13, v14, _ =	vpop (xrf1);
	v18 =	vnsel vm0, $0x0, v11  }
0x1cf: {  	v16, v17, _ =	vpop (xrf1)  }
0x1d0: {  	vm1 =	veq.f32 v12, $0.0e+00;
	v13 =	vperm.xlane v13, v8;
	v19, v20, _ =	vpop (xrf1)  }
0x1d1: {  	v15 =	vld [tilespmem:s0+$0xA0];
	v12 =	vsel vm1, v2, v12;
	vm1 =	veq.f32 v10, $0.0e+00;
	(xrf2) =	vadd.scan.msk.f32 $0xffff, v18;
	v18, v22, _ =	vpop (xrf1)  }
0x1d2: {  	v21 =	vld [tilespmem:s0+$0x80];
	v14 =	vperm.xlane v14, v8;
	v10 =	vsel vm1, v6, v10;
	vm1 =	vge.f32 v16, v13  }
0x1d3: {  	(xrf1) =	vsort.dscd.msk.f32 $0xffff, v12, v3;
	v12 =	vsel vm1, v16, v13;
	v13 =	vperm.xlane v18, v8;
	v16, v18, _ =	vpop (xrf1)  }
0x1d4: {  	(xrf1) =	vsort.dscd.msk.f32 $0xffff, v10, v7;
	v10 =	vsel vm1, v17, v14;
	v14 =	vperm.xlane v22, v8;
	v17, v22, _ =	vpop (xrf1)  }
0x1d5: {  	vm2 =	vge.f32 v17, v13  }
0x1d6: {  	vm1 =	veq.f32 v15, $0.0e+00;
	(xrf1) =	vsort.dscd.msk.f32 $0xffff, v12, v10;
	v12 =	vsel vm2, v17, v13  }
0x1d7: {  	v10 =	vsel vm1, v4, v15;
	vm1 =	veq.f32 v21, $0.0e+00  }
0x1d8: {  	(xrf1) =	vsort.dscd.msk.f32 $0xffff, v10, v5;
	v10 =	vsel vm1, v0, v21  }
0x1d9: {  	v13 =	vsel vm2, v22, v14  }
0x1da: {  	(xrf1) =	vsort.dscd.msk.f32 $0xffff, v12, v13;
	v13 =	vperm.xlane v19, v8;
	v14, v12, _ =	vpop (xrf1)  }
0x1db: {  	(xrf1) =	vsort.dscd.msk.f32 $0xffff, v10, v1;
	v10, v15, _ =	vpop (xrf1)  }
0x1dc: {  	v17 =	vperm.xlane v20, v8;
	vm1 =	vge.f32 v16, v13;
	v19, v20, _ =	vpop (xrf1)  }
0x1dd: {  	v13 =	vsel vm1, v16, v13;
	v16 =	vperm.xlane v19, v8;
	v19, v21, _ =	vpop (xrf1)  }
0x1de: {  	v17 =	vsel vm1, v18, v17;
	v18 =	vperm.xlane v19, v8  }
0x1df: {  	v19 =	vperm.xlane v20, v8;
	v20, v22, _ =	vpop (xrf1);
	vm1 =	vge.f32 v10, v16  }
0x1e0: {  	v21 =	vperm.xlane v21, v8;
	v10 =	vsel vm1, v10, v16;
	vm2 =	vge.f32 v20, v18  }
0x1e1: {  	(xrf1) =	vsort.dscd.msk.f32 $0xffff, v13, v17;
	v13 =	vsel vm1, v15, v19;
	v15 =	vsel vm2, v20, v18  }
0x1e2: {  	v16 =	vsel vm2, v22, v21;
	(xrf1) =	vsort.dscd.msk.f32 $0xffff, v10, v13  }
0x1e3: {  	(xrf1) =	vsort.dscd.msk.f32 $0xffff, v15, v16;
	v10, _, _ =	vpop (xrf2)  }
0x1e4: {  	(v2sf) =	vpush v10, $0xF  }
0x1e5: {  	v18 =	vmax.f32 v14, $0.0e+00;
	v13, v15, _ =	vpop (xrf1)  }
0x1e6: {  	v19 =	vnsel vm0, $0x0, v18;
	v16, v17, _ =	vpop (xrf1)  }
0x1e7: {  	v16 =	vperm.xlane v16, v8;
	v14, v10, _ =	vpop (xrf1)  }
0x1e8: {  	v17 =	vperm.xlane v17, v8;
	v20, v21, _ =	vpop (xrf1)  }
0x1e9: {  	(xrf2) =	vadd.scan.msk.f32 $0xffff, v19;
	v13 =	vperm.xlane v13, v8;
	v19, v22, _ =	vpop (xrf1);
	vm1 =	vge.f32 v20, v16  }
0x1ea: {  	s25 =	simm.s32 $0x1A00;
	v15 =	vperm.xlane v15, v8;
	v16 =	vsel vm1, v20, v16;
	v17 =	vsel vm1, v21, v17;
	v20, v21, _ =	vpop (xrf1)  }
0x1eb: {  	vm1 =	vge.f32 v20, v13;
	(xrf1) =	vsort.dscd.msk.f32 $0xffff, v16, v17;
	v16 =	vld [tilespmem:s25+$0xFFFFFE10]  }
0x1ec: {  	v13 =	vsel vm1, v20, v13;
	v15 =	vsel vm1, v21, v15  }
0x1ed: {  	(xrf1) =	vsort.dscd.msk.f32 $0xffff, v13, v15  }
0x1ee: {  	v13 =	vld [tilespmem:s25+$0xFFFFFE30]  }
0x1ef: {  	v19 =	vperm.xlane v19, v8;
	v15, v17, _ =	vpop (xrf1)  }
0x1f0: {  	v23 =	vld [tilespmem:s25+$0xFFFFFE20];
	v20, v21, _ =	vpop (xrf1);
	vm1 =	veq.f32 v16, $0.0e+00  }
0x1f1: {  	v22 =	vperm.xlane v22, v8;
	v24, v25, _ =	vpop (xrf1);
	v16 =	vsel vm1, v2, v16;
	vm1 =	vge.f32 v15, v19  }
0x1f2: {  	(xrf1) =	vsort.dscd.msk.f32 $0xffff, v16, v3;
	v15 =	vsel vm1, v15, v19;
	v16 =	vperm.xlane v24, v8  }
0x1f3: {  	v26, _, _ =	vpop (xrf2);
	v17 =	vsel vm1, v17, v22;
	vm1 =	veq.f32 v13, $0.0e+00;
	v19 =	vperm.xlane v25, v8;
	s5 =	spop (v2sf)  }
0x1f4: {  	v27 =	vld [tilespmem:s25+$0xFFFFFE00];
	(v2sf) =	vpush v26, $0xF;
	(xrf1) =	vsort.dscd.msk.f32 $0xffff, v15, v17;
	v13 =	vsel vm1, v6, v13;
	vm1 =	vge.f32 v20, v16;
	s1 =	sadd.f32 $9.999999680e-21, s5  }
0x1f5: {  	(xrf1) =	vsort.dscd.msk.f32 $0xffff, v13, v7;
	v13 =	vsel vm1, v20, v16;
	v15 =	vsel vm1, v21, v19;
	vm1 =	veq.f32 v23, $0.0e+00  }
0x1f6: {  	(xrf1) =	vsort.dscd.msk.f32 $0xffff, v13, v15;
	v13 =	vsel vm1, v4, v23;
	v15 =	vmov s1  }
0x1f7: {  	(erf) = vrcp.f32 v15;
	_ =	sdelay $0x1  }
0x1f8: {  	vm1 =	veq.f32 v27, $0.0e+00;
	(xrf1) =	vsort.dscd.msk.f32 $0xffff, v13, v5;
	v13, v16, _ =	vpop (xrf1)  }
0x1f9: {  	v15 =	vsel vm1, v0, v27;
	v13 =	vperm.xlane v13, v8  }
0x1fa: {  	(xrf1) =	vsort.dscd.msk.f32 $0xffff, v15, v1;
	v15 =	vperm.xlane v16, v8;
	v16, v17, _ =	vpop (xrf1)  }
0x1fb: {  	vm1 =	vge.f32 v16, v13  }
0x1fc: {  	v13 =	vsel vm1, v16, v13;
	v15 =	vsel vm1, v17, v15  }
0x1fd: {  	v19 =	vmax.f32 v14, $0.0e+00;
	(xrf1) =	vsort.dscd.msk.f32 $0xffff, v13, v15  }
0x1fe: {  	v13 =	vnsel vm0, $0x0, v19  }
0x1ff: {  	(xrf2) =	vadd.scan.msk.f32 $0xffff, v13;
	v16 =	vpop (erf)  }
0x200: {  	v11 =	vmul.f32 v16, v11;
	_ =	sdelay $0x1  }
0x201: {  	s8 =	spop (v2sf);
	v13, v15, _ =	vpop (xrf1)  }
0x202: {  	s20 =	simm.s32 $0x8160;
	s1 =	sadd.f32 $9.999999680e-21, s8;
	v17, v14, _ =	vpop (xrf1)  }
0x203: {  	s21 =	simm.s32 $0x89E0;
	[tilespmem:s20+$0xFFFFFFE0] =	vst.msk $0xff, v9;
	v16 =	vmax.f32 v17, $0.0e+00;
	v17, v20, _ =	vpop (xrf1)  }
0x204: {  	v22 =	vmov s1;
	[tilespmem:s21+$0xFFFFFFE0] =	vst.msk $0xff, v11;
	v9 =	vnsel vm0, $0x0, v16;
	v17 =	vperm.xlane v17, v8;
	v21, v11, _ =	vpop (xrf1)  }
0x205: {  	v13 =	vperm.xlane v13, v8;
	(xrf2) =	vadd.scan.msk.f32 $0xffff, v9;
	v9 =	vld [tilespmem:s18+$0xFFFFFE90];
	v23, v24, _ =	vpop (xrf1)  }
0x206: {  	(erf) = vrcp.f32 v22;
	v20 =	vperm.xlane v20, v8;
	vm1 =	vge.f32 v23, v17  }
0x207: {  	v17 =	vsel vm1, v23, v17;
	v22, v23, _ =	vpop (xrf1)  }
0x208: {  	v25 =	vperm.xlane v15, v8;
	v15 =	vmax.f32 v21, $0.0e+00;
	v20 =	vsel vm1, v24, v20;
	v21, _, _ =	vpop (xrf2)  }
0x209: {  	v24 =	vld [tilespmem:s18+$0xFFFFFEB0];
	vm1 =	vge.f32 v22, v13;
	(xrf1) =	vsort.dscd.msk.f32 $0xffff, v17, v20;
	v17 =	vnsel vm0, $0x0, v15;
	(v2sf) =	vpush v21, $0xF  }
0x20a: {  	v22 =	vsel vm1, v22, v13;
	(xrf2) =	vadd.scan.msk.f32 $0xffff, v17;
	v17 =	vsel vm1, v23, v25;
	vm1 =	veq.f32 v9, $0.0e+00;
	v21, v13, _ =	vpop (xrf1)  }
0x20b: {  	(xrf1) =	vsort.dscd.msk.f32 $0xffff, v22, v17;
	v9 =	vsel vm1, v2, v9;
	v17 =	vmax.f32 v21, $0.0e+00  }
0x20c: {  	v20 =	vld [tilespmem:s18+$0xFFFFFEA0];
	(xrf1) =	vsort.dscd.msk.f32 $0xffff, v9, v3;
	v9 =	vnsel vm0, $0x0, v17  }
0x20d: {  	v22 =	vld [tilespmem:s18+$0xFFFFFE80]  }
0x20e: {  	vm1 =	veq.f32 v24, $0.0e+00  }
0x20f: {  	v21 =	vsel vm1, v6, v24;
	(xrf2) =	vadd.scan.msk.f32 $0xffff, v9;
	v9 =	vpop (erf)  }
0x210: {  	(xrf1) =	vsort.dscd.msk.f32 $0xffff, v21, v7;
	v9 =	vmul.f32 v9, v18  }
0x211: {  	[tilespmem:s15+$0xFFFFFFE8] =	vst.msk $0xff, v12;
	vm1 =	veq.f32 v20, $0.0e+00  }
0x212: {  	v20 =	vsel vm1, v4, v20;
	vm1 =	veq.f32 v22, $0.0e+00;
	[tilespmem:s16+$0xFFFFFFE8] =	vst.msk $0xff, v9  }
0x213: {  	(xrf1) =	vsort.dscd.msk.f32 $0xffff, v20, v5;
	v12 =	vsel vm1, v0, v22;
	v9 =	vld [tilespmem:s17+$0xFFFFFF30]  }
0x214: {  	(xrf1) =	vsort.dscd.msk.f32 $0xffff, v12, v1;
	v12 =	vld [tilespmem:s17+$0xFFFFFF10]  }
0x215: {  	v21, _, _ =	vpop (xrf2);
	v18 =	vld [tilespmem:s17+$0xFFFFFF20]  }
0x216: {  	(v2sf) =	vpush v21, $0xF  }
0x217: {  	v20, _, _ =	vpop (xrf2)  }
0x218: {  	(v2sf) =	vpush v20, $0xF;
	v21, v22, _ =	vpop (xrf1)  }
0x219: {  	v20 =	vld [tilespmem:s17+$0xFFFFFF00];
	v21 =	vperm.xlane v21, v8;
	vm1 =	veq.f32 v9, $0.0e+00;
	vm2 =	veq.f32 v12, $0.0e+00  }
0x21a: {  	v23, _, _ =	vpop (xrf2);
	v9 =	vsel vm1, v6, v9;
	v12 =	vsel vm2, v2, v12;
	vm1 =	veq.f32 v18, $0.0e+00  }
0x21b: {  	v22 =	vperm.xlane v22, v8;
	s9 =	spop (v2sf);
	(v2sf) =	vpush v23, $0xF;
	v23, v24, _ =	vpop (xrf1);
	(xrf1) =	vsort.dscd.msk.f32 $0xffff, v9, v7;
	v9 =	vsel vm1, v4, v18  }
0x21c: {  	s1 =	sadd.f32 $9.999999680e-21, s9;
	vm2 =	vge.f32 v23, v21;
	(xrf1) =	vsort.dscd.msk.f32 $0xffff, v12, v3  }
0x21d: {  	v21 =	vsel vm2, v23, v21;
	v22 =	vsel vm2, v24, v22;
	v12, v18, _ =	vpop (xrf1);
	(xrf1) =	vsort.dscd.msk.f32 $0xffff, v9, v5  }
0x21e: {  	vm1 =	veq.f32 v20, $0.0e+00;
	v9, v23, _ =	vpop (xrf1);
	(xrf1) =	vsort.dscd.msk.f32 $0xffff, v21, v22;
	v21 =	vmov s1  }
0x21f: {  	v20 =	vsel vm1, v0, v20;
	v22 =	vperm.xlane v23, v8  }
0x220: {  	(erf) = vrcp.f32 v21  }
0x221: {  	v9 =	vperm.xlane v9, v8  }
0x222: {  	(xrf1) =	vsort.dscd.msk.f32 $0xffff, v20, v1;
	v20, v21, _ =	vpop (xrf1)  }
0x223: {  	v12 =	vperm.xlane v12, v8;
	vm1 =	vge.f32 v20, v9  }
0x224: {  	v9 =	vsel vm1, v20, v9;
	v20 =	vsel vm1, v21, v22;
	v21, v22, _ =	vpop (xrf1)  }
0x225: {  	s3 =	spop (v2sf);
	vm1 =	vge.f32 v21, v12  }
0x226: {  	v18 =	vperm.xlane v18, v8;
	s1 =	sadd.f32 $9.999999680e-21, s3;
	(xrf1) =	vsort.dscd.msk.f32 $0xffff, v9, v20;
	v9 =	vsel vm1, v21, v12  }
0x227: {  	s4 =	spop (v2sf)  }
0x228: {  	v12 =	vsel vm1, v22, v18;
	v18 =	vmov s1;
	s1 =	sadd.f32 $9.999999680e-21, s4  }
0x229: {  	(xrf1) =	vsort.dscd.msk.f32 $0xffff, v9, v12;
	(erf) = vrcp.f32 v18;
	v9 =	vpop (erf)  }
0x22a: {  	v9 =	vmul.f32 v9, v19;
	v19 =	vmov s1;
	_ =	sdelay $0x1  }
0x22b: {  	v12, v18, _ =	vpop (xrf1)  }
0x22c: {  	[tilespmem:s14+$0xFFFFFFF0] =	vst.msk $0xff, v10;
	s3 =	spop (v2sf);
	v20, v21, _ =	vpop (xrf1);
	v10 =	vperm.xlane v12, v8  }
0x22d: {  	s5 =	sadd.f32 $9.999999680e-21, s3;
	(erf) = vrcp.f32 v19;
	v18 =	vperm.xlane v18, v8;
	[tilespmem:s13+$0xFFFFFFF0] =	vst.msk $0xff, v9;
	v12, v19, _ =	vpop (xrf1)  }
0x22e: {  	v20 =	vperm.xlane v20, v8;
	v23 =	vld [tilespmem:s19+$0xFFFFFF90];
	vm1 =	vge.f32 v12, v10  }
0x22f: {  	v24 =	vmov s5;
	v27 =	vld [tilespmem:s19+$0xFFFFFFB0];
	v22, v9, _ =	vpop (xrf1);
	v10 =	vsel vm1, v12, v10;
	v12 =	vsel vm1, v19, v18  }
0x230: {  	(erf) = vrcp.f32 v24;
	v25, v26, _ =	vpop (xrf1);
	(xrf1) =	vsort.dscd.msk.f32 $0xffff, v10, v12;
	v10 =	vld [tilespmem:s19+$0xFFFFFFA0]  }
0x231: {  	v18 =	vld [tilespmem:s19+$0xFFFFFF80];
	v19 =	vpop (erf)  }
0x232: {  	v21 =	vperm.xlane v21, v8;
	vm1 =	vge.f32 v25, v20;
	v12 =	vmul.f32 v19, v16  }
0x233: {  	[tilespmem:s11+$0xFFFFFFF8] =	vst.msk $0xff, v14;
	v16 =	vsel vm1, v25, v20;
	v14, v20, _ =	vpop (xrf1)  }
0x234: {  	v19 =	vsel vm1, v26, v21;
	vm1 =	veq.f32 v23, $0.0e+00;
	[tilespmem:s12+$0xFFFFFFF8] =	vst.msk $0xff, v12;
	v12 =	vperm.xlane v14, v8  }
0x235: {  	(xrf1) =	vsort.dscd.msk.f32 $0xffff, v16, v19;
	v14 =	vsel vm1, v2, v23;
	v16 =	vld [tilespmem:s24+$0x0];
	vm1 =	veq.f32 v27, $0.0e+00;
	vm3 =	veq.f32 v10, $0.0e+00  }
0x236: {  	v24 =	vpop (erf);
	(xrf1) =	vsort.dscd.msk.f32 $0xffff, v14, v3;
	v14 =	vld [tilespmem:s24+$0x10];
	vm2 =	veq.f32 v18, $0.0e+00;
	v23 =	vsel vm1, v6, v27;
	v10 =	vsel vm3, v4, v10  }
0x237: {  	v20 =	vperm.xlane v20, v8;
	v25 =	vld [tilespmem:s24+$0x30];
	v19, v21, _ =	vpop (xrf1);
	v18 =	vsel vm2, v0, v18;
	(xrf1) =	vsort.dscd.msk.f32 $0xffff, v23, v7  }
0x238: {  	v15 =	vmul.f32 v24, v15;
	vm1 =	vge.f32 v19, v12;
	(xrf1) =	vsort.dscd.msk.f32 $0xffff, v18, v1  }
0x239: {  	[tilespmem:s28+$0x0] =	vst.msk $0xff, v11;
	v12 =	vsel vm1, v19, v12;
	(xrf1) =	vsort.dscd.msk.f32 $0xffff, v10, v5;
	v10 =	vpop (erf)  }
0x23a: {  	v11 =	vld [tilespmem:s24+$0x20];
	[tilespmem:s26+$0x0] =	vst.msk $0xff, v15;
	v15 =	vsel vm1, v21, v20;
	vm1 =	veq.f32 v16, $0.0e+00;
	v10 =	vmul.f32 v10, v17  }
0x23b: {  	[tilespmem:s23+$0x8] =	vst.msk $0xff, v13;
	(xrf1) =	vsort.dscd.msk.f32 $0xffff, v12, v15;
	v12 =	vsel vm1, v0, v16;
	vm1 =	veq.f32 v14, $0.0e+00;
	v17 =	vld [tilespmem:s29+$0x90]  }
0x23c: {  	v13 =	vld [tilespmem:s29+$0xB0];
	v14 =	vsel vm1, v2, v14;
	vm1 =	veq.f32 v25, $0.0e+00;
	(xrf1) =	vsort.dscd.msk.f32 $0xffff, v12, v1;
	[tilespmem:s22+$0x8] =	vst.msk $0xff, v10  }
0x23d: {  	(xrf1) =	vsort.dscd.msk.f32 $0xffff, v14, v3;
	v10 =	vsel vm1, v6, v25;
	v14 =	vld [tilespmem:s0+$0x130]  }
0x23e: {  	v12 =	vmax.f32 v22, $0.0e+00;
	(xrf1) =	vsort.dscd.msk.f32 $0xffff, v10, v7;
	v10 =	vld [tilespmem:s0+$0x110]  }
0x23f: {  	v16 =	vnsel vm0, $0x0, v12;
	vm1 =	veq.f32 v11, $0.0e+00;
	v15 =	vld [tilespmem:s0+$0x120]  }
0x240: {  	(xrf2) =	vadd.scan.msk.f32 $0xffff, v16;
	v11 =	vsel vm1, v4, v11;
	v18, v19, _ =	vpop (xrf1);
	vm1 =	veq.f32 v17, $0.0e+00  }
0x241: {  	(xrf1) =	vsort.dscd.msk.f32 $0xffff, v11, v5;
	v16 =	vperm.xlane v18, v8;
	v11 =	vsel vm1, v2, v17;
	vm1 =	veq.f32 v13, $0.0e+00;
	v17 =	vld [tilespmem:s0+$0x100]  }
0x242: {  	v13 =	vsel vm1, v6, v13;
	(xrf1) =	vsort.dscd.msk.f32 $0xffff, v11, v3;
	vm1 =	veq.f32 v14, $0.0e+00  }
0x243: {  	v20 =	vld [tilespmem:s29+$0xA0];
	v11 =	vperm.xlane v19, v8;
	v18, v19, _ =	vpop (xrf1);
	(xrf1) =	vsort.dscd.msk.f32 $0xffff, v13, v7;
	v13 =	vsel vm1, v6, v14;
	vm1 =	veq.f32 v10, $0.0e+00  }
0x244: {  	vm2 =	vge.f32 v18, v16;
	(xrf1) =	vsort.dscd.msk.f32 $0xffff, v13, v7;
	v10 =	vsel vm1, v2, v10;
	vm1 =	veq.f32 v15, $0.0e+00  }
0x245: {  	v14 =	vsel vm2, v18, v16;
	v16, v18, _ =	vpop (xrf1);
	v15 =	vsel vm1, v4, v15;
	(xrf1) =	vsort.dscd.msk.f32 $0xffff, v10, v3  }
0x246: {  	v11 =	vsel vm2, v19, v11;
	v19, v21, _ =	vpop (xrf1);
	v10 =	vperm.xlane v16, v8;
	vm1 =	veq.f32 v17, $0.0e+00;
	(xrf1) =	vsort.dscd.msk.f32 $0xffff, v15, v5  }
0x247: {  	v13 =	vld [tilespmem:s29+$0x80];
	v16 =	vperm.xlane v19, v8;
	v19, v22, _ =	vpop (xrf1);
	(xrf1) =	vsort.dscd.msk.f32 $0xffff, v14, v11;
	v11 =	vsel vm1, v0, v17  }
0x248: {  	vm2 =	veq.f32 v20, $0.0e+00;
	v15 =	vperm.xlane v21, v8;
	v21, v23, _ =	vpop (xrf1)  }
0x249: {  	vm1 =	vge.f32 v21, v16;
	v14 =	vsel vm2, v4, v20  }
0x24a: {  	v16 =	vsel vm1, v21, v16  }
0x24b: {  	(xrf1) =	vsort.dscd.msk.f32 $0xffff, v11, v1;
	v17, v11, _ =	vpop (xrf1)  }
0x24c: {  	v15 =	vsel vm1, v23, v15;
	vm1 =	veq.f32 v13, $0.0e+00;
	(xrf1) =	vsort.dscd.msk.f32 $0xffff, v14, v5;
	v14, v20, _ =	vpop (xrf1)  }
0x24d: {  	(xrf1) =	vsort.dscd.msk.f32 $0xffff, v16, v15;
	v13 =	vsel vm1, v0, v13;
	v15 =	vperm.xlane v18, v8;
	v16, v18, _ =	vpop (xrf1)  }
0x24e: {  	(xrf1) =	vsort.dscd.msk.f32 $0xffff, v13, v1;
	v13 =	vperm.xlane v16, v8  }
0x24f: {  	vm1 =	vge.f32 v19, v10;
	v18 =	vperm.xlane v18, v8  }
0x250: {  	v10 =	vsel vm1, v19, v10;
	v15 =	vsel vm1, v22, v15;
	vm1 =	vge.f32 v14, v13  }
0x251: {  	v16, v19, _ =	vpop (xrf1);
	v13 =	vsel vm1, v14, v13;
	v14 =	vsel vm1, v20, v18  }
0x252: {  	v16 =	vperm.xlane v16, v8  }
0x253: {  	v21, v22, _ =	vpop (xrf1);
	v19 =	vperm.xlane v19, v8  }
0x254: {  	(xrf1) =	vsort.dscd.msk.f32 $0xffff, v10, v15;
	vm2 =	vge.f32 v21, v16;
	v15, v18, _ =	vpop (xrf1)  }
0x255: {  	v16 =	vsel vm2, v21, v16;
	v19 =	vsel vm2, v22, v19;
	(xrf1) =	vsort.dscd.msk.f32 $0xffff, v13, v14;
	v13, v14, _ =	vpop (xrf1)  }
0x256: {  	(xrf1) =	vsort.dscd.msk.f32 $0xffff, v16, v19;
	v16 =	vperm.xlane v18, v8;
	v18, v20, _ =	vpop (xrf1)  }
0x257: {  	v18 =	vperm.xlane v18, v8;
	v21, v22, _ =	vpop (xrf1)  }
0x258: {  	v19 =	vmax.f32 v17, $0.0e+00;
	v17 =	vperm.xlane v20, v8;
	v20, v23, _ =	vpop (xrf1)  }
0x259: {  	v10, _, _ =	vpop (xrf2);
	vm1 =	vge.f32 v20, v18  }
0x25a: {  	(v2sf) =	vpush v10, $0xF;
	v24 =	vnsel vm0, $0x0, v19;
	v18 =	vsel vm1, v20, v18  }
0x25b: {  	v15 =	vperm.xlane v15, v8;
	v25, v10, _ =	vpop (xrf1);
	v17 =	vsel vm1, v23, v17  }
0x25c: {  	v13 =	vperm.xlane v13, v8;
	v21 =	vperm.xlane v21, v8;
	v20, v23, _ =	vpop (xrf1)  }
0x25d: {  	v14 =	vperm.xlane v14, v8;
	(xrf2) =	vadd.scan.msk.f32 $0xffff, v24;
	v22 =	vperm.xlane v22, v8;
	v24, v26, _ =	vpop (xrf1)  }
0x25e: {  	vm1 =	vge.f32 v20, v21;
	(xrf1) =	vsort.dscd.msk.f32 $0xffff, v18, v17;
	vm2 =	vge.f32 v24, v13;
	v17, v18, _ =	vpop (xrf1)  }
0x25f: {  	s30 =	simm.s32 $0x1E00;
	v20 =	vsel vm1, v20, v21;
	v21 =	vsel vm1, v23, v22;
	v13 =	vsel vm2, v24, v13;
	v23, v24, _ =	vpop (xrf1)  }
0x260: {  	v22 =	vld [tilespmem:s30+$0xFFFFFE10];
	v14 =	vsel vm2, v26, v14;
	(xrf1) =	vsort.dscd.msk.f32 $0xffff, v20, v21;
	vm1 =	vge.f32 v23, v15  }
0x261: {  	(xrf1) =	vsort.dscd.msk.f32 $0xffff, v13, v14;
	v14 =	vsel vm1, v24, v16;
	_ =	sdelay $0x1  }
0x262: {  	v13 =	vsel vm1, v23, v15;
	v15 =	vld [tilespmem:s30+$0xFFFFFE30]  }
0x263: {  	(xrf1) =	vsort.dscd.msk.f32 $0xffff, v13, v14;
	v13 =	vperm.xlane v17, v8;
	v14, v16, _ =	vpop (xrf1)  }
0x264: {  	v21 =	vld [tilespmem:s30+$0xFFFFFE20];
	vm1 =	veq.f32 v22, $0.0e+00;
	v17, v20, _ =	vpop (xrf1)  }
0x265: {  	v18 =	vperm.xlane v18, v8;
	v22 =	vsel vm1, v2, v22;
	vm1 =	vge.f32 v14, v13;
	v23, v24, _ =	vpop (xrf1)  }
0x266: {  	v13 =	vsel vm1, v14, v13;
	v14 =	vperm.xlane v23, v8  }
0x267: {  	(xrf1) =	vsort.dscd.msk.f32 $0xffff, v22, v3;
	v22 =	vld [tilespmem:s30+$0xFFFFFE00];
	v16 =	vsel vm1, v16, v18;
	vm1 =	veq.f32 v15, $0.0e+00;
	v23 =	vperm.xlane v24, v8  }
0x268: {  	s8 =	spop (v2sf);
	(xrf1) =	vsort.dscd.msk.f32 $0xffff, v13, v16;
	v13 =	vsel vm1, v6, v15;
	vm1 =	vge.f32 v17, v14  }
0x269: {  	s1 =	sadd.f32 $9.999999680e-21, s8;
	(xrf1) =	vsort.dscd.msk.f32 $0xffff, v13, v7;
	v13 =	vsel vm1, v17, v14;
	v14 =	vsel vm1, v20, v23;
	vm1 =	veq.f32 v21, $0.0e+00  }
0x26a: {  	v18, _, _ =	vpop (xrf2);
	(xrf1) =	vsort.dscd.msk.f32 $0xffff, v13, v14;
	v13 =	vsel vm1, v4, v21  }
0x26b: {  	(v2sf) =	vpush v18, $0xF;
	v14 =	vmov s1  }
0x26c: {  	vm1 =	veq.f32 v22, $0.0e+00;
	(erf) = vrcp.f32 v14  }
0x26d: {  	(xrf1) =	vsort.dscd.msk.f32 $0xffff, v13, v5;
	v14 =	vsel vm1, v0, v22;
	v13, v15, _ =	vpop (xrf1)  }
0x26e: {  	v13 =	vperm.xlane v13, v8  }
0x26f: {  	v16, v17, _ =	vpop (xrf1)  }
0x270: {  	(xrf1) =	vsort.dscd.msk.f32 $0xffff, v14, v1;
	v15 =	vperm.xlane v15, v8;
	v14, v18, _ =	vpop (xrf1);
	vm1 =	vge.f32 v16, v13  }
0x271: {  	v14 =	vperm.xlane v14, v8;
	v13 =	vsel vm1, v16, v13;
	v16 =	vperm.xlane v18, v8  }
0x272: {  	v15 =	vsel vm1, v17, v15;
	v17, v18, _ =	vpop (xrf1)  }
0x273: {  	vm1 =	vge.f32 v17, v14  }
0x274: {  	v21 =	vmax.f32 v25, $0.0e+00;
	(xrf1) =	vsort.dscd.msk.f32 $0xffff, v13, v15;
	v13 =	vsel vm1, v17, v14;
	v14 =	vsel vm1, v18, v16  }
0x275: {  	(xrf1) =	vsort.dscd.msk.f32 $0xffff, v13, v14;
	v13 =	vnsel vm0, $0x0, v21;
	v16 =	vpop (erf)  }
0x276: {  	v12 =	vmul.f32 v16, v12;
	_ =	sdelay $0x1  }
0x277: {  	v14, v15, _ =	vpop (xrf1)  }
0x278: {  	s1 =	simm.s32 $0x81A0;
	(xrf2) =	vadd.scan.msk.f32 $0xffff, v13;
	v17, v13, _ =	vpop (xrf1)  }
0x279: {  	s8 =	simm.s32 $0x8A20;
	[tilespmem:s1+$0xFFFFFFE0] =	vst.msk $0xff, v9;
	s9 =	spop (v2sf);
	v16, v20, _ =	vpop (xrf1)  }
0x27a: {  	s3 =	sadd.f32 $9.999999680e-21, s9;
	v14 =	vperm.xlane v14, v8;
	[tilespmem:s8+$0xFFFFFFE0] =	vst.msk $0xff, v12;
	v16 =	vperm.xlane v16, v8;
	v9, v12, _ =	vpop (xrf1)  }
0x27b: {  	v15 =	vperm.xlane v15, v8;
	v18 =	vmax.f32 v17, $0.0e+00;
	v20 =	vperm.xlane v20, v8;
	v23, v24, _ =	vpop (xrf1)  }
0x27c: {  	v25 =	vmov s3;
	v22 =	vld [tilespmem:s25+$0xFFFFFE90];
	v17 =	vnsel vm0, $0x0, v18;
	vm1 =	vge.f32 v23, v16  }
0x27d: {  	(xrf2) =	vadd.scan.msk.f32 $0xffff, v17;
	v17 =	vmax.f32 v9, $0.0e+00;
	v16 =	vsel vm1, v23, v16;
	v20 =	vsel vm1, v24, v20  }
0x27e: {  	(erf) = vrcp.f32 v25;
	v23 =	vld [tilespmem:s25+$0xFFFFFEB0];
	v9, v24, _ =	vpop (xrf1);
	(xrf1) =	vsort.dscd.msk.f32 $0xffff, v16, v20;
	v16 =	vnsel vm0, $0x0, v17  }
0x27f: {  	vm1 =	vge.f32 v9, v14  }
0x280: {  	v9 =	vsel vm1, v9, v14;
	v14 =	vsel vm1, v24, v15  }
0x281: {  	(xrf2) =	vadd.scan.msk.f32 $0xffff, v16;
	vm1 =	veq.f32 v22, $0.0e+00;
	v16, v15, _ =	vpop (xrf1)  }
0x282: {  	v24, _, _ =	vpop (xrf2);
	(xrf1) =	vsort.dscd.msk.f32 $0xffff, v9, v14;
	v9 =	vsel vm1, v2, v22;
	v20 =	vmax.f32 v16, $0.0e+00  }
0x283: {  	v25 =	vld [tilespmem:s25+$0xFFFFFEA0];
	(v2sf) =	vpush v24, $0xF;
	(xrf1) =	vsort.dscd.msk.f32 $0xffff, v9, v3;
	vm1 =	veq.f32 v23, $0.0e+00;
	v9 =	vnsel vm0, $0x0, v20  }
0x284: {  	v22 =	vld [tilespmem:s25+$0xFFFFFE80];
	v16 =	vsel vm1, v6, v23;
	v23, v14, _ =	vpop (xrf1);
	(xrf2) =	vadd.scan.msk.f32 $0xffff, v9  }
0x285: {  	(xrf1) =	vsort.dscd.msk.f32 $0xffff, v16, v7;
	v16 =	vmax.f32 v23, $0.0e+00  }
0x286: {  	v9 =	vnsel vm0, $0x0, v16  }
0x287: {  	v24 =	vpop (erf)  }
0x288: {  	v19 =	vmul.f32 v24, v19;
	vm1 =	veq.f32 v25, $0.0e+00;
	(xrf2) =	vadd.scan.msk.f32 $0xffff, v9  }
0x289: {  	[tilespmem:s20+$0xFFFFFFE8] =	vst.msk $0xff, v11;
	v23 =	vsel vm1, v4, v25;
	vm1 =	veq.f32 v22, $0.0e+00;
	v9, _, _ =	vpop (xrf2)  }
0x28a: {  	[tilespmem:s21+$0xFFFFFFE8] =	vst.msk $0xff, v19;
	(xrf1) =	vsort.dscd.msk.f32 $0xffff, v23, v5;
	v22 =	vsel vm1, v0, v22;
	(v2sf) =	vpush v9, $0xF  }
0x28b: {  	(xrf1) =	vsort.dscd.msk.f32 $0xffff, v22, v1;
	v9 =	vld [tilespmem:s18+$0xFFFFFF30]  }
0x28c: {  	v19 =	vld [tilespmem:s18+$0xFFFFFF10]  }
0x28d: {  	v24 =	vld [tilespmem:s18+$0xFFFFFF20];
	v11, _, _ =	vpop (xrf2)  }
0x28e: {  	(v2sf) =	vpush v11, $0xF;
	v22, v23, _ =	vpop (xrf1)  }
0x28f: {  	v22 =	vperm.xlane v22, v8;
	v11, _, _ =	vpop (xrf2)  }
0x290: {  	vm1 =	veq.f32 v9, $0.0e+00;
	(v2sf) =	vpush v11, $0xF  }
0x291: {  	v25 =	vld [tilespmem:s18+$0xFFFFFF00];
	vm3 =	veq.f32 v19, $0.0e+00;
	v11, v26, _ =	vpop (xrf1);
	v9 =	vsel vm1, v6, v9  }
0x292: {  	v19 =	vsel vm3, v2, v19;
	v23 =	vperm.xlane v23, v8;
	vm1 =	veq.f32 v24, $0.0e+00;
	s4 =	spop (v2sf);
	v27, _, _ =	vpop (xrf2);
	(xrf1) =	vsort.dscd.msk.f32 $0xffff, v9, v7  }
0x293: {  	vm2 =	vge.f32 v11, v22;
	v28, v29, _ =	vpop (xrf1);
	v24 =	vsel vm1, v4, v24;
	s3 =	sadd.f32 $9.999999680e-21, s4;
	(xrf1) =	vsort.dscd.msk.f32 $0xffff, v19, v3  }
0x294: {  	v9 =	vsel vm2, v11, v22;
	v19 =	vsel vm2, v26, v23;
	v11, v22, _ =	vpop (xrf1);
	(xrf1) =	vsort.dscd.msk.f32 $0xffff, v24, v5  }
0x295: {  	(v2sf) =	vpush v27, $0xF;
	(xrf1) =	vsort.dscd.msk.f32 $0xffff, v9, v19;
	v9 =	vperm.xlane v22, v8;
	v22 =	vmov s3  }
0x296: {  	vm1 =	veq.f32 v25, $0.0e+00;
	(erf) = vrcp.f32 v22  }
0x297: {  	v11 =	vperm.xlane v11, v8;
	v19 =	vsel vm1, v0, v25  }
0x298: {  	v25 =	vperm.xlane v28, v8;
	v23, v24, _ =	vpop (xrf1);
	(xrf1) =	vsort.dscd.msk.f32 $0xffff, v19, v1  }
0x299: {  	v19 =	vperm.xlane v29, v8;
	vm1 =	vge.f32 v23, v11;
	v22, v26, _ =	vpop (xrf1);
	s5 =	spop (v2sf)  }
0x29a: {  	v11 =	vsel vm1, v23, v11;
	v9 =	vsel vm1, v24, v9;
	vm1 =	vge.f32 v22, v25;
	s3 =	sadd.f32 $9.999999680e-21, s5  }
0x29b: {  	(xrf1) =	vsort.dscd.msk.f32 $0xffff, v11, v9;
	v9 =	vsel vm1, v22, v25;
	v11 =	vsel vm1, v26, v19  }
0x29c: {  	(xrf1) =	vsort.dscd.msk.f32 $0xffff, v9, v11;
	v9 =	vmov s3  }
0x29d: {  	s9 =	spop (v2sf)  }
0x29e: {  	s3 =	sadd.f32 $9.999999680e-21, s9;
	(erf) = vrcp.f32 v9  }
0x29f: {  	s9 =	spop (v2sf);
	v9 =	vpop (erf)  }
0x2a0: {  	v11 =	vmov s3;
	v19, v22, _ =	vpop (xrf1);
	s4 =	sadd.f32 $9.999999680e-21, s9;
	v9 =	vmul.f32 v9, v21  }
0x2a1: {  	(erf) = vrcp.f32 v11;
	v11 =	vperm.xlane v19, v8;
	v19, v21, _ =	vpop (xrf1)  }
0x2a2: {  	[tilespmem:s15+$0xFFFFFFF0] =	vst.msk $0xff, v10;
	v22 =	vperm.xlane v22, v8;
	v23, v24, _ =	vpop (xrf1);
	v10 =	vmov s4  }
0x2a3: {  	vm1 =	vge.f32 v23, v11  }
0x2a4: {  	s5 =	spop (v2sf);
	[tilespmem:s16+$0xFFFFFFF0] =	vst.msk $0xff, v9;
	v22 =	vsel vm1, v24, v22  }
0x2a5: {  	s9 =	sadd.f32 $9.999999680e-21, s5;
	(erf) = vrcp.f32 v10;
	v25 =	vld [tilespmem:s17+$0xFFFFFF90];
	v11 =	vsel vm1, v23, v11;
	v10, v9, _ =	vpop (xrf1)  }
0x2a6: {  	v19 =	vperm.xlane v19, v8;
	(xrf1) =	vsort.dscd.msk.f32 $0xffff, v11, v22;
	v11 =	vld [tilespmem:s17+$0xFFFFFFB0];
	v23, v24, _ =	vpop (xrf1)  }
0x2a7: {  	v21 =	vperm.xlane v21, v8;
	v26 =	vld [tilespmem:s17+$0xFFFFFF80];
	v27 =	vmov s9;
	v22 =	vpop (erf)  }
0x2a8: {  	v10 =	vmax.f32 v10, $0.0e+00;
	vm1 =	vge.f32 v23, v19;
	v18 =	vmul.f32 v22, v18  }
0x2a9: {  	[tilespmem:s14+$0xFFFFFFF8] =	vst.msk $0xff, v13;
	(erf) = vrcp.f32 v27;
	v13 =	vnsel vm0, $0x0, v10;
	v19 =	vsel vm1, v23, v19;
	v23 =	vld [tilespmem:s17+$0xFFFFFFA0]  }
0x2aa: {  	v21 =	vsel vm1, v24, v21;
	v22, v24, _ =	vpop (xrf1);
	vm1 =	veq.f32 v25, $0.0e+00;
	(xrf2) =	vadd.scan.msk.f32 $0xffff, v13;
	[tilespmem:s13+$0xFFFFFFF8] =	vst.msk $0xff, v18  }
0x2ab: {  	(xrf1) =	vsort.dscd.msk.f32 $0xffff, v19, v21;
	v13 =	vperm.xlane v24, v8;
	v18 =	vsel vm1, v2, v25;
	vm2 =	veq.f32 v11, $0.0e+00;
	v24 =	vld [tilespmem:s19+$0x0]  }
0x2ac: {  	vm3 =	veq.f32 v26, $0.0e+00;
	v19 =	vperm.xlane v22, v8;
	v25 =	vpop (erf);
	(xrf1) =	vsort.dscd.msk.f32 $0xffff, v18, v3;
	v11 =	vsel vm2, v6, v11  }
0x2ad: {  	v26 =	vsel vm3, v0, v26;
	v18 =	vld [tilespmem:s19+$0x10];
	v17 =	vmul.f32 v25, v17;
	v21, v22, _ =	vpop (xrf1);
	(xrf1) =	vsort.dscd.msk.f32 $0xffff, v11, v7  }
0x2ae: {  	[tilespmem:s11+$0x0] =	vst.msk $0xff, v12;
	v25 =	vld [tilespmem:s19+$0x30];
	vm1 =	vge.f32 v21, v19;
	v12 =	vpop (erf);
	(xrf1) =	vsort.dscd.msk.f32 $0xffff, v26, v1;
	vm4 =	veq.f32 v23, $0.0e+00  }
0x2af: {  	v11 =	vld [tilespmem:s19+$0x20];
	[tilespmem:s12+$0x0] =	vst.msk $0xff, v17;
	v12 =	vmul.f32 v12, v20;
	v17 =	vsel vm1, v21, v19;
	v19 =	vsel vm4, v4, v23  }
0x2b0: {  	[tilespmem:s23+$0x10] =	vst.msk $0xff, v15;
	v20 =	vld [tilespmem:s24+$0x90];
	v13 =	vsel vm1, v22, v13;
	(xrf1) =	vsort.dscd.msk.f32 $0xffff, v19, v5;
	vm1 =	veq.f32 v24, $0.0e+00  }
0x2b1: {  	v15 =	vld [tilespmem:s24+$0xB0];
	[tilespmem:s22+$0x10] =	vst.msk $0xff, v12;
	(xrf1) =	vsort.dscd.msk.f32 $0xffff, v17, v13;
	v12 =	vsel vm1, v0, v24  }
0x2b2: {  	vm1 =	veq.f32 v18, $0.0e+00;
	v19 =	vpop (erf);
	(xrf1) =	vsort.dscd.msk.f32 $0xffff, v12, v1;
	v12 =	vld [tilespmem:s0+$0x190]  }
0x2b3: {  	v17 =	vsel vm1, v2, v18;
	vm1 =	veq.f32 v25, $0.0e+00;
	v13 =	vmul.f32 v19, v16;
	v16 =	vld [tilespmem:s0+$0x1B0]  }
0x2b4: {  	[tilespmem:s28+$0x8] =	vst.msk $0xff, v14;
	vm2 =	veq.f32 v11, $0.0e+00;
	v14 =	vsel vm1, v6, v25;
	(xrf1) =	vsort.dscd.msk.f32 $0xffff, v17, v3  }
0x2b5: {  	v11 =	vsel vm2, v4, v11;
	vm1 =	veq.f32 v20, $0.0e+00;
	(xrf1) =	vsort.dscd.msk.f32 $0xffff, v14, v7;
	[tilespmem:s26+$0x8] =	vst.msk $0xff, v13;
	v13 =	vld [tilespmem:s0+$0x1A0]  }
0x2b6: {  	(xrf1) =	vsort.dscd.msk.f32 $0xffff, v11, v5;
	v11 =	vsel vm1, v2, v20;
	vm1 =	veq.f32 v15, $0.0e+00;
	v14 =	vld [tilespmem:s29+$0x130]  }
0x2b7: {  	v19 =	vld [tilespmem:s0+$0x180];
	v17, v18, _ =	vpop (xrf1);
	v15 =	vsel vm1, v6, v15;
	(xrf1) =	vsort.dscd.msk.f32 $0xffff, v11, v3  }
0x2b8: {  	v17 =	vperm.xlane v17, v8;
	(xrf1) =	vsort.dscd.msk.f32 $0xffff, v15, v7;
	v15 =	vld [tilespmem:s29+$0x120];
	vm2 =	veq.f32 v12, $0.0e+00;
	vm1 =	veq.f32 v16, $0.0e+00  }
0x2b9: {  	v11 =	vld [tilespmem:s29+$0x110];
	v20, v21, _ =	vpop (xrf1);
	v12 =	vsel vm2, v2, v12;
	v16 =	vsel vm1, v6, v16  }
0x2ba: {  	v18 =	vperm.xlane v18, v8;
	vm1 =	vge.f32 v20, v17;
	vm2 =	veq.f32 v13, $0.0e+00;
	(xrf1) =	vsort.dscd.msk.f32 $0xffff, v16, v7  }
0x2bb: {  	v16 =	vsel vm1, v20, v17;
	vm3 =	veq.f32 v14, $0.0e+00;
	v13 =	vsel vm2, v4, v13;
	(xrf1) =	vsort.dscd.msk.f32 $0xffff, v12, v3  }
0x2bc: {  	v17 =	vld [tilespmem:s29+$0x100];
	v18 =	vsel vm1, v21, v18;
	vm1 =	veq.f32 v19, $0.0e+00;
	v12, v20, _ =	vpop (xrf1);
	v14 =	vsel vm3, v6, v14;
	(xrf1) =	vsort.dscd.msk.f32 $0xffff, v13, v5  }
0x2bd: {  	(xrf1) =	vsort.dscd.msk.f32 $0xffff, v14, v7;
	v14 =	vsel vm1, v0, v19;
	v19 =	vperm.xlane v12, v8;
	v12, v22, _ =	vpop (xrf1);
	vm1 =	veq.f32 v15, $0.0e+00  }
0x2be: {  	vm2 =	veq.f32 v11, $0.0e+00;
	(xrf1) =	vsort.dscd.msk.f32 $0xffff, v14, v1;
	v14 =	vperm.xlane v12, v8;
	v12 =	vsel vm1, v4, v15  }
0x2bf: {  	v11 =	vsel vm2, v2, v11  }
0x2c0: {  	v21 =	vld [tilespmem:s24+$0xA0];
	v24, v25, _ =	vpop (xrf1);
	(xrf1) =	vsort.dscd.msk.f32 $0xffff, v11, v3  }
0x2c1: {  	v11 =	vperm.xlane v22, v8;
	v15, v22, _ =	vpop (xrf1);
	vm2 =	veq.f32 v17, $0.0e+00;
	(xrf1) =	vsort.dscd.msk.f32 $0xffff, v12, v5  }
0x2c2: {  	v26, v12, _ =	vpop (xrf1);
	(xrf1) =	vsort.dscd.msk.f32 $0xffff, v16, v18;
	v16 =	vsel vm2, v0, v17  }
0x2c3: {  	v23 =	vld [tilespmem:s24+$0x80]  }
0x2c4: {  	vm1 =	vge.f32 v24, v19;
	vm3 =	vge.f32 v15, v14  }
0x2c5: {  	vm15 =	veq.f32 v21, $0.0e+00;
	v14 =	vsel vm3, v15, v14;
	v17 =	vsel vm1, v24, v19;
	v18, v19, _ =	vpop (xrf1)  }
0x2c6: {  	v21 =	vsel vm15, v4, v21;
	(xrf1) =	vsort.dscd.msk.f32 $0xffff, v16, v1;
	v15, v16, _ =	vpop (xrf1)  }
0x2c7: {  	v11 =	vsel vm3, v22, v11;
	(xrf1) =	vsort.dscd.msk.f32 $0xffff, v21, v5  }
0x2c8: {  	vm2 =	veq.f32 v23, $0.0e+00;
	(xrf1) =	vsort.dscd.msk.f32 $0xffff, v14, v11;
	v11 =	vperm.xlane v15, v8;
	v14, v15, _ =	vpop (xrf1)  }
0x2c9: {  	v20 =	vperm.xlane v20, v8;
	v21 =	vsel vm2, v0, v23;
	v14 =	vperm.xlane v14, v8  }
0x2ca: {  	v16 =	vperm.xlane v16, v8;
	v22, v23, _ =	vpop (xrf1);
	v15 =	vperm.xlane v15, v8  }
0x2cb: {  	v13, _, _ =	vpop (xrf2);
	v20 =	vsel vm1, v25, v20;
	vm1 =	vge.f32 v18, v11;
	vm2 =	vge.f32 v22, v14  }
0x2cc: {  	(xrf1) =	vsort.dscd.msk.f32 $0xffff, v21, v1;
	v21, v24, _ =	vpop (xrf1);
	v16 =	vsel vm1, v19, v16;
	v19 =	vsel vm2, v23, v15  }
0x2cd: {  	(xrf1) =	vsort.dscd.msk.f32 $0xffff, v17, v20;
	v11 =	vsel vm1, v18, v11;
	v18, v17, _ =	vpop (xrf1);
	v14 =	vsel vm2, v22, v14  }
0x2ce: {  	v20, v22, _ =	vpop (xrf1)  }
0x2cf: {  	(xrf1) =	vsort.dscd.msk.f32 $0xffff, v11, v16;
	v11 =	vperm.xlane v20, v8;
	v20, v23, _ =	vpop (xrf1)  }
0x2d0: {  	(v2sf) =	vpush v13, $0xF;
	v16 =	vperm.xlane v21, v8;
	(xrf1) =	vsort.dscd.msk.f32 $0xffff, v14, v19;
	v14, v19, _ =	vpop (xrf1)  }
0x2d1: {  	v15 =	vperm.xlane v24, v8;
	v13 =	vperm.xlane v22, v8;
	v21, v22, _ =	vpop (xrf1);
	vm1 =	vge.f32 v14, v11  }
0x2d2: {  	v20 =	vperm.xlane v20, v8;
	v11 =	vsel vm1, v14, v11;
	v21 =	vperm.xlane v21, v8  }
0x2d3: {  	v23 =	vperm.xlane v23, v8;
	v14 =	vsel vm1, v19, v13;
	v19, v24, _ =	vpop (xrf1);
	v22 =	vperm.xlane v22, v8  }
0x2d4: {  	v18 =	vperm.xlane v18, v8;
	v13 =	vmax.f32 v26, $0.0e+00;
	v25, v26, _ =	vpop (xrf1);
	vm1 =	vge.f32 v19, v20  }
0x2d5: {  	(xrf1) =	vsort.dscd.msk.f32 $0xffff, v11, v14;
	v27, v63, _ =	vpop (xrf1);
	v20 =	vsel vm1, v19, v20;
	v23 =	vsel vm1, v24, v23  }
0x2d6: {  	s31 =	simm.s32 $0x8A20;
	v24 =	vnsel vm0, $0x0, v13;
	v19 =	vperm.xlane v25, v8;
	vm1 =	vge.f32 v27, v21;
	(xrf1) =	vsort.dscd.msk.f32 $0xffff, v20, v23;
	v14, v11, _ =	vpop (xrf1)  }
0x2d7: {  	s3 =	simm.s32 $0x2200;
	s9 =	simm.s32 $0x38;
	s0 =	simm.s32 $0x81A0;
	(xrf2) =	vadd.scan.msk.f32 $0xffff, v24;
	v20 =	vperm.xlane v26, v8;
	v23 =	vsel vm1, v27, v21;
	v24 =	vsel vm1, v63, v22;
	v22, v21, _ =	vpop (xrf1)  }
.LBB2_2:
0x2d8: {  	v25 =	vld [tilespmem:s3+$0xFFFFFE10];
	v17 =	vperm.xlane v17, v8;
	v26, v27, _ =	vpop (xrf1);
	vm1 =	vge.f32 v22, v19;
	(xrf1) =	vsort.dscd.msk.f32 $0xffff, v23, v24  }
0x2d9: {  	v23, v24, _ =	vpop (xrf1);
	vm2 =	vge.f32 v26, v18;
	v19 =	vsel vm1, v22, v19;
	v28 =	vsel vm1, v21, v20  }
0x2da: {  	v26 =	vsel vm2, v26, v18;
	v17 =	vsel vm2, v27, v17;
	v21, v22, _ =	vpop (xrf1);
	(xrf1) =	vsort.dscd.msk.f32 $0xffff, v19, v28  }
0x2db: {  	v19 =	vld [tilespmem:s3+$0xFFFFFE30];
	vm1 =	vge.f32 v21, v16;
	(xrf1) =	vsort.dscd.msk.f32 $0xffff, v26, v17  }
0x2dc: {  	v17 =	vperm.xlane v23, v8;
	v18, v20, _ =	vpop (xrf1);
	v16 =	vsel vm1, v21, v16;
	v15 =	vsel vm1, v22, v15  }
0x2dd: {  	v21 =	vperm.xlane v24, v8;
	vm1 =	veq.f32 v25, $0.0e+00;
	(xrf1) =	vsort.dscd.msk.f32 $0xffff, v16, v15  }
0x2de: {  	v15 =	vld [tilespmem:s3+$0xFFFFFE00];
	v16 =	vsel vm1, v2, v25;
	vm1 =	vge.f32 v18, v17;
	v22, v23, _ =	vpop (xrf1)  }
0x2df: {  	v24 =	vld [tilespmem:s3+$0xFFFFFE20];
	(xrf1) =	vsort.dscd.msk.f32 $0xffff, v16, v3;
	v16 =	vsel vm1, v18, v17;
	v17 =	vsel vm1, v20, v21;
	v18, v20, _ =	vpop (xrf1)  }
0x2e0: {  	(xrf1) =	vsort.dscd.msk.f32 $0xffff, v16, v17;
	v16 =	vperm.xlane v18, v8  }
0x2e1: {  	vm1 =	veq.f32 v19, $0.0e+00;
	s4 =	spop (v2sf);
	v26 =	vperm.xlane v20, v8  }
0x2e2: {  	v25 =	vsel vm1, v6, v19;
	v21, _, _ =	vpop (xrf2);
	s4 =	sadd.f32 $9.999999680e-21, s4;
	vm1 =	vge.f32 v22, v16  }
0x2e3: {  	(xrf1) =	vsort.dscd.msk.f32 $0xffff, v25, v7;
	(v2sf) =	vpush v21, $0xF;
	v17, v18, _ =	vpop (xrf1);
	v16 =	vsel vm1, v22, v16;
	v20 =	vsel vm1, v23, v26  }
0x2e4: {  	v17 =	vperm.xlane v17, v8;
	v21 =	vmov s4;
	vm2 =	veq.f32 v24, $0.0e+00  }
0x2e5: {  	(xrf1) =	vsort.dscd.msk.f32 $0xffff, v16, v20;
	v20 =	vsel vm2, v4, v24  }
0x2e6: {  	vm1 =	veq.f32 v15, $0.0e+00;
	v16 =	vperm.xlane v18, v8;
	v18, v19, _ =	vpop (xrf1)  }
0x2e7: {  	vm2 =	vge.f32 v18, v17  }
0x2e8: {  	(xrf1) =	vsort.dscd.msk.f32 $0xffff, v20, v5;
	(erf) = vrcp.f32 v21;
	v18 =	vsel vm2, v18, v17;
	v19 =	vsel vm2, v19, v16;
	v20, v21, _ =	vpop (xrf1)  }
0x2e9: {  	v15 =	vsel vm1, v0, v15;
	v22 =	vperm.xlane v20, v8;
	(xrf1) =	vsort.dscd.msk.f32 $0xffff, v18, v19  }
0x2ea: {  	(xrf1) =	vsort.dscd.msk.f32 $0xffff, v15, v1;
	v15 =	vperm.xlane v21, v8;
	v16, v17, _ =	vpop (xrf1)  }
0x2eb: {  	v19, v20, _ =	vpop (xrf1);
	vm1 =	vge.f32 v16, v22  }
0x2ec: {  	v19 =	vperm.xlane v19, v8;
	v16 =	vsel vm1, v16, v22;
	v15 =	vsel vm1, v17, v15  }
0x2ed: {  	v23 =	vmax.f32 v14, $0.0e+00;
	v14 =	vperm.xlane v20, v8;
	v17, v18, _ =	vpop (xrf1);
	(xrf1) =	vsort.dscd.msk.f32 $0xffff, v16, v15  }
0x2ee: {  	v15 =	vnsel vm0, $0x0, v23;
	vm1 =	vge.f32 v17, v19  }
0x2ef: {  	v21, v22, _ =	vpop (xrf1);
	(xrf2) =	vadd.scan.msk.f32 $0xffff, v15;
	v15 =	vsel vm1, v17, v19;
	v19 =	vsel vm1, v18, v14  }
0x2f0: {  	v17, v16, _ =	vpop (xrf1);
	(xrf1) =	vsort.dscd.msk.f32 $0xffff, v15, v19  }
0x2f1: {  	v14 =	vpop (erf);
	v20 =	vmax.f32 v17, $0.0e+00  }
0x2f2: {  	s1 =	sadd.s32 $0x40, s1;
	v15, v18, _ =	vpop (xrf1);
	v10 =	vmul.f32 v14, v10;
	v17 =	vnsel vm0, $0x0, v20  }
0x2f3: {  	s8 =	sadd.s32 $0x40, s8;
	[tilespmem:s1+$0xFFFFFFE0] =	vst.msk $0xff, v9;
	s4 =	spop (v2sf);
	(xrf2) =	vadd.scan.msk.f32 $0xffff, v17  }
0x2f4: {  	[tilespmem:s8+$0xFFFFFFE0] =	vst.msk $0xff, v10;
	s4 =	sadd.f32 $9.999999680e-21, s4;
	v9, v14, _ =	vpop (xrf1)  }
0x2f5: {  	v15 =	vperm.xlane v15, v8;
	v10 =	vperm.xlane v22, v8;
	v19 =	vld [tilespmem:s30+$0xFFFFFE90];
	v17 =	vmax.f32 v9, $0.0e+00  }
0x2f6: {  	v9 =	vperm.xlane v18, v8;
	v18, v24, _ =	vpop (xrf1);
	v26 =	vnsel vm0, $0x0, v17  }
0x2f7: {  	vm1 =	vge.f32 v18, v15  }
0x2f8: {  	v27 =	vmov s4;
	v15 =	vsel vm1, v18, v15  }
0x2f9: {  	v21 =	vperm.xlane v21, v8;
	(erf) = vrcp.f32 v27;
	(xrf2) =	vadd.scan.msk.f32 $0xffff, v26;
	v25, v22, _ =	vpop (xrf1)  }
0x2fa: {  	v9 =	vsel vm1, v24, v9;
	v27 =	vld [tilespmem:s30+$0xFFFFFEB0];
	v24 =	vmax.f32 v25, $0.0e+00;
	v18, v26, _ =	vpop (xrf1)  }
0x2fb: {  	v25 =	vnsel vm0, $0x0, v24;
	vm1 =	vge.f32 v18, v21;
	(xrf1) =	vsort.dscd.msk.f32 $0xffff, v15, v9;
	v9 =	vld [tilespmem:s30+$0xFFFFFEA0];
	v15, _, _ =	vpop (xrf2)  }
0x2fc: {  	v21 =	vsel vm1, v18, v21;
	v10 =	vsel vm1, v26, v10;
	vm1 =	veq.f32 v19, $0.0e+00;
	(xrf2) =	vadd.scan.msk.f32 $0xffff, v25  }
0x2fd: {  	(xrf1) =	vsort.dscd.msk.f32 $0xffff, v21, v10;
	v26 =	vsel vm1, v2, v19;
	v19, v18, _ =	vpop (xrf1)  }
0x2fe: {  	v25 =	vld [tilespmem:s30+$0xFFFFFE80];
	(xrf1) =	vsort.dscd.msk.f32 $0xffff, v26, v3;
	v21 =	vmax.f32 v19, $0.0e+00  }
0x2ff: {  	vm1 =	veq.f32 v27, $0.0e+00;
	(v2sf) =	vpush v15, $0xF;
	v10, _, _ =	vpop (xrf2);
	v19 =	vnsel vm0, $0x0, v21  }
0x300: {  	v26 =	vsel vm1, v6, v27;
	vm2 =	veq.f32 v9, $0.0e+00;
	v27, v15, _ =	vpop (xrf1);
	(xrf2) =	vadd.scan.msk.f32 $0xffff, v19  }
0x301: {  	v28 =	vsel vm2, v4, v9;
	(xrf1) =	vsort.dscd.msk.f32 $0xffff, v26, v7;
	v19 =	vmax.f32 v27, $0.0e+00  }
0x302: {  	(xrf1) =	vsort.dscd.msk.f32 $0xffff, v28, v5;
	v9 =	vpop (erf);
	v26 =	vnsel vm0, $0x0, v19  }
0x303: {  	vm1 =	veq.f32 v25, $0.0e+00;
	v27, _, _ =	vpop (xrf2);
	(xrf2) =	vadd.scan.msk.f32 $0xffff, v26  }
0x304: {  	v13 =	vmul.f32 v9, v13;
	v25 =	vsel vm1, v0, v25  }
0x305: {  	(xrf1) =	vsort.dscd.msk.f32 $0xffff, v25, v1;
	[tilespmem:s0+$0xFFFFFFE8] =	vst.msk $0xff, v12;
	(v2sf) =	vpush v10, $0xF  }
0x306: {  	[tilespmem:s31+$0xFFFFFFE8] =	vst.msk $0xff, v13;
	v9, _, _ =	vpop (xrf2)  }
0x307: {  	v10 =	vld [tilespmem:s25+$0xFFFFFF30];
	(v2sf) =	vpush v9, $0xF  }
0x308: {  	v9 =	vld [tilespmem:s25+$0xFFFFFF10]  }
0x309: {  	v12, v13, _ =	vpop (xrf1);
	v25 =	vld [tilespmem:s25+$0xFFFFFF20];
	(v2sf) =	vpush v27, $0xF  }
0x30a: {  	v26, _, _ =	vpop (xrf2)  }
0x30b: {  	v12 =	vperm.xlane v12, v8;
	v27, v28, _ =	vpop (xrf1);
	v29 =	vld [tilespmem:s25+$0xFFFFFF00];
	(v2sf) =	vpush v26, $0xF  }
0x30c: {  	v13 =	vperm.xlane v13, v8;
	v26, v30, _ =	vpop (xrf1);
	vm1 =	veq.f32 v10, $0.0e+00  }
0x30d: {  	vm2 =	vge.f32 v27, v12;
	vm3 =	veq.f32 v9, $0.0e+00;
	v10 =	vsel vm1, v6, v10;
	v31, _, _ =	vpop (xrf2)  }
0x30e: {  	s4 =	spop (v2sf)  }
0x30f: {  	v9 =	vsel vm3, v2, v9;
	vm1 =	veq.f32 v25, $0.0e+00;
	(xrf1) =	vsort.dscd.msk.f32 $0xffff, v10, v7;
	(v2sf) =	vpush v31, $0xF;
	s4 =	sadd.f32 $9.999999680e-21, s4  }
0x310: {  	v10 =	vsel vm2, v27, v12;
	v12, v27, _ =	vpop (xrf1);
	v25 =	vsel vm1, v4, v25;
	(xrf1) =	vsort.dscd.msk.f32 $0xffff, v9, v3  }
0x311: {  	v9 =	vsel vm2, v28, v13;
	v13, v28, _ =	vpop (xrf1);
	(xrf1) =	vsort.dscd.msk.f32 $0xffff, v25, v5;
	v25 =	vmov s4  }
0x312: {  	v12 =	vperm.xlane v12, v8;
	vm1 =	veq.f32 v29, $0.0e+00  }
0x313: {  	(xrf1) =	vsort.dscd.msk.f32 $0xffff, v10, v9;
	v9 =	vperm.xlane v27, v8;
	v10 =	vsel vm1, v0, v29  }
0x314: {  	v26 =	vperm.xlane v26, v8;
	vm1 =	vge.f32 v13, v12;
	(xrf1) =	vsort.dscd.msk.f32 $0xffff, v10, v1;
	(erf) = vrcp.f32 v25  }
0x315: {  	v10 =	vperm.xlane v30, v8;
	v12 =	vsel vm1, v13, v12;
	v9 =	vsel vm1, v28, v9;
	v13, v25, _ =	vpop (xrf1)  }
0x316: {  	vm1 =	vge.f32 v13, v26;
	(xrf1) =	vsort.dscd.msk.f32 $0xffff, v12, v9;
	s4 =	spop (v2sf)  }
0x317: {  	v9 =	vsel vm1, v13, v26;
	v10 =	vsel vm1, v25, v10;
	s4 =	sadd.f32 $9.999999680e-21, s4  }
0x318: {  	(xrf1) =	vsort.dscd.msk.f32 $0xffff, v9, v10;
	s5 =	spop (v2sf)  }
0x319: {  	v9 =	vmov s4;
	s4 =	sadd.f32 $9.999999680e-21, s5  }
0x31a: {  	(erf) = vrcp.f32 v9;
	s5 =	spop (v2sf)  }
0x31b: {  	s5 =	sadd.f32 $9.999999680e-21, s5;
	v10 =	vmov s4  }
0x31c: {  	s4 =	spop (v2sf);
	(erf) = vrcp.f32 v10  }
0x31d: {  	v9 =	vpop (erf);
	v10 =	vmov s5;
	s4 =	sadd.f32 $9.999999680e-21, s4  }
0x31e: {  	v12, v13, _ =	vpop (xrf1);
	v29 =	vmul.f32 v9, v23;
	(erf) = vrcp.f32 v10  }
0x31f: {  	v10 =	vperm.xlane v12, v8;
	v12, v23, _ =	vpop (xrf1);
	[tilespmem:s20+$0xFFFFFFF0] =	vst.msk $0xff, v11;
	s5 =	spop (v2sf);
	v27 =	vmov s4  }
0x320: {  	v34 =	vperm.xlane v13, v8;
	v25, v26, _ =	vpop (xrf1);
	[tilespmem:s21+$0xFFFFFFF0] =	vst.msk $0xff, v29;
	s4 =	sadd.f32 $9.999999680e-21, s5;
	(erf) = vrcp.f32 v27  }
0x321: {  	v12 =	vperm.xlane v12, v8;
	v23 =	vperm.xlane v23, v8;
	v11, v9, _ =	vpop (xrf1);
	vm1 =	vge.f32 v25, v10;
	v27 =	vld [tilespmem:s18+$0xFFFFFF90]  }
0x322: {  	v33 =	vsel vm1, v25, v10;
	v31 =	vsel vm1, v26, v34;
	v26, v28, _ =	vpop (xrf1);
	v29 =	vld [tilespmem:s18+$0xFFFFFF80];
	v32 =	vmov s4  }
0x323: {  	v10 =	vmax.f32 v11, $0.0e+00;
	vm1 =	vge.f32 v26, v12;
	(xrf1) =	vsort.dscd.msk.f32 $0xffff, v33, v31;
	v11 =	vld [tilespmem:s18+$0xFFFFFFB0];
	v13 =	vpop (erf);
	(erf) = vrcp.f32 v32  }
0x324: {  	v25, v30, _ =	vpop (xrf1);
	v31 =	vsel vm1, v26, v12;
	v23 =	vsel vm1, v28, v23;
	v26 =	vld [tilespmem:s18+$0xFFFFFFA0];
	v13 =	vmul.f32 v13, v20  }
0x325: {  	v28 =	vnsel vm0, $0x0, v10;
	v25 =	vperm.xlane v25, v8;
	(xrf1) =	vsort.dscd.msk.f32 $0xffff, v31, v23;
	[tilespmem:s15+$0xFFFFFFF8] =	vst.msk $0xff, v16;
	v12 =	vpop (erf)  }
0x326: {  	(xrf2) =	vadd.scan.msk.f32 $0xffff, v28;
	v16, v20, _ =	vpop (xrf1);
	vm2 =	veq.f32 v27, $0.0e+00;
	[tilespmem:s16+$0xFFFFFFF8] =	vst.msk $0xff, v13;
	v12 =	vmul.f32 v12, v24  }
0x327: {  	v13 =	vperm.xlane v30, v8;
	vm1 =	vge.f32 v16, v25;
	v23 =	vsel vm2, v2, v27;
	v24 =	vld [tilespmem:s17+$0x0];
	v27 =	vpop (erf);
	[tilespmem:s23+$0x18] =	vst.msk $0xff, v22;
	s23 =	smov.u32 s28;
	s28 =	smov.u32 s11;
	s11 =	smov.u32 s14  }
0x328: {  	s14 =	smov.u32 s15;
	s15 =	smov.u32 s20;
	s20 =	smov.u32 s0;
	vm2 =	veq.f32 v11, $0.0e+00;
	(xrf1) =	vsort.dscd.msk.f32 $0xffff, v23, v3;
	v22 =	vld [tilespmem:s17+$0x10];
	v17 =	vmul.f32 v27, v17;
	[tilespmem:s22+$0x18] =	vst.msk $0xff, v12  }
0x329: {  	vm3 =	veq.f32 v29, $0.0e+00;
	s0 =	smov.u32 s1;
	s22 =	smov.u32 s26;
	s26 =	smov.u32 s12;
	vm4 =	veq.f32 v26, $0.0e+00;
	v11 =	vsel vm2, v6, v11;
	v12 =	vld [tilespmem:s17+$0x30];
	[tilespmem:s11+$0x0] =	vst.msk $0xff, v14;
	v14 =	vpop (erf)  }
0x32a: {  	v23 =	vsel vm3, v0, v29;
	s12 =	smov.u32 s13;
	(xrf1) =	vsort.dscd.msk.f32 $0xffff, v11, v7;
	v11 =	vld [tilespmem:s17+$0x20];
	[tilespmem:s13+$0x0] =	vst.msk $0xff, v17;
	v14 =	vmul.f32 v14, v21;
	s13 =	smov.u32 s16;
	s16 =	smov.u32 s21  }
0x32b: {  	v16 =	vsel vm1, v16, v25;
	v17 =	vsel vm4, v4, v26;
	s21 =	smov.u32 s31;
	s31 =	smov.u32 s8;
	(xrf1) =	vsort.dscd.msk.f32 $0xffff, v23, v1;
	v21 =	vld [tilespmem:s19+$0x90];
	[tilespmem:s23+$0x10] =	vst.msk $0xff, v18  }
0x32c: {  	v13 =	vsel vm1, v20, v13;
	(xrf1) =	vsort.dscd.msk.f32 $0xffff, v17, v5;
	vm1 =	veq.f32 v24, $0.0e+00;
	v17 =	vld [tilespmem:s19+$0xB0];
	v18 =	vpop (erf);
	[tilespmem:s22+$0x10] =	vst.msk $0xff, v14  }
0x32d: {  	(xrf1) =	vsort.dscd.msk.f32 $0xffff, v16, v13;
	v13 =	vsel vm1, v0, v24;
	vm1 =	veq.f32 v22, $0.0e+00;
	v14 =	vmul.f32 v18, v19;
	v16 =	vld [tilespmem:s29+$0x1B0]  }
0x32e: {  	v20 =	vsel vm1, v2, v22;
	vm1 =	veq.f32 v12, $0.0e+00;
	(xrf1) =	vsort.dscd.msk.f32 $0xffff, v13, v1;
	[tilespmem:s28+$0x8] =	vst.msk $0xff, v15;
	v13 =	vld [tilespmem:s29+$0x190]  }
0x32f: {  	vm2 =	veq.f32 v11, $0.0e+00;
	v12 =	vsel vm1, v6, v12;
	(xrf1) =	vsort.dscd.msk.f32 $0xffff, v20, v3;
	[tilespmem:s26+$0x8] =	vst.msk $0xff, v14;
	v14 =	vld [tilespmem:s29+$0x1A0]  }
0x330: {  	v18, _, _ =	vpop (xrf2);
	v11 =	vsel vm2, v4, v11;
	(xrf1) =	vsort.dscd.msk.f32 $0xffff, v12, v7;
	vm1 =	veq.f32 v21, $0.0e+00;
	v12 =	vld [tilespmem:s24+$0x130]  }
0x331: {  	v15, v19, _ =	vpop (xrf1)  }
0x332: {  	(xrf1) =	vsort.dscd.msk.f32 $0xffff, v11, v5;
	v11 =	vsel vm1, v2, v21;
	vm1 =	veq.f32 v17, $0.0e+00;
	v20 =	vld [tilespmem:s29+$0x180];
	s29 =	smov.u32 s24;
	s24 =	smov.u32 s19;
	s19 =	smov.u32 s17;
	v15 =	vperm.xlane v15, v8  }
0x333: {  	s17 =	smov.u32 s18;
	s18 =	smov.u32 s25;
	s25 =	smov.u32 s30;
	v17 =	vsel vm1, v6, v17;
	(xrf1) =	vsort.dscd.msk.f32 $0xffff, v11, v3;
	v11 =	vld [tilespmem:s29+$0x110];
	vm1 =	veq.f32 v16, $0.0e+00;
	v19 =	vperm.xlane v19, v8  }
0x334: {  	s30 =	smov.u32 s3;
	v21, v22, _ =	vpop (xrf1);
	(xrf1) =	vsort.dscd.msk.f32 $0xffff, v17, v7;
	v17 =	vld [tilespmem:s29+$0x120];
	vm2 =	veq.f32 v13, $0.0e+00;
	v16 =	vsel vm1, v6, v16  }
0x335: {  	vm1 =	vge.f32 v21, v15;
	v13 =	vsel vm2, v2, v13;
	vm2 =	veq.f32 v14, $0.0e+00;
	(xrf1) =	vsort.dscd.msk.f32 $0xffff, v16, v7  }
0x336: {  	v15 =	vsel vm1, v21, v15;
	v16 =	vld [tilespmem:s29+$0x100];
	vm3 =	veq.f32 v12, $0.0e+00;
	v14 =	vsel vm2, v4, v14;
	(xrf1) =	vsort.dscd.msk.f32 $0xffff, v13, v3  }
0x337: {  	v13 =	vsel vm1, v22, v19;
	v19, v21, _ =	vpop (xrf1);
	v22 =	vld [tilespmem:s24+$0xA0];
	v12 =	vsel vm3, v6, v12;
	vm1 =	veq.f32 v20, $0.0e+00;
	(xrf1) =	vsort.dscd.msk.f32 $0xffff, v14, v5  }
0x338: {  	v14 =	vperm.xlane v21, v8;
	vm2 =	veq.f32 v11, $0.0e+00;
	(xrf1) =	vsort.dscd.msk.f32 $0xffff, v12, v7;
	v12 =	vsel vm1, v0, v20  }
0x339: {  	v28 =	vperm.xlane v19, v8;
	v20, v21, _ =	vpop (xrf1);
	v23 =	vld [tilespmem:s24+$0x80];
	v11 =	vsel vm2, v2, v11;
	vm1 =	veq.f32 v17, $0.0e+00;
	(xrf1) =	vsort.dscd.msk.f32 $0xffff, v12, v1  }
0x33a: {  	v29 =	vperm.xlane v20, v8;
	v24, v25, _ =	vpop (xrf1);
	v27 =	vsel vm1, v4, v17;
	(xrf1) =	vsort.dscd.msk.f32 $0xffff, v11, v3  }
0x33b: {  	v11 =	vperm.xlane v21, v8;
	vm1 =	vge.f32 v24, v28;
	v17, v21, _ =	vpop (xrf1);
	vm2 =	veq.f32 v16, $0.0e+00;
	(xrf1) =	vsort.dscd.msk.f32 $0xffff, v27, v5  }
0x33c: {  	v26, v12, _ =	vpop (xrf1);
	(xrf1) =	vsort.dscd.msk.f32 $0xffff, v15, v13;
	vm3 =	vge.f32 v17, v29;
	vm4 =	veq.f32 v22, $0.0e+00;
	v13 =	vsel vm2, v0, v16  }
0x33d: {  	v15 =	vsel vm1, v24, v28;
	v16, v19, _ =	vpop (xrf1);
	v22 =	vsel vm4, v4, v22;
	(xrf1) =	vsort.dscd.msk.f32 $0xffff, v13, v1  }
0x33e: {  	v24 =	vsel vm3, v17, v29;
	v11 =	vsel vm3, v21, v11;
	v21, v20, _ =	vpop (xrf1);
	vm2 =	veq.f32 v23, $0.0e+00;
	(xrf1) =	vsort.dscd.msk.f32 $0xffff, v22, v5  }
0x33f: {  	(xrf1) =	vsort.dscd.msk.f32 $0xffff, v24, v11;
	v11 =	vperm.xlane v21, v8;
	v13, v17, _ =	vpop (xrf1);
	v21 =	vsel vm2, v0, v23  }
0x340: {  	v27 =	vsel vm1, v25, v14;
	v13 =	vperm.xlane v13, v8;
	v22, v23, _ =	vpop (xrf1);
	(xrf1) =	vsort.dscd.msk.f32 $0xffff, v21, v1  }
0x341: {  	v28 =	vperm.xlane v20, v8;
	v29 =	vperm.xlane v17, v8;
	vm1 =	vge.f32 v16, v11;
	v24, v25, _ =	vpop (xrf1)  }
0x342: {  	(xrf1) =	vsort.dscd.msk.f32 $0xffff, v15, v27;
	v11 =	vsel vm1, v16, v11;
	vm2 =	vge.f32 v22, v13;
	v14, v17, _ =	vpop (xrf1)  }
0x343: {  	v15 =	vsel vm1, v19, v28;
	v13 =	vsel vm2, v22, v13;
	v16 =	vsel vm2, v23, v29;
	v19, v20, _ =	vpop (xrf1)  }
0x344: {  	(xrf1) =	vsort.dscd.msk.f32 $0xffff, v11, v15;
	v15 =	vperm.xlane v25, v8;
	v11 =	vperm.xlane v19, v8;
	v19, v21, _ =	vpop (xrf1)  }
0x345: {  	s9 =	sadd.s32 $0x8, s9;
	(v2sf) =	vpush v18, $0xF;
	(xrf1) =	vsort.dscd.msk.f32 $0xffff, v13, v16;
	v16 =	vperm.xlane v24, v8;
	v13 =	vperm.xlane v20, v8;
	v20, v22, _ =	vpop (xrf1)  }
0x346: {  	p0 =	slt.u32 s9, $0xF8;
	v18 =	vperm.xlane v14, v8;
	v19 =	vperm.xlane v19, v8;
	v14, v23, _ =	vpop (xrf1);
	vm1 =	vge.f32 v20, v11  }
.Ltmp0:
0x347: {  	v32 =	vperm.xlane v21, v8;
	v30 =	vsel vm1, v20, v11;
	v20 =	vsel vm1, v22, v13;
	v22, v24, _ =	vpop (xrf1);
	(pc) =	sbr.rel @p0 .LBB2_2-.Ltmp0, $4  }
0x348: {  	v13 =	vmax.f32 v26, $0.0e+00;
	v25 =	vperm.xlane v14, v8;
	v26, v27, _ =	vpop (xrf1);
	vm1 =	vge.f32 v22, v19;
	(xrf1) =	vsort.dscd.msk.f32 $0xffff, v30, v20  }
0x349: {  	v28 =	vperm.xlane v23, v8;
	v23, v29, _ =	vpop (xrf1);
	v20 =	vsel vm1, v22, v19;
	v31 =	vsel vm1, v24, v32  }
0x34a: {  	v30 =	vnsel vm0, $0x0, v13;
	v19 =	vperm.xlane v26, v8;
	v14, v11, _ =	vpop (xrf1);
	vm1 =	vge.f32 v23, v25;
	(xrf1) =	vsort.dscd.msk.f32 $0xffff, v20, v31  }
0x34b: {  	s3 =	sadd.s32 $0x400, s3;
	v20 =	vperm.xlane v27, v8;
	(xrf2) =	vadd.scan.msk.f32 $0xffff, v30;
	v23 =	vsel vm1, v23, v25;
	v24 =	vsel vm1, v29, v28;
	v22, v21, _ =	vpop (xrf1)  }
0x34c: {  	v17 =	vperm.xlane v17, v8;
	v25, v26, _ =	vpop (xrf1);
	vm1 =	vge.f32 v22, v19;
	(xrf1) =	vsort.dscd.msk.f32 $0xffff, v23, v24  }
0x34d: {  	v23, v24, _ =	vpop (xrf1);
	vm2 =	vge.f32 v25, v18;
	v19 =	vsel vm1, v22, v19;
	v20 =	vsel vm1, v21, v20  }
0x34e: {  	v18 =	vsel vm2, v25, v18;
	v17 =	vsel vm2, v26, v17;
	v44, v43, _ =	vpop (xrf1);
	(xrf1) =	vsort.dscd.msk.f32 $0xffff, v19, v20  }
0x34f: {  	vm1 =	vge.f32 v44, v16;
	(xrf1) =	vsort.dscd.msk.f32 $0xffff, v18, v17  }
0x350: {  	v16 =	vsel vm1, v44, v16;
	v15 =	vsel vm1, v43, v15  }
0x351: {  	(xrf1) =	vsort.dscd.msk.f32 $0xffff, v16, v15;
	_ =	sdelay $0x2  }
0x352: {  	v45 =	vperm.xlane v23, v8;
	v15, v16, _ =	vpop (xrf1)  }
0x353: {  	v48 =	vperm.xlane v24, v8;
	s3 =	spop (v2sf);
	v47, v46, _ =	vpop (xrf1)  }
0x354: {  	vm1 =	vge.f32 v15, v45;
	s3 =	sadd.f32 $9.999999680e-21, s3;
	v49, v50, _ =	vpop (xrf1)  }
0x355: {  	v51, _, _ =	vpop (xrf2);
	v15 =	vsel vm1, v15, v45;
	v16 =	vsel vm1, v16, v48;
	v52 =	vperm.xlane v49, v8  }
0x356: {  	(v2sf) =	vpush v51, $0xF;
	v53, v54, _ =	vpop (xrf1);
	v22 =	vperm.xlane v50, v8;
	v59 =	vmov s3  }
0x357: {  	(xrf1) =	vsort.dscd.msk.f32 $0xffff, v15, v16;
	v20 =	vperm.xlane v53, v8;
	(erf) = vrcp.f32 v59;
	vm1 =	vge.f32 v47, v52  }
0x358: {  	v55 =	vperm.xlane v54, v8;
	v56, v57, _ =	vpop (xrf1);
	v17 =	vsel vm1, v47, v52;
	v58 =	vsel vm1, v46, v22  }
0x359: {  	vm1 =	vge.f32 v56, v20;
	v60, v19, _ =	vpop (xrf1);
	(xrf1) =	vsort.dscd.msk.f32 $0xffff, v17, v58  }
0x35a: {  	v16 =	vsel vm1, v56, v20;
	v15 =	vsel vm1, v57, v55;
	v61 =	vperm.xlane v60, v8;
	v24, v63, _ =	vpop (xrf1)  }
0x35b: {  	v62 =	vperm.xlane v19, v8;
	(xrf1) =	vsort.dscd.msk.f32 $0xffff, v16, v15;
	v26, v25, _ =	vpop (xrf1)  }
0x35c: {  	vm1 =	vge.f32 v24, v61;
	v19 =	vperm.xlane v26, v8  }
0x35d: {  	v16 =	vsel vm1, v24, v61;
	v15 =	vsel vm1, v63, v62;
	v27 =	vperm.xlane v25, v8;
	v28, v29, _ =	vpop (xrf1)  }
0x35e: {  	(xrf1) =	vsort.dscd.msk.f32 $0xffff, v16, v15;
	vm1 =	vge.f32 v28, v19  }
0x35f: {  	v22 =	vmax.f32 v14, $0.0e+00;
	v30 =	vsel vm1, v28, v19;
	v31 =	vsel vm1, v29, v27  }
0x360: {  	v14 =	vnsel vm0, $0x0, v22;
	v32 =	vpop (erf);
	(xrf1) =	vsort.dscd.msk.f32 $0xffff, v30, v31  }
0x361: {  	s1 =	sadd.s32 $0x40, s1;
	(xrf2) =	vadd.scan.msk.f32 $0xffff, v14;
	v10 =	vmul.f32 v32, v10  }
0x362: {  	s8 =	sadd.s32 $0x40, s8;
	[tilespmem:s1+$0xFFFFFFE0] =	vst.msk $0xff, v9  }
0x363: {  	[tilespmem:s8+$0xFFFFFFE0] =	vst.msk $0xff, v10  }
0x364: {  	v33 =	vld [tilespmem:s30+$0xFFFFFE90]  }
0x365: {  	s5 =	spop (v2sf)  }
0x366: {  	v9, v20, _ =	vpop (xrf1);
	s3 =	sadd.f32 $9.999999680e-21, s5  }
0x367: {  	v21 =	vmax.f32 v9, $0.0e+00;
	v9, v14, _ =	vpop (xrf1)  }
0x368: {  	v34 =	vnsel vm0, $0x0, v21;
	v17 =	vmax.f32 v9, $0.0e+00;
	v9 =	vmov s3  }
0x369: {  	v37 =	vld [tilespmem:s30+$0xFFFFFEB0];
	(xrf2) =	vadd.scan.msk.f32 $0xffff, v34;
	v35, v10, _ =	vpop (xrf1);
	vm1 =	veq.f32 v33, $0.0e+00;
	(erf) = vrcp.f32 v9  }
0x36a: {  	v36 =	vnsel vm0, $0x0, v17;
	v9 =	vmax.f32 v35, $0.0e+00;
	v15 =	vsel vm1, v2, v33  }
0x36b: {  	v41, _, _ =	vpop (xrf2);
	(xrf2) =	vadd.scan.msk.f32 $0xffff, v36;
	v39 =	vnsel vm0, $0x0, v9  }
0x36c: {  	(xrf2) =	vadd.scan.msk.f32 $0xffff, v39;
	v40, v16, _ =	vpop (xrf1)  }
0x36d: {  	v38 =	vld [tilespmem:s30+$0xFFFFFEA0];
	(v2sf) =	vpush v41, $0xF;
	v19 =	vmax.f32 v40, $0.0e+00  }
0x36e: {  	vm1 =	veq.f32 v37, $0.0e+00;
	(xrf1) =	vsort.dscd.msk.f32 $0xffff, v15, v3;
	v43 =	vnsel vm0, $0x0, v19;
	v44, v15, _ =	vpop (xrf1)  }
0x36f: {  	v42 =	vld [tilespmem:s30+$0xFFFFFE80];
	v23 =	vsel vm1, v6, v37;
	(xrf2) =	vadd.scan.msk.f32 $0xffff, v43;
	v18 =	vmax.f32 v44, $0.0e+00  }
0x370: {  	(xrf1) =	vsort.dscd.msk.f32 $0xffff, v23, v7;
	v46 =	vnsel vm0, $0x0, v18  }
0x371: {  	(xrf2) =	vadd.scan.msk.f32 $0xffff, v46  }
0x372: {  	vm2 =	veq.f32 v38, $0.0e+00;
	v47 =	vpop (erf)  }
0x373: {  	v45 =	vsel vm2, v4, v38;
	v48, _, _ =	vpop (xrf2);
	v13 =	vmul.f32 v47, v13  }
0x374: {  	[tilespmem:s0+$0xFFFFFFE8] =	vst.msk $0xff, v12;
	vm1 =	veq.f32 v42, $0.0e+00;
	(xrf1) =	vsort.dscd.msk.f32 $0xffff, v45, v5;
	(v2sf) =	vpush v48, $0xF  }
0x375: {  	v25 =	vsel vm1, v0, v42;
	v49, _, _ =	vpop (xrf2);
	[tilespmem:s31+$0xFFFFFFE8] =	vst.msk $0xff, v13  }
0x376: {  	(xrf1) =	vsort.dscd.msk.f32 $0xffff, v25, v1;
	v50, _, _ =	vpop (xrf2);
	v13 =	vld [tilespmem:s25+$0xFFFFFF30]  }
0x377: {  	(v2sf) =	vpush v50, $0xF;
	v51 =	vld [tilespmem:s25+$0xFFFFFF10]  }
0x378: {  	v52 =	vld [tilespmem:s25+$0xFFFFFF20];
	(v2sf) =	vpush v49, $0xF  }
0x379: {  	v54 =	vld [tilespmem:s25+$0xFFFFFF00];
	v53, _, _ =	vpop (xrf2)  }
0x37a: {  	(v2sf) =	vpush v53, $0xF  }
0x37b: {  	vm1 =	veq.f32 v13, $0.0e+00;
	v55, _, _ =	vpop (xrf2)  }
0x37c: {  	s9 =	spop (v2sf);
	vm2 =	veq.f32 v51, $0.0e+00;
	v13 =	vsel vm1, v6, v13;
	(v2sf) =	vpush v55, $0xF  }
0x37d: {  	v56, v27, _ =	vpop (xrf1);
	v12 =	vsel vm2, v2, v51;
	vm1 =	veq.f32 v52, $0.0e+00;
	(xrf1) =	vsort.dscd.msk.f32 $0xffff, v13, v7  }
0x37e: {  	s3 =	sadd.f32 $9.999999680e-21, s9;
	v57, v58, _ =	vpop (xrf1);
	v23 =	vsel vm1, v4, v52;
	vm1 =	veq.f32 v54, $0.0e+00;
	(xrf1) =	vsort.dscd.msk.f32 $0xffff, v12, v3  }
0x37f: {  	v24 =	vperm.xlane v58, v8;
	v25 =	vsel vm1, v0, v54;
	(xrf1) =	vsort.dscd.msk.f32 $0xffff, v23, v5  }
0x380: {  	v28 =	vmov s3;
	(xrf1) =	vsort.dscd.msk.f32 $0xffff, v25, v1  }
0x381: {  	(erf) = vrcp.f32 v28;
	v59 =	vperm.xlane v57, v8  }
0x382: {  	v60, v61, _ =	vpop (xrf1)  }
0x383: {  	v26 =	vperm.xlane v56, v8;
	vm1 =	vge.f32 v60, v59;
	s4 =	spop (v2sf)  }
0x384: {  	v63 =	vsel vm1, v61, v24;
	v23, v24, _ =	vpop (xrf1);
	s3 =	sadd.f32 $9.999999680e-21, s4  }
0x385: {  	v12 =	vsel vm1, v60, v59;
	vm1 =	vge.f32 v23, v26  }
0x386: {  	v62 =	vperm.xlane v27, v8;
	v23 =	vsel vm1, v23, v26;
	v26 =	vmov s3;
	s4 =	spop (v2sf)  }
0x387: {  	(xrf1) =	vsort.dscd.msk.f32 $0xffff, v12, v63;
	(erf) = vrcp.f32 v26;
	s5 =	sadd.f32 $9.999999680e-21, s4;
	s9 =	spop (v2sf)  }
0x388: {  	v25 =	vsel vm1, v24, v62;
	s4 =	sadd.f32 $9.999999680e-21, s9  }
0x389: {  	(xrf1) =	vsort.dscd.msk.f32 $0xffff, v23, v25;
	v27 =	vmov s5;
	s5 =	spop (v2sf)  }
0x38a: {  	v29 =	vpop (erf);
	(erf) = vrcp.f32 v27;
	v28 =	vmov s4;
	s3 =	sadd.f32 $9.999999680e-21, s5  }
0x38b: {  	v13 =	vmul.f32 v29, v22;
	(erf) = vrcp.f32 v28;
	v30, v31, _ =	vpop (xrf1);
	s9 =	spop (v2sf)  }
0x38c: {  	[tilespmem:s20+$0xFFFFFFF0] =	vst.msk $0xff, v11;
	v11 =	vmov s3;
	v32 =	vperm.xlane v30, v8;
	v33, v34, _ =	vpop (xrf1);
	v24 =	vperm.xlane v31, v8;
	s3 =	sadd.f32 $9.999999680e-21, s9  }
0x38d: {  	[tilespmem:s21+$0xFFFFFFF0] =	vst.msk $0xff, v13;
	(erf) = vrcp.f32 v11;
	v36, v35, _ =	vpop (xrf1);
	v11 =	vperm.xlane v33, v8  }
0x38e: {  	v38 =	vld [tilespmem:s18+$0xFFFFFF90];
	vm1 =	vge.f32 v36, v32;
	v41, v40, _ =	vpop (xrf1);
	v43 =	vmov s3  }
0x38f: {  	v44 =	vld [tilespmem:s18+$0xFFFFFFB0];
	v12 =	vsel vm1, v36, v32;
	v39 =	vsel vm1, v35, v24;
	vm1 =	vge.f32 v41, v11  }
0x390: {  	v42 =	vld [tilespmem:s18+$0xFFFFFF80];
	v37 =	vperm.xlane v34, v8;
	v45 =	vpop (erf);
	(erf) = vrcp.f32 v43;
	(xrf1) =	vsort.dscd.msk.f32 $0xffff, v12, v39;
	v11 =	vsel vm1, v41, v11  }
0x391: {  	v21 =	vmul.f32 v45, v21  }
0x392: {  	[tilespmem:s15+$0xFFFFFFF8] =	vst.msk $0xff, v20;
	v13 =	vsel vm1, v40, v37  }
0x393: {  	v48 =	vld [tilespmem:s18+$0xFFFFFFA0];
	[tilespmem:s16+$0xFFFFFFF8] =	vst.msk $0xff, v21;
	(xrf1) =	vsort.dscd.msk.f32 $0xffff, v11, v13;
	v11 =	vpop (erf)  }
0x394: {  	vm2 =	veq.f32 v44, $0.0e+00;
	v53 =	vld [tilespmem:s17+$0x0];
	v54 =	vpop (erf)  }
0x395: {  	[tilespmem:s14+$0x0] =	vst.msk $0xff, v14;
	vm3 =	veq.f32 v42, $0.0e+00;
	v47, v46, _ =	vpop (xrf1);
	vm1 =	veq.f32 v38, $0.0e+00;
	v55 =	vld [tilespmem:s17+$0x10];
	v17 =	vmul.f32 v54, v17  }
0x396: {  	[tilespmem:s28+$0x10] =	vst.msk $0xff, v16;
	v26 =	vsel vm3, v0, v42;
	v49 =	vperm.xlane v47, v8;
	v22 =	vsel vm1, v2, v38;
	v56 =	vld [tilespmem:s17+$0x30];
	v57 =	vpop (erf)  }
0x397: {  	v12 =	vsel vm2, v6, v44;
	v51, v50, _ =	vpop (xrf1);
	v58 =	vld [tilespmem:s17+$0x20];
	(xrf1) =	vsort.dscd.msk.f32 $0xffff, v22, v3;
	v14 =	vmul.f32 v57, v19;
	[tilespmem:s13+$0x0] =	vst.msk $0xff, v17  }
0x398: {  	vm4 =	veq.f32 v48, $0.0e+00;
	v52 =	vperm.xlane v46, v8;
	vm1 =	vge.f32 v51, v49;
	(xrf1) =	vsort.dscd.msk.f32 $0xffff, v12, v7;
	v60 =	vld [tilespmem:s19+$0x90]  }
0x399: {  	v59 =	vsel vm4, v4, v48;
	v13 =	vsel vm1, v51, v49;
	(xrf1) =	vsort.dscd.msk.f32 $0xffff, v26, v1;
	v62 =	vld [tilespmem:s19+$0xB0];
	v63 =	vpop (erf);
	[tilespmem:s26+$0x10] =	vst.msk $0xff, v14  }
0x39a: {  	v61 =	vsel vm1, v50, v52;
	(xrf1) =	vsort.dscd.msk.f32 $0xffff, v59, v5;
	vm1 =	veq.f32 v53, $0.0e+00;
	v23 =	vmul.f32 v63, v18;
	v26 =	vld [tilespmem:s29+$0x190]  }
0x39b: {  	[tilespmem:s11+$0x8] =	vst.msk $0xff, v15;
	(xrf1) =	vsort.dscd.msk.f32 $0xffff, v13, v61;
	v21 =	vsel vm1, v0, v53;
	vm1 =	veq.f32 v55, $0.0e+00;
	v24 =	vld [tilespmem:s29+$0x1B0]  }
0x39c: {  	v25 =	vsel vm1, v2, v55;
	vm1 =	veq.f32 v56, $0.0e+00;
	(xrf1) =	vsort.dscd.msk.f32 $0xffff, v21, v1;
	v29 =	vld [tilespmem:s29+$0x1A0];
	[tilespmem:s12+$0x8] =	vst.msk $0xff, v23  }
0x39d: {  	vm2 =	veq.f32 v58, $0.0e+00;
	v28 =	vsel vm1, v6, v56;
	(xrf1) =	vsort.dscd.msk.f32 $0xffff, v25, v3;
	v30 =	vld [tilespmem:s24+$0x130];
	vm1 =	veq.f32 v60, $0.0e+00  }
0x39e: {  	v12 =	vsel vm2, v4, v58;
	(xrf1) =	vsort.dscd.msk.f32 $0xffff, v28, v7;
	v35 =	vld [tilespmem:s24+$0x110];
	v32, v31, _ =	vpop (xrf1);
	v33 =	vsel vm1, v2, v60  }
0x39f: {  	v34 =	vld [tilespmem:s29+$0x180];
	(xrf1) =	vsort.dscd.msk.f32 $0xffff, v12, v5;
	vm1 =	veq.f32 v62, $0.0e+00;
	vm2 =	veq.f32 v26, $0.0e+00;
	v18 =	vperm.xlane v32, v8  }
0x3a0: {  	v38 =	vld [tilespmem:s24+$0x120];
	v17 =	vsel vm1, v6, v62;
	(xrf1) =	vsort.dscd.msk.f32 $0xffff, v33, v3;
	vm1 =	veq.f32 v24, $0.0e+00;
	v20 =	vperm.xlane v31, v8  }
0x3a1: {  	v44 =	vld [tilespmem:s19+$0xA0];
	v36, v37, _ =	vpop (xrf1);
	v13 =	vsel vm2, v2, v26;
	vm2 =	veq.f32 v29, $0.0e+00;
	(xrf1) =	vsort.dscd.msk.f32 $0xffff, v17, v7;
	v16 =	vsel vm1, v6, v24  }
0x3a2: {  	v14 =	vsel vm2, v4, v29;
	vm1 =	vge.f32 v36, v18;
	(xrf1) =	vsort.dscd.msk.f32 $0xffff, v16, v7  }
0x3a3: {  	vm3 =	veq.f32 v30, $0.0e+00;
	vm2 =	veq.f32 v35, $0.0e+00;
	v39 =	vsel vm1, v36, v18;
	(xrf1) =	vsort.dscd.msk.f32 $0xffff, v13, v3  }
0x3a4: {  	v40 =	vld [tilespmem:s24+$0x100];
	v41 =	vsel vm1, v37, v20;
	v15 =	vsel vm3, v6, v30;
	vm1 =	veq.f32 v34, $0.0e+00;
	(xrf1) =	vsort.dscd.msk.f32 $0xffff, v14, v5  }
0x3a5: {  	v43, v42, _ =	vpop (xrf1);
	v12 =	vsel vm2, v2, v35;
	v46 =	vsel vm1, v0, v34;
	vm1 =	veq.f32 v38, $0.0e+00;
	(xrf1) =	vsort.dscd.msk.f32 $0xffff, v15, v7  }
0x3a6: {  	vm13 =	veq.f32 v44, $0.0e+00;
	v49, v48, _ =	vpop (xrf1);
	v17 =	vsel vm1, v4, v38;
	(xrf1) =	vsort.dscd.msk.f32 $0xffff, v46, v1  }
0x3a7: {  	v50 =	vld [tilespmem:s19+$0x80];
	v60 =	vsel vm13, v4, v44;
	v53, v52, _ =	vpop (xrf1);
	(xrf1) =	vsort.dscd.msk.f32 $0xffff, v12, v3  }
0x3a8: {  	v45 =	vperm.xlane v42, v8;
	v51 =	vperm.xlane v49, v8;
	v55, v54, _ =	vpop (xrf1);
	(xrf1) =	vsort.dscd.msk.f32 $0xffff, v17, v5  }
0x3a9: {  	v47 =	vperm.xlane v43, v8;
	v21 =	vperm.xlane v48, v8;
	vm2 =	veq.f32 v40, $0.0e+00;
	v17, v12, _ =	vpop (xrf1)  }
0x3aa: {  	v56 =	vsel vm2, v0, v40;
	vm3 =	vge.f32 v55, v51;
	(xrf1) =	vsort.dscd.msk.f32 $0xffff, v39, v41;
	v58, v59, _ =	vpop (xrf1)  }
0x3ab: {  	vm1 =	vge.f32 v53, v47;
	v61 =	vsel vm3, v55, v51;
	(xrf1) =	vsort.dscd.msk.f32 $0xffff, v56, v1;
	v28, v63, _ =	vpop (xrf1)  }
0x3ac: {  	vm2 =	veq.f32 v50, $0.0e+00;
	v62 =	vsel vm3, v54, v21;
	v14 =	vsel vm1, v52, v45;
	(xrf1) =	vsort.dscd.msk.f32 $0xffff, v60, v5;
	v31, v30, _ =	vpop (xrf1)  }
0x3ad: {  	v32 =	vsel vm2, v0, v50;
	v29 =	vperm.xlane v28, v8;
	(xrf1) =	vsort.dscd.msk.f32 $0xffff, v61, v62;
	v33, v34, _ =	vpop (xrf1)  }
0x3ae: {  	v57 =	vsel vm1, v53, v47;
	v15 =	vperm.xlane v31, v8;
	(xrf1) =	vsort.dscd.msk.f32 $0xffff, v32, v1;
	v37, v36, _ =	vpop (xrf1)  }
0x3af: {  	v35 =	vperm.xlane v63, v8;
	vm1 =	vge.f32 v58, v29;
	(xrf1) =	vsort.dscd.msk.f32 $0xffff, v57, v14;
	v14, v16, _ =	vpop (xrf1)  }
0x3b0: {  	v20 =	vperm.xlane v30, v8;
	v13 =	vsel vm1, v58, v29;
	vm2 =	vge.f32 v33, v15;
	v41, v40, _ =	vpop (xrf1)  }
0x3b1: {  	v38 =	vsel vm1, v59, v35;
	v15 =	vsel vm2, v33, v15;
	v43 =	vperm.xlane v41, v8;
	v45, v44, _ =	vpop (xrf1)  }
0x3b2: {  	v39 =	vsel vm2, v34, v20;
	(xrf1) =	vsort.dscd.msk.f32 $0xffff, v13, v38;
	v42 =	vperm.xlane v36, v8;
	v49, v48, _ =	vpop (xrf1)  }
0x3b3: {  	v17 =	vmax.f32 v17, $0.0e+00;
	(xrf1) =	vsort.dscd.msk.f32 $0xffff, v15, v39;
	v47 =	vperm.xlane v40, v8;
	v50, v51, _ =	vpop (xrf1);
	vm1 =	vge.f32 v49, v43  }
0x3b4: {  	v46 =	vperm.xlane v37, v8;
	v20 =	vperm.xlane v45, v8;
	v13 =	vsel vm1, v49, v43;
	v52, v53, _ =	vpop (xrf1)  }
0x3b5: {  	v23 =	vperm.xlane v44, v8;
	v19 =	vsel vm1, v48, v47;
	v24 =	vperm.xlane v50, v8;
	v55, v54, _ =	vpop (xrf1)  }
0x3b6: {  	v63 =	vnsel vm0, $0x0, v17;
	v56 =	vperm.xlane v51, v8;
	vm1 =	vge.f32 v52, v20;
	(xrf1) =	vsort.dscd.msk.f32 $0xffff, v13, v19;
	v58, v57, _ =	vpop (xrf1)  }
0x3b7: {  	v20 =	vsel vm1, v52, v20;
	v59 =	vsel vm1, v53, v23;
	vm1 =	vge.f32 v58, v24  }
0x3b8: {  	(xrf2) =	vadd.scan.msk.f32 $0xffff, v63;
	v14 =	vperm.xlane v14, v8;
	v60 =	vperm.xlane v55, v8;
	v22, v13, _ =	vpop (xrf1);
	v19 =	vsel vm1, v57, v56  }
0x3b9: {  	v61 =	vperm.xlane v54, v8;
	(xrf1) =	vsort.dscd.msk.f32 $0xffff, v20, v59;
	v62 =	vsel vm1, v58, v24;
	v24, v25, _ =	vpop (xrf1)  }
0x3ba: {  	v16 =	vperm.xlane v16, v8;
	(xrf1) =	vsort.dscd.msk.f32 $0xffff, v62, v19;
	v32, v33, _ =	vpop (xrf1);
	vm1 =	vge.f32 v24, v60  }
0x3bb: {  	v19, v21, _ =	vpop (xrf1);
	vm2 =	vge.f32 v32, v14;
	v23 =	vsel vm1, v24, v60;
	v20 =	vsel vm1, v25, v61  }
0x3bc: {  	v14 =	vsel vm2, v32, v14;
	v16 =	vsel vm2, v33, v16;
	v34, v35, _ =	vpop (xrf1);
	(xrf1) =	vsort.dscd.msk.f32 $0xffff, v23, v20  }
0x3bd: {  	vm1 =	vge.f32 v34, v46;
	(xrf1) =	vsort.dscd.msk.f32 $0xffff, v14, v16  }
0x3be: {  	v36 =	vsel vm1, v34, v46;
	v37 =	vsel vm1, v35, v42  }
0x3bf: {  	v40, v39, _ =	vpop (xrf1);
	(xrf1) =	vsort.dscd.msk.f32 $0xffff, v36, v37  }
0x3c0: {  	v38 =	vperm.xlane v19, v8;
	v41, v42, _ =	vpop (xrf1)  }
0x3c1: {  	v43 =	vperm.xlane v21, v8;
	v45, v44, _ =	vpop (xrf1)  }
0x3c2: {  	vm1 =	vge.f32 v40, v38;
	v46 =	vperm.xlane v45, v8  }
0x3c3: {  	v14 =	vsel vm1, v40, v38;
	v16 =	vsel vm1, v39, v43  }
0x3c4: {  	v47, _, _ =	vpop (xrf2);
	(xrf1) =	vsort.dscd.msk.f32 $0xffff, v14, v16;
	vm1 =	vge.f32 v41, v46  }
0x3c5: {  	(v2sf) =	vpush v47, $0xF;
	v48 =	vperm.xlane v44, v8;
	v50, v49, _ =	vpop (xrf1);
	v15 =	vsel vm1, v41, v46  }
0x3c6: {  	v51 =	vperm.xlane v50, v8  }
0x3c7: {  	v52 =	vsel vm1, v42, v48;
	v53 =	vperm.xlane v49, v8;
	v19, v20, _ =	vpop (xrf1)  }
0x3c8: {  	(xrf1) =	vsort.dscd.msk.f32 $0xffff, v15, v52;
	vm1 =	vge.f32 v19, v51;
	v15, v16, _ =	vpop (xrf1)  }
0x3c9: {  	v14 =	vsel vm1, v19, v51;
	v18 =	vsel vm1, v20, v53;
	v15 =	vperm.xlane v15, v8  }
0x3ca: {  	v56 =	vperm.xlane v16, v8;
	(xrf1) =	vsort.dscd.msk.f32 $0xffff, v14, v18;
	v54, v55, _ =	vpop (xrf1)  }
0x3cb: {  	v58, v57, _ =	vpop (xrf1);
	vm1 =	vge.f32 v54, v15  }
0x3cc: {  	v16 =	vperm.xlane v58, v8;
	v15 =	vsel vm1, v54, v15;
	v14 =	vsel vm1, v55, v56  }
0x3cd: {  	v18 =	vperm.xlane v57, v8;
	v59, v60, _ =	vpop (xrf1);
	(xrf1) =	vsort.dscd.msk.f32 $0xffff, v15, v14  }
0x3ce: {  	vm1 =	vge.f32 v59, v16  }
0x3cf: {  	v61 =	vsel vm1, v59, v16;
	v62 =	vsel vm1, v60, v18  }
0x3d0: {  	v63 =	vmax.f32 v22, $0.0e+00;
	(xrf1) =	vsort.dscd.msk.f32 $0xffff, v61, v62  }
0x3d1: {  	v22 =	vnsel vm0, $0x0, v63  }
0x3d2: {  	(xrf2) =	vadd.scan.msk.f32 $0xffff, v22;
	v23, v16, _ =	vpop (xrf1)  }
0x3d3: {  	v18 =	vmax.f32 v23, $0.0e+00  }
0x3d4: {  	s4 =	spop (v2sf);
	v14 =	vnsel vm0, $0x0, v18  }
0x3d5: {  	s3 =	sadd.f32 $9.999999680e-21, s4;
	_ =	sdelay $0x1  }
0x3d6: {  	v25 =	vmov s3;
	v24, v20, _ =	vpop (xrf1)  }
0x3d7: {  	(erf) = vrcp.f32 v25;
	v19 =	vmax.f32 v24, $0.0e+00;
	(xrf2) =	vadd.scan.msk.f32 $0xffff, v14;
	v26, v14, _ =	vpop (xrf1)  }
0x3d8: {  	v27 =	vnsel vm0, $0x0, v19;
	v21 =	vmax.f32 v26, $0.0e+00  }
0x3d9: {  	(xrf2) =	vadd.scan.msk.f32 $0xffff, v27;
	v28 =	vnsel vm0, $0x0, v21  }
0x3da: {  	(xrf2) =	vadd.scan.msk.f32 $0xffff, v28;
	v29, v23, _ =	vpop (xrf1)  }
0x3db: {  	v30, _, _ =	vpop (xrf2);
	v22 =	vmax.f32 v29, $0.0e+00  }
0x3dc: {  	(v2sf) =	vpush v30, $0xF;
	v31 =	vnsel vm0, $0x0, v22  }
0x3dd: {  	v32, v26, _ =	vpop (xrf1);
	(xrf2) =	vadd.scan.msk.f32 $0xffff, v31  }
0x3de: {  	v24 =	vmax.f32 v32, $0.0e+00  }
0x3df: {  	v25 =	vnsel vm0, $0x0, v24  }
0x3e0: {  	v33 =	vpop (erf);
	(xrf2) =	vadd.scan.msk.f32 $0xffff, v25  }
0x3e1: {  	v17 =	vmul.f32 v33, v17;
	v34, _, _ =	vpop (xrf2)  }
0x3e2: {  	[tilespmem:s1+$0xFFFFFFE8] =	vst.msk $0xff, v12;
	(v2sf) =	vpush v34, $0xF  }
0x3e3: {  	[tilespmem:s8+$0xFFFFFFE8] =	vst.msk $0xff, v17;
	v35, _, _ =	vpop (xrf2)  }
0x3e4: {  	v37 =	vld [tilespmem:s30+$0xFFFFFF30];
	v36, _, _ =	vpop (xrf2)  }
0x3e5: {  	v38 =	vld [tilespmem:s30+$0xFFFFFF10];
	(v2sf) =	vpush v36, $0xF  }
0x3e6: {  	v39 =	vld [tilespmem:s30+$0xFFFFFF20];
	(v2sf) =	vpush v35, $0xF  }
0x3e7: {  	v40, _, _ =	vpop (xrf2)  }
0x3e8: {  	v41 =	vld [tilespmem:s30+$0xFFFFFF00];
	(v2sf) =	vpush v40, $0xF  }
0x3e9: {  	vm1 =	veq.f32 v37, $0.0e+00  }
0x3ea: {  	vm2 =	veq.f32 v38, $0.0e+00;
	v25 =	vsel vm1, v6, v37;
	v42, _, _ =	vpop (xrf2)  }
0x3eb: {  	s5 =	spop (v2sf);
	v43 =	vsel vm2, v2, v38;
	vm1 =	veq.f32 v39, $0.0e+00;
	(xrf1) =	vsort.dscd.msk.f32 $0xffff, v25, v7;
	(v2sf) =	vpush v42, $0xF  }
0x3ec: {  	s3 =	sadd.f32 $9.999999680e-21, s5;
	v44 =	vsel vm1, v4, v39;
	(xrf1) =	vsort.dscd.msk.f32 $0xffff, v43, v3  }
0x3ed: {  	vm1 =	veq.f32 v41, $0.0e+00;
	(xrf1) =	vsort.dscd.msk.f32 $0xffff, v44, v5  }
0x3ee: {  	v46 =	vmov s3;
	v45 =	vsel vm1, v0, v41  }
0x3ef: {  	(erf) = vrcp.f32 v46;
	(xrf1) =	vsort.dscd.msk.f32 $0xffff, v45, v1;
	_ =	sdelay $0x1  }
0x3f0: {  	s9 =	spop (v2sf)  }
0x3f1: {  	s3 =	sadd.f32 $9.999999680e-21, s9;
	_ =	sdelay $0x1  }
0x3f2: {  	v47 =	vmov s3;
	s29 =	spop (v2sf)  }
0x3f3: {  	(erf) = vrcp.f32 v47;
	s5 =	sadd.f32 $9.999999680e-21, s29;
	s9 =	spop (v2sf)  }
0x3f4: {  	s4 =	sadd.f32 $9.999999680e-21, s9  }
0x3f5: {  	v48 =	vmov s5;
	s29 =	spop (v2sf)  }
0x3f6: {  	v49 =	vpop (erf);
	(erf) = vrcp.f32 v48;
	v50 =	vmov s4;
	s3 =	sadd.f32 $9.999999680e-21, s29  }
0x3f7: {  	v12 =	vmul.f32 v49, v63;
	v25, v51, _ =	vpop (xrf1);
	(erf) = vrcp.f32 v50  }
0x3f8: {  	[tilespmem:s0+$0xFFFFFFF0] =	vst.msk $0xff, v13;
	v53 =	vperm.xlane v25, v8;
	v55, v54, _ =	vpop (xrf1);
	s5 =	spop (v2sf);
	v52 =	vmov s3  }
0x3f9: {  	[tilespmem:s31+$0xFFFFFFF0] =	vst.msk $0xff, v12;
	v56 =	vperm.xlane v51, v8;
	v57, v29, _ =	vpop (xrf1);
	s9 =	sadd.f32 $9.999999680e-21, s5;
	(erf) = vrcp.f32 v52  }
0x3fa: {  	v60 =	vld [tilespmem:s25+$0xFFFFFF90];
	v59 =	vperm.xlane v55, v8;
	v28 =	vperm.xlane v54, v8;
	vm1 =	vge.f32 v57, v53  }
0x3fb: {  	v30 =	vld [tilespmem:s25+$0xFFFFFFB0];
	v61, v62, _ =	vpop (xrf1);
	v17 =	vsel vm1, v57, v53;
	v13 =	vsel vm1, v29, v56;
	v58 =	vmov s9  }
0x3fc: {  	v31 =	vld [tilespmem:s25+$0xFFFFFF80];
	vm1 =	vge.f32 v61, v59;
	(xrf1) =	vsort.dscd.msk.f32 $0xffff, v17, v13;
	v63 =	vpop (erf);
	(erf) = vrcp.f32 v58  }
0x3fd: {  	[tilespmem:s23+$0x18] =	vst.msk $0xff, v10;
	v15 =	vsel vm1, v61, v59;
	v32 =	vsel vm1, v62, v28;
	v13 =	vmul.f32 v63, v18  }
0x3fe: {  	v9 =	vmul.f32 v11, v9;
	[tilespmem:s20+$0xFFFFFFF8] =	vst.msk $0xff, v16;
	v33 =	vld [tilespmem:s25+$0xFFFFFFA0];
	(xrf1) =	vsort.dscd.msk.f32 $0xffff, v15, v32  }
0x3ff: {  	vm1 =	veq.f32 v60, $0.0e+00;
	[tilespmem:s21+$0xFFFFFFF8] =	vst.msk $0xff, v13;
	v34 =	vpop (erf)  }
0x400: {  	[tilespmem:s22+$0x18] =	vst.msk $0xff, v9;
	v35 =	vsel vm1, v2, v60;
	vm1 =	veq.f32 v30, $0.0e+00;
	v16 =	vld [tilespmem:s18+$0x0];
	v36 =	vpop (erf)  }
0x401: {  	(xrf1) =	vsort.dscd.msk.f32 $0xffff, v35, v3;
	v38 =	vsel vm1, v6, v30;
	vm1 =	veq.f32 v31, $0.0e+00;
	v10 =	vld [tilespmem:s18+$0x10];
	v37 =	vmul.f32 v36, v19  }
0x402: {  	[tilespmem:s15+$0x0] =	vst.msk $0xff, v20;
	(xrf1) =	vsort.dscd.msk.f32 $0xffff, v38, v7;
	v12 =	vsel vm1, v0, v31;
	v39 =	vld [tilespmem:s18+$0x30];
	v40 =	vpop (erf)  }
0x403: {  	vm2 =	veq.f32 v33, $0.0e+00;
	(xrf1) =	vsort.dscd.msk.f32 $0xffff, v12, v1;
	v41 =	vld [tilespmem:s18+$0x20];
	[tilespmem:s16+$0x0] =	vst.msk $0xff, v37;
	v42 =	vmul.f32 v40, v22  }
0x404: {  	[tilespmem:s11+$0x10] =	vst.msk $0xff, v23;
	v11 =	vsel vm2, v4, v33;
	v43 =	vld [tilespmem:s17+$0x90]  }
0x405: {  	(xrf1) =	vsort.dscd.msk.f32 $0xffff, v11, v5;
	vm1 =	veq.f32 v16, $0.0e+00;
	v11 =	vld [tilespmem:s17+$0xB0];
	v44 =	vpop (erf);
	[tilespmem:s12+$0x10] =	vst.msk $0xff, v42  }
0x406: {  	[tilespmem:s14+$0x8] =	vst.msk $0xff, v26;
	v9 =	vsel vm1, v0, v16;
	vm1 =	veq.f32 v10, $0.0e+00;
	v45 =	vmul.f32 v44, v24;
	v46 =	vld [tilespmem:s24+$0x1B0]  }
0x407: {  	v15 =	vmul.f32 v34, v21;
	v10 =	vsel vm1, v2, v10;
	vm1 =	veq.f32 v39, $0.0e+00;
	(xrf1) =	vsort.dscd.msk.f32 $0xffff, v9, v1;
	v9 =	vld [tilespmem:s24+$0x190]  }
0x408: {  	vm2 =	veq.f32 v41, $0.0e+00;
	v47 =	vsel vm1, v6, v39;
	(xrf1) =	vsort.dscd.msk.f32 $0xffff, v10, v3;
	v10 =	vld [tilespmem:s24+$0x1A0];
	[tilespmem:s13+$0x8] =	vst.msk $0xff, v45  }
0x409: {  	[tilespmem:s28+$0x18] =	vst.msk $0xff, v14;
	v48 =	vsel vm2, v4, v41;
	(xrf1) =	vsort.dscd.msk.f32 $0xffff, v47, v7;
	vm1 =	veq.f32 v43, $0.0e+00;
	v49 =	vld [tilespmem:s19+$0x130]  }
0x40a: {  	v51, v50, _ =	vpop (xrf1);
	[tilespmem:s26+$0x18] =	vst.msk $0xff, v15;
	(xrf1) =	vsort.dscd.msk.f32 $0xffff, v48, v5;
	v52 =	vld [tilespmem:s24+$0x180];
	v12 =	vsel vm1, v2, v43;
	vm1 =	veq.f32 v11, $0.0e+00  }
0x40b: {  	v15 =	vperm.xlane v51, v8;
	v53 =	vld [tilespmem:s19+$0x110];
	v11 =	vsel vm1, v6, v11;
	(xrf1) =	vsort.dscd.msk.f32 $0xffff, v12, v3;
	vm1 =	veq.f32 v46, $0.0e+00  }
0x40c: {  	v17 =	vperm.xlane v50, v8;
	v54, v19, _ =	vpop (xrf1);
	(xrf1) =	vsort.dscd.msk.f32 $0xffff, v11, v7;
	v11 =	vld [tilespmem:s19+$0x120];
	vm2 =	veq.f32 v9, $0.0e+00;
	v16 =	vsel vm1, v6, v46  }
0x40d: {  	vm1 =	vge.f32 v54, v15;
	v9 =	vsel vm2, v2, v9;
	vm2 =	veq.f32 v10, $0.0e+00;
	(xrf1) =	vsort.dscd.msk.f32 $0xffff, v16, v7  }
0x40e: {  	v58 =	vld [tilespmem:s17+$0xA0];
	v15 =	vsel vm1, v54, v15;
	v10 =	vsel vm2, v4, v10;
	vm3 =	veq.f32 v49, $0.0e+00;
	(xrf1) =	vsort.dscd.msk.f32 $0xffff, v9, v3  }
0x40f: {  	v57, v56, _ =	vpop (xrf1);
	v55 =	vld [tilespmem:s19+$0x100];
	v9 =	vsel vm1, v19, v17;
	vm1 =	veq.f32 v52, $0.0e+00;
	v14 =	vsel vm3, v6, v49;
	(xrf1) =	vsort.dscd.msk.f32 $0xffff, v10, v5  }
0x410: {  	v60, v59, _ =	vpop (xrf1);
	vm2 =	veq.f32 v53, $0.0e+00;
	v13 =	vsel vm1, v0, v52;
	(xrf1) =	vsort.dscd.msk.f32 $0xffff, v14, v7  }
0x411: {  	v62 =	vperm.xlane v60, v8;
	v24, v63, _ =	vpop (xrf1);
	v12 =	vsel vm2, v2, v53;
	vm1 =	veq.f32 v11, $0.0e+00;
	(xrf1) =	vsort.dscd.msk.f32 $0xffff, v13, v1  }
0x412: {  	v61 =	vld [tilespmem:s17+$0x80];
	v17 =	vperm.xlane v57, v8;
	v11 =	vsel vm1, v4, v11;
	(xrf1) =	vsort.dscd.msk.f32 $0xffff, v12, v3  }
0x413: {  	v25 =	vperm.xlane v59, v8;
	vm14 =	veq.f32 v58, $0.0e+00;
	v10 =	vperm.xlane v56, v8;
	(xrf1) =	vsort.dscd.msk.f32 $0xffff, v11, v5  }
0x414: {  	v30 =	vsel vm14, v4, v58;
	vm2 =	veq.f32 v55, $0.0e+00;
	vm1 =	vge.f32 v24, v17;
	v27, v26, _ =	vpop (xrf1)  }
0x415: {  	v10 =	vsel vm1, v63, v10;
	(xrf1) =	vsort.dscd.msk.f32 $0xffff, v15, v9;
	v9 =	vsel vm2, v0, v55;
	v29, v28, _ =	vpop (xrf1)  }
0x416: {  	v11 =	vsel vm1, v24, v17;
	vm3 =	vge.f32 v27, v62;
	(xrf1) =	vsort.dscd.msk.f32 $0xffff, v9, v1;
	v32, v31, _ =	vpop (xrf1)  }
0x417: {  	vm2 =	veq.f32 v61, $0.0e+00;
	v9 =	vsel vm3, v27, v62;
	v12 =	vsel vm3, v26, v25;
	(xrf1) =	vsort.dscd.msk.f32 $0xffff, v30, v5;
	v33, v34, _ =	vpop (xrf1)  }
0x418: {  	v35 =	vsel vm2, v0, v61;
	(xrf1) =	vsort.dscd.msk.f32 $0xffff, v9, v12;
	v37, v36, _ =	vpop (xrf1)  }
0x419: {  	v9 =	vperm.xlane v32, v8;
	(xrf1) =	vsort.dscd.msk.f32 $0xffff, v35, v1;
	v40, v39, _ =	vpop (xrf1)  }
0x41a: {  	v12 =	vperm.xlane v33, v8;
	(xrf1) =	vsort.dscd.msk.f32 $0xffff, v11, v10;
	v10, v11, _ =	vpop (xrf1)  }
0x41b: {  	v38 =	vperm.xlane v31, v8;
	vm1 =	vge.f32 v29, v9;
	v15, v16, _ =	vpop (xrf1)  }
0x41c: {  	v13 =	vperm.xlane v34, v8;
	vm2 =	vge.f32 v37, v12;
	v9 =	vsel vm1, v29, v9;
	v44, v43, _ =	vpop (xrf1)  }
0x41d: {  	v41 =	vsel vm1, v28, v38;
	v12 =	vsel vm2, v37, v12;
	v42 =	vperm.xlane v15, v8;
	v48, v47, _ =	vpop (xrf1)  }
0x41e: {  	v13 =	vsel vm2, v36, v13;
	(xrf1) =	vsort.dscd.msk.f32 $0xffff, v9, v41;
	v46 =	vperm.xlane v16, v8;
	v49, v50, _ =	vpop (xrf1)  }
0x41f: {  	v15 =	vperm.xlane v44, v8;
	v18 =	vperm.xlane v43, v8;
	vm1 =	vge.f32 v48, v42;
	v51, v52, _ =	vpop (xrf1)  }
0x420: {  	(xrf1) =	vsort.dscd.msk.f32 $0xffff, v12, v13;
	v14 =	vsel vm1, v48, v42;
	v19 =	vperm.xlane v49, v8;
	v54, v53, _ =	vpop (xrf1)  }
0x421: {  	v13 =	vsel vm1, v47, v46;
	v55 =	vperm.xlane v50, v8;
	vm1 =	vge.f32 v51, v15;
	v56, v57, _ =	vpop (xrf1)  }
0x422: {  	v15 =	vsel vm1, v51, v15;
	v58 =	vsel vm1, v52, v18;
	vm1 =	vge.f32 v56, v19  }
0x423: {  	(xrf1) =	vsort.dscd.msk.f32 $0xffff, v14, v13;
	v14 =	vsel vm1, v56, v19  }
0x424: {  	v45 =	vperm.xlane v40, v8;
	v10 =	vperm.xlane v10, v8;
	v17, v18, _ =	vpop (xrf1);
	v13 =	vsel vm1, v57, v55  }
0x425: {  	v11 =	vperm.xlane v11, v8;
	v21 =	vperm.xlane v54, v8;
	v60, v61, _ =	vpop (xrf1)  }
0x426: {  	v9 =	vperm.xlane v39, v8;
	v59 =	vperm.xlane v53, v8;
	(xrf1) =	vsort.dscd.msk.f32 $0xffff, v15, v58;
	v63, v62, _ =	vpop (xrf1)  }
0x427: {  	vm1 =	vge.f32 v60, v21;
	(xrf1) =	vsort.dscd.msk.f32 $0xffff, v14, v13;
	vm2 =	vge.f32 v63, v10;
	v13, v14, _ =	vpop (xrf1)  }
0x428: {  	v16 =	vsel vm1, v60, v21;
	v15 =	vsel vm1, v61, v59;
	v10 =	vsel vm2, v63, v10;
	v24, v25, _ =	vpop (xrf1)  }
0x429: {  	v11 =	vsel vm2, v62, v11;
	(xrf1) =	vsort.dscd.msk.f32 $0xffff, v16, v15;
	vm1 =	vge.f32 v24, v45  }
0x42a: {  	(xrf1) =	vsort.dscd.msk.f32 $0xffff, v10, v11;
	v10 =	vsel vm1, v24, v45  }
0x42b: {  	v9 =	vsel vm1, v25, v9;
	_ =	sdelay $0x2  }
0x42c: {  	(xrf1) =	vsort.dscd.msk.f32 $0xffff, v10, v9;
	v9, v10, _ =	vpop (xrf1)  }
0x42d: {  	v11 =	vperm.xlane v13, v8;
	v26, v27, _ =	vpop (xrf1)  }
0x42e: {  	v15, v16, _ =	vpop (xrf1)  }
0x42f: {  	v14 =	vperm.xlane v14, v8;
	vm1 =	vge.f32 v9, v11;
	v15 =	vperm.xlane v15, v8  }
0x430: {  	v9 =	vsel vm1, v9, v11;
	v11 =	vperm.xlane v16, v8  }
0x431: {  	v10 =	vsel vm1, v10, v14;
	vm1 =	vge.f32 v26, v15  }
0x432: {  	v28, v29, _ =	vpop (xrf1);
	(xrf1) =	vsort.dscd.msk.f32 $0xffff, v9, v10;
	v11 =	vsel vm1, v27, v11  }
0x433: {  	v9 =	vperm.xlane v28, v8;
	v10 =	vsel vm1, v26, v15  }
0x434: {  	v30 =	vperm.xlane v29, v8;
	v32, v31, _ =	vpop (xrf1)  }
0x435: {  	vm1 =	vge.f32 v32, v9  }
0x436: {  	(xrf1) =	vsort.dscd.msk.f32 $0xffff, v10, v11;
	v9 =	vsel vm1, v32, v9;
	v12 =	vsel vm1, v31, v30;
	v10, v11, _ =	vpop (xrf1)  }
0x437: {  	(xrf1) =	vsort.dscd.msk.f32 $0xffff, v9, v12;
	v10 =	vperm.xlane v10, v8;
	v9 =	vperm.xlane v11, v8;
	v11, v33, _ =	vpop (xrf1)  }
0x438: {  	v34, v35, _ =	vpop (xrf1)  }
0x439: {  	vm1 =	vge.f32 v11, v10;
	v13 =	vperm.xlane v34, v8  }
0x43a: {  	v36, v37, _ =	vpop (xrf1);
	v10 =	vsel vm1, v11, v10;
	v9 =	vsel vm1, v33, v9;
	v11 =	vperm.xlane v35, v8  }
0x43b: {  	(xrf1) =	vsort.dscd.msk.f32 $0xffff, v10, v9;
	vm1 =	vge.f32 v36, v13  }
0x43c: {  	v9 =	vsel vm1, v36, v13;
	v10 =	vsel vm1, v37, v11;
	v11 =	vmax.f32 v17, $0.0e+00  }
0x43d: {  	(xrf1) =	vsort.dscd.msk.f32 $0xffff, v9, v10;
	v9 =	vnsel vm0, $0x0, v11;
	_ =	sdelay $0x2  }
0x43e: {  	(xrf2) =	vadd.scan.msk.f32 $0xffff, v9;
	v9, v38, _ =	vpop (xrf1)  }
0x43f: {  	v39 =	vmax.f32 v9, $0.0e+00  }
0x440: {  	v9 =	vnsel vm0, $0x0, v39;
	_ =	sdelay $0x2  }
0x441: {  	v10, v14, _ =	vpop (xrf1);
	(xrf2) =	vadd.scan.msk.f32 $0xffff, v9  }
0x442: {  	v40 =	vmax.f32 v10, $0.0e+00;
	v10, v9, _ =	vpop (xrf1)  }
0x443: {  	v41 =	vnsel vm0, $0x0, v40;
	v10 =	vmax.f32 v10, $0.0e+00  }
0x444: {  	(xrf2) =	vadd.scan.msk.f32 $0xffff, v41;
	v42 =	vnsel vm0, $0x0, v10  }
0x445: {  	(xrf2) =	vadd.scan.msk.f32 $0xffff, v42;
	v44, v43, _ =	vpop (xrf1)  }
0x446: {  	v45, _, _ =	vpop (xrf2);
	v16 =	vmax.f32 v44, $0.0e+00  }
0x447: {  	(v2sf) =	vpush v45, $0xF;
	v46 =	vnsel vm0, $0x0, v16  }
0x448: {  	v48, v47, _ =	vpop (xrf1);
	(xrf2) =	vadd.scan.msk.f32 $0xffff, v46  }
0x449: {  	v49 =	vmax.f32 v48, $0.0e+00  }
0x44a: {  	v20 =	vnsel vm0, $0x0, v49  }
0x44b: {  	v50, _, _ =	vpop (xrf2);
	(xrf2) =	vadd.scan.msk.f32 $0xffff, v20  }
0x44c: {  	(v2sf) =	vpush v50, $0xF;
	_ =	sdelay $0x1  }
0x44d: {  	v51, _, _ =	vpop (xrf2)  }
0x44e: {  	v52, _, _ =	vpop (xrf2)  }
0x44f: {  	(v2sf) =	vpush v52, $0xF  }
0x450: {  	(v2sf) =	vpush v51, $0xF  }
0x451: {  	v53, _, _ =	vpop (xrf2)  }
0x452: {  	(v2sf) =	vpush v53, $0xF;
	_ =	sdelay $0x1  }
0x453: {  	v54, _, _ =	vpop (xrf2)  }
0x454: {  	s24 =	spop (v2sf);
	(v2sf) =	vpush v54, $0xF  }
0x455: {  	s3 =	sadd.f32 $9.999999680e-21, s24;
	_ =	sdelay $0x1  }
0x456: {  	v55 =	vmov s3  }
0x457: {  	(erf) = vrcp.f32 v55  }
0x458: {  	s26 =	spop (v2sf)  }
0x459: {  	s3 =	sadd.f32 $9.999999680e-21, s26;
	_ =	sdelay $0x1  }
0x45a: {  	v56 =	vmov s3  }
0x45b: {  	(erf) = vrcp.f32 v56;
	s28 =	spop (v2sf)  }
0x45c: {  	s29 =	sadd.f32 $9.999999680e-21, s28;
	s5 =	spop (v2sf)  }
0x45d: {  	s4 =	sadd.f32 $9.999999680e-21, s5  }
0x45e: {  	v57 =	vmov s29;
	s9 =	spop (v2sf)  }
0x45f: {  	v59 =	vpop (erf);
	v58 =	vmov s4;
	(erf) = vrcp.f32 v57;
	s3 =	sadd.f32 $9.999999680e-21, s9  }
0x460: {  	v11 =	vmul.f32 v59, v11;
	(erf) = vrcp.f32 v58  }
0x461: {  	[tilespmem:s1+$0xFFFFFFF0] =	vst.msk $0xff, v18;
	s22 =	spop (v2sf);
	v60 =	vmov s3  }
0x462: {  	[tilespmem:s8+$0xFFFFFFF0] =	vst.msk $0xff, v11;
	s3 =	sadd.f32 $9.999999680e-21, s22;
	(erf) = vrcp.f32 v60  }
0x463: {  	v61 =	vld [tilespmem:s30+$0xFFFFFF90]  }
0x464: {  	v62 =	vld [tilespmem:s30+$0xFFFFFF80];
	v28 =	vpop (erf);
	v11 =	vmov s3  }
0x465: {  	v63 =	vld [tilespmem:s30+$0xFFFFFFB0];
	v13 =	vmul.f32 v28, v39;
	(erf) = vrcp.f32 v11  }
0x466: {  	[tilespmem:s0+$0xFFFFFFF8] =	vst.msk $0xff, v38;
	v29 =	vld [tilespmem:s30+$0xFFFFFFA0]  }
0x467: {  	[tilespmem:s31+$0xFFFFFFF8] =	vst.msk $0xff, v13  }
0x468: {  	v13 =	vld [tilespmem:s25+$0x0];
	v11 =	vpop (erf)  }
0x469: {  	vm1 =	veq.f32 v61, $0.0e+00;
	v32 =	vld [tilespmem:s25+$0x10];
	v31 =	vpop (erf)  }
0x46a: {  	[tilespmem:s20+$0x0] =	vst.msk $0xff, v14;
	v30 =	vsel vm1, v2, v61;
	vm1 =	veq.f32 v63, $0.0e+00;
	v15 =	vmul.f32 v31, v40  }
0x46b: {  	vm2 =	veq.f32 v62, $0.0e+00;
	vm3 =	veq.f32 v29, $0.0e+00;
	v34 =	vld [tilespmem:s25+$0x30];
	(xrf1) =	vsort.dscd.msk.f32 $0xffff, v30, v3;
	v33 =	vsel vm1, v6, v63;
	v35 =	vpop (erf)  }
0x46c: {  	v36 =	vld [tilespmem:s25+$0x20];
	v20 =	vsel vm2, v0, v62;
	(xrf1) =	vsort.dscd.msk.f32 $0xffff, v33, v7;
	[tilespmem:s21+$0x0] =	vst.msk $0xff, v15;
	v14 =	vmul.f32 v35, v16  }
0x46d: {  	[tilespmem:s14+$0x10] =	vst.msk $0xff, v43;
	v37 =	vsel vm3, v4, v29;
	(xrf1) =	vsort.dscd.msk.f32 $0xffff, v20, v1;
	vm1 =	veq.f32 v13, $0.0e+00;
	v38 =	vld [tilespmem:s18+$0x90]  }
0x46e: {  	(xrf1) =	vsort.dscd.msk.f32 $0xffff, v37, v5;
	v13 =	vsel vm1, v0, v13;
	vm1 =	veq.f32 v32, $0.0e+00;
	v39 =	vld [tilespmem:s18+$0xB0];
	v40 =	vpop (erf);
	[tilespmem:s13+$0x10] =	vst.msk $0xff, v14  }
0x46f: {  	v12 =	vsel vm1, v2, v32;
	(xrf1) =	vsort.dscd.msk.f32 $0xffff, v13, v1;
	v41 =	vmul.f32 v40, v49;
	v42 =	vld [tilespmem:s19+$0x1B0]  }
0x470: {  	[tilespmem:s15+$0x8] =	vst.msk $0xff, v47;
	vm1 =	veq.f32 v34, $0.0e+00;
	(xrf1) =	vsort.dscd.msk.f32 $0xffff, v12, v3;
	v43 =	vld [tilespmem:s19+$0x190]  }
0x471: {  	vm2 =	veq.f32 v36, $0.0e+00;
	v44 =	vsel vm1, v6, v34;
	v45 =	vld [tilespmem:s19+$0x1A0];
	[tilespmem:s16+$0x8] =	vst.msk $0xff, v41  }
0x472: {  	v46 =	vsel vm2, v4, v36;
	(xrf1) =	vsort.dscd.msk.f32 $0xffff, v44, v7;
	v47 =	vld [tilespmem:s17+$0x130];
	vm1 =	veq.f32 v38, $0.0e+00  }
0x473: {  	v49 =	vld [tilespmem:s19+$0x180];
	(xrf1) =	vsort.dscd.msk.f32 $0xffff, v46, v5;
	v48 =	vsel vm1, v2, v38;
	vm1 =	veq.f32 v39, $0.0e+00  }
0x474: {  	v50 =	vld [tilespmem:s17+$0x110];
	v15 =	vsel vm1, v6, v39;
	(xrf1) =	vsort.dscd.msk.f32 $0xffff, v48, v3;
	vm1 =	veq.f32 v42, $0.0e+00  }
0x475: {  	v51 =	vld [tilespmem:s17+$0x120];
	vm2 =	veq.f32 v43, $0.0e+00;
	(xrf1) =	vsort.dscd.msk.f32 $0xffff, v15, v7;
	v17 =	vsel vm1, v6, v42  }
0x476: {  	v13 =	vsel vm2, v2, v43;
	vm1 =	veq.f32 v45, $0.0e+00;
	(xrf1) =	vsort.dscd.msk.f32 $0xffff, v17, v7  }
0x477: {  	v55 =	vld [tilespmem:s18+$0xA0];
	vm2 =	veq.f32 v47, $0.0e+00;
	v12 =	vsel vm1, v4, v45;
	(xrf1) =	vsort.dscd.msk.f32 $0xffff, v13, v3  }
0x478: {  	vm1 =	veq.f32 v49, $0.0e+00;
	v18 =	vsel vm2, v6, v47;
	(xrf1) =	vsort.dscd.msk.f32 $0xffff, v12, v5  }
0x479: {  	v52 =	vld [tilespmem:s17+$0x100];
	v54, v53, _ =	vpop (xrf1);
	vm2 =	veq.f32 v50, $0.0e+00;
	v16 =	vsel vm1, v0, v49;
	(xrf1) =	vsort.dscd.msk.f32 $0xffff, v18, v7  }
0x47a: {  	v58, v57, _ =	vpop (xrf1);
	vm1 =	veq.f32 v51, $0.0e+00;
	v14 =	vsel vm2, v2, v50;
	(xrf1) =	vsort.dscd.msk.f32 $0xffff, v16, v1  }
0x47b: {  	v62, v61, _ =	vpop (xrf1);
	v15 =	vsel vm1, v4, v51;
	(xrf1) =	vsort.dscd.msk.f32 $0xffff, v14, v3  }
0x47c: {  	v59 =	vld [tilespmem:s18+$0x80];
	vm15 =	veq.f32 v55, $0.0e+00;
	v13 =	vperm.xlane v54, v8;
	v25, v24, _ =	vpop (xrf1);
	(xrf1) =	vsort.dscd.msk.f32 $0xffff, v15, v5  }
0x47d: {  	v20 =	vsel vm15, v4, v55;
	v56 =	vperm.xlane v53, v8;
	v60 =	vperm.xlane v58, v8;
	v27, v28, _ =	vpop (xrf1)  }
0x47e: {  	v63 =	vperm.xlane v57, v8;
	vm2 =	veq.f32 v52, $0.0e+00;
	vm1 =	vge.f32 v62, v13;
	v16, v19, _ =	vpop (xrf1)  }
0x47f: {  	v26 =	vsel vm2, v0, v52;
	vm3 =	vge.f32 v25, v60;
	v19 =	vperm.xlane v19, v8  }
0x480: {  	v13 =	vsel vm1, v62, v13;
	v29 =	vsel vm3, v25, v60;
	(xrf1) =	vsort.dscd.msk.f32 $0xffff, v26, v1;
	v31, v32, _ =	vpop (xrf1)  }
0x481: {  	vm2 =	veq.f32 v59, $0.0e+00;
	v14 =	vsel vm3, v24, v63;
	v30 =	vperm.xlane v16, v8;
	(xrf1) =	vsort.dscd.msk.f32 $0xffff, v20, v5;
	v34, v35, _ =	vpop (xrf1)  }
0x482: {  	v33 =	vsel vm2, v0, v59;
	v15 =	vperm.xlane v31, v8;
	(xrf1) =	vsort.dscd.msk.f32 $0xffff, v29, v14;
	v37, v36, _ =	vpop (xrf1)  }
0x483: {  	v12 =	vsel vm1, v61, v56;
	vm1 =	vge.f32 v27, v30;
	(xrf1) =	vsort.dscd.msk.f32 $0xffff, v33, v1;
	v39, v40, _ =	vpop (xrf1)  }
0x484: {  	v16 =	vperm.xlane v32, v8;
	vm2 =	vge.f32 v34, v15;
	v41 =	vsel vm1, v28, v19;
	v18, v19, _ =	vpop (xrf1)  }
0x485: {  	v38 =	vsel vm1, v27, v30;
	v15 =	vsel vm2, v34, v15;
	(xrf1) =	vsort.dscd.msk.f32 $0xffff, v13, v12;
	v45, v44, _ =	vpop (xrf1)  }
0x486: {  	v16 =	vsel vm2, v35, v16;
	(xrf1) =	vsort.dscd.msk.f32 $0xffff, v38, v41;
	v43 =	vperm.xlane v18, v8;
	v49, v48, _ =	vpop (xrf1)  }
0x487: {  	(xrf1) =	vsort.dscd.msk.f32 $0xffff, v15, v16;
	v50, v51, _ =	vpop (xrf1)  }
0x488: {  	v47 =	vperm.xlane v19, v8;
	v18 =	vperm.xlane v45, v8;
	vm1 =	vge.f32 v49, v43;
	v52, v53, _ =	vpop (xrf1)  }
0x489: {  	v21 =	vperm.xlane v44, v8;
	v17 =	vsel vm1, v49, v43;
	v22 =	vperm.xlane v50, v8;
	v55, v54, _ =	vpop (xrf1)  }
0x48a: {  	v16 =	vsel vm1, v48, v47;
	v56 =	vperm.xlane v51, v8;
	vm1 =	vge.f32 v52, v18;
	v57, v58, _ =	vpop (xrf1)  }
0x48b: {  	v18 =	vsel vm1, v52, v18;
	v59 =	vsel vm1, v53, v21;
	vm1 =	vge.f32 v57, v22  }
0x48c: {  	(xrf1) =	vsort.dscd.msk.f32 $0xffff, v17, v16;
	v17 =	vsel vm1, v57, v22  }
0x48d: {  	v16 =	vsel vm1, v58, v56  }
0x48e: {  	v42 =	vperm.xlane v36, v8;
	v60 =	vperm.xlane v55, v8;
	v62, v21, _ =	vpop (xrf1)  }
0x48f: {  	v46 =	vperm.xlane v37, v8;
	v13 =	vperm.xlane v39, v8;
	(xrf1) =	vsort.dscd.msk.f32 $0xffff, v18, v59;
	v63, v24, _ =	vpop (xrf1)  }
0x490: {  	v61 =	vperm.xlane v54, v8;
	vm1 =	vge.f32 v62, v60;
	(xrf1) =	vsort.dscd.msk.f32 $0xffff, v17, v16;
	v16, v17, _ =	vpop (xrf1)  }
0x491: {  	v14 =	vperm.xlane v40, v8;
	vm2 =	vge.f32 v63, v13;
	v19 =	vsel vm1, v62, v60;
	v25, v26, _ =	vpop (xrf1)  }
0x492: {  	v18 =	vsel vm1, v21, v61;
	v13 =	vsel vm2, v63, v13;
	vm1 =	vge.f32 v25, v46  }
0x493: {  	v12 =	vsel vm1, v26, v42  }
0x494: {  	v14 =	vsel vm2, v24, v14;
	(xrf1) =	vsort.dscd.msk.f32 $0xffff, v19, v18  }
0x495: {  	(xrf1) =	vsort.dscd.msk.f32 $0xffff, v13, v14;
	v27 =	vsel vm1, v25, v46  }
0x496: {  	(xrf1) =	vsort.dscd.msk.f32 $0xffff, v27, v12;
	v12, v13, _ =	vpop (xrf1)  }
0x497: {  	v29, v30, _ =	vpop (xrf1)  }
0x498: {  	v28 =	vperm.xlane v16, v8;
	v18, v19, _ =	vpop (xrf1)  }
0x499: {  	v17 =	vperm.xlane v17, v8;
	v18 =	vperm.xlane v18, v8  }
0x49a: {  	vm1 =	vge.f32 v12, v28;
	v31 =	vperm.xlane v19, v8  }
0x49b: {  	v12 =	vsel vm1, v12, v28;
	v13 =	vsel vm1, v13, v17;
	vm1 =	vge.f32 v29, v18  }
0x49c: {  	(xrf1) =	vsort.dscd.msk.f32 $0xffff, v12, v13;
	v14 =	vsel vm1, v30, v31  }
0x49d: {  	v32, v33, _ =	vpop (xrf1)  }
0x49e: {  	v34 =	vperm.xlane v32, v8  }
0x49f: {  	v36 =	vperm.xlane v33, v8;
	v38, v37, _ =	vpop (xrf1);
	v35 =	vsel vm1, v29, v18  }
0x4a0: {  	vm1 =	vge.f32 v38, v34;
	(xrf1) =	vsort.dscd.msk.f32 $0xffff, v35, v14;
	v13, v14, _ =	vpop (xrf1)  }
0x4a1: {  	v12 =	vsel vm1, v38, v34;
	v15 =	vsel vm1, v37, v36;
	v13 =	vperm.xlane v13, v8  }
0x4a2: {  	(xrf1) =	vsort.dscd.msk.f32 $0xffff, v12, v15;
	v39 =	vperm.xlane v14, v8;
	v41, v40, _ =	vpop (xrf1)  }
0x4a3: {  	v42, v43, _ =	vpop (xrf1);
	vm1 =	vge.f32 v41, v13  }
0x4a4: {  	v16 =	vperm.xlane v42, v8;
	v13 =	vsel vm1, v41, v13;
	v12 =	vsel vm1, v40, v39  }
0x4a5: {  	v44 =	vperm.xlane v43, v8;
	v45, v46, _ =	vpop (xrf1);
	(xrf1) =	vsort.dscd.msk.f32 $0xffff, v13, v12  }
0x4a6: {  	vm1 =	vge.f32 v45, v16  }
0x4a7: {  	v47 =	vsel vm1, v45, v16;
	v48 =	vsel vm1, v46, v44  }
0x4a8: {  	(xrf1) =	vsort.dscd.msk.f32 $0xffff, v47, v48;
	_ =	sdelay $0x1  }
0x4a9: {  	v50, v49, _ =	vpop (xrf1)  }
0x4aa: {  	v51 =	vmax.f32 v50, $0.0e+00  }
0x4ab: {  	v12 =	vnsel vm0, $0x0, v51;
	_ =	sdelay $0x2  }
0x4ac: {  	(xrf2) =	vadd.scan.msk.f32 $0xffff, v12;
	v53, v52, _ =	vpop (xrf1)  }
0x4ad: {  	v54 =	vmax.f32 v53, $0.0e+00;
	v55, v12, _ =	vpop (xrf1)  }
0x4ae: {  	v56 =	vnsel vm0, $0x0, v54;
	v13 =	vmax.f32 v55, $0.0e+00  }
0x4af: {  	(xrf2) =	vadd.scan.msk.f32 $0xffff, v56;
	v57 =	vnsel vm0, $0x0, v13  }
0x4b0: {  	(xrf2) =	vadd.scan.msk.f32 $0xffff, v57;
	v59, v58, _ =	vpop (xrf1)  }
0x4b1: {  	v18 =	vmax.f32 v59, $0.0e+00  }
0x4b2: {  	v60 =	vnsel vm0, $0x0, v18  }
0x4b3: {  	v62, v61, _ =	vpop (xrf1);
	(xrf2) =	vadd.scan.msk.f32 $0xffff, v60  }
0x4b4: {  	v63 =	vmax.f32 v62, $0.0e+00  }
0x4b5: {  	v21 =	vnsel vm0, $0x0, v63  }
0x4b6: {  	v26, _, _ =	vpop (xrf2);
	(xrf2) =	vadd.scan.msk.f32 $0xffff, v21  }
0x4b7: {  	(v2sf) =	vpush v26, $0xF;
	_ =	sdelay $0x1  }
0x4b8: {  	v27, _, _ =	vpop (xrf2)  }
0x4b9: {  	v28, _, _ =	vpop (xrf2)  }
0x4ba: {  	(v2sf) =	vpush v28, $0xF  }
0x4bb: {  	(v2sf) =	vpush v27, $0xF  }
0x4bc: {  	v29, _, _ =	vpop (xrf2)  }
0x4bd: {  	(v2sf) =	vpush v29, $0xF;
	_ =	sdelay $0x1  }
0x4be: {  	v30, _, _ =	vpop (xrf2)  }
0x4bf: {  	(v2sf) =	vpush v30, $0xF;
	_ =	sdelay $0x4  }
0x4c0: {  	s23 =	spop (v2sf)  }
0x4c1: {  	s3 =	sadd.f32 $9.999999680e-21, s23;
	_ =	sdelay $0x1  }
0x4c2: {  	v31 =	vmov s3  }
0x4c3: {  	(erf) = vrcp.f32 v31;
	s24 =	spop (v2sf)  }
0x4c4: {  	s26 =	sadd.f32 $9.999999680e-21, s24;
	s28 =	spop (v2sf)  }
0x4c5: {  	s4 =	sadd.f32 $9.999999680e-21, s28  }
0x4c6: {  	v32 =	vmov s26;
	s29 =	spop (v2sf)  }
0x4c7: {  	v33 =	vmov s4;
	(erf) = vrcp.f32 v32;
	s3 =	sadd.f32 $9.999999680e-21, s29  }
0x4c8: {  	(erf) = vrcp.f32 v33  }
0x4c9: {  	s4 =	spop (v2sf);
	v34 =	vmov s3  }
0x4ca: {  	s3 =	sadd.f32 $9.999999680e-21, s4;
	(erf) = vrcp.f32 v34;
	_ =	sdelay $0x1  }
0x4cb: {  	v36 =	vpop (erf);
	v35 =	vmov s3  }
0x4cc: {  	v15 =	vmul.f32 v36, v51;
	(erf) = vrcp.f32 v35  }
0x4cd: {  	[tilespmem:s1+$0xFFFFFFF8] =	vst.msk $0xff, v49  }
0x4ce: {  	[tilespmem:s8+$0xFFFFFFF8] =	vst.msk $0xff, v15  }
0x4cf: {  	v15 =	vld [tilespmem:s30+$0x0];
	v14 =	vpop (erf)  }
0x4d0: {  	v38 =	vld [tilespmem:s30+$0x10];
	v37 =	vpop (erf)  }
0x4d1: {  	v39 =	vld [tilespmem:s30+$0x30];
	v17 =	vmul.f32 v37, v54  }
0x4d2: {  	[tilespmem:s0+$0x0] =	vst.msk $0xff, v52;
	v41 =	vld [tilespmem:s30+$0x20];
	v40 =	vpop (erf)  }
0x4d3: {  	[tilespmem:s31+$0x0] =	vst.msk $0xff, v17;
	v16 =	vmul.f32 v40, v18  }
0x4d4: {  	[tilespmem:s15+$0x10] =	vst.msk $0xff, v58;
	vm1 =	veq.f32 v15, $0.0e+00;
	v17 =	vld [tilespmem:s25+$0x90]  }
0x4d5: {  	v15 =	vsel vm1, v0, v15;
	vm1 =	veq.f32 v38, $0.0e+00;
	v42 =	vld [tilespmem:s25+$0xB0];
	v43 =	vpop (erf);
	[tilespmem:s16+$0x10] =	vst.msk $0xff, v16  }
0x4d6: {  	v46 =	vsel vm1, v2, v38;
	vm1 =	veq.f32 v39, $0.0e+00;
	(xrf1) =	vsort.dscd.msk.f32 $0xffff, v15, v1;
	v44 =	vmul.f32 v43, v63;
	v45 =	vld [tilespmem:s17+$0x1B0]  }
0x4d7: {  	[tilespmem:s20+$0x8] =	vst.msk $0xff, v61;
	vm2 =	veq.f32 v41, $0.0e+00;
	v21 =	vsel vm1, v6, v39;
	(xrf1) =	vsort.dscd.msk.f32 $0xffff, v46, v3;
	v47 =	vld [tilespmem:s17+$0x190]  }
0x4d8: {  	v49 =	vsel vm2, v4, v41;
	(xrf1) =	vsort.dscd.msk.f32 $0xffff, v21, v7;
	v48 =	vld [tilespmem:s17+$0x1A0];
	[tilespmem:s21+$0x8] =	vst.msk $0xff, v44  }
0x4d9: {  	(xrf1) =	vsort.dscd.msk.f32 $0xffff, v49, v5;
	vm1 =	veq.f32 v17, $0.0e+00;
	v50 =	vld [tilespmem:s18+$0x130]  }
0x4da: {  	v51 =	vld [tilespmem:s17+$0x180];
	v17 =	vsel vm1, v2, v17;
	vm1 =	veq.f32 v42, $0.0e+00  }
0x4db: {  	v18 =	vsel vm1, v6, v42;
	(xrf1) =	vsort.dscd.msk.f32 $0xffff, v17, v3;
	vm1 =	veq.f32 v45, $0.0e+00  }
0x4dc: {  	v52 =	vld [tilespmem:s18+$0x110];
	(xrf1) =	vsort.dscd.msk.f32 $0xffff, v18, v7;
	vm2 =	veq.f32 v47, $0.0e+00;
	v19 =	vsel vm1, v6, v45  }
0x4dd: {  	v53 =	vld [tilespmem:s18+$0x120];
	v15 =	vsel vm2, v2, v47;
	vm1 =	veq.f32 v48, $0.0e+00;
	(xrf1) =	vsort.dscd.msk.f32 $0xffff, v19, v7  }
0x4de: {  	v54 =	vld [tilespmem:s18+$0x100];
	vm2 =	veq.f32 v50, $0.0e+00;
	v16 =	vsel vm1, v4, v48;
	(xrf1) =	vsort.dscd.msk.f32 $0xffff, v15, v3  }
0x4df: {  	v55 =	vld [tilespmem:s25+$0xA0];
	vm1 =	veq.f32 v51, $0.0e+00;
	v21 =	vsel vm2, v6, v50;
	(xrf1) =	vsort.dscd.msk.f32 $0xffff, v16, v5  }
0x4e0: {  	v57 =	vld [tilespmem:s25+$0x80];
	v56 =	vsel vm1, v0, v51;
	(xrf1) =	vsort.dscd.msk.f32 $0xffff, v21, v7  }
0x4e1: {  	vm2 =	veq.f32 v52, $0.0e+00;
	(xrf1) =	vsort.dscd.msk.f32 $0xffff, v56, v1  }
0x4e2: {  	vm1 =	veq.f32 v53, $0.0e+00;
	v17 =	vsel vm2, v2, v52  }
0x4e3: {  	v58 =	vsel vm1, v4, v53;
	vm1 =	veq.f32 v54, $0.0e+00;
	(xrf1) =	vsort.dscd.msk.f32 $0xffff, v17, v3  }
0x4e4: {  	vm2 =	veq.f32 v55, $0.0e+00;
	v61, v60, _ =	vpop (xrf1);
	v59 =	vsel vm1, v0, v54;
	(xrf1) =	vsort.dscd.msk.f32 $0xffff, v58, v5  }
0x4e5: {  	v15 =	vsel vm2, v4, v55;
	v62, v19, _ =	vpop (xrf1);
	vm1 =	veq.f32 v57, $0.0e+00;
	(xrf1) =	vsort.dscd.msk.f32 $0xffff, v59, v1  }
0x4e6: {  	v27, v26, _ =	vpop (xrf1);
	v20 =	vsel vm1, v0, v57;
	(xrf1) =	vsort.dscd.msk.f32 $0xffff, v15, v5  }
0x4e7: {  	v29, v28, _ =	vpop (xrf1);
	(xrf1) =	vsort.dscd.msk.f32 $0xffff, v20, v1  }
0x4e8: {  	v63 =	vperm.xlane v62, v8;
	v16 =	vperm.xlane v27, v8  }
0x4e9: {  	v19 =	vperm.xlane v19, v8;
	v32, v31, _ =	vpop (xrf1)  }
0x4ea: {  	v30 =	vperm.xlane v26, v8;
	vm1 =	vge.f32 v61, v63;
	vm2 =	vge.f32 v29, v16;
	v34, v33, _ =	vpop (xrf1)  }
0x4eb: {  	v18 =	vsel vm1, v60, v19;
	v15 =	vsel vm1, v61, v63;
	v16 =	vsel vm2, v29, v16;
	v37, v36, _ =	vpop (xrf1)  }
0x4ec: {  	v35 =	vsel vm2, v28, v30;
	(xrf1) =	vsort.dscd.msk.f32 $0xffff, v15, v18;
	v39 =	vperm.xlane v37, v8;
	v41, v40, _ =	vpop (xrf1)  }
0x4ed: {  	(xrf1) =	vsort.dscd.msk.f32 $0xffff, v16, v35;
	v43 =	vperm.xlane v36, v8;
	v44, v45, _ =	vpop (xrf1)  }
0x4ee: {  	v20 =	vperm.xlane v41, v8;
	v23 =	vperm.xlane v40, v8;
	v47, v46, _ =	vpop (xrf1);
	vm1 =	vge.f32 v44, v39  }
0x4ef: {  	v18 =	vsel vm1, v44, v39;
	v19 =	vsel vm1, v45, v43;
	v48, v49, _ =	vpop (xrf1)  }
0x4f0: {  	vm1 =	vge.f32 v48, v20;
	(xrf1) =	vsort.dscd.msk.f32 $0xffff, v18, v19  }
0x4f1: {  	v24 =	vperm.xlane v47, v8;
	v50, v51, _ =	vpop (xrf1);
	v20 =	vsel vm1, v48, v20;
	v55 =	vsel vm1, v49, v23  }
0x4f2: {  	v38 =	vperm.xlane v31, v8;
	v52 =	vperm.xlane v46, v8;
	v53, v54, _ =	vpop (xrf1);
	(xrf1) =	vsort.dscd.msk.f32 $0xffff, v20, v55  }
0x4f3: {  	v42 =	vperm.xlane v32, v8;
	v56 =	vperm.xlane v50, v8;
	vm1 =	vge.f32 v53, v24;
	v58, v23, _ =	vpop (xrf1)  }
0x4f4: {  	v57 =	vperm.xlane v51, v8;
	v19 =	vsel vm1, v53, v24;
	v18 =	vsel vm1, v54, v52;
	v61, v60, _ =	vpop (xrf1)  }
0x4f5: {  	v17 =	vperm.xlane v34, v8;
	vm1 =	vge.f32 v58, v56;
	(xrf1) =	vsort.dscd.msk.f32 $0xffff, v19, v18;
	v21, v22, _ =	vpop (xrf1)  }
0x4f6: {  	v62 =	vsel vm1, v58, v56;
	v63 =	vsel vm1, v23, v57;
	vm1 =	vge.f32 v21, v42  }
0x4f7: {  	v59 =	vperm.xlane v33, v8;
	v16 =	vsel vm1, v21, v42  }
0x4f8: {  	vm2 =	vge.f32 v61, v17;
	(xrf1) =	vsort.dscd.msk.f32 $0xffff, v62, v63;
	v15 =	vsel vm1, v22, v38  }
0x4f9: {  	v17 =	vsel vm2, v61, v17;
	v25 =	vsel vm2, v60, v59  }
0x4fa: {  	(xrf1) =	vsort.dscd.msk.f32 $0xffff, v17, v25  }
0x4fb: {  	(xrf1) =	vsort.dscd.msk.f32 $0xffff, v16, v15;
	v15, v16, _ =	vpop (xrf1)  }
0x4fc: {  	v27, v26, _ =	vpop (xrf1)  }
0x4fd: {  	v17 =	vperm.xlane v27, v8  }
0x4fe: {  	v18 =	vperm.xlane v26, v8;
	v28, v29, _ =	vpop (xrf1)  }
0x4ff: {  	vm1 =	vge.f32 v15, v17;
	v19 =	vperm.xlane v28, v8  }
0x500: {  	v16 =	vsel vm1, v16, v18;
	v31, v32, _ =	vpop (xrf1)  }
0x501: {  	v15 =	vsel vm1, v15, v17;
	v30 =	vperm.xlane v29, v8;
	vm1 =	vge.f32 v31, v19  }
0x502: {  	v18 =	vsel vm1, v31, v19  }
0x503: {  	v17 =	vsel vm1, v32, v30  }
0x504: {  	(xrf1) =	vsort.dscd.msk.f32 $0xffff, v15, v16;
	v15, v16, _ =	vpop (xrf1)  }
0x505: {  	v15 =	vperm.xlane v15, v8  }
0x506: {  	(xrf1) =	vsort.dscd.msk.f32 $0xffff, v18, v17;
	v16 =	vperm.xlane v16, v8;
	v17, v18, _ =	vpop (xrf1)  }
0x507: {  	vm1 =	vge.f32 v17, v15  }
0x508: {  	v15 =	vsel vm1, v17, v15;
	v16 =	vsel vm1, v18, v16  }
0x509: {  	v33, v34, _ =	vpop (xrf1);
	(xrf1) =	vsort.dscd.msk.f32 $0xffff, v15, v16;
	_ =	sdelay $0x1  }
0x50a: {  	v19 =	vperm.xlane v33, v8  }
0x50b: {  	v35 =	vperm.xlane v34, v8;
	v36, v37, _ =	vpop (xrf1)  }
0x50c: {  	vm1 =	vge.f32 v36, v19  }
0x50d: {  	v38 =	vsel vm1, v36, v19;
	v39 =	vsel vm1, v37, v35  }
0x50e: {  	(xrf1) =	vsort.dscd.msk.f32 $0xffff, v38, v39;
	_ =	sdelay $0x3  }
0x50f: {  	v40, v18, _ =	vpop (xrf1)  }
0x510: {  	v41 =	vmax.f32 v40, $0.0e+00;
	v42, v15, _ =	vpop (xrf1)  }
0x511: {  	v43 =	vnsel vm0, $0x0, v41;
	v16 =	vmax.f32 v42, $0.0e+00  }
0x512: {  	(xrf2) =	vadd.scan.msk.f32 $0xffff, v43;
	v44 =	vnsel vm0, $0x0, v16  }
0x513: {  	(xrf2) =	vadd.scan.msk.f32 $0xffff, v44;
	v46, v45, _ =	vpop (xrf1)  }
0x514: {  	v47 =	vmax.f32 v46, $0.0e+00  }
0x515: {  	v17 =	vnsel vm0, $0x0, v47  }
0x516: {  	(xrf2) =	vadd.scan.msk.f32 $0xffff, v17;
	_ =	sdelay $0x2  }
0x517: {  	v49, v48, _ =	vpop (xrf1)  }
0x518: {  	v22 =	vmax.f32 v49, $0.0e+00  }
0x519: {  	v50 =	vnsel vm0, $0x0, v22  }
0x51a: {  	v51, _, _ =	vpop (xrf2);
	(xrf2) =	vadd.scan.msk.f32 $0xffff, v50  }
0x51b: {  	v52, _, _ =	vpop (xrf2)  }
0x51c: {  	(v2sf) =	vpush v52, $0xF  }
0x51d: {  	(v2sf) =	vpush v51, $0xF  }
0x51e: {  	v53, _, _ =	vpop (xrf2)  }
0x51f: {  	(v2sf) =	vpush v53, $0xF;
	_ =	sdelay $0x4  }
0x520: {  	v54, _, _ =	vpop (xrf2)  }
0x521: {  	(v2sf) =	vpush v54, $0xF;
	_ =	sdelay $0x5  }
0x522: {  	s5 =	spop (v2sf)  }
0x523: {  	s3 =	sadd.f32 $9.999999680e-21, s5;
	s9 =	spop (v2sf)  }
0x524: {  	s4 =	sadd.f32 $9.999999680e-21, s9  }
0x525: {  	v55 =	vmov s3;
	s17 =	spop (v2sf)  }
0x526: {  	v56 =	vmov s4;
	(erf) = vrcp.f32 v55;
	s3 =	sadd.f32 $9.999999680e-21, s17  }
0x527: {  	(erf) = vrcp.f32 v56  }
0x528: {  	v57 =	vmov s3  }
0x529: {  	(erf) = vrcp.f32 v57;
	_ =	sdelay $0x1  }
0x52a: {  	s19 =	spop (v2sf)  }
0x52b: {  	s3 =	sadd.f32 $9.999999680e-21, s19;
	_ =	sdelay $0x1  }
0x52c: {  	v58 =	vmov s3  }
0x52d: {  	(erf) = vrcp.f32 v58;
	v17 =	vpop (erf)  }
0x52e: {  	v24 =	vpop (erf)  }
0x52f: {  	v19 =	vmul.f32 v24, v41  }
0x530: {  	[tilespmem:s1+$0x0] =	vst.msk $0xff, v18;
	v59 =	vpop (erf)  }
0x531: {  	[tilespmem:s8+$0x0] =	vst.msk $0xff, v19;
	v18 =	vmul.f32 v59, v47  }
0x532: {  	[tilespmem:s20+$0x10] =	vst.msk $0xff, v45;
	v19 =	vld [tilespmem:s30+$0x90]  }
0x533: {  	v60 =	vld [tilespmem:s30+$0xB0];
	[tilespmem:s21+$0x10] =	vst.msk $0xff, v18  }
0x534: {  	v63 =	vld [tilespmem:s18+$0x1B0]  }
0x535: {  	v28 =	vld [tilespmem:s18+$0x190]  }
0x536: {  	v61 =	vpop (erf);
	v29 =	vld [tilespmem:s18+$0x1A0]  }
0x537: {  	v62 =	vmul.f32 v61, v22;
	vm1 =	veq.f32 v19, $0.0e+00  }
0x538: {  	[tilespmem:s0+$0x8] =	vst.msk $0xff, v48;
	v19 =	vsel vm1, v2, v19;
	vm1 =	veq.f32 v60, $0.0e+00  }
0x539: {  	[tilespmem:s31+$0x8] =	vst.msk $0xff, v62;
	v20 =	vsel vm1, v6, v60;
	(xrf1) =	vsort.dscd.msk.f32 $0xffff, v19, v3;
	vm1 =	veq.f32 v63, $0.0e+00  }
0x53a: {  	v23 =	vld [tilespmem:s25+$0x130];
	(xrf1) =	vsort.dscd.msk.f32 $0xffff, v20, v7;
	vm2 =	veq.f32 v28, $0.0e+00;
	v21 =	vsel vm1, v6, v63  }
0x53b: {  	v30 =	vld [tilespmem:s18+$0x180];
	v22 =	vsel vm2, v2, v28;
	vm1 =	veq.f32 v29, $0.0e+00;
	(xrf1) =	vsort.dscd.msk.f32 $0xffff, v21, v7  }
0x53c: {  	v31 =	vld [tilespmem:s25+$0x110];
	v18 =	vsel vm1, v4, v29;
	(xrf1) =	vsort.dscd.msk.f32 $0xffff, v22, v3  }
0x53d: {  	v32 =	vld [tilespmem:s25+$0x120];
	(xrf1) =	vsort.dscd.msk.f32 $0xffff, v18, v5;
	_ =	sdelay $0x1  }
0x53e: {  	v33 =	vld [tilespmem:s25+$0x100];
	vm2 =	veq.f32 v23, $0.0e+00  }
0x53f: {  	vm1 =	veq.f32 v30, $0.0e+00;
	v23 =	vsel vm2, v6, v23  }
0x540: {  	v35 =	vsel vm1, v0, v30;
	vm2 =	veq.f32 v31, $0.0e+00;
	(xrf1) =	vsort.dscd.msk.f32 $0xffff, v23, v7  }
0x541: {  	v34 =	vld [tilespmem:s30+$0xA0];
	vm1 =	veq.f32 v32, $0.0e+00;
	v19 =	vsel vm2, v2, v31;
	(xrf1) =	vsort.dscd.msk.f32 $0xffff, v35, v1  }
0x542: {  	v37 =	vsel vm1, v4, v32;
	(xrf1) =	vsort.dscd.msk.f32 $0xffff, v19, v3  }
0x543: {  	vm1 =	veq.f32 v33, $0.0e+00;
	(xrf1) =	vsort.dscd.msk.f32 $0xffff, v37, v5  }
0x544: {  	v36 =	vld [tilespmem:s30+$0x80];
	v38 =	vsel vm1, v0, v33  }
0x545: {  	(xrf1) =	vsort.dscd.msk.f32 $0xffff, v38, v1  }
0x546: {  	vm2 =	veq.f32 v34, $0.0e+00;
	v42, v41, _ =	vpop (xrf1)  }
0x547: {  	v39 =	vsel vm2, v4, v34;
	v43, v44, _ =	vpop (xrf1)  }
0x548: {  	(xrf1) =	vsort.dscd.msk.f32 $0xffff, v39, v5;
	v45, v46, _ =	vpop (xrf1)  }
0x549: {  	vm1 =	veq.f32 v36, $0.0e+00;
	v22 =	vperm.xlane v45, v8;
	v48, v47, _ =	vpop (xrf1)  }
0x54a: {  	v40 =	vsel vm1, v0, v36;
	v23 =	vperm.xlane v46, v8;
	v50, v49, _ =	vpop (xrf1)  }
0x54b: {  	(xrf1) =	vsort.dscd.msk.f32 $0xffff, v40, v1;
	vm1 =	vge.f32 v50, v22  }
0x54c: {  	v23 =	vsel vm1, v49, v23  }
0x54d: {  	v22 =	vsel vm1, v50, v22  }
0x54e: {  	v24 =	vperm.xlane v48, v8;
	v52, v51, _ =	vpop (xrf1)  }
0x54f: {  	v25 =	vperm.xlane v47, v8;
	v53, v54, _ =	vpop (xrf1)  }
0x550: {  	v28 =	vperm.xlane v52, v8;
	(xrf1) =	vsort.dscd.msk.f32 $0xffff, v22, v23;
	vm1 =	vge.f32 v53, v24;
	v22, v23, _ =	vpop (xrf1)  }
0x551: {  	v29 =	vperm.xlane v51, v8;
	v24 =	vsel vm1, v53, v24;
	v25 =	vsel vm1, v54, v25;
	v55, v56, _ =	vpop (xrf1)  }
0x552: {  	(xrf1) =	vsort.dscd.msk.f32 $0xffff, v24, v25;
	v22 =	vperm.xlane v22, v8;
	vm1 =	vge.f32 v55, v28  }
0x553: {  	v23 =	vperm.xlane v23, v8;
	v59, v60, _ =	vpop (xrf1);
	v57 =	vsel vm1, v55, v28;
	v58 =	vsel vm1, v56, v29  }
0x554: {  	vm1 =	vge.f32 v59, v22;
	(xrf1) =	vsort.dscd.msk.f32 $0xffff, v57, v58  }
0x555: {  	v20 =	vperm.xlane v43, v8;
	v22 =	vsel vm1, v59, v22;
	v23 =	vsel vm1, v60, v23  }
0x556: {  	v21 =	vperm.xlane v44, v8;
	v61, v62, _ =	vpop (xrf1);
	(xrf1) =	vsort.dscd.msk.f32 $0xffff, v22, v23  }
0x557: {  	vm2 =	vge.f32 v61, v20  }
0x558: {  	v18 =	vperm.xlane v42, v8;
	v20 =	vsel vm2, v61, v20;
	v21 =	vsel vm2, v62, v21  }
0x559: {  	v19 =	vperm.xlane v41, v8;
	v24, v25, _ =	vpop (xrf1);
	(xrf1) =	vsort.dscd.msk.f32 $0xffff, v20, v21  }
0x55a: {  	vm1 =	vge.f32 v24, v18  }
0x55b: {  	v18 =	vsel vm1, v24, v18;
	v19 =	vsel vm1, v25, v19  }
0x55c: {  	(xrf1) =	vsort.dscd.msk.f32 $0xffff, v18, v19;
	_ =	sdelay $0x2  }
0x55d: {  	v18, v19, _ =	vpop (xrf1)  }
0x55e: {  	v18 =	vperm.xlane v18, v8  }
0x55f: {  	v19 =	vperm.xlane v19, v8;
	v20, v21, _ =	vpop (xrf1)  }
0x560: {  	vm1 =	vge.f32 v20, v18;
	v22, v23, _ =	vpop (xrf1)  }
0x561: {  	v19 =	vsel vm1, v21, v19;
	v22 =	vperm.xlane v22, v8  }
0x562: {  	v18 =	vsel vm1, v20, v18;
	v63 =	vperm.xlane v23, v8;
	v24, v25, _ =	vpop (xrf1)  }
0x563: {  	vm1 =	vge.f32 v24, v22  }
0x564: {  	(xrf1) =	vsort.dscd.msk.f32 $0xffff, v18, v19;
	v21 =	vsel vm1, v24, v22;
	v20 =	vsel vm1, v25, v63  }
0x565: {  	v18, v19, _ =	vpop (xrf1);
	(xrf1) =	vsort.dscd.msk.f32 $0xffff, v21, v20;
	_ =	sdelay $0x1  }
0x566: {  	v18 =	vperm.xlane v18, v8  }
0x567: {  	v19 =	vperm.xlane v19, v8;
	v26, v27, _ =	vpop (xrf1)  }
0x568: {  	vm1 =	vge.f32 v26, v18  }
0x569: {  	v18 =	vsel vm1, v26, v18;
	v19 =	vsel vm1, v27, v19  }
0x56a: {  	(xrf1) =	vsort.dscd.msk.f32 $0xffff, v18, v19;
	_ =	sdelay $0x6  }
0x56b: {  	v19, v18, _ =	vpop (xrf1)  }
0x56c: {  	v19 =	vmax.f32 v19, $0.0e+00;
	v20, v21, _ =	vpop (xrf1)  }
0x56d: {  	v28 =	vnsel vm0, $0x0, v19;
	v29 =	vmax.f32 v20, $0.0e+00  }
0x56e: {  	(xrf2) =	vadd.scan.msk.f32 $0xffff, v28;
	v20 =	vnsel vm0, $0x0, v29  }
0x56f: {  	(xrf2) =	vadd.scan.msk.f32 $0xffff, v20;
	_ =	sdelay $0x2  }
0x570: {  	v31, v30, _ =	vpop (xrf1)  }
0x571: {  	v22 =	vmax.f32 v31, $0.0e+00  }
0x572: {  	v32 =	vnsel vm0, $0x0, v22  }
0x573: {  	(xrf2) =	vadd.scan.msk.f32 $0xffff, v32;
	_ =	sdelay $0x2  }
0x574: {  	v33, _, _ =	vpop (xrf2)  }
0x575: {  	(v2sf) =	vpush v33, $0xF;
	v34, _, _ =	vpop (xrf2)  }
0x576: {  	(v2sf) =	vpush v34, $0xF;
	_ =	sdelay $0x4  }
0x577: {  	v35, _, _ =	vpop (xrf2)  }
0x578: {  	(v2sf) =	vpush v35, $0xF;
	_ =	sdelay $0x7  }
0x579: {  	s22 =	spop (v2sf)  }
0x57a: {  	s3 =	sadd.f32 $9.999999680e-21, s22;
	s23 =	spop (v2sf)  }
0x57b: {  	s4 =	sadd.f32 $9.999999680e-21, s23  }
0x57c: {  	v36 =	vmov s3  }
0x57d: {  	(erf) = vrcp.f32 v36;
	v37 =	vmov s4  }
0x57e: {  	(erf) = vrcp.f32 v37;
	_ =	sdelay $0x1  }
0x57f: {  	s24 =	spop (v2sf)  }
0x580: {  	s3 =	sadd.f32 $9.999999680e-21, s24;
	_ =	sdelay $0x1  }
0x581: {  	v38 =	vmov s3  }
0x582: {  	(erf) = vrcp.f32 v38;
	_ =	sdelay $0x1  }
0x583: {  	v20 =	vpop (erf)  }
0x584: {  	v39 =	vpop (erf)  }
0x585: {  	v23 =	vmul.f32 v39, v29  }
0x586: {  	[tilespmem:s0+$0x10] =	vst.msk $0xff, v21  }
0x587: {  	[tilespmem:s31+$0x10] =	vst.msk $0xff, v23  }
0x588: {  	v41 =	vld [tilespmem:s25+$0x1B0]  }
0x589: {  	v23 =	vld [tilespmem:s25+$0x190]  }
0x58a: {  	v40 =	vpop (erf);
	v42 =	vld [tilespmem:s25+$0x1A0]  }
0x58b: {  	v21 =	vmul.f32 v40, v22  }
0x58c: {  	[tilespmem:s1+$0x8] =	vst.msk $0xff, v30  }
0x58d: {  	[tilespmem:s8+$0x8] =	vst.msk $0xff, v21;
	vm1 =	veq.f32 v41, $0.0e+00  }
0x58e: {  	v24 =	vld [tilespmem:s30+$0x130];
	vm2 =	veq.f32 v23, $0.0e+00;
	v22 =	vsel vm1, v6, v41  }
0x58f: {  	v43 =	vld [tilespmem:s25+$0x180];
	v23 =	vsel vm2, v2, v23;
	vm1 =	veq.f32 v42, $0.0e+00;
	(xrf1) =	vsort.dscd.msk.f32 $0xffff, v22, v7  }
0x590: {  	v44 =	vld [tilespmem:s30+$0x110];
	v21 =	vsel vm1, v4, v42;
	(xrf1) =	vsort.dscd.msk.f32 $0xffff, v23, v3  }
0x591: {  	v45 =	vld [tilespmem:s30+$0x120];
	(xrf1) =	vsort.dscd.msk.f32 $0xffff, v21, v5;
	_ =	sdelay $0x1  }
0x592: {  	v46 =	vld [tilespmem:s30+$0x100];
	vm2 =	veq.f32 v24, $0.0e+00  }
0x593: {  	vm1 =	veq.f32 v43, $0.0e+00;
	v47 =	vsel vm2, v6, v24  }
0x594: {  	vm2 =	veq.f32 v44, $0.0e+00;
	v48 =	vsel vm1, v0, v43;
	(xrf1) =	vsort.dscd.msk.f32 $0xffff, v47, v7  }
0x595: {  	vm1 =	veq.f32 v45, $0.0e+00;
	v49 =	vsel vm2, v2, v44;
	(xrf1) =	vsort.dscd.msk.f32 $0xffff, v48, v1  }
0x596: {  	v50 =	vsel vm1, v4, v45;
	(xrf1) =	vsort.dscd.msk.f32 $0xffff, v49, v3  }
0x597: {  	vm1 =	veq.f32 v46, $0.0e+00;
	(xrf1) =	vsort.dscd.msk.f32 $0xffff, v50, v5  }
0x598: {  	v51 =	vsel vm1, v0, v46  }
0x599: {  	(xrf1) =	vsort.dscd.msk.f32 $0xffff, v51, v1;
	_ =	sdelay $0x2  }
0x59a: {  	v52, v22, _ =	vpop (xrf1)  }
0x59b: {  	v21 =	vperm.xlane v52, v8;
	v54, v53, _ =	vpop (xrf1)  }
0x59c: {  	v22 =	vperm.xlane v22, v8;
	v55, v56, _ =	vpop (xrf1)  }
0x59d: {  	vm1 =	vge.f32 v55, v21  }
0x59e: {  	v22 =	vsel vm1, v56, v22  }
0x59f: {  	v21 =	vsel vm1, v55, v21  }
0x5a0: {  	v23 =	vperm.xlane v54, v8;
	v58, v57, _ =	vpop (xrf1)  }
0x5a1: {  	v24 =	vperm.xlane v53, v8;
	v59, v60, _ =	vpop (xrf1)  }
0x5a2: {  	v27 =	vperm.xlane v58, v8;
	(xrf1) =	vsort.dscd.msk.f32 $0xffff, v21, v22;
	vm1 =	vge.f32 v59, v23;
	v21, v22, _ =	vpop (xrf1)  }
0x5a3: {  	v28 =	vperm.xlane v57, v8;
	v23 =	vsel vm1, v59, v23;
	v24 =	vsel vm1, v60, v24;
	v62, v61, _ =	vpop (xrf1)  }
0x5a4: {  	(xrf1) =	vsort.dscd.msk.f32 $0xffff, v23, v24;
	v21 =	vperm.xlane v21, v8;
	vm1 =	vge.f32 v62, v27  }
0x5a5: {  	v22 =	vperm.xlane v22, v8;
	v31, v30, _ =	vpop (xrf1);
	v63 =	vsel vm1, v62, v27;
	v29 =	vsel vm1, v61, v28  }
0x5a6: {  	vm1 =	vge.f32 v31, v21;
	(xrf1) =	vsort.dscd.msk.f32 $0xffff, v63, v29  }
0x5a7: {  	v21 =	vsel vm1, v31, v21;
	v22 =	vsel vm1, v30, v22  }
0x5a8: {  	(xrf1) =	vsort.dscd.msk.f32 $0xffff, v21, v22;
	_ =	sdelay $0x9  }
0x5a9: {  	v21, v22, _ =	vpop (xrf1)  }
0x5aa: {  	v23, v24, _ =	vpop (xrf1)  }
0x5ab: {  	v21 =	vperm.xlane v21, v8;
	v32, v33, _ =	vpop (xrf1)  }
0x5ac: {  	v22 =	vperm.xlane v22, v8;
	v25 =	vperm.xlane v32, v8  }
0x5ad: {  	vm1 =	vge.f32 v23, v21;
	v26 =	vperm.xlane v33, v8;
	v34, v35, _ =	vpop (xrf1)  }
0x5ae: {  	v21 =	vsel vm1, v23, v21;
	v22 =	vsel vm1, v24, v22;
	vm1 =	vge.f32 v34, v25  }
0x5af: {  	(xrf1) =	vsort.dscd.msk.f32 $0xffff, v21, v22;
	v36 =	vsel vm1, v34, v25;
	v37 =	vsel vm1, v35, v26  }
0x5b0: {  	(xrf1) =	vsort.dscd.msk.f32 $0xffff, v36, v37;
	_ =	sdelay $0xc  }
0x5b1: {  	v21, v22, _ =	vpop (xrf1)  }
0x5b2: {  	v21 =	vmax.f32 v21, $0.0e+00;
	v38, v39, _ =	vpop (xrf1)  }
0x5b3: {  	v40 =	vnsel vm0, $0x0, v21;
	v23 =	vmax.f32 v38, $0.0e+00  }
0x5b4: {  	(xrf2) =	vadd.scan.msk.f32 $0xffff, v40;
	v41 =	vnsel vm0, $0x0, v23  }
0x5b5: {  	(xrf2) =	vadd.scan.msk.f32 $0xffff, v41;
	_ =	sdelay $0x8  }
0x5b6: {  	v42, _, _ =	vpop (xrf2)  }
0x5b7: {  	(v2sf) =	vpush v42, $0xF;
	v43, _, _ =	vpop (xrf2)  }
0x5b8: {  	(v2sf) =	vpush v43, $0xF;
	_ =	sdelay $0xd  }
0x5b9: {  	s25 =	spop (v2sf)  }
0x5ba: {  	s3 =	sadd.f32 $9.999999680e-21, s25;
	s26 =	spop (v2sf)  }
0x5bb: {  	s4 =	sadd.f32 $9.999999680e-21, s26  }
0x5bc: {  	v44 =	vmov s3  }
0x5bd: {  	(erf) = vrcp.f32 v44;
	v45 =	vmov s4  }
0x5be: {  	(erf) = vrcp.f32 v45;
	_ =	sdelay $0x7  }
0x5bf: {  	v25 =	vpop (erf)  }
0x5c0: {  	v26 =	vpop (erf)  }
0x5c1: {  	v23 =	vmul.f32 v26, v23  }
0x5c2: {  	[tilespmem:s1+$0x10] =	vst.msk $0xff, v39  }
0x5c3: {  	[tilespmem:s8+$0x10] =	vst.msk $0xff, v23  }
0x5c4: {  	v23 =	vld [tilespmem:s30+$0x1B0]  }
0x5c5: {  	v24 =	vld [tilespmem:s30+$0x190]  }
0x5c6: {  	v46 =	vld [tilespmem:s30+$0x1A0];
	_ =	sdelay $0x1  }
0x5c7: {  	v47 =	vld [tilespmem:s30+$0x180]  }
0x5c8: {  	vm1 =	veq.f32 v23, $0.0e+00  }
0x5c9: {  	vm2 =	veq.f32 v24, $0.0e+00;
	v23 =	vsel vm1, v6, v23  }
0x5ca: {  	v24 =	vsel vm2, v2, v24;
	vm1 =	veq.f32 v46, $0.0e+00;
	(xrf1) =	vsort.dscd.msk.f32 $0xffff, v23, v7  }
0x5cb: {  	v48 =	vsel vm1, v4, v46;
	(xrf1) =	vsort.dscd.msk.f32 $0xffff, v24, v3  }
0x5cc: {  	vm1 =	veq.f32 v47, $0.0e+00;
	(xrf1) =	vsort.dscd.msk.f32 $0xffff, v48, v5  }
0x5cd: {  	v49 =	vsel vm1, v0, v47  }
0x5ce: {  	(xrf1) =	vsort.dscd.msk.f32 $0xffff, v49, v1;
	_ =	sdelay $0x9  }
0x5cf: {  	v51, v50, _ =	vpop (xrf1)  }
0x5d0: {  	v23 =	vperm.xlane v51, v8;
	v52, v53, _ =	vpop (xrf1)  }
0x5d1: {  	v24 =	vperm.xlane v50, v8;
	v55, v54, _ =	vpop (xrf1)  }
0x5d2: {  	v26 =	vperm.xlane v52, v8;
	vm1 =	vge.f32 v55, v23  }
0x5d3: {  	v27 =	vperm.xlane v53, v8;
	v56, v57, _ =	vpop (xrf1);
	v23 =	vsel vm1, v55, v23;
	v24 =	vsel vm1, v54, v24  }
0x5d4: {  	vm1 =	vge.f32 v56, v26;
	(xrf1) =	vsort.dscd.msk.f32 $0xffff, v23, v24  }
0x5d5: {  	v58 =	vsel vm1, v56, v26;
	v59 =	vsel vm1, v57, v27  }
0x5d6: {  	(xrf1) =	vsort.dscd.msk.f32 $0xffff, v58, v59;
	_ =	sdelay $0xb  }
0x5d7: {  	v23, v24, _ =	vpop (xrf1)  }
0x5d8: {  	v23 =	vperm.xlane v23, v8  }
0x5d9: {  	v24 =	vperm.xlane v24, v8;
	v60, v61, _ =	vpop (xrf1)  }
0x5da: {  	vm1 =	vge.f32 v60, v23  }
0x5db: {  	v23 =	vsel vm1, v60, v23;
	v24 =	vsel vm1, v61, v24  }
0x5dc: {  	(xrf1) =	vsort.dscd.msk.f32 $0xffff, v23, v24;
	_ =	sdelay $0xd  }
0x5dd: {  	v23, v24, _ =	vpop (xrf1)  }
0x5de: {  	v23 =	vmax.f32 v23, $0.0e+00  }
0x5df: {  	v62 =	vnsel vm0, $0x0, v23  }
0x5e0: {  	(xrf2) =	vadd.scan.msk.f32 $0xffff, v62;
	_ =	sdelay $0x9  }
0x5e1: {  	v26, _, _ =	vpop (xrf2)  }
0x5e2: {  	(v2sf) =	vpush v26, $0xF;
	_ =	sdelay $0xe  }
0x5e3: {  	s28 =	spop (v2sf)  }
0x5e4: {  	s3 =	sadd.f32 $9.999999680e-21, s28;
	_ =	sdelay $0x1  }
0x5e5: {  	v63 =	vmov s3  }
0x5e6: {  	v10 =	vmul.f32 v11, v10;
	(erf) = vrcp.f32 v63  }
0x5e7: {  	[tilespmem:s11+$0x18] =	vst.msk $0xff, v9  }
0x5e8: {  	[tilespmem:s12+$0x18] =	vst.msk $0xff, v10;
	v9 =	vmul.f32 v14, v13  }
0x5e9: {  	[tilespmem:s14+$0x18] =	vst.msk $0xff, v12  }
0x5ea: {  	[tilespmem:s13+$0x18] =	vst.msk $0xff, v9;
	v9 =	vmul.f32 v17, v16  }
0x5eb: {  	[tilespmem:s15+$0x18] =	vst.msk $0xff, v15  }
0x5ec: {  	[tilespmem:s16+$0x18] =	vst.msk $0xff, v9;
	v9 =	vmul.f32 v20, v19  }
0x5ed: {  	[tilespmem:s20+$0x18] =	vst.msk $0xff, v18  }
0x5ee: {  	[tilespmem:s21+$0x18] =	vst.msk $0xff, v9;
	v9 =	vmul.f32 v25, v21  }
0x5ef: {  	[tilespmem:s0+$0x18] =	vst.msk $0xff, v22;
	v10 =	vpop (erf)  }
0x5f0: {  	[tilespmem:s31+$0x18] =	vst.msk $0xff, v9;
	v9 =	vmul.f32 v10, v23  }
0x5f1: {  	[tilespmem:s1+$0x18] =	vst.msk $0xff, v24  }
0x5f2: {  	[tilespmem:s8+$0x18] =	vst.msk $0xff, v9  }
0x5f3: {  	s29 =	simm.s32 $0x8000;
	s0 =	rddreg [dreg:$0x3]  }
0x5f4: {  	[hbm4b:s0+s2] =	stream.linear.scatter [tilespmem:s29], [sflag:$0x1], $0x800, $0x38;
	[tilespmem:$0x9100] =	vst v63  }
0x5f5: {  	s10 =	sadd.s32 $0x1, s10;
	_ =	swait.ge [sflag:s7], $0x800  }
0x5f6: {  	p0 =	sne.s32 s10, s6;
	s31 =	simm.s32 $0x8880;
	[sflag:s7] =	ssyncset.done $0x0  }
.Ltmp1:
0x5f7: {  	s30 =	rddreg [dreg:$0x4];
	[sflag:s7] =	ssyncadd.s32 $0xFFFFF800;
	(pc) =	sbr.rel @p0 .LBB2_1-.Ltmp1, $4  }
0x5f8: {  	[hbm4b:s30+s2] =	stream.linear.scatter [tilespmem:s31], [sflag:$0x1], $0x800, $0x38;
	[tilespmem:$0x9100] =	vst v63  }
0x5f9: {  	_ =	swait.ge [sflag:s7], $0x800  }
0x5fa: {  	[sflag:s7] =	ssyncset.done $0x0  }
0x5fb: {  	[sflag:s7] =	ssyncadd.s32 $0xFFFFF800  }
0x5fc: {  	_ =	sfence.sel $0x180000  }
0x5fd: {  	[bflag:$0x0] =	sbarrier.arrive $0xFFFF  }
0x5fe: {  	_ =	strace $0x90000047  }
0x5ff: {  	s0 =	stileid.u32;
	[bflag:$0x2] =	sbarrier.arrive $0xFFFF  }
0x600: {  	p0 =	sne.s32 s0, $0x0;
	s0 =	rddreg [dreg:$0x1]  }
0x601: {  	s0 =	sadd.s32 @!p0 $0x100000, s0  }
0x602: {  	[sflag:s0] =	ssyncadd.tile.s32 @!p0 $0x1;
	_ =	shalt  }
.Lfunc_end2:
_tile_overlayer_lowered:
.L_overlay_start_2:
0x603: {  	(tag) =	ssettag $0x2  }
0x604: {  	s0 =	rddreg [dreg:$0x0];
	s2 =	stileid.u32  }
0x605: {  	s1 =	rddreg [dreg:$0x1];
	p0 =	sne.s32 s2, $0x0  }
0x606: {  	s3 =	rddreg [dreg:$0x2];
	[bflag:$0x3] =	sbarrier.arrive $0xFFFF;
	s2 =	simm.s32 @!p0 $0x1C01  }
0x607: {  	[timem:s3], [sflag:s2] =	dma.local @!p0 [hbm:s0], s1  }
0x608: {  	s0 =	simm.s32 @!p0 $0x1  }
0x609: {  	_ =	swait.ge @!p0 [sflag:s0], s1  }
0x60a: {  	s1 =	ssub.s32 @!p0 $0x0, s1;
	[sflag:s0] =	ssyncset.done @!p0 $0x0  }
0x60b: {  	[sflag:s0] =	ssyncadd.s32 @!p0 s1  }
0x60c: {  	[bflag:$0x3] =	sbarrier.arrive $0xFFFF  }
0x60d: {  	_ =	shalt  }

// kernel: kernel.9.cloned.1.call-start
scs
__scs_entry_jumppad:
0x0: {  	(pc) =	sbr.rel $0x88, $3  }
0x1: {  	(tag) =	ssettag $0x0;
	lr =	simm.s32 $0x1  }
0x2: {  	[smem:$0x3F9E] =	sst lr;
	_ =	strace $0xD0000000  }
0x3: {  	_ = 	snop  }
0x4: {  	_ = 	snop  }
0x5: {  	_ = 	snop  }
0x6: {  	_ = 	snop  }
0x7: {  	_ = 	snop  }
__scs_overlays_trampoline_lowered:
0x8: {  	[smem:$0x3FAD] =	sst s0  }
0x9: {  	[smem:$0x3FAE] =	sst s1  }
0xa: {  	[smem:$0x3FAF] =	sst s2  }
0xb: {  	[smem:$0x3FB0] =	sst s3  }
0xc: {  	[smem:$0x3FB1] =	sst s4  }
0xd: {  	[smem:$0x3FB2] =	sst s5  }
0xe: {  	[smem:$0x3FB3] =	sst s6  }
0xf: {  	[smem:$0x3FB4] =	sst s7  }
0x10: {  	[smem:$0x3FB5] =	sst s8  }
0x11: {  	[smem:$0x3FB6] =	sst s9;
	s0 =	simm.s32 @!p0 $0x0  }
0x12: {  	s1 =	sld [smem:$0x3F9C];
	s0 =	simm.s32 @p0 $0x1  }
0x13: {  	[smem:$0x3FB7] =	sst s0;
	s0 =	simm.s32 @!p1 $0x0  }
0x14: {  	s2 =	sld [smem:$0x3F9B];
	s0 =	simm.s32 @p1 $0x1  }
0x15: {  	[smem:$0x3FB8] =	sst s0;
	s0 =	simm.s32 @!p2 $0x0  }
0x16: {  	s3 =	sld [smem:$0x3FDB];
	s0 =	simm.s32 @p2 $0x1  }
0x17: {  	s4 =	simm.s32 $0x1BF5;
	[smem:$0x3FBA] =	sst s0  }
0x18: {  	s0 =	sld [smem:$0x3F9D];
	_ =	swait.ge [sflag:s4], $0x0  }
0x19: {  	s7 =	sld [smem:$0x3F9E]  }
0x1a: {  	s8 =	sadd.s32 $0xFFFFE003, lr  }
0x1b: {  	s9 =	sadd.s32 $0xFFFFFEF7, lr;
	s5 =	simm.s32 $0xFFFFFFFF;
	p2 =	slt.u32 s8, $0xFFFFF086  }
0x1c: {  	p1 =	slt.u32 s9, $0xF7A;
	s5 =	simm.s32 @!p2 $0x0  }
0x1d: {  	s5 =	simm.s32 @p1 $0x1;
	p0 =	seq.s32 s7, s2  }
0x1e: {  	s7 =	smul.u32 @!p0 $0xF7A, s2;
	p2 =	seq.s32 @!p0 s5, $0x0  }
0x1f: {  	s9 =	smul.u32 $0xF7A, s1;
	s8 =	simm.s32 @!p0 $0x1BF5;
	p2 =	por !p2, p0  }
0x20: {  	[sflag:s8] =	ssyncset.s32 @!p0 $0xFFFFF086;
	s6 =	sadd.s32 @!p0 s3, s7;
	s7 =	simm.s32 @!p0 $0x108  }
0x21: {  	s3 =	sadd.s32 s3, s9;
	s6 =	sadd.s32 @!p0 $0x88, s6;
	s7 =	simm.s32 @p2 $0x1082  }
0x22: {  	[simem:s7], [sflag:s8] =	dma.local @!p0 [hbm:s6], $0xF7A  }
0x23: {  	s9 =	sor.u32 $0xD0000000, s2;
	s6 =	simm.s32 $0x108;
	_ =	swait.ge @!p0 [sflag:s8], $0x0  }
0x24: {  	s3 =	sadd.s32 $0x88, s3;
	s6 =	simm.s32 @!p1 $0x1082;
	[sflag:s4] =	ssyncset.s32 $0xFFFFF086  }
0x25: {  	[simem:s6], [sflag:s4] =	dma.local [hbm:s3], $0xF7A  }
0x26: {  	[smem:$0x3F9E] =	sst s1;
	(tag) =	ssettag s2;
	_ =	strace s9  }
0x27: {  	s1 =	sld [smem:$0x3FAE]  }
0x28: {  	s2 =	sld [smem:$0x3FAF]  }
0x29: {  	s4 =	sld [smem:$0x3FB1]  }
0x2a: {  	p0 =	seq.s32 s5, $0x0;
	s5 =	sld [smem:$0x3FB2]  }
0x2b: {  	s6 =	sld [smem:$0x3FB3]  }
0x2c: {  	s7 =	sld [smem:$0x3FB4]  }
0x2d: {  	s3 =	simm.s32 $0x108;
	s8 =	sld [smem:$0x3FB5]  }
0x2e: {  	s3 =	simm.s32 @!p0 $0x1082;
	s9 =	sld [smem:$0x3FB6]  }
0x2f: {  	lr =	sadd.s32 s0, s3;
	s0 =	sld [smem:$0x3FAD]  }
0x30: {  	s3 =	sld [smem:$0x3FB0]  }
0x31: {  	[smem:$0x3FB9] =	sst s10  }
0x32: {  	s10 =	sld [smem:$0x3FB7];
	_ =	sdelay $0x3  }
0x33: {  	p0 =	seq.s32 s10, $0x1;
	s10 =	sld [smem:$0x3FB9];
	_ =	sdelay $0x3  }
0x34: {  	[smem:$0x3FB9] =	sst s10  }
0x35: {  	s10 =	sld [smem:$0x3FB8];
	_ =	sdelay $0x3  }
0x36: {  	p1 =	seq.s32 s10, $0x1;
	s10 =	sld [smem:$0x3FB9];
	_ =	sdelay $0x3  }
0x37: {  	[smem:$0x3FB9] =	sst s10  }
0x38: {  	s10 =	sld [smem:$0x3FBA]  }
0x39: {  	_ = 	snop;
	(pc) =	sbr.ind lr, $3  }
0x3a: {  	_ = 	snop  }
0x3b: {  	_ = 	snop  }
0x3c: {  	p2 =	seq.s32 s10, $0x1;
	s10 =	sld [smem:$0x3FB9]  }
0x3d: {  	_ =	shalt  }
0x3e: {  	_ =	shalt  }
0x3f: {  	_ =	shalt  }
0x40: {  	_ =	shalt  }
0x41: {  	_ =	shalt  }
0x42: {  	_ =	shalt  }
0x43: {  	_ =	shalt  }
0x44: {  	_ =	shalt  }
0x45: {  	_ =	shalt  }
0x46: {  	_ =	shalt  }
0x47: {  	_ =	shalt  }
0x48: {  	_ =	shalt  }
0x49: {  	_ =	shalt  }
0x4a: {  	_ =	shalt  }
0x4b: {  	_ =	shalt  }
0x4c: {  	_ =	shalt  }
0x4d: {  	_ =	shalt  }
0x4e: {  	_ =	shalt  }
0x4f: {  	_ =	shalt  }
0x50: {  	_ =	shalt  }
0x51: {  	_ =	shalt  }
0x52: {  	_ =	shalt  }
0x53: {  	_ =	shalt  }
0x54: {  	_ =	shalt  }
0x55: {  	_ =	shalt  }
0x56: {  	_ =	shalt  }
0x57: {  	_ =	shalt  }
0x58: {  	_ =	shalt  }
0x59: {  	_ =	shalt  }
0x5a: {  	_ =	shalt  }
0x5b: {  	_ =	shalt  }
0x5c: {  	_ =	shalt  }
0x5d: {  	_ =	shalt  }
0x5e: {  	_ =	shalt  }
0x5f: {  	_ =	shalt  }
0x60: {  	_ =	shalt  }
0x61: {  	_ =	shalt  }
0x62: {  	_ =	shalt  }
0x63: {  	_ =	shalt  }
0x64: {  	_ =	shalt  }
0x65: {  	_ =	shalt  }
0x66: {  	_ =	shalt  }
0x67: {  	_ =	shalt  }
0x68: {  	_ =	shalt  }
0x69: {  	_ =	shalt  }
0x6a: {  	_ =	shalt  }
0x6b: {  	_ =	shalt  }
0x6c: {  	_ =	shalt  }
0x6d: {  	_ =	shalt  }
0x6e: {  	_ =	shalt  }
0x6f: {  	_ =	shalt  }
0x70: {  	_ =	shalt  }
0x71: {  	_ =	shalt  }
0x72: {  	_ =	shalt  }
0x73: {  	_ =	shalt  }
0x74: {  	_ =	shalt  }
0x75: {  	_ =	shalt  }
0x76: {  	_ =	shalt  }
0x77: {  	_ =	shalt  }
0x78: {  	_ =	shalt  }
0x79: {  	_ =	shalt  }
0x7a: {  	_ =	shalt  }
0x7b: {  	_ =	shalt  }
0x7c: {  	_ =	shalt  }
0x7d: {  	_ =	shalt  }
0x7e: {  	_ =	shalt  }
0x7f: {  	_ =	shalt  }
0x80: {  	_ =	shalt  }
0x81: {  	_ =	shalt  }
0x82: {  	_ =	shalt  }
0x83: {  	_ =	shalt  }
0x84: {  	_ =	shalt  }
0x85: {  	_ =	shalt  }
0x86: {  	_ =	shalt  }
0x87: {  	_ =	shalt  }
.Lfunc_end0:
.L_simem_size_0:
called_computation.1_lowered:
.L_overlay_start_0:
0x88: {  	s2 =	sld [smem:$0x3FD9]  }
0x89: {  	s3 =	sld [smem:$0x3FFE];
	_ =	sdelay $0x1  }
0x8a: {  	s1 =	srdreg.scid  }
0x8b: {  	s0 =	sand.u32 $0x1, s1  }
0x8c: {  	s15 =	sshll.u32 s0, $0xA;
	s2 =	sadd.s32 s3, s2  }
0x8d: {  	s2 =	sadd.s32 s2, s15  }
0x8e: {  	[smem:$0x3FC5] =	sst s2  }
0x8f: {  	_ = 	snop  }
0x90: {  	s2 =	sld [smem:$0x3FD0];
	_ =	sdelay $0x2  }
0x91: {  	s4 =	simm.s32 $0xB;
	s16 =	simm.s32 $0x10  }
0x92: {  	[smem:s16], [sflag:s4] =	dma.local [hbm:s2], $0x1  }
0x93: {  	_ =	swait.eq [sflag:s4], $0x1  }
0x94: {  	[sflag:s4] =	ssyncset.done $0x0  }
0x95: {  	s17 =	sld [smem:$0x10];
	[sflag:s4] =	ssyncadd.s32 $0xFFFFFFFF  }
0x96: {  	s18 =	sld [smem:$0x11];
	(tm) =	ssettm $0x1  }
0x97: {  	s19 =	sld [smem:$0x3FFB];
	_ =	sdelay $0x3  }
0x98: {  	_ =	strace s19  }
0x99: {  	s2 =	sld [smem:$0x3FFC];
	_ =	sdelay $0x3  }
0x9a: {  	_ =	strace s2  }
0x9b: {  	s2 =	sld [smem:$0x3FFD];
	_ =	sdelay $0x3  }
0x9c: {  	_ =	strace s2  }
0x9d: {  	_ =	strace $0x8FFFFFFF  }
0x9e: {  	s20 =	sld [smem:$0x3FDB];
	_ =	sdelay $0x1  }
0x9f: {  	s5 =	simm.s32 $_scs_section_size  }
0xa0: {  	s6 =	simm.s32 $_size__tile_overlayer_lowered;
	s7 =	simm.s32 $_tile_overlayer_lowered  }
0xa1: {  	s8 =	simm.s32 $0x1BFF;
	s21 =	sshll.u32 s7, $0x1;
	s5 =	sadd.s32 s5, s20  }
0xa2: {  	s22 =	simm.s32 $0x0;
	s6 =	sshll.u32 s6, $0x1;
	s7 =	sadd.s32 s21, s5  }
0xa3: {  	[timem:s22], [sflag:s8] =	dma.local [hbm:s7], s6  }
0xa4: {  	_ =	swait.ge [sflag:s8], s6  }
0xa5: {  	s6 =	ssub.s32 $0x0, s6;
	[sflag:s8] =	ssyncset.done $0x0  }
0xa6: {  	[sflag:s8] =	ssyncadd.s32 s6;
	_ =	sdelay $0x1  }
0xa7: {  	s23 =	simm.s32 $0x1B8B  }
0xa8: {  	_ =	swait.ge [sflag:s23], $0x1  }
0xa9: {  	[sflag:s23] =	ssyncset.done $0x0  }
0xaa: {  	[sflag:s23] =	ssyncadd.s32 $0xFFFFFFFF  }
0xab: {  	s6 =	sld [smem:$0x0]  }
0xac: {  	s7 =	sand.u32 $0xFFFFFFFE, s1  }
0xad: {  	p0 =	sne.s32 s1, s7  }
0xae: {  	s7 =	sshll.u32 @p0 s7, $0xE  }
0xaf: {  	s7 =	sadd.s32 @p0 $0x11B8D, s7;
	s8 =	sshll.u32 @p0 s6, $0x11  }
0xb0: {  	s7 =	sor.u32 @p0 s8, s7  }
0xb1: {  	[sflag:s7] =	ssyncadd.remote.s32 @p0 $0x1;
	_ =	sdelay $0x1  }
0xb2: {  	s7 =	simm.s32 @p0 $0x1B8D  }
0xb3: {  	_ =	swait.eq @p0 [sflag:s7], $0x1  }
0xb4: {  	[sflag:s7] =	ssyncadd.s32 @p0 $0xFFFFFFFF  }
0xb5: {  	s8 =	sshll.u32 @!p0 s1, $0xE  }
0xb6: {  	s8 =	sor.u32 @!p0 $0x4000, s8;
	s7 =	simm.s32 @!p0 $0x1B8D  }
0xb7: {  	s6 =	sshll.u32 @!p0 s6, $0x11;
	s8 =	sadd.s32 @!p0 $0x11B8D, s8;
	_ =	swait.eq @!p0 [sflag:s7], $0x1  }
0xb8: {  	s6 =	sor.u32 @!p0 s6, s8;
	[sflag:s7] =	ssyncadd.s32 @!p0 $0xFFFFFFFF  }
0xb9: {  	s25 =	simm.s32 $0x1B8E;
	s24 =	sld [smem:$0x3FFE];
	[sflag:s6] =	ssyncadd.remote.s32 @!p0 $0x1  }
0xba: {  	s26 =	simm.s32 $execute0_lowered;
	[smem:$0x3FD2] =	sst s25  }
0xbb: {  	s7 =	sshll.u32 s26, $0x1;
	_ =	strace $0x80000049;
	[dreg:$0x1] =	wrdreg $0xFFFFFFFF  }
0xbc: {  	s28 =	simm.s32 $_size_execute0_lowered;
	s5 =	sadd.s32 s5, s7;
	[dreg:$0x0] =	wrdreg $0x0  }
0xbd: {  	s7 =	sshll.u32 s28, $0x1;
	[dreg:$0x2] =	wrdreg s5  }
0xbe: {  	[dreg:$0x3] =	wrdreg s7  }
0xbf: {  	[dreg:$0x4] =	wrdreg $0xC0  }
0xc0: {  	_ =	task [dreg:s22], $0x5FFFF  }
0xc1: {  	[dreg:$0x1] =	wrdreg $0xFFFFFFFF  }
0xc2: {  	[dreg:$0x0] =	wrdreg $0x60  }
0xc3: {  	[dreg:$0x2] =	wrdreg s24  }
0xc4: {  	[dreg:$0x3] =	wrdreg s18  }
0xc5: {  	[dreg:$0x4] =	wrdreg s17  }
0xc6: {  	[dreg:$0x5] =	wrdreg $0xA  }
0xc7: {  	_ =	task.clear_ibuf [dreg:s22], $0x6FFFF;
	_ =	strace $0x90000049  }
0xc8: {  	s29 =	simm.s32 $0xA;
	_ =	strace $0x8000004B  }
0xc9: {  	_ =	swait.ge [sflag:s29], $0x1  }
0xca: {  	[sflag:s29] =	ssyncadd.s32 $0xFFFFFFFF  }
0xcb: {  	_ =	strace $0x9000004B  }
0xcc: {  	_ =	sfence  }
0xcd: {  	s30 =	sld [smem:$0x0];
	_ =	sdelay $0x2  }
0xce: {  	s31 =	sshll.u32 s1, $0xD;
	s1 =	sshrl.u32 s1, $0x2  }
0xcf: {  	s4 =	sand.u32 $0x4000, s31;
	s1 =	sadd.s32 s1, s30  }
0xd0: {  	s0 =	sor.u32 s4, s0;
	s1 =	sshll.u32 s1, $0x11  }
0xd1: {  	s0 =	sor.u32 s1, s0  }
0xd2: {  	s0 =	sadd.s32 $0x8F2B, s0  }
0xd3: {  	[sflag:s0] =	ssyncadd.remote.s32 $0x1  }
0xd4: {  	_ =	sfence.sel $0xFFFF  }
0xd5: {  	[dreg:$0x0] =	wrdreg $0xFFFFFFFF;
	(pc) =	sbr.abs _section_cstart, $3  }
0xd6: {  	[dreg:$0x1] =	wrdreg $0xFFFFFFFF  }
0xd7: {  	_ =	task.clear_ibuf [dreg:s22], $0x2FFFF;
	_ =	strace $0x9FFFFFFF  }
0xd8: {  	(tm) =	ssettm $0x7FFFFFFF  }
0xd9: {  	_ =	shalt  }
tec
execute0_lowered:
.L_overlay_start_1:
0x0: {  	(tag) =	ssettag $0x1  }
0x1: {  	v0 =	vimm.f32 $-1.600000000e+01;
	vm14 =	vcmask $0x300  }
0x2: {  	vm13 =	vcmask $0x704;
	vm12 =	vcmask $0xB08;
	vm11 =	vcmask $0xF0C  }
0x3: {  	vm10 =	vcmask $0x1310;
	vm9 =	vcmask $0x1714;
	vm8 =	vcmask $0x1B18  }
0x4: {  	vm7 =	vcmask $0x1F1C;
	vm6 =	vcmask $0x2320;
	vm5 =	vcmask $0x2724  }
0x5: {  	vm4 =	vcmask $0x2B28;
	vm3 =	vcmask $0x2F2C;
	vm2 =	vcmask $0x3330  }
0x6: {  	vm1 =	vcmask $0x3734;
	v1 =	vimm.f32 $-3.200000000e+01;
	vm0 =	vcmask $0x3B38  }
0x7: {  	v3 =	vimm.f32 $-4.800000000e+01;
	v4 =	vimm.f32 $-6.400000000e+01;
	v0 =	vsel vm14, $0xBF800000, v0  }
0x8: {  	v2 =	vsel vm14, $0xC1880000, v1;
	v1 =	vlaneseq.u32;
	v3 =	vsel vm14, $0xC2040000, v3  }
0x9: {  	v4 =	vsel vm14, $0xC2440000, v4;
	v0 =	vsel vm13, $0xC0000000, v0;
	v2 =	vsel vm13, $0xC1900000, v2  }
0xa: {  	v3 =	vsel vm13, $0xC2080000, v3;
	v4 =	vsel vm13, $0xC2480000, v4;
	v8 =	vmul.u32 $0xFFFFFFFF, v1  }
0xb: {  	v7 =	vor.u32 $0x30, v1;
	v0 =	vsel vm12, $0xC0400000, v0;
	v2 =	vsel vm12, $0xC1980000, v2  }
0xc: {  	v3 =	vsel vm12, $0xC20C0000, v3;
	v4 =	vsel vm12, $0xC24C0000, v4;
	v0 =	vsel vm11, $0xC0800000, v0  }
0xd: {  	v2 =	vsel vm11, $0xC1A00000, v2;
	v3 =	vsel vm11, $0xC2100000, v3;
	v4 =	vsel vm11, $0xC2500000, v4  }
0xe: {  	v8 =	vadd.s32 $0xF, v8;
	v0 =	vsel vm10, $0xC0A00000, v0;
	v2 =	vsel vm10, $0xC1A80000, v2  }
0xf: {  	v3 =	vsel vm10, $0xC2140000, v3;
	v4 =	vsel vm10, $0xC2540000, v4;
	v0 =	vsel vm9, $0xC0C00000, v0  }
0x10: {  	v2 =	vsel vm9, $0xC1B00000, v2;
	v3 =	vsel vm9, $0xC2180000, v3;
	v4 =	vsel vm9, $0xC2580000, v4  }
0x11: {  	v0 =	vsel vm8, $0xC0E00000, v0;
	v2 =	vsel vm8, $0xC1B80000, v2;
	v3 =	vsel vm8, $0xC21C0000, v3  }
0x12: {  	v4 =	vsel vm8, $0xC25C0000, v4;
	v0 =	vsel vm7, $0xC1000000, v0;
	v2 =	vsel vm7, $0xC1C00000, v2  }
0x13: {  	s0 =	rddreg [dreg:$0x0];
	v3 =	vsel vm7, $0xC2200000, v3;
	v4 =	vsel vm7, $0xC2600000, v4;
	v0 =	vsel vm6, $0xC1100000, v0  }
0x14: {  	s1 =	rddreg [dreg:$0x1];
	v2 =	vsel vm6, $0xC1C80000, v2;
	v3 =	vsel vm6, $0xC2240000, v3;
	v4 =	vsel vm6, $0xC2640000, v4  }
0x15: {  	s3 =	rddreg [dreg:$0x2];
	v0 =	vsel vm5, $0xC1200000, v0;
	v2 =	vsel vm5, $0xC1D00000, v2;
	v3 =	vsel vm5, $0xC2280000, v3  }
0x16: {  	s4 =	srdreg.scid;
	s5 =	stileid.u32;
	v4 =	vsel vm5, $0xC2680000, v4;
	v0 =	vsel vm4, $0xC1300000, v0;
	v2 =	vsel vm4, $0xC1D80000, v2  }
0x17: {  	s2 =	simm.s32 $0x0;
	s4 =	sand.u32 $0x1, s4;
	s5 =	sshll.u32 s5, $0x1;
	v3 =	vsel vm4, $0xC22C0000, v3;
	v4 =	vsel vm4, $0xC26C0000, v4;
	v0 =	vsel vm3, $0xC1400000, v0  }
0x18: {  	s7 =	simm.s32 $0x1;
	[smem:$0x7FF] =	sst s2;
	s5 =	sor.u32 s4, s5;
	v2 =	vsel vm3, $0xC1E00000, v2;
	v5 =	vsel vm3, $0xC2300000, v3;
	v4 =	vsel vm3, $0xC2700000, v4  }
0x19: {  	s4 =	ssub.s32 $0x2, s4;
	s6 =	sshll.u32 s5, $0xC;
	s5 =	sshll.u32 s5, $0x8;
	v3 =	vor.u32 $0x10, v1;
	v0 =	vsel vm2, $0xC1500000, v0;
	v2 =	vsel vm2, $0xC1E80000, v2  }
0x1a: {  	_ =	strace $0x8000004A;
	s29 =	sshrl.u32 s4, $0x1;
	s30 =	sadd.s32 s1, s5;
	v5 =	vsel vm2, $0xC2340000, v5;
	v4 =	vsel vm2, $0xC2740000, v4;
	v0 =	vsel vm1, $0xC1600000, v0  }
0x1b: {  	s0 =	sadd.s32 s6, s0;
	s31 =	sadd.s32 s3, s5;
	[dreg:$0x5] =	wrdreg s30;
	v2 =	vsel vm1, $0xC1F00000, v2;
	v5 =	vsel vm1, $0xC2380000, v5;
	v6 =	vsel vm1, $0xC2780000, v4  }
0x1c: {  	s6 =	ssub.s32 s4, s29;
	s0 =	sadd.s32 $0x25A00, s0;
	[dreg:$0x6] =	wrdreg s31;
	v0 =	vsel vm0, $0xC1700000, v0;
	v2 =	vsel vm0, $0xC1F80000, v2;
	v4 =	vsel vm0, $0xC23C0000, v5  }
0x1d: {  	s10 =	simm.s32 $0x0;
	s6 =	smax.u32 s6, $0x1;
	[dreg:$0x4] =	wrdreg s0;
	v5 =	vor.u32 $0x20, v1;
	v6 =	vsel vm0, $0xC27C0000, v6;
	vm0 =	vmmov $0xff  }
.LBB2_1:
0x1e: {  	s0 =	rddreg [dreg:$0x4]  }
0x1f: {  	[tilespmem:s2], [sflag:$0x1] =	stream.linear.gather [hbm4b:s0+s2], $0x8000, $0x38;
	[tilespmem:$0x9100] =	vst v63  }
0x20: {  	_ =	swait.ge [sflag:s7], $0x8000  }
0x21: {  	[sflag:s7] =	ssyncset.done $0x0  }
0x22: {  	s0 =	simm.s32 $0x200;
	[sflag:s7] =	ssyncadd.s32 $0xFFFF8000  }
0x23: {  	v9 =	vld [tilespmem:s0+$0xFFFFFE10]  }
0x24: {  	v10 =	vld [tilespmem:s0+$0xFFFFFE30];
	_ =	sdelay $0x1  }
0x25: {  	v11 =	vld [tilespmem:s0+$0xFFFFFE20];
	_ =	sdelay $0x1  }
0x26: {  	v12 =	vld [tilespmem:s0+$0xFFFFFE00];
	vm1 =	veq.f32 v9, $0.0e+00  }
0x27: {  	v9 =	vsel vm1, v2, v9;
	vm1 =	veq.f32 v10, $0.0e+00  }
0x28: {  	(xrf1) =	vsort.dscd.msk.f32 $0xffff, v9, v3;
	v9 =	vsel vm1, v6, v10  }
0x29: {  	vm1 =	veq.f32 v11, $0.0e+00;
	(xrf1) =	vsort.dscd.msk.f32 $0xffff, v9, v7  }
0x2a: {  	v9 =	vsel vm1, v4, v11  }
0x2b: {  	vm1 =	veq.f32 v12, $0.0e+00;
	(xrf1) =	vsort.dscd.msk.f32 $0xffff, v9, v5  }
0x2c: {  	v9 =	vsel vm1, v0, v12  }
0x2d: {  	(xrf1) =	vsort.dscd.msk.f32 $0xffff, v9, v1;
	_ =	sdelay $0x8  }
0x2e: {  	v9, v10, _ =	vpop (xrf1)  }
0x2f: {  	v11, v12, _ =	vpop (xrf1)  }
0x30: {  	v11 =	vperm.xlane v11, v8  }
0x31: {  	v12 =	vperm.xlane v12, v8;
	v13, v14, _ =	vpop (xrf1)  }
0x32: {  	v9 =	vperm.xlane v9, v8;
	vm1 =	vge.f32 v13, v11  }
0x33: {  	v10 =	vperm.xlane v10, v8;
	v11 =	vsel vm1, v13, v11;
	v12 =	vsel vm1, v14, v12;
	v13, v14, _ =	vpop (xrf1)  }
0x34: {  	vm1 =	vge.f32 v13, v9;
	(xrf1) =	vsort.dscd.msk.f32 $0xffff, v11, v12  }
0x35: {  	v9 =	vsel vm1, v13, v9;
	v10 =	vsel vm1, v14, v10  }
0x36: {  	(xrf1) =	vsort.dscd.msk.f32 $0xffff, v9, v10;
	_ =	sdelay $0xb  }
0x37: {  	v9, v10, _ =	vpop (xrf1)  }
0x38: {  	v9 =	vperm.xlane v9, v8  }
0x39: {  	v10 =	vperm.xlane v10, v8;
	v11, v12, _ =	vpop (xrf1)  }
0x3a: {  	vm1 =	vge.f32 v11, v9  }
0x3b: {  	v9 =	vsel vm1, v11, v9;
	v10 =	vsel vm1, v12, v10  }
0x3c: {  	(xrf1) =	vsort.dscd.msk.f32 $0xffff, v9, v10;
	_ =	sdelay $0xd  }
0x3d: {  	v9, v10, _ =	vpop (xrf1)  }
0x3e: {  	v9 =	vmax.f32 v9, $0.0e+00  }
0x3f: {  	v11 =	vnsel vm0, $0x0, v9  }
0x40: {  	(xrf2) =	vadd.scan.msk.f32 $0xffff, v11;
	_ =	sdelay $0x9  }
0x41: {  	v11, _, _ =	vpop (xrf2)  }
0x42: {  	(v2sf) =	vpush v11, $0xF;
	_ =	sdelay $0x8  }
0x43: {  	s29 =	simm.s32 $0x600  }
0x44: {  	v11 =	vld [tilespmem:s29+$0xFFFFFE10]  }
0x45: {  	v12 =	vld [tilespmem:s29+$0xFFFFFE30];
	_ =	sdelay $0x2  }
0x46: {  	v13 =	vld [tilespmem:s29+$0xFFFFFE20]  }
0x47: {  	v14 =	vld [tilespmem:s29+$0xFFFFFE00];
	vm1 =	veq.f32 v11, $0.0e+00;
	s1 =	spop (v2sf)  }
0x48: {  	v11 =	vsel vm1, v2, v11;
	vm1 =	veq.f32 v12, $0.0e+00;
	s1 =	sadd.f32 $9.999999680e-21, s1  }
0x49: {  	(xrf1) =	vsort.dscd.msk.f32 $0xffff, v11, v3;
	v11 =	vsel vm1, v6, v12  }
0x4a: {  	(xrf1) =	vsort.dscd.msk.f32 $0xffff, v11, v7;
	v11 =	vmov s1  }
0x4b: {  	vm1 =	veq.f32 v13, $0.0e+00;
	(erf) = vrcp.f32 v11  }
0x4c: {  	vm2 =	veq.f32 v14, $0.0e+00;
	v12 =	vsel vm1, v4, v13  }
0x4d: {  	(xrf1) =	vsort.dscd.msk.f32 $0xffff, v12, v5;
	v11 =	vsel vm2, v0, v14  }
0x4e: {  	(xrf1) =	vsort.dscd.msk.f32 $0xffff, v11, v1;
	_ =	sdelay $0x5  }
0x4f: {  	v11 =	vpop (erf)  }
0x50: {  	v9 =	vmul.f32 v11, v9  }
0x51: {  	s23 =	simm.s32 $0x8020  }
0x52: {  	s22 =	simm.s32 $0x88A0;
	[tilespmem:s23+$0xFFFFFFE0] =	vst.msk $0xff, v10  }
0x53: {  	v10, v11, _ =	vpop (xrf1);
	[tilespmem:s22+$0xFFFFFFE0] =	vst.msk $0xff, v9  }
0x54: {  	v13 =	vld [tilespmem:s0+$0xFFFFFE90];
	v9, v12, _ =	vpop (xrf1)  }
0x55: {  	v14 =	vld [tilespmem:s0+$0xFFFFFEB0];
	v9 =	vperm.xlane v9, v8  }
0x56: {  	v10 =	vperm.xlane v10, v8;
	v12 =	vperm.xlane v12, v8;
	v15, v16, _ =	vpop (xrf1)  }
0x57: {  	v11 =	vperm.xlane v11, v8;
	v19 =	vld [tilespmem:s0+$0xFFFFFEA0];
	v17, v18, _ =	vpop (xrf1);
	vm1 =	vge.f32 v15, v9  }
0x58: {  	v9 =	vsel vm1, v15, v9;
	v12 =	vsel vm1, v16, v12;
	vm1 =	vge.f32 v17, v10  }
0x59: {  	(xrf1) =	vsort.dscd.msk.f32 $0xffff, v9, v12;
	v9 =	vsel vm1, v17, v10;
	v10 =	vsel vm1, v18, v11;
	vm1 =	veq.f32 v13, $0.0e+00;
	v11 =	vld [tilespmem:s0+$0xFFFFFE80]  }
0x5a: {  	(xrf1) =	vsort.dscd.msk.f32 $0xffff, v9, v10;
	v9 =	vsel vm1, v2, v13;
	vm1 =	veq.f32 v14, $0.0e+00  }
0x5b: {  	(xrf1) =	vsort.dscd.msk.f32 $0xffff, v9, v3;
	v9 =	vsel vm1, v6, v14  }
0x5c: {  	vm1 =	veq.f32 v19, $0.0e+00;
	(xrf1) =	vsort.dscd.msk.f32 $0xffff, v9, v7  }
0x5d: {  	v9 =	vsel vm1, v4, v19  }
0x5e: {  	(xrf1) =	vsort.dscd.msk.f32 $0xffff, v9, v5;
	vm1 =	veq.f32 v11, $0.0e+00  }
0x5f: {  	v9 =	vsel vm1, v0, v11  }
0x60: {  	(xrf1) =	vsort.dscd.msk.f32 $0xffff, v9, v1;
	_ =	sdelay $0x6  }
0x61: {  	v9, v10, _ =	vpop (xrf1)  }
0x62: {  	v11, v12, _ =	vpop (xrf1)  }
0x63: {  	v9 =	vperm.xlane v9, v8;
	v13, v14, _ =	vpop (xrf1)  }
0x64: {  	v10 =	vperm.xlane v10, v8;
	v15, v16, _ =	vpop (xrf1)  }
0x65: {  	vm1 =	vge.f32 v11, v9;
	v15 =	vperm.xlane v15, v8  }
0x66: {  	v9 =	vsel vm1, v11, v9;
	v10 =	vsel vm1, v12, v10;
	v11, v12, _ =	vpop (xrf1);
	v16 =	vperm.xlane v16, v8  }
0x67: {  	(xrf1) =	vsort.dscd.msk.f32 $0xffff, v9, v10;
	v9 =	vperm.xlane v13, v8;
	vm1 =	vge.f32 v11, v15  }
0x68: {  	v10 =	vperm.xlane v14, v8;
	v11 =	vsel vm1, v11, v15;
	v12 =	vsel vm1, v12, v16;
	v13, v14, _ =	vpop (xrf1)  }
0x69: {  	vm1 =	vge.f32 v13, v9;
	(xrf1) =	vsort.dscd.msk.f32 $0xffff, v11, v12  }
0x6a: {  	v9 =	vsel vm1, v13, v9;
	v10 =	vsel vm1, v14, v10  }
0x6b: {  	(xrf1) =	vsort.dscd.msk.f32 $0xffff, v9, v10;
	_ =	sdelay $0xa  }
0x6c: {  	v9, v10, _ =	vpop (xrf1)  }
0x6d: {  	v11, v12, _ =	vpop (xrf1)  }
0x6e: {  	v11 =	vperm.xlane v11, v8  }
0x6f: {  	v12 =	vperm.xlane v12, v8;
	v13, v14, _ =	vpop (xrf1)  }
0x70: {  	vm1 =	vge.f32 v13, v11  }
0x71: {  	v11 =	vsel vm1, v13, v11;
	v12 =	vsel vm1, v14, v12  }
0x72: {  	(xrf1) =	vsort.dscd.msk.f32 $0xffff, v11, v12  }
0x73: {  	v9 =	vmax.f32 v9, $0.0e+00  }
0x74: {  	v11 =	vnsel vm0, $0x0, v9  }
0x75: {  	(xrf2) =	vadd.scan.msk.f32 $0xffff, v11;
	_ =	sdelay $0x9  }
0x76: {  	v11, _, _ =	vpop (xrf2)  }
0x77: {  	(v2sf) =	vpush v11, $0xF;
	v12, v13, _ =	vpop (xrf1)  }
0x78: {  	v11 =	vmax.f32 v12, $0.0e+00  }
0x79: {  	v12 =	vnsel vm0, $0x0, v11  }
0x7a: {  	(xrf2) =	vadd.scan.msk.f32 $0xffff, v12;
	_ =	sdelay $0x4  }
0x7b: {  	s24 =	simm.s32 $0xA00  }
0x7c: {  	v12 =	vld [tilespmem:s24+$0xFFFFFE10]  }
0x7d: {  	v14 =	vld [tilespmem:s24+$0xFFFFFE30];
	_ =	sdelay $0x1  }
0x7e: {  	v15 =	vld [tilespmem:s24+$0xFFFFFE20]  }
0x7f: {  	v16, _, _ =	vpop (xrf2)  }
0x80: {  	v17 =	vld [tilespmem:s24+$0xFFFFFE00];
	vm1 =	veq.f32 v12, $0.0e+00;
	(v2sf) =	vpush v16, $0xF  }
0x81: {  	v12 =	vsel vm1, v2, v12;
	vm1 =	veq.f32 v14, $0.0e+00;
	s8 =	spop (v2sf)  }
0x82: {  	(xrf1) =	vsort.dscd.msk.f32 $0xffff, v12, v3;
	v12 =	vsel vm1, v6, v14;
	s1 =	sadd.f32 $9.999999680e-21, s8  }
0x83: {  	vm1 =	veq.f32 v15, $0.0e+00;
	(xrf1) =	vsort.dscd.msk.f32 $0xffff, v12, v7  }
0x84: {  	v12 =	vsel vm1, v4, v15;
	v14 =	vmov s1  }
0x85: {  	vm1 =	veq.f32 v17, $0.0e+00;
	(xrf1) =	vsort.dscd.msk.f32 $0xffff, v12, v5;
	(erf) = vrcp.f32 v14  }
0x86: {  	v12 =	vsel vm1, v0, v17  }
0x87: {  	(xrf1) =	vsort.dscd.msk.f32 $0xffff, v12, v1;
	_ =	sdelay $0x6  }
0x88: {  	v12 =	vpop (erf)  }
0x89: {  	s28 =	simm.s32 $0x8060;
	v9 =	vmul.f32 v12, v9;
	s9 =	spop (v2sf)  }
0x8a: {  	s26 =	simm.s32 $0x88E0;
	[tilespmem:s28+$0xFFFFFFE0] =	vst.msk $0xff, v10;
	v12, v14, _ =	vpop (xrf1);
	s1 =	sadd.f32 $9.999999680e-21, s9  }
0x8b: {  	v10, v15, _ =	vpop (xrf1);
	[tilespmem:s26+$0xFFFFFFE0] =	vst.msk $0xff, v9  }
0x8c: {  	v9 =	vperm.xlane v10, v8;
	v10 =	vld [tilespmem:s29+$0xFFFFFE90];
	v16 =	vmov s1  }
0x8d: {  	v15 =	vperm.xlane v15, v8;
	v17, v18, _ =	vpop (xrf1);
	(erf) = vrcp.f32 v16;
	v16 =	vld [tilespmem:s29+$0xFFFFFEB0]  }
0x8e: {  	v12 =	vperm.xlane v12, v8;
	v19 =	vld [tilespmem:s29+$0xFFFFFEA0];
	vm1 =	vge.f32 v17, v9  }
0x8f: {  	v14 =	vperm.xlane v14, v8;
	v9 =	vsel vm1, v17, v9;
	v15 =	vsel vm1, v18, v15;
	v17, v18, _ =	vpop (xrf1)  }
0x90: {  	vm1 =	vge.f32 v17, v12;
	(xrf1) =	vsort.dscd.msk.f32 $0xffff, v9, v15  }
0x91: {  	v9 =	vsel vm1, v17, v12;
	v12 =	vsel vm1, v18, v14;
	vm1 =	veq.f32 v10, $0.0e+00  }
0x92: {  	(xrf1) =	vsort.dscd.msk.f32 $0xffff, v9, v12;
	v9 =	vsel vm1, v2, v10;
	vm1 =	veq.f32 v16, $0.0e+00  }
0x93: {  	v14 =	vld [tilespmem:s29+$0xFFFFFE80];
	(xrf1) =	vsort.dscd.msk.f32 $0xffff, v9, v3;
	v9 =	vsel vm1, v6, v16;
	vm1 =	veq.f32 v19, $0.0e+00  }
0x94: {  	(xrf1) =	vsort.dscd.msk.f32 $0xffff, v9, v7;
	v9 =	vsel vm1, v4, v19;
	_ =	sdelay $0x2  }
0x95: {  	(xrf1) =	vsort.dscd.msk.f32 $0xffff, v9, v5;
	v9 =	vpop (erf)  }
0x96: {  	vm1 =	veq.f32 v14, $0.0e+00;
	v9 =	vmul.f32 v9, v11  }
0x97: {  	[tilespmem:s23+$0xFFFFFFE8] =	vst.msk $0xff, v13;
	v10 =	vsel vm1, v0, v14  }
0x98: {  	(xrf1) =	vsort.dscd.msk.f32 $0xffff, v10, v1;
	[tilespmem:s22+$0xFFFFFFE8] =	vst.msk $0xff, v9  }
0x99: {  	v9 =	vld [tilespmem:s0+$0xFFFFFF30]  }
0x9a: {  	v10 =	vld [tilespmem:s0+$0xFFFFFF10]  }
0x9b: {  	v11 =	vld [tilespmem:s0+$0xFFFFFF20]  }
0x9c: {  	v12, v13, _ =	vpop (xrf1)  }
0x9d: {  	v12 =	vperm.xlane v12, v8  }
0x9e: {  	v14 =	vld [tilespmem:s0+$0xFFFFFF00];
	vm1 =	veq.f32 v9, $0.0e+00  }
0x9f: {  	v13 =	vperm.xlane v13, v8;
	v15, v16, _ =	vpop (xrf1);
	vm2 =	veq.f32 v10, $0.0e+00;
	v9 =	vsel vm1, v6, v9  }
0xa0: {  	v17, v18, _ =	vpop (xrf1);
	vm1 =	vge.f32 v15, v12;
	v10 =	vsel vm2, v2, v10;
	vm2 =	veq.f32 v11, $0.0e+00  }
0xa1: {  	(xrf1) =	vsort.dscd.msk.f32 $0xffff, v9, v7;
	v9 =	vsel vm1, v15, v12;
	v12, v15, _ =	vpop (xrf1);
	v11 =	vsel vm2, v4, v11  }
0xa2: {  	(xrf1) =	vsort.dscd.msk.f32 $0xffff, v10, v3;
	v12 =	vperm.xlane v12, v8  }
0xa3: {  	v10 =	vsel vm1, v16, v13;
	vm1 =	veq.f32 v14, $0.0e+00;
	(xrf1) =	vsort.dscd.msk.f32 $0xffff, v11, v5  }
0xa4: {  	v11, v13, _ =	vpop (xrf1);
	(xrf1) =	vsort.dscd.msk.f32 $0xffff, v9, v10;
	v9 =	vperm.xlane v15, v8;
	v10 =	vsel vm1, v0, v14  }
0xa5: {  	v14 =	vperm.xlane v17, v8;
	vm1 =	vge.f32 v11, v12;
	(xrf1) =	vsort.dscd.msk.f32 $0xffff, v10, v1  }
0xa6: {  	v10 =	vperm.xlane v18, v8;
	v11 =	vsel vm1, v11, v12;
	v9 =	vsel vm1, v13, v9;
	v12, v13, _ =	vpop (xrf1)  }
0xa7: {  	vm1 =	vge.f32 v12, v14;
	(xrf1) =	vsort.dscd.msk.f32 $0xffff, v11, v9  }
0xa8: {  	v9 =	vsel vm1, v12, v14;
	v10 =	vsel vm1, v13, v10  }
0xa9: {  	(xrf1) =	vsort.dscd.msk.f32 $0xffff, v9, v10;
	_ =	sdelay $0x5  }
0xaa: {  	v9, v10, _ =	vpop (xrf1)  }
0xab: {  	v11, v12, _ =	vpop (xrf1);
	v9 =	vperm.xlane v9, v8  }
0xac: {  	v10 =	vperm.xlane v10, v8;
	v13, v14, _ =	vpop (xrf1)  }
0xad: {  	vm1 =	vge.f32 v13, v9  }
0xae: {  	v15, v16, _ =	vpop (xrf1);
	v10 =	vsel vm1, v14, v10  }
0xaf: {  	v17, v18, _ =	vpop (xrf1);
	v9 =	vsel vm1, v13, v9  }
0xb0: {  	v11 =	vperm.xlane v11, v8;
	v19, v20, _ =	vpop (xrf1)  }
0xb1: {  	v12 =	vperm.xlane v12, v8;
	v13 =	vperm.xlane v19, v8  }
0xb2: {  	vm1 =	vge.f32 v17, v11;
	(xrf1) =	vsort.dscd.msk.f32 $0xffff, v9, v10;
	v14 =	vperm.xlane v20, v8;
	v9, v10, _ =	vpop (xrf1)  }
0xb3: {  	v11 =	vsel vm1, v17, v11;
	v12 =	vsel vm1, v18, v12;
	vm1 =	vge.f32 v9, v13  }
0xb4: {  	(xrf1) =	vsort.dscd.msk.f32 $0xffff, v11, v12;
	v9 =	vsel vm1, v9, v13;
	v10 =	vsel vm1, v10, v14  }
0xb5: {  	(xrf1) =	vsort.dscd.msk.f32 $0xffff, v9, v10;
	_ =	sdelay $0x6  }
0xb6: {  	v9 =	vmax.f32 v15, $0.0e+00  }
0xb7: {  	v10 =	vnsel vm0, $0x0, v9  }
0xb8: {  	(xrf2) =	vadd.scan.msk.f32 $0xffff, v10;
	_ =	sdelay $0x2  }
0xb9: {  	v10, v11, _ =	vpop (xrf1)  }
0xba: {  	v12, v13, _ =	vpop (xrf1)  }
0xbb: {  	v14, v15, _ =	vpop (xrf1)  }
0xbc: {  	v14 =	vmax.f32 v14, $0.0e+00  }
0xbd: {  	v10 =	vperm.xlane v10, v8;
	v17 =	vnsel vm0, $0x0, v14  }
0xbe: {  	v11 =	vperm.xlane v11, v8;
	(xrf2) =	vadd.scan.msk.f32 $0xffff, v17  }
0xbf: {  	vm1 =	vge.f32 v12, v10  }
0xc0: {  	v10 =	vsel vm1, v12, v10;
	v11 =	vsel vm1, v13, v11;
	v17, _, _ =	vpop (xrf2)  }
0xc1: {  	s19 =	simm.s32 $0xE00;
	(xrf1) =	vsort.dscd.msk.f32 $0xffff, v10, v11;
	(v2sf) =	vpush v17, $0xF  }
0xc2: {  	v10 =	vld [tilespmem:s19+$0xFFFFFE10]  }
0xc3: {  	v11 =	vld [tilespmem:s19+$0xFFFFFE30];
	_ =	sdelay $0x1  }
0xc4: {  	v12 =	vld [tilespmem:s19+$0xFFFFFE20]  }
0xc5: {  	v13 =	vld [tilespmem:s19+$0xFFFFFE00]  }
0xc6: {  	vm1 =	veq.f32 v10, $0.0e+00  }
0xc7: {  	v10 =	vsel vm1, v2, v10;
	vm1 =	veq.f32 v11, $0.0e+00;
	v17, _, _ =	vpop (xrf2)  }
0xc8: {  	(xrf1) =	vsort.dscd.msk.f32 $0xffff, v10, v3;
	v10 =	vsel vm1, v6, v11;
	(v2sf) =	vpush v17, $0xF  }
0xc9: {  	vm1 =	veq.f32 v12, $0.0e+00;
	(xrf1) =	vsort.dscd.msk.f32 $0xffff, v10, v7  }
0xca: {  	vm2 =	veq.f32 v13, $0.0e+00;
	v10 =	vsel vm1, v4, v12  }
0xcb: {  	(xrf1) =	vsort.dscd.msk.f32 $0xffff, v10, v5;
	v10 =	vsel vm2, v0, v13;
	_ =	sdelay $0x2  }
0xcc: {  	(xrf1) =	vsort.dscd.msk.f32 $0xffff, v10, v1;
	v10, v11, _ =	vpop (xrf1)  }
0xcd: {  	v10 =	vmax.f32 v10, $0.0e+00;
	s11 =	spop (v2sf)  }
0xce: {  	v12 =	vnsel vm0, $0x0, v10;
	s1 =	sadd.f32 $9.999999680e-21, s11  }
0xcf: {  	(xrf2) =	vadd.scan.msk.f32 $0xffff, v12  }
0xd0: {  	v12 =	vmov s1  }
0xd1: {  	(erf) = vrcp.f32 v12;
	_ =	sdelay $0x2  }
0xd2: {  	v12, v13, _ =	vpop (xrf1)  }
0xd3: {  	v17, v18, _ =	vpop (xrf1);
	s12 =	spop (v2sf)  }
0xd4: {  	v17 =	vperm.xlane v17, v8;
	s1 =	sadd.f32 $9.999999680e-21, s12  }
0xd5: {  	v20, v21, _ =	vpop (xrf1)  }
0xd6: {  	v18 =	vperm.xlane v18, v8;
	vm1 =	vge.f32 v20, v17;
	v19 =	vmov s1  }
0xd7: {  	v17 =	vsel vm1, v20, v17;
	v20, _, _ =	vpop (xrf2);
	(erf) = vrcp.f32 v19  }
0xd8: {  	v12 =	vperm.xlane v12, v8;
	v18 =	vsel vm1, v21, v18;
	v21 =	vpop (erf)  }
0xd9: {  	s11 =	simm.s32 $0x80A0;
	v13 =	vperm.xlane v13, v8;
	v19, v22, _ =	vpop (xrf1);
	v9 =	vmul.f32 v21, v9  }
0xda: {  	[tilespmem:s11+$0xFFFFFFE0] =	vst.msk $0xff, v16;
	s12 =	simm.s32 $0x8920;
	(xrf1) =	vsort.dscd.msk.f32 $0xffff, v17, v18;
	(v2sf) =	vpush v20, $0xF;
	vm1 =	vge.f32 v19, v12  }
0xdb: {  	v12 =	vsel vm1, v19, v12;
	v13 =	vsel vm1, v22, v13;
	[tilespmem:s12+$0xFFFFFFE0] =	vst.msk $0xff, v9  }
0xdc: {  	(xrf1) =	vsort.dscd.msk.f32 $0xffff, v12, v13;
	v9 =	vld [tilespmem:s24+$0xFFFFFE90]  }
0xdd: {  	v12 =	vld [tilespmem:s24+$0xFFFFFEB0];
	_ =	sdelay $0x1  }
0xde: {  	v13 =	vld [tilespmem:s24+$0xFFFFFEA0]  }
0xdf: {  	v16 =	vpop (erf)  }
0xe0: {  	[tilespmem:s28+$0xFFFFFFE8] =	vst.msk $0xff, v15;
	v15 =	vld [tilespmem:s24+$0xFFFFFE80];
	v14 =	vmul.f32 v16, v14;
	vm1 =	veq.f32 v9, $0.0e+00  }
0xe1: {  	v9 =	vsel vm1, v2, v9;
	vm1 =	veq.f32 v12, $0.0e+00  }
0xe2: {  	[tilespmem:s26+$0xFFFFFFE8] =	vst.msk $0xff, v14;
	(xrf1) =	vsort.dscd.msk.f32 $0xffff, v9, v3;
	v9 =	vsel vm1, v6, v12  }
0xe3: {  	vm2 =	veq.f32 v13, $0.0e+00;
	v14 =	vld [tilespmem:s29+$0xFFFFFF30];
	(xrf1) =	vsort.dscd.msk.f32 $0xffff, v9, v7  }
0xe4: {  	v13 =	vsel vm2, v4, v13;
	v12 =	vld [tilespmem:s29+$0xFFFFFF10]  }
0xe5: {  	vm1 =	veq.f32 v15, $0.0e+00;
	v9 =	vld [tilespmem:s29+$0xFFFFFF20];
	(xrf1) =	vsort.dscd.msk.f32 $0xffff, v13, v5  }
0xe6: {  	v15 =	vsel vm1, v0, v15  }
0xe7: {  	v17 =	vld [tilespmem:s29+$0xFFFFFF00];
	v13, v16, _ =	vpop (xrf1)  }
0xe8: {  	v13 =	vperm.xlane v13, v8;
	s13 =	spop (v2sf);
	(xrf1) =	vsort.dscd.msk.f32 $0xffff, v15, v1;
	vm1 =	veq.f32 v14, $0.0e+00  }
0xe9: {  	v16 =	vperm.xlane v16, v8;
	s1 =	sadd.f32 $9.999999680e-21, s13;
	vm2 =	veq.f32 v12, $0.0e+00;
	v15, v18, _ =	vpop (xrf1);
	v14 =	vsel vm1, v6, v14  }
0xea: {  	v12 =	vsel vm2, v2, v12;
	vm2 =	veq.f32 v9, $0.0e+00;
	vm1 =	vge.f32 v15, v13;
	(xrf1) =	vsort.dscd.msk.f32 $0xffff, v14, v7  }
0xeb: {  	v9 =	vsel vm2, v4, v9;
	v13 =	vsel vm1, v15, v13;
	(xrf1) =	vsort.dscd.msk.f32 $0xffff, v12, v3;
	v12 =	vmov s1  }
0xec: {  	v14 =	vsel vm1, v18, v16;
	vm1 =	veq.f32 v17, $0.0e+00;
	(erf) = vrcp.f32 v12  }
0xed: {  	(xrf1) =	vsort.dscd.msk.f32 $0xffff, v9, v5;
	v9 =	vsel vm1, v0, v17  }
0xee: {  	(xrf1) =	vsort.dscd.msk.f32 $0xffff, v13, v14  }
0xef: {  	(xrf1) =	vsort.dscd.msk.f32 $0xffff, v9, v1  }
0xf0: {  	v9, v12, _ =	vpop (xrf1)  }
0xf1: {  	v13, v14, _ =	vpop (xrf1)  }
0xf2: {  	v13 =	vperm.xlane v13, v8  }
0xf3: {  	v15, v16, _ =	vpop (xrf1)  }
0xf4: {  	v14 =	vperm.xlane v14, v8;
	vm1 =	vge.f32 v15, v13  }
0xf5: {  	v9 =	vperm.xlane v9, v8;
	v17 =	vpop (erf);
	v13 =	vsel vm1, v15, v13  }
0xf6: {  	v12 =	vperm.xlane v12, v8;
	v14 =	vsel vm1, v16, v14;
	v15, v16, _ =	vpop (xrf1);
	v10 =	vmul.f32 v17, v10  }
0xf7: {  	[tilespmem:s23+$0xFFFFFFF0] =	vst.msk $0xff, v11;
	vm1 =	vge.f32 v15, v9;
	(xrf1) =	vsort.dscd.msk.f32 $0xffff, v13, v14  }
0xf8: {  	v9 =	vsel vm1, v15, v9;
	[tilespmem:s22+$0xFFFFFFF0] =	vst.msk $0xff, v10;
	v10 =	vsel vm1, v16, v12  }
0xf9: {  	v11, v13, _ =	vpop (xrf1);
	v15 =	vld [tilespmem:s0+$0xFFFFFF90];
	(xrf1) =	vsort.dscd.msk.f32 $0xffff, v9, v10  }
0xfa: {  	v16 =	vld [tilespmem:s0+$0xFFFFFFB0];
	v12, v14, _ =	vpop (xrf1)  }
0xfb: {  	v19 =	vld [tilespmem:s0+$0xFFFFFF80];
	v9 =	vperm.xlane v11, v8;
	v10, v11, _ =	vpop (xrf1)  }
0xfc: {  	v22 =	vld [tilespmem:s0+$0xFFFFFFA0];
	v13 =	vperm.xlane v13, v8;
	v12 =	vperm.xlane v12, v8;
	v17, v18, _ =	vpop (xrf1)  }
0xfd: {  	v14 =	vperm.xlane v14, v8;
	vm1 =	vge.f32 v10, v9;
	v20, v21, _ =	vpop (xrf1)  }
0xfe: {  	v9 =	vsel vm1, v10, v9;
	v10 =	vsel vm1, v11, v13;
	vm1 =	vge.f32 v20, v12  }
0xff: {  	(xrf1) =	vsort.dscd.msk.f32 $0xffff, v9, v10;
	v9 =	vsel vm1, v20, v12;
	v10 =	vsel vm1, v21, v14;
	vm1 =	veq.f32 v15, $0.0e+00  }
0x100: {  	vm2 =	veq.f32 v19, $0.0e+00;
	(xrf1) =	vsort.dscd.msk.f32 $0xffff, v9, v10;
	v9 =	vsel vm1, v2, v15;
	vm1 =	veq.f32 v16, $0.0e+00  }
0x101: {  	v10 =	vsel vm2, v0, v19;
	(xrf1) =	vsort.dscd.msk.f32 $0xffff, v9, v3;
	v9 =	vsel vm1, v6, v16;
	vm1 =	veq.f32 v22, $0.0e+00  }
0x102: {  	(xrf1) =	vsort.dscd.msk.f32 $0xffff, v9, v7;
	v9 =	vsel vm1, v4, v22  }
0x103: {  	(xrf1) =	vsort.dscd.msk.f32 $0xffff, v10, v1  }
0x104: {  	(xrf1) =	vsort.dscd.msk.f32 $0xffff, v9, v5  }
0x105: {  	v9, v10, _ =	vpop (xrf1)  }
0x106: {  	v9 =	vperm.xlane v9, v8  }
0x107: {  	v10 =	vperm.xlane v10, v8;
	v11, v12, _ =	vpop (xrf1)  }
0x108: {  	vm1 =	vge.f32 v11, v9  }
0x109: {  	v10 =	vsel vm1, v12, v10  }
0x10a: {  	v9 =	vsel vm1, v11, v9;
	_ =	sdelay $0x2  }
0x10b: {  	(xrf1) =	vsort.dscd.msk.f32 $0xffff, v9, v10;
	v9, v10, _ =	vpop (xrf1)  }
0x10c: {  	v13 =	vmax.f32 v17, $0.0e+00;
	v11, v12, _ =	vpop (xrf1)  }
0x10d: {  	v16 =	vnsel vm0, $0x0, v13;
	v9 =	vperm.xlane v9, v8;
	v14, v15, _ =	vpop (xrf1)  }
0x10e: {  	(xrf2) =	vadd.scan.msk.f32 $0xffff, v16;
	v10 =	vperm.xlane v10, v8;
	v17, v19, _ =	vpop (xrf1)  }
0x10f: {  	vm1 =	vge.f32 v11, v9;
	v16 =	vperm.xlane v17, v8;
	v17, v20, _ =	vpop (xrf1)  }
0x110: {  	v9 =	vsel vm1, v11, v9;
	v10 =	vsel vm1, v12, v10;
	v11 =	vperm.xlane v19, v8;
	v12, v19, _ =	vpop (xrf1)  }
0x111: {  	v15 =	vperm.xlane v15, v8;
	v14 =	vperm.xlane v14, v8;
	vm1 =	vge.f32 v12, v16  }
0x112: {  	(xrf1) =	vsort.dscd.msk.f32 $0xffff, v9, v10;
	v9 =	vsel vm1, v12, v16;
	v10 =	vsel vm1, v19, v11  }
0x113: {  	vm1 =	vge.f32 v17, v14;
	(xrf1) =	vsort.dscd.msk.f32 $0xffff, v9, v10  }
0x114: {  	v9 =	vsel vm1, v17, v14;
	v10 =	vsel vm1, v20, v15  }
0x115: {  	(xrf1) =	vsort.dscd.msk.f32 $0xffff, v9, v10;
	_ =	sdelay $0x2  }
0x116: {  	v11, _, _ =	vpop (xrf2)  }
0x117: {  	v9, v10, _ =	vpop (xrf1)  }
0x118: {  	(v2sf) =	vpush v11, $0xF;
	v12 =	vmax.f32 v9, $0.0e+00  }
0x119: {  	v9 =	vnsel vm0, $0x0, v12  }
0x11a: {  	(xrf2) =	vadd.scan.msk.f32 $0xffff, v9  }
0x11b: {  	s17 =	simm.s32 $0x1200  }
0x11c: {  	v11 =	vld [tilespmem:s17+$0xFFFFFE10];
	_ =	sdelay $0x1  }
0x11d: {  	v14, v9, _ =	vpop (xrf1)  }
0x11e: {  	v15, v16, _ =	vpop (xrf1)  }
0x11f: {  	v15 =	vperm.xlane v15, v8;
	v16 =	vperm.xlane v16, v8  }
0x120: {  	vm1 =	veq.f32 v11, $0.0e+00;
	v19, v20, _ =	vpop (xrf1)  }
0x121: {  	v11 =	vsel vm1, v2, v11;
	vm1 =	vge.f32 v19, v15  }
0x122: {  	v17 =	vld [tilespmem:s17+$0xFFFFFE30];
	(xrf1) =	vsort.dscd.msk.f32 $0xffff, v11, v3;
	v11 =	vsel vm1, v19, v15;
	v15 =	vsel vm1, v20, v16  }
0x123: {  	v16, _, _ =	vpop (xrf2);
	(xrf1) =	vsort.dscd.msk.f32 $0xffff, v11, v15  }
0x124: {  	v21 =	vld [tilespmem:s17+$0xFFFFFE20];
	(v2sf) =	vpush v16, $0xF  }
0x125: {  	v19 =	vld [tilespmem:s17+$0xFFFFFE00]  }
0x126: {  	s14 =	spop (v2sf)  }
0x127: {  	s1 =	sadd.f32 $9.999999680e-21, s14;
	vm1 =	veq.f32 v17, $0.0e+00  }
0x128: {  	v11 =	vsel vm1, v6, v17  }
0x129: {  	vm1 =	veq.f32 v21, $0.0e+00;
	v15 =	vmov s1;
	(xrf1) =	vsort.dscd.msk.f32 $0xffff, v11, v7  }
0x12a: {  	v11 =	vsel vm1, v4, v21;
	(erf) = vrcp.f32 v15;
	vm2 =	veq.f32 v19, $0.0e+00  }
0x12b: {  	(xrf1) =	vsort.dscd.msk.f32 $0xffff, v11, v5;
	v11 =	vsel vm2, v0, v19  }
0x12c: {  	(xrf1) =	vsort.dscd.msk.f32 $0xffff, v11, v1;
	v11 =	vmax.f32 v14, $0.0e+00  }
0x12d: {  	v14 =	vnsel vm0, $0x0, v11;
	_ =	sdelay $0x2  }
0x12e: {  	(xrf2) =	vadd.scan.msk.f32 $0xffff, v14;
	v14, v15, _ =	vpop (xrf1)  }
0x12f: {  	v16, v17, _ =	vpop (xrf1)  }
0x130: {  	v16 =	vmax.f32 v16, $0.0e+00  }
0x131: {  	v19 =	vpop (erf);
	s15 =	spop (v2sf);
	v20 =	vnsel vm0, $0x0, v16  }
0x132: {  	s14 =	simm.s32 $0x80E0;
	v13 =	vmul.f32 v19, v13;
	s1 =	sadd.f32 $9.999999680e-21, s15  }
0x133: {  	s13 =	simm.s32 $0x8960;
	[tilespmem:s14+$0xFFFFFFE0] =	vst.msk $0xff, v18  }
0x134: {  	[tilespmem:s13+$0xFFFFFFE0] =	vst.msk $0xff, v13;
	v18 =	vmov s1  }
0x135: {  	(xrf2) =	vadd.scan.msk.f32 $0xffff, v20;
	v19, v20, _ =	vpop (xrf1);
	(erf) = vrcp.f32 v18;
	v18 =	vld [tilespmem:s19+$0xFFFFFE90]  }
0x136: {  	v24 =	vld [tilespmem:s19+$0xFFFFFEB0];
	v13 =	vperm.xlane v19, v8  }
0x137: {  	v14 =	vperm.xlane v14, v8;
	v19 =	vperm.xlane v20, v8;
	v20, v21, _ =	vpop (xrf1)  }
0x138: {  	v15 =	vperm.xlane v15, v8;
	v22, v23, _ =	vpop (xrf1);
	vm1 =	vge.f32 v20, v13  }
0x139: {  	v13 =	vsel vm1, v20, v13;
	v19 =	vsel vm1, v21, v19;
	vm1 =	vge.f32 v22, v14  }
0x13a: {  	v20, _, _ =	vpop (xrf2);
	(xrf1) =	vsort.dscd.msk.f32 $0xffff, v13, v19;
	v14 =	vsel vm1, v22, v14;
	v15 =	vsel vm1, v23, v15;
	vm1 =	veq.f32 v18, $0.0e+00  }
0x13b: {  	v13 =	vld [tilespmem:s19+$0xFFFFFEA0];
	(v2sf) =	vpush v20, $0xF;
	(xrf1) =	vsort.dscd.msk.f32 $0xffff, v14, v15;
	v15 =	vsel vm1, v2, v18;
	vm1 =	veq.f32 v24, $0.0e+00  }
0x13c: {  	v14 =	vld [tilespmem:s19+$0xFFFFFE80];
	v18 =	vsel vm1, v6, v24;
	_ =	sdelay $0x1  }
0x13d: {  	(xrf1) =	vsort.dscd.msk.f32 $0xffff, v15, v3  }
0x13e: {  	(xrf1) =	vsort.dscd.msk.f32 $0xffff, v18, v7;
	v18 =	vpop (erf)  }
0x13f: {  	v15, _, _ =	vpop (xrf2);
	vm1 =	veq.f32 v13, $0.0e+00;
	v12 =	vmul.f32 v18, v12  }
0x140: {  	[tilespmem:s11+$0xFFFFFFE8] =	vst.msk $0xff, v10;
	(v2sf) =	vpush v15, $0xF;
	v13 =	vsel vm1, v4, v13;
	vm1 =	veq.f32 v14, $0.0e+00  }
0x141: {  	(xrf1) =	vsort.dscd.msk.f32 $0xffff, v13, v5;
	v10 =	vsel vm1, v0, v14;
	[tilespmem:s12+$0xFFFFFFE8] =	vst.msk $0xff, v12  }
0x142: {  	(xrf1) =	vsort.dscd.msk.f32 $0xffff, v10, v1;
	v10 =	vld [tilespmem:s24+$0xFFFFFF30]  }
0x143: {  	v12 =	vld [tilespmem:s24+$0xFFFFFF10];
	_ =	sdelay $0x1  }
0x144: {  	v13 =	vld [tilespmem:s24+$0xFFFFFF20];
	_ =	sdelay $0x2  }
0x145: {  	v14, v15, _ =	vpop (xrf1);
	vm1 =	veq.f32 v10, $0.0e+00;
	vm2 =	veq.f32 v12, $0.0e+00  }
0x146: {  	v18 =	vld [tilespmem:s24+$0xFFFFFF00];
	v14 =	vperm.xlane v14, v8;
	v10 =	vsel vm1, v6, v10;
	s16 =	spop (v2sf);
	v12 =	vsel vm2, v2, v12  }
0x147: {  	v19, v20, _ =	vpop (xrf1);
	v15 =	vperm.xlane v15, v8;
	vm1 =	veq.f32 v13, $0.0e+00;
	(xrf1) =	vsort.dscd.msk.f32 $0xffff, v10, v7;
	s1 =	sadd.f32 $9.999999680e-21, s16  }
0x148: {  	v10 =	vsel vm1, v4, v13;
	vm2 =	vge.f32 v19, v14;
	(xrf1) =	vsort.dscd.msk.f32 $0xffff, v12, v3  }
0x149: {  	v12, v13, _ =	vpop (xrf1);
	(xrf1) =	vsort.dscd.msk.f32 $0xffff, v10, v5;
	v10 =	vmov s1;
	v15 =	vsel vm2, v20, v15  }
0x14a: {  	v14 =	vsel vm2, v19, v14;
	v19, v21, _ =	vpop (xrf1);
	(erf) = vrcp.f32 v10  }
0x14b: {  	vm1 =	veq.f32 v18, $0.0e+00;
	v10 =	vperm.xlane v19, v8  }
0x14c: {  	(xrf1) =	vsort.dscd.msk.f32 $0xffff, v14, v15;
	v14 =	vsel vm1, v0, v18;
	s18 =	spop (v2sf);
	v19 =	vperm.xlane v21, v8;
	v15, v18, _ =	vpop (xrf1)  }
0x14d: {  	v12 =	vperm.xlane v12, v8;
	(xrf1) =	vsort.dscd.msk.f32 $0xffff, v14, v1;
	s1 =	sadd.f32 $9.999999680e-21, s18;
	vm1 =	vge.f32 v15, v10  }
0x14e: {  	v10 =	vsel vm1, v15, v10;
	v14 =	vsel vm1, v18, v19;
	v15, v18, _ =	vpop (xrf1)  }
0x14f: {  	v19 =	vmov s1;
	vm1 =	vge.f32 v15, v12  }
0x150: {  	v13 =	vperm.xlane v13, v8;
	(xrf1) =	vsort.dscd.msk.f32 $0xffff, v10, v14;
	(erf) = vrcp.f32 v19;
	v10 =	vsel vm1, v15, v12;
	_ =	sdelay $0x1  }
0x151: {  	v12 =	vsel vm1, v18, v13  }
0x152: {  	(xrf1) =	vsort.dscd.msk.f32 $0xffff, v10, v12;
	v10 =	vpop (erf)  }
0x153: {  	v10 =	vmul.f32 v10, v11;
	_ =	sdelay $0x1  }
0x154: {  	[tilespmem:s28+$0xFFFFFFF0] =	vst.msk $0xff, v9;
	v11, v12, _ =	vpop (xrf1)  }
0x155: {  	v13, v14, _ =	vpop (xrf1);
	[tilespmem:s26+$0xFFFFFFF0] =	vst.msk $0xff, v10  }
0x156: {  	v11 =	vperm.xlane v11, v8;
	v18 =	vld [tilespmem:s29+$0xFFFFFF90];
	v10, v15, _ =	vpop (xrf1)  }
0x157: {  	v12 =	vperm.xlane v12, v8;
	v19 =	vld [tilespmem:s29+$0xFFFFFFB0];
	v13 =	vperm.xlane v13, v8;
	v20 =	vpop (erf)  }
0x158: {  	v14 =	vperm.xlane v14, v8;
	v21, v9, _ =	vpop (xrf1);
	v16 =	vmul.f32 v20, v16  }
0x159: {  	[tilespmem:s23+$0xFFFFFFF8] =	vst.msk $0xff, v17;
	v22 =	vld [tilespmem:s29+$0xFFFFFF80];
	vm1 =	vge.f32 v10, v11;
	v20, v23, _ =	vpop (xrf1)  }
0x15a: {  	v24 =	vld [tilespmem:s29+$0xFFFFFFA0];
	v10 =	vsel vm1, v10, v11;
	v11 =	vsel vm1, v15, v12;
	vm1 =	vge.f32 v20, v13;
	[tilespmem:s22+$0xFFFFFFF8] =	vst.msk $0xff, v16  }
0x15b: {  	(xrf1) =	vsort.dscd.msk.f32 $0xffff, v10, v11;
	v10 =	vsel vm1, v20, v13;
	v11 =	vsel vm1, v23, v14;
	vm1 =	veq.f32 v18, $0.0e+00  }
0x15c: {  	v12 =	vld [tilespmem:s0+$0x0];
	(xrf1) =	vsort.dscd.msk.f32 $0xffff, v10, v11;
	v10 =	vsel vm1, v2, v18;
	vm1 =	veq.f32 v19, $0.0e+00  }
0x15d: {  	v13, v14, _ =	vpop (xrf1);
	v11 =	vld [tilespmem:s0+$0x10];
	(xrf1) =	vsort.dscd.msk.f32 $0xffff, v10, v3;
	v10 =	vsel vm1, v6, v19  }
0x15e: {  	vm2 =	veq.f32 v22, $0.0e+00;
	v13 =	vperm.xlane v13, v8;
	(xrf1) =	vsort.dscd.msk.f32 $0xffff, v10, v7  }
0x15f: {  	v15 =	vld [tilespmem:s0+$0x30];
	v18 =	vsel vm2, v0, v22;
	v14 =	vperm.xlane v14, v8;
	vm1 =	veq.f32 v24, $0.0e+00;
	v16, v17, _ =	vpop (xrf1)  }
0x160: {  	v10 =	vld [tilespmem:s0+$0x20];
	v19 =	vsel vm1, v4, v24;
	vm2 =	vge.f32 v16, v13;
	(xrf1) =	vsort.dscd.msk.f32 $0xffff, v18, v1  }
0x161: {  	v13 =	vsel vm2, v16, v13;
	v14 =	vsel vm2, v17, v14;
	(xrf1) =	vsort.dscd.msk.f32 $0xffff, v19, v5;
	vm1 =	veq.f32 v12, $0.0e+00  }
0x162: {  	(xrf1) =	vsort.dscd.msk.f32 $0xffff, v13, v14;
	v12 =	vsel vm1, v0, v12;
	vm1 =	veq.f32 v11, $0.0e+00  }
0x163: {  	v11 =	vsel vm1, v2, v11;
	(xrf1) =	vsort.dscd.msk.f32 $0xffff, v12, v1  }
0x164: {  	vm1 =	veq.f32 v15, $0.0e+00;
	(xrf1) =	vsort.dscd.msk.f32 $0xffff, v11, v3  }
0x165: {  	v12 =	vsel vm1, v6, v15;
	vm1 =	veq.f32 v10, $0.0e+00  }
0x166: {  	(xrf1) =	vsort.dscd.msk.f32 $0xffff, v12, v7;
	v10 =	vsel vm1, v4, v10;
	_ =	sdelay $0x1  }
0x167: {  	(xrf1) =	vsort.dscd.msk.f32 $0xffff, v10, v5  }
0x168: {  	v10, v11, _ =	vpop (xrf1)  }
0x169: {  	v12, v13, _ =	vpop (xrf1)  }
0x16a: {  	v10 =	vperm.xlane v10, v8;
	v14, v15, _ =	vpop (xrf1)  }
0x16b: {  	v16 =	vmax.f32 v21, $0.0e+00;
	v17, v18, _ =	vpop (xrf1)  }
0x16c: {  	v19 =	vnsel vm0, $0x0, v16;
	vm1 =	vge.f32 v12, v10;
	v17 =	vperm.xlane v17, v8  }
0x16d: {  	v11 =	vperm.xlane v11, v8;
	v10 =	vsel vm1, v12, v10;
	v20, v21, _ =	vpop (xrf1);
	v12 =	vperm.xlane v18, v8  }
0x16e: {  	v22, v23, _ =	vpop (xrf1)  }
0x16f: {  	(xrf2) =	vadd.scan.msk.f32 $0xffff, v19;
	v11 =	vsel vm1, v13, v11;
	v13, v18, _ =	vpop (xrf1);
	vm2 =	vge.f32 v22, v17  }
0x170: {  	v14 =	vperm.xlane v14, v8;
	(xrf1) =	vsort.dscd.msk.f32 $0xffff, v10, v11;
	v19, v24, _ =	vpop (xrf1);
	v11 =	vsel vm2, v23, v12  }
0x171: {  	v10 =	vsel vm2, v22, v17;
	v12, v17, _ =	vpop (xrf1)  }
0x172: {  	v15 =	vperm.xlane v15, v8;
	vm1 =	vge.f32 v20, v14  }
0x173: {  	v14 =	vsel vm1, v20, v14;
	(xrf1) =	vsort.dscd.msk.f32 $0xffff, v10, v11;
	v10 =	vperm.xlane v12, v8;
	v11, v12, _ =	vpop (xrf1)  }
0x174: {  	v15 =	vsel vm1, v21, v15;
	v17 =	vperm.xlane v17, v8;
	v11 =	vperm.xlane v11, v8  }
0x175: {  	v20, v21, _ =	vpop (xrf1);
	vm1 =	vge.f32 v19, v10;
	v12 =	vperm.xlane v12, v8;
	(xrf1) =	vsort.dscd.msk.f32 $0xffff, v14, v15  }
0x176: {  	v10 =	vsel vm1, v19, v10;
	v14 =	vsel vm1, v24, v17;
	vm2 =	vge.f32 v20, v11  }
0x177: {  	(xrf1) =	vsort.dscd.msk.f32 $0xffff, v10, v14;
	v11 =	vsel vm2, v20, v11;
	v12 =	vsel vm2, v21, v12  }
0x178: {  	(xrf1) =	vsort.dscd.msk.f32 $0xffff, v11, v12;
	_ =	sdelay $0x2  }
0x179: {  	v15 =	vmax.f32 v13, $0.0e+00;
	v10, _, _ =	vpop (xrf2)  }
0x17a: {  	(v2sf) =	vpush v10, $0xF;
	v10 =	vnsel vm0, $0x0, v15  }
0x17b: {  	(xrf2) =	vadd.scan.msk.f32 $0xffff, v10  }
0x17c: {  	s18 =	simm.s32 $0x1600  }
0x17d: {  	v12 =	vld [tilespmem:s18+$0xFFFFFE10];
	_ =	sdelay $0x1  }
0x17e: {  	v17 =	vld [tilespmem:s18+$0xFFFFFE30];
	v10, v11, _ =	vpop (xrf1)  }
0x17f: {  	v13, v14, _ =	vpop (xrf1)  }
0x180: {  	v19, v20, _ =	vpop (xrf1)  }
0x181: {  	vm1 =	veq.f32 v12, $0.0e+00;
	v13 =	vperm.xlane v13, v8;
	v21 =	vld [tilespmem:s18+$0xFFFFFE00]  }
0x182: {  	v12 =	vsel vm1, v2, v12;
	v14 =	vperm.xlane v14, v8;
	v24 =	vld [tilespmem:s18+$0xFFFFFE20];
	v22, v23, _ =	vpop (xrf1)  }
0x183: {  	vm1 =	veq.f32 v17, $0.0e+00;
	vm2 =	vge.f32 v19, v13;
	(xrf1) =	vsort.dscd.msk.f32 $0xffff, v12, v3;
	v25, v26, _ =	vpop (xrf1)  }
0x184: {  	v13 =	vsel vm2, v19, v13;
	v19, _, _ =	vpop (xrf2);
	v12 =	vsel vm2, v20, v14;
	v14 =	vperm.xlane v25, v8  }
0x185: {  	(v2sf) =	vpush v19, $0xF;
	(xrf1) =	vsort.dscd.msk.f32 $0xffff, v13, v12;
	v13 =	vsel vm1, v6, v17;
	v12 =	vperm.xlane v26, v8  }
0x186: {  	(xrf1) =	vsort.dscd.msk.f32 $0xffff, v13, v7;
	vm1 =	vge.f32 v22, v14  }
0x187: {  	v13 =	vsel vm1, v22, v14;
	v12 =	vsel vm1, v23, v12;
	vm1 =	veq.f32 v24, $0.0e+00  }
0x188: {  	s20 =	spop (v2sf);
	(xrf1) =	vsort.dscd.msk.f32 $0xffff, v13, v12;
	v12 =	vsel vm1, v4, v24  }
0x189: {  	s1 =	sadd.f32 $9.999999680e-21, s20;
	(xrf1) =	vsort.dscd.msk.f32 $0xffff, v12, v5;
	_ =	sdelay $0x1  }
0x18a: {  	vm1 =	veq.f32 v21, $0.0e+00;
	v12 =	vmov s1  }
0x18b: {  	v13 =	vsel vm1, v0, v21;
	(erf) = vrcp.f32 v12  }
0x18c: {  	(xrf1) =	vsort.dscd.msk.f32 $0xffff, v13, v1;
	_ =	sdelay $0x1  }
0x18d: {  	v17 =	vmax.f32 v10, $0.0e+00  }
0x18e: {  	v10 =	vnsel vm0, $0x0, v17;
	_ =	sdelay $0x1  }
0x18f: {  	(xrf2) =	vadd.scan.msk.f32 $0xffff, v10;
	v13, v19, _ =	vpop (xrf1)  }
0x190: {  	v10, v12, _ =	vpop (xrf1)  }
0x191: {  	s21 =	spop (v2sf);
	v21, v22, _ =	vpop (xrf1)  }
0x192: {  	s1 =	sadd.f32 $9.999999680e-21, s21;
	v20 =	vpop (erf)  }
0x193: {  	v14 =	vmax.f32 v10, $0.0e+00;
	v21 =	vperm.xlane v21, v8;
	v16 =	vmul.f32 v20, v16;
	v20, v10, _ =	vpop (xrf1)  }
0x194: {  	s15 =	simm.s32 $0x8120;
	v22 =	vperm.xlane v22, v8;
	v23 =	vmov s1;
	v25, v26, _ =	vpop (xrf1)  }
0x195: {  	s16 =	simm.s32 $0x89A0;
	[tilespmem:s15+$0xFFFFFFE0] =	vst.msk $0xff, v9;
	vm1 =	vge.f32 v25, v21  }
0x196: {  	(erf) = vrcp.f32 v23;
	[tilespmem:s16+$0xFFFFFFE0] =	vst.msk $0xff, v16;
	v16 =	vperm.xlane v19, v8;
	v19 =	vsel vm1, v25, v21  }
0x197: {  	v9 =	vperm.xlane v13, v8  }
0x198: {  	v21 =	vsel vm1, v26, v22;
	v22, v23, _ =	vpop (xrf1)  }
0x199: {  	v24 =	vnsel vm0, $0x0, v14;
	v13 =	vmax.f32 v20, $0.0e+00;
	vm1 =	vge.f32 v22, v9;
	(xrf1) =	vsort.dscd.msk.f32 $0xffff, v19, v21;
	v19, _, _ =	vpop (xrf2)  }
0x19a: {  	(xrf2) =	vadd.scan.msk.f32 $0xffff, v24;
	v24 =	vld [tilespmem:s17+$0xFFFFFE90];
	v9 =	vsel vm1, v22, v9;
	v16 =	vsel vm1, v23, v16;
	(v2sf) =	vpush v19, $0xF  }
0x19b: {  	v20 =	vld [tilespmem:s17+$0xFFFFFEB0];
	(xrf1) =	vsort.dscd.msk.f32 $0xffff, v9, v16;
	v19 =	vnsel vm0, $0x0, v13  }
0x19c: {  	v9 =	vld [tilespmem:s17+$0xFFFFFEA0];
	(xrf2) =	vadd.scan.msk.f32 $0xffff, v19;
	_ =	sdelay $0x1  }
0x19d: {  	v16 =	vld [tilespmem:s17+$0xFFFFFE80]  }
0x19e: {  	vm1 =	veq.f32 v24, $0.0e+00;
	v21 =	vpop (erf)  }
0x19f: {  	v19 =	vsel vm1, v2, v24;
	vm1 =	veq.f32 v20, $0.0e+00;
	v15 =	vmul.f32 v21, v15  }
0x1a0: {  	[tilespmem:s14+$0xFFFFFFE8] =	vst.msk $0xff, v18;
	(xrf1) =	vsort.dscd.msk.f32 $0xffff, v19, v3;
	v19 =	vsel vm1, v6, v20;
	vm1 =	veq.f32 v9, $0.0e+00  }
0x1a1: {  	(xrf1) =	vsort.dscd.msk.f32 $0xffff, v19, v7;
	[tilespmem:s13+$0xFFFFFFE8] =	vst.msk $0xff, v15;
	v9 =	vsel vm1, v4, v9  }
0x1a2: {  	vm1 =	veq.f32 v16, $0.0e+00;
	(xrf1) =	vsort.dscd.msk.f32 $0xffff, v9, v5;
	v9 =	vld [tilespmem:s19+$0xFFFFFF30]  }
0x1a3: {  	v15 =	vsel vm1, v0, v16;
	v16 =	vld [tilespmem:s19+$0xFFFFFF10]  }
0x1a4: {  	v20, _, _ =	vpop (xrf2);
	(xrf1) =	vsort.dscd.msk.f32 $0xffff, v15, v1;
	v15 =	vld [tilespmem:s19+$0xFFFFFF20]  }
0x1a5: {  	(v2sf) =	vpush v20, $0xF;
	v18, _, _ =	vpop (xrf2)  }
0x1a6: {  	v21 =	vld [tilespmem:s19+$0xFFFFFF00];
	v19, v20, _ =	vpop (xrf1)  }
0x1a7: {  	vm1 =	veq.f32 v9, $0.0e+00;
	(v2sf) =	vpush v18, $0xF;
	v18 =	vperm.xlane v19, v8  }
0x1a8: {  	vm2 =	veq.f32 v16, $0.0e+00;
	v20 =	vperm.xlane v20, v8;
	v9 =	vsel vm1, v6, v9;
	v19, v22, _ =	vpop (xrf1);
	s25 =	spop (v2sf)  }
0x1a9: {  	v16 =	vsel vm2, v2, v16;
	vm2 =	veq.f32 v15, $0.0e+00;
	(xrf1) =	vsort.dscd.msk.f32 $0xffff, v9, v7;
	vm1 =	vge.f32 v19, v18;
	s1 =	sadd.f32 $9.999999680e-21, s25  }
0x1aa: {  	v15 =	vsel vm2, v4, v15;
	(xrf1) =	vsort.dscd.msk.f32 $0xffff, v16, v3;
	v16 =	vsel vm1, v22, v20  }
0x1ab: {  	v9 =	vsel vm1, v19, v18;
	vm1 =	veq.f32 v21, $0.0e+00;
	(xrf1) =	vsort.dscd.msk.f32 $0xffff, v15, v5;
	v15 =	vmov s1  }
0x1ac: {  	(xrf1) =	vsort.dscd.msk.f32 $0xffff, v9, v16;
	v9 =	vsel vm1, v0, v21;
	_ =	sdelay $0x1  }
0x1ad: {  	(erf) = vrcp.f32 v15;
	v15, v16, _ =	vpop (xrf1)  }
0x1ae: {  	(xrf1) =	vsort.dscd.msk.f32 $0xffff, v9, v1;
	v9, v18, _ =	vpop (xrf1)  }
0x1af: {  	v9 =	vperm.xlane v9, v8  }
0x1b0: {  	v19, v20, _ =	vpop (xrf1)  }
0x1b1: {  	v15 =	vperm.xlane v15, v8;
	v18 =	vperm.xlane v18, v8;
	vm1 =	vge.f32 v19, v9  }
0x1b2: {  	v9 =	vsel vm1, v19, v9;
	v19, v21, _ =	vpop (xrf1)  }
0x1b3: {  	s3 =	spop (v2sf);
	v18 =	vsel vm1, v20, v18;
	vm1 =	vge.f32 v19, v15  }
0x1b4: {  	s1 =	sadd.f32 $9.999999680e-21, s3;
	v16 =	vperm.xlane v16, v8;
	(xrf1) =	vsort.dscd.msk.f32 $0xffff, v9, v18;
	v9 =	vsel vm1, v19, v15;
	_ =	sdelay $0x1  }
0x1b5: {  	v20 =	vmov s1;
	v15 =	vsel vm1, v21, v16  }
0x1b6: {  	(erf) = vrcp.f32 v20;
	(xrf1) =	vsort.dscd.msk.f32 $0xffff, v9, v15;
	v9 =	vpop (erf)  }
0x1b7: {  	s4 =	spop (v2sf);
	v9 =	vmul.f32 v9, v17  }
0x1b8: {  	[tilespmem:s11+$0xFFFFFFF0] =	vst.msk $0xff, v11;
	s1 =	sadd.f32 $9.999999680e-21, s4  }
0x1b9: {  	v15, v16, _ =	vpop (xrf1);
	[tilespmem:s12+$0xFFFFFFF0] =	vst.msk $0xff, v9  }
0x1ba: {  	v21 =	vmov s1;
	v11, v17, _ =	vpop (xrf1);
	v20 =	vld [tilespmem:s24+$0xFFFFFF90]  }
0x1bb: {  	(erf) = vrcp.f32 v21;
	v15 =	vperm.xlane v15, v8;
	v18, v19, _ =	vpop (xrf1);
	v23 =	vld [tilespmem:s24+$0xFFFFFFB0]  }
0x1bc: {  	v16 =	vperm.xlane v16, v8;
	v11 =	vperm.xlane v11, v8;
	v26 =	vld [tilespmem:s24+$0xFFFFFFA0];
	v22, v9, _ =	vpop (xrf1)  }
0x1bd: {  	v17 =	vperm.xlane v17, v8;
	vm1 =	vge.f32 v18, v15;
	v25 =	vld [tilespmem:s24+$0xFFFFFF80];
	v21, v24, _ =	vpop (xrf1)  }
0x1be: {  	v15 =	vsel vm1, v18, v15;
	v16 =	vsel vm1, v19, v16;
	vm2 =	vge.f32 v21, v11  }
0x1bf: {  	v18 =	vpop (erf);
	(xrf1) =	vsort.dscd.msk.f32 $0xffff, v15, v16;
	v11 =	vsel vm2, v21, v11;
	v15 =	vsel vm2, v24, v17;
	vm1 =	veq.f32 v20, $0.0e+00  }
0x1c0: {  	v14 =	vmul.f32 v18, v14;
	(xrf1) =	vsort.dscd.msk.f32 $0xffff, v11, v15;
	v11 =	vsel vm1, v2, v20;
	vm1 =	veq.f32 v23, $0.0e+00  }
0x1c1: {  	[tilespmem:s28+$0xFFFFFFF8] =	vst.msk $0xff, v12;
	(xrf1) =	vsort.dscd.msk.f32 $0xffff, v11, v3;
	v11 =	vsel vm1, v6, v23;
	vm1 =	veq.f32 v26, $0.0e+00  }
0x1c2: {  	[tilespmem:s26+$0xFFFFFFF8] =	vst.msk $0xff, v14;
	vm2 =	veq.f32 v25, $0.0e+00;
	v17 =	vsel vm1, v4, v26  }
0x1c3: {  	v12 =	vld [tilespmem:s29+$0x0];
	v14 =	vsel vm2, v0, v25;
	(xrf1) =	vsort.dscd.msk.f32 $0xffff, v11, v7  }
0x1c4: {  	v16 =	vld [tilespmem:s29+$0x10];
	(xrf1) =	vsort.dscd.msk.f32 $0xffff, v14, v1;
	v11, v15, _ =	vpop (xrf1)  }
0x1c5: {  	v19 =	vld [tilespmem:s29+$0x30];
	(xrf1) =	vsort.dscd.msk.f32 $0xffff, v17, v5;
	v11 =	vperm.xlane v11, v8;
	v17 =	vpop (erf)  }
0x1c6: {  	v14, v18, _ =	vpop (xrf1);
	v15 =	vperm.xlane v15, v8;
	v13 =	vmul.f32 v17, v13;
	v17 =	vld [tilespmem:s29+$0x20]  }
0x1c7: {  	vm1 =	vge.f32 v14, v11  }
0x1c8: {  	[tilespmem:s23+$0x0] =	vst.msk $0xff, v10;
	v10 =	vsel vm1, v14, v11;
	v11 =	vsel vm1, v18, v15;
	vm1 =	veq.f32 v12, $0.0e+00  }
0x1c9: {  	(xrf1) =	vsort.dscd.msk.f32 $0xffff, v10, v11;
	v10 =	vsel vm1, v0, v12;
	vm1 =	veq.f32 v16, $0.0e+00  }
0x1ca: {  	[tilespmem:s22+$0x0] =	vst.msk $0xff, v13;
	v11 =	vsel vm1, v2, v16;
	vm1 =	veq.f32 v19, $0.0e+00;
	(xrf1) =	vsort.dscd.msk.f32 $0xffff, v10, v1  }
0x1cb: {  	v12 =	vld [tilespmem:s0+$0x90];
	v13 =	vsel vm1, v6, v19;
	(xrf1) =	vsort.dscd.msk.f32 $0xffff, v11, v3;
	vm1 =	veq.f32 v17, $0.0e+00  }
0x1cc: {  	v10 =	vld [tilespmem:s0+$0xB0];
	(xrf1) =	vsort.dscd.msk.f32 $0xffff, v13, v7;
	v11 =	vsel vm1, v4, v17  }
0x1cd: {  	(xrf1) =	vsort.dscd.msk.f32 $0xffff, v11, v5;
	v11 =	vmax.f32 v22, $0.0e+00  }
0x1ce: {  	v13, v14, _ =	vpop (xrf1);
	v18 =	vnsel vm0, $0x0, v11  }
0x1cf: {  	v16, v17, _ =	vpop (xrf1)  }
0x1d0: {  	vm1 =	veq.f32 v12, $0.0e+00;
	v13 =	vperm.xlane v13, v8;
	v19, v20, _ =	vpop (xrf1)  }
0x1d1: {  	v15 =	vld [tilespmem:s0+$0xA0];
	v12 =	vsel vm1, v2, v12;
	vm1 =	veq.f32 v10, $0.0e+00;
	(xrf2) =	vadd.scan.msk.f32 $0xffff, v18;
	v18, v22, _ =	vpop (xrf1)  }
0x1d2: {  	v21 =	vld [tilespmem:s0+$0x80];
	v14 =	vperm.xlane v14, v8;
	v10 =	vsel vm1, v6, v10;
	vm1 =	vge.f32 v16, v13  }
0x1d3: {  	(xrf1) =	vsort.dscd.msk.f32 $0xffff, v12, v3;
	v12 =	vsel vm1, v16, v13;
	v13 =	vperm.xlane v18, v8;
	v16, v18, _ =	vpop (xrf1)  }
0x1d4: {  	(xrf1) =	vsort.dscd.msk.f32 $0xffff, v10, v7;
	v10 =	vsel vm1, v17, v14;
	v14 =	vperm.xlane v22, v8;
	v17, v22, _ =	vpop (xrf1)  }
0x1d5: {  	vm2 =	vge.f32 v17, v13  }
0x1d6: {  	vm1 =	veq.f32 v15, $0.0e+00;
	(xrf1) =	vsort.dscd.msk.f32 $0xffff, v12, v10;
	v12 =	vsel vm2, v17, v13  }
0x1d7: {  	v10 =	vsel vm1, v4, v15;
	vm1 =	veq.f32 v21, $0.0e+00  }
0x1d8: {  	(xrf1) =	vsort.dscd.msk.f32 $0xffff, v10, v5;
	v10 =	vsel vm1, v0, v21  }
0x1d9: {  	v13 =	vsel vm2, v22, v14  }
0x1da: {  	(xrf1) =	vsort.dscd.msk.f32 $0xffff, v12, v13;
	v13 =	vperm.xlane v19, v8;
	v14, v12, _ =	vpop (xrf1)  }
0x1db: {  	(xrf1) =	vsort.dscd.msk.f32 $0xffff, v10, v1;
	v10, v15, _ =	vpop (xrf1)  }
0x1dc: {  	v17 =	vperm.xlane v20, v8;
	vm1 =	vge.f32 v16, v13;
	v19, v20, _ =	vpop (xrf1)  }
0x1dd: {  	v13 =	vsel vm1, v16, v13;
	v16 =	vperm.xlane v19, v8;
	v19, v21, _ =	vpop (xrf1)  }
0x1de: {  	v17 =	vsel vm1, v18, v17;
	v18 =	vperm.xlane v19, v8  }
0x1df: {  	v19 =	vperm.xlane v20, v8;
	v20, v22, _ =	vpop (xrf1);
	vm1 =	vge.f32 v10, v16  }
0x1e0: {  	v21 =	vperm.xlane v21, v8;
	v10 =	vsel vm1, v10, v16;
	vm2 =	vge.f32 v20, v18  }
0x1e1: {  	(xrf1) =	vsort.dscd.msk.f32 $0xffff, v13, v17;
	v13 =	vsel vm1, v15, v19;
	v15 =	vsel vm2, v20, v18  }
0x1e2: {  	v16 =	vsel vm2, v22, v21;
	(xrf1) =	vsort.dscd.msk.f32 $0xffff, v10, v13  }
0x1e3: {  	(xrf1) =	vsort.dscd.msk.f32 $0xffff, v15, v16;
	v10, _, _ =	vpop (xrf2)  }
0x1e4: {  	(v2sf) =	vpush v10, $0xF  }
0x1e5: {  	v18 =	vmax.f32 v14, $0.0e+00;
	v13, v15, _ =	vpop (xrf1)  }
0x1e6: {  	v19 =	vnsel vm0, $0x0, v18;
	v16, v17, _ =	vpop (xrf1)  }
0x1e7: {  	v16 =	vperm.xlane v16, v8;
	v14, v10, _ =	vpop (xrf1)  }
0x1e8: {  	v17 =	vperm.xlane v17, v8;
	v20, v21, _ =	vpop (xrf1)  }
0x1e9: {  	(xrf2) =	vadd.scan.msk.f32 $0xffff, v19;
	v13 =	vperm.xlane v13, v8;
	v19, v22, _ =	vpop (xrf1);
	vm1 =	vge.f32 v20, v16  }
0x1ea: {  	s25 =	simm.s32 $0x1A00;
	v15 =	vperm.xlane v15, v8;
	v16 =	vsel vm1, v20, v16;
	v17 =	vsel vm1, v21, v17;
	v20, v21, _ =	vpop (xrf1)  }
0x1eb: {  	vm1 =	vge.f32 v20, v13;
	(xrf1) =	vsort.dscd.msk.f32 $0xffff, v16, v17;
	v16 =	vld [tilespmem:s25+$0xFFFFFE10]  }
0x1ec: {  	v13 =	vsel vm1, v20, v13;
	v15 =	vsel vm1, v21, v15  }
0x1ed: {  	(xrf1) =	vsort.dscd.msk.f32 $0xffff, v13, v15  }
0x1ee: {  	v13 =	vld [tilespmem:s25+$0xFFFFFE30]  }
0x1ef: {  	v19 =	vperm.xlane v19, v8;
	v15, v17, _ =	vpop (xrf1)  }
0x1f0: {  	v23 =	vld [tilespmem:s25+$0xFFFFFE20];
	v20, v21, _ =	vpop (xrf1);
	vm1 =	veq.f32 v16, $0.0e+00  }
0x1f1: {  	v22 =	vperm.xlane v22, v8;
	v24, v25, _ =	vpop (xrf1);
	v16 =	vsel vm1, v2, v16;
	vm1 =	vge.f32 v15, v19  }
0x1f2: {  	(xrf1) =	vsort.dscd.msk.f32 $0xffff, v16, v3;
	v15 =	vsel vm1, v15, v19;
	v16 =	vperm.xlane v24, v8  }
0x1f3: {  	v26, _, _ =	vpop (xrf2);
	v17 =	vsel vm1, v17, v22;
	vm1 =	veq.f32 v13, $0.0e+00;
	v19 =	vperm.xlane v25, v8;
	s5 =	spop (v2sf)  }
0x1f4: {  	v27 =	vld [tilespmem:s25+$0xFFFFFE00];
	(v2sf) =	vpush v26, $0xF;
	(xrf1) =	vsort.dscd.msk.f32 $0xffff, v15, v17;
	v13 =	vsel vm1, v6, v13;
	vm1 =	vge.f32 v20, v16;
	s1 =	sadd.f32 $9.999999680e-21, s5  }
0x1f5: {  	(xrf1) =	vsort.dscd.msk.f32 $0xffff, v13, v7;
	v13 =	vsel vm1, v20, v16;
	v15 =	vsel vm1, v21, v19;
	vm1 =	veq.f32 v23, $0.0e+00  }
0x1f6: {  	(xrf1) =	vsort.dscd.msk.f32 $0xffff, v13, v15;
	v13 =	vsel vm1, v4, v23;
	v15 =	vmov s1  }
0x1f7: {  	(erf) = vrcp.f32 v15;
	_ =	sdelay $0x1  }
0x1f8: {  	vm1 =	veq.f32 v27, $0.0e+00;
	(xrf1) =	vsort.dscd.msk.f32 $0xffff, v13, v5;
	v13, v16, _ =	vpop (xrf1)  }
0x1f9: {  	v15 =	vsel vm1, v0, v27;
	v13 =	vperm.xlane v13, v8  }
0x1fa: {  	(xrf1) =	vsort.dscd.msk.f32 $0xffff, v15, v1;
	v15 =	vperm.xlane v16, v8;
	v16, v17, _ =	vpop (xrf1)  }
0x1fb: {  	vm1 =	vge.f32 v16, v13  }
0x1fc: {  	v13 =	vsel vm1, v16, v13;
	v15 =	vsel vm1, v17, v15  }
0x1fd: {  	v19 =	vmax.f32 v14, $0.0e+00;
	(xrf1) =	vsort.dscd.msk.f32 $0xffff, v13, v15  }
0x1fe: {  	v13 =	vnsel vm0, $0x0, v19  }
0x1ff: {  	(xrf2) =	vadd.scan.msk.f32 $0xffff, v13;
	v16 =	vpop (erf)  }
0x200: {  	v11 =	vmul.f32 v16, v11;
	_ =	sdelay $0x1  }
0x201: {  	s8 =	spop (v2sf);
	v13, v15, _ =	vpop (xrf1)  }
0x202: {  	s20 =	simm.s32 $0x8160;
	s1 =	sadd.f32 $9.999999680e-21, s8;
	v17, v14, _ =	vpop (xrf1)  }
0x203: {  	s21 =	simm.s32 $0x89E0;
	[tilespmem:s20+$0xFFFFFFE0] =	vst.msk $0xff, v9;
	v16 =	vmax.f32 v17, $0.0e+00;
	v17, v20, _ =	vpop (xrf1)  }
0x204: {  	v22 =	vmov s1;
	[tilespmem:s21+$0xFFFFFFE0] =	vst.msk $0xff, v11;
	v9 =	vnsel vm0, $0x0, v16;
	v17 =	vperm.xlane v17, v8;
	v21, v11, _ =	vpop (xrf1)  }
0x205: {  	v13 =	vperm.xlane v13, v8;
	(xrf2) =	vadd.scan.msk.f32 $0xffff, v9;
	v9 =	vld [tilespmem:s18+$0xFFFFFE90];
	v23, v24, _ =	vpop (xrf1)  }
0x206: {  	(erf) = vrcp.f32 v22;
	v20 =	vperm.xlane v20, v8;
	vm1 =	vge.f32 v23, v17  }
0x207: {  	v17 =	vsel vm1, v23, v17;
	v22, v23, _ =	vpop (xrf1)  }
0x208: {  	v25 =	vperm.xlane v15, v8;
	v15 =	vmax.f32 v21, $0.0e+00;
	v20 =	vsel vm1, v24, v20;
	v21, _, _ =	vpop (xrf2)  }
0x209: {  	v24 =	vld [tilespmem:s18+$0xFFFFFEB0];
	vm1 =	vge.f32 v22, v13;
	(xrf1) =	vsort.dscd.msk.f32 $0xffff, v17, v20;
	v17 =	vnsel vm0, $0x0, v15;
	(v2sf) =	vpush v21, $0xF  }
0x20a: {  	v22 =	vsel vm1, v22, v13;
	(xrf2) =	vadd.scan.msk.f32 $0xffff, v17;
	v17 =	vsel vm1, v23, v25;
	vm1 =	veq.f32 v9, $0.0e+00;
	v21, v13, _ =	vpop (xrf1)  }
0x20b: {  	(xrf1) =	vsort.dscd.msk.f32 $0xffff, v22, v17;
	v9 =	vsel vm1, v2, v9;
	v17 =	vmax.f32 v21, $0.0e+00  }
0x20c: {  	v20 =	vld [tilespmem:s18+$0xFFFFFEA0];
	(xrf1) =	vsort.dscd.msk.f32 $0xffff, v9, v3;
	v9 =	vnsel vm0, $0x0, v17  }
0x20d: {  	v22 =	vld [tilespmem:s18+$0xFFFFFE80]  }
0x20e: {  	vm1 =	veq.f32 v24, $0.0e+00  }
0x20f: {  	v21 =	vsel vm1, v6, v24;
	(xrf2) =	vadd.scan.msk.f32 $0xffff, v9;
	v9 =	vpop (erf)  }
0x210: {  	(xrf1) =	vsort.dscd.msk.f32 $0xffff, v21, v7;
	v9 =	vmul.f32 v9, v18  }
0x211: {  	[tilespmem:s15+$0xFFFFFFE8] =	vst.msk $0xff, v12;
	vm1 =	veq.f32 v20, $0.0e+00  }
0x212: {  	v20 =	vsel vm1, v4, v20;
	vm1 =	veq.f32 v22, $0.0e+00;
	[tilespmem:s16+$0xFFFFFFE8] =	vst.msk $0xff, v9  }
0x213: {  	(xrf1) =	vsort.dscd.msk.f32 $0xffff, v20, v5;
	v12 =	vsel vm1, v0, v22;
	v9 =	vld [tilespmem:s17+$0xFFFFFF30]  }
0x214: {  	(xrf1) =	vsort.dscd.msk.f32 $0xffff, v12, v1;
	v12 =	vld [tilespmem:s17+$0xFFFFFF10]  }
0x215: {  	v21, _, _ =	vpop (xrf2);
	v18 =	vld [tilespmem:s17+$0xFFFFFF20]  }
0x216: {  	(v2sf) =	vpush v21, $0xF  }
0x217: {  	v20, _, _ =	vpop (xrf2)  }
0x218: {  	(v2sf) =	vpush v20, $0xF;
	v21, v22, _ =	vpop (xrf1)  }
0x219: {  	v20 =	vld [tilespmem:s17+$0xFFFFFF00];
	v21 =	vperm.xlane v21, v8;
	vm1 =	veq.f32 v9, $0.0e+00;
	vm2 =	veq.f32 v12, $0.0e+00  }
0x21a: {  	v23, _, _ =	vpop (xrf2);
	v9 =	vsel vm1, v6, v9;
	v12 =	vsel vm2, v2, v12;
	vm1 =	veq.f32 v18, $0.0e+00  }
0x21b: {  	v22 =	vperm.xlane v22, v8;
	s9 =	spop (v2sf);
	(v2sf) =	vpush v23, $0xF;
	v23, v24, _ =	vpop (xrf1);
	(xrf1) =	vsort.dscd.msk.f32 $0xffff, v9, v7;
	v9 =	vsel vm1, v4, v18  }
0x21c: {  	s1 =	sadd.f32 $9.999999680e-21, s9;
	vm2 =	vge.f32 v23, v21;
	(xrf1) =	vsort.dscd.msk.f32 $0xffff, v12, v3  }
0x21d: {  	v21 =	vsel vm2, v23, v21;
	v22 =	vsel vm2, v24, v22;
	v12, v18, _ =	vpop (xrf1);
	(xrf1) =	vsort.dscd.msk.f32 $0xffff, v9, v5  }
0x21e: {  	vm1 =	veq.f32 v20, $0.0e+00;
	v9, v23, _ =	vpop (xrf1);
	(xrf1) =	vsort.dscd.msk.f32 $0xffff, v21, v22;
	v21 =	vmov s1  }
0x21f: {  	v20 =	vsel vm1, v0, v20;
	v22 =	vperm.xlane v23, v8  }
0x220: {  	(erf) = vrcp.f32 v21  }
0x221: {  	v9 =	vperm.xlane v9, v8  }
0x222: {  	(xrf1) =	vsort.dscd.msk.f32 $0xffff, v20, v1;
	v20, v21, _ =	vpop (xrf1)  }
0x223: {  	v12 =	vperm.xlane v12, v8;
	vm1 =	vge.f32 v20, v9  }
0x224: {  	v9 =	vsel vm1, v20, v9;
	v20 =	vsel vm1, v21, v22;
	v21, v22, _ =	vpop (xrf1)  }
0x225: {  	s3 =	spop (v2sf);
	vm1 =	vge.f32 v21, v12  }
0x226: {  	v18 =	vperm.xlane v18, v8;
	s1 =	sadd.f32 $9.999999680e-21, s3;
	(xrf1) =	vsort.dscd.msk.f32 $0xffff, v9, v20;
	v9 =	vsel vm1, v21, v12  }
0x227: {  	s4 =	spop (v2sf)  }
0x228: {  	v12 =	vsel vm1, v22, v18;
	v18 =	vmov s1;
	s1 =	sadd.f32 $9.999999680e-21, s4  }
0x229: {  	(xrf1) =	vsort.dscd.msk.f32 $0xffff, v9, v12;
	(erf) = vrcp.f32 v18;
	v9 =	vpop (erf)  }
0x22a: {  	v9 =	vmul.f32 v9, v19;
	v19 =	vmov s1;
	_ =	sdelay $0x1  }
0x22b: {  	v12, v18, _ =	vpop (xrf1)  }
0x22c: {  	[tilespmem:s14+$0xFFFFFFF0] =	vst.msk $0xff, v10;
	s3 =	spop (v2sf);
	v20, v21, _ =	vpop (xrf1);
	v10 =	vperm.xlane v12, v8  }
0x22d: {  	s5 =	sadd.f32 $9.999999680e-21, s3;
	(erf) = vrcp.f32 v19;
	v18 =	vperm.xlane v18, v8;
	[tilespmem:s13+$0xFFFFFFF0] =	vst.msk $0xff, v9;
	v12, v19, _ =	vpop (xrf1)  }
0x22e: {  	v20 =	vperm.xlane v20, v8;
	v23 =	vld [tilespmem:s19+$0xFFFFFF90];
	vm1 =	vge.f32 v12, v10  }
0x22f: {  	v24 =	vmov s5;
	v27 =	vld [tilespmem:s19+$0xFFFFFFB0];
	v22, v9, _ =	vpop (xrf1);
	v10 =	vsel vm1, v12, v10;
	v12 =	vsel vm1, v19, v18  }
0x230: {  	(erf) = vrcp.f32 v24;
	v25, v26, _ =	vpop (xrf1);
	(xrf1) =	vsort.dscd.msk.f32 $0xffff, v10, v12;
	v10 =	vld [tilespmem:s19+$0xFFFFFFA0]  }
0x231: {  	v18 =	vld [tilespmem:s19+$0xFFFFFF80];
	v19 =	vpop (erf)  }
0x232: {  	v21 =	vperm.xlane v21, v8;
	vm1 =	vge.f32 v25, v20;
	v12 =	vmul.f32 v19, v16  }
0x233: {  	[tilespmem:s11+$0xFFFFFFF8] =	vst.msk $0xff, v14;
	v16 =	vsel vm1, v25, v20;
	v14, v20, _ =	vpop (xrf1)  }
0x234: {  	v19 =	vsel vm1, v26, v21;
	vm1 =	veq.f32 v23, $0.0e+00;
	[tilespmem:s12+$0xFFFFFFF8] =	vst.msk $0xff, v12;
	v12 =	vperm.xlane v14, v8  }
0x235: {  	(xrf1) =	vsort.dscd.msk.f32 $0xffff, v16, v19;
	v14 =	vsel vm1, v2, v23;
	v16 =	vld [tilespmem:s24+$0x0];
	vm1 =	veq.f32 v27, $0.0e+00;
	vm3 =	veq.f32 v10, $0.0e+00  }
0x236: {  	v24 =	vpop (erf);
	(xrf1) =	vsort.dscd.msk.f32 $0xffff, v14, v3;
	v14 =	vld [tilespmem:s24+$0x10];
	vm2 =	veq.f32 v18, $0.0e+00;
	v23 =	vsel vm1, v6, v27;
	v10 =	vsel vm3, v4, v10  }
0x237: {  	v20 =	vperm.xlane v20, v8;
	v25 =	vld [tilespmem:s24+$0x30];
	v19, v21, _ =	vpop (xrf1);
	v18 =	vsel vm2, v0, v18;
	(xrf1) =	vsort.dscd.msk.f32 $0xffff, v23, v7  }
0x238: {  	v15 =	vmul.f32 v24, v15;
	vm1 =	vge.f32 v19, v12;
	(xrf1) =	vsort.dscd.msk.f32 $0xffff, v18, v1  }
0x239: {  	[tilespmem:s28+$0x0] =	vst.msk $0xff, v11;
	v12 =	vsel vm1, v19, v12;
	(xrf1) =	vsort.dscd.msk.f32 $0xffff, v10, v5;
	v10 =	vpop (erf)  }
0x23a: {  	v11 =	vld [tilespmem:s24+$0x20];
	[tilespmem:s26+$0x0] =	vst.msk $0xff, v15;
	v15 =	vsel vm1, v21, v20;
	vm1 =	veq.f32 v16, $0.0e+00;
	v10 =	vmul.f32 v10, v17  }
0x23b: {  	[tilespmem:s23+$0x8] =	vst.msk $0xff, v13;
	(xrf1) =	vsort.dscd.msk.f32 $0xffff, v12, v15;
	v12 =	vsel vm1, v0, v16;
	vm1 =	veq.f32 v14, $0.0e+00;
	v17 =	vld [tilespmem:s29+$0x90]  }
0x23c: {  	v13 =	vld [tilespmem:s29+$0xB0];
	v14 =	vsel vm1, v2, v14;
	vm1 =	veq.f32 v25, $0.0e+00;
	(xrf1) =	vsort.dscd.msk.f32 $0xffff, v12, v1;
	[tilespmem:s22+$0x8] =	vst.msk $0xff, v10  }
0x23d: {  	(xrf1) =	vsort.dscd.msk.f32 $0xffff, v14, v3;
	v10 =	vsel vm1, v6, v25;
	v14 =	vld [tilespmem:s0+$0x130]  }
0x23e: {  	v12 =	vmax.f32 v22, $0.0e+00;
	(xrf1) =	vsort.dscd.msk.f32 $0xffff, v10, v7;
	v10 =	vld [tilespmem:s0+$0x110]  }
0x23f: {  	v16 =	vnsel vm0, $0x0, v12;
	vm1 =	veq.f32 v11, $0.0e+00;
	v15 =	vld [tilespmem:s0+$0x120]  }
0x240: {  	(xrf2) =	vadd.scan.msk.f32 $0xffff, v16;
	v11 =	vsel vm1, v4, v11;
	v18, v19, _ =	vpop (xrf1);
	vm1 =	veq.f32 v17, $0.0e+00  }
0x241: {  	(xrf1) =	vsort.dscd.msk.f32 $0xffff, v11, v5;
	v16 =	vperm.xlane v18, v8;
	v11 =	vsel vm1, v2, v17;
	vm1 =	veq.f32 v13, $0.0e+00;
	v17 =	vld [tilespmem:s0+$0x100]  }
0x242: {  	v13 =	vsel vm1, v6, v13;
	(xrf1) =	vsort.dscd.msk.f32 $0xffff, v11, v3;
	vm1 =	veq.f32 v14, $0.0e+00  }
0x243: {  	v20 =	vld [tilespmem:s29+$0xA0];
	v11 =	vperm.xlane v19, v8;
	v18, v19, _ =	vpop (xrf1);
	(xrf1) =	vsort.dscd.msk.f32 $0xffff, v13, v7;
	v13 =	vsel vm1, v6, v14;
	vm1 =	veq.f32 v10, $0.0e+00  }
0x244: {  	vm2 =	vge.f32 v18, v16;
	(xrf1) =	vsort.dscd.msk.f32 $0xffff, v13, v7;
	v10 =	vsel vm1, v2, v10;
	vm1 =	veq.f32 v15, $0.0e+00  }
0x245: {  	v14 =	vsel vm2, v18, v16;
	v16, v18, _ =	vpop (xrf1);
	v15 =	vsel vm1, v4, v15;
	(xrf1) =	vsort.dscd.msk.f32 $0xffff, v10, v3  }
0x246: {  	v11 =	vsel vm2, v19, v11;
	v19, v21, _ =	vpop (xrf1);
	v10 =	vperm.xlane v16, v8;
	vm1 =	veq.f32 v17, $0.0e+00;
	(xrf1) =	vsort.dscd.msk.f32 $0xffff, v15, v5  }
0x247: {  	v13 =	vld [tilespmem:s29+$0x80];
	v16 =	vperm.xlane v19, v8;
	v19, v22, _ =	vpop (xrf1);
	(xrf1) =	vsort.dscd.msk.f32 $0xffff, v14, v11;
	v11 =	vsel vm1, v0, v17  }
0x248: {  	vm2 =	veq.f32 v20, $0.0e+00;
	v15 =	vperm.xlane v21, v8;
	v21, v23, _ =	vpop (xrf1)  }
0x249: {  	vm1 =	vge.f32 v21, v16;
	v14 =	vsel vm2, v4, v20  }
0x24a: {  	v16 =	vsel vm1, v21, v16  }
0x24b: {  	(xrf1) =	vsort.dscd.msk.f32 $0xffff, v11, v1;
	v17, v11, _ =	vpop (xrf1)  }
0x24c: {  	v15 =	vsel vm1, v23, v15;
	vm1 =	veq.f32 v13, $0.0e+00;
	(xrf1) =	vsort.dscd.msk.f32 $0xffff, v14, v5;
	v14, v20, _ =	vpop (xrf1)  }
0x24d: {  	(xrf1) =	vsort.dscd.msk.f32 $0xffff, v16, v15;
	v13 =	vsel vm1, v0, v13;
	v15 =	vperm.xlane v18, v8;
	v16, v18, _ =	vpop (xrf1)  }
0x24e: {  	(xrf1) =	vsort.dscd.msk.f32 $0xffff, v13, v1;
	v13 =	vperm.xlane v16, v8  }
0x24f: {  	vm1 =	vge.f32 v19, v10;
	v18 =	vperm.xlane v18, v8  }
0x250: {  	v10 =	vsel vm1, v19, v10;
	v15 =	vsel vm1, v22, v15;
	vm1 =	vge.f32 v14, v13  }
0x251: {  	v16, v19, _ =	vpop (xrf1);
	v13 =	vsel vm1, v14, v13;
	v14 =	vsel vm1, v20, v18  }
0x252: {  	v16 =	vperm.xlane v16, v8  }
0x253: {  	v21, v22, _ =	vpop (xrf1);
	v19 =	vperm.xlane v19, v8  }
0x254: {  	(xrf1) =	vsort.dscd.msk.f32 $0xffff, v10, v15;
	vm2 =	vge.f32 v21, v16;
	v15, v18, _ =	vpop (xrf1)  }
0x255: {  	v16 =	vsel vm2, v21, v16;
	v19 =	vsel vm2, v22, v19;
	(xrf1) =	vsort.dscd.msk.f32 $0xffff, v13, v14;
	v13, v14, _ =	vpop (xrf1)  }
0x256: {  	(xrf1) =	vsort.dscd.msk.f32 $0xffff, v16, v19;
	v16 =	vperm.xlane v18, v8;
	v18, v20, _ =	vpop (xrf1)  }
0x257: {  	v18 =	vperm.xlane v18, v8;
	v21, v22, _ =	vpop (xrf1)  }
0x258: {  	v19 =	vmax.f32 v17, $0.0e+00;
	v17 =	vperm.xlane v20, v8;
	v20, v23, _ =	vpop (xrf1)  }
0x259: {  	v10, _, _ =	vpop (xrf2);
	vm1 =	vge.f32 v20, v18  }
0x25a: {  	(v2sf) =	vpush v10, $0xF;
	v24 =	vnsel vm0, $0x0, v19;
	v18 =	vsel vm1, v20, v18  }
0x25b: {  	v15 =	vperm.xlane v15, v8;
	v25, v10, _ =	vpop (xrf1);
	v17 =	vsel vm1, v23, v17  }
0x25c: {  	v13 =	vperm.xlane v13, v8;
	v21 =	vperm.xlane v21, v8;
	v20, v23, _ =	vpop (xrf1)  }
0x25d: {  	v14 =	vperm.xlane v14, v8;
	(xrf2) =	vadd.scan.msk.f32 $0xffff, v24;
	v22 =	vperm.xlane v22, v8;
	v24, v26, _ =	vpop (xrf1)  }
0x25e: {  	vm1 =	vge.f32 v20, v21;
	(xrf1) =	vsort.dscd.msk.f32 $0xffff, v18, v17;
	vm2 =	vge.f32 v24, v13;
	v17, v18, _ =	vpop (xrf1)  }
0x25f: {  	s30 =	simm.s32 $0x1E00;
	v20 =	vsel vm1, v20, v21;
	v21 =	vsel vm1, v23, v22;
	v13 =	vsel vm2, v24, v13;
	v23, v24, _ =	vpop (xrf1)  }
0x260: {  	v22 =	vld [tilespmem:s30+$0xFFFFFE10];
	v14 =	vsel vm2, v26, v14;
	(xrf1) =	vsort.dscd.msk.f32 $0xffff, v20, v21;
	vm1 =	vge.f32 v23, v15  }
0x261: {  	(xrf1) =	vsort.dscd.msk.f32 $0xffff, v13, v14;
	v14 =	vsel vm1, v24, v16;
	_ =	sdelay $0x1  }
0x262: {  	v13 =	vsel vm1, v23, v15;
	v15 =	vld [tilespmem:s30+$0xFFFFFE30]  }
0x263: {  	(xrf1) =	vsort.dscd.msk.f32 $0xffff, v13, v14;
	v13 =	vperm.xlane v17, v8;
	v14, v16, _ =	vpop (xrf1)  }
0x264: {  	v21 =	vld [tilespmem:s30+$0xFFFFFE20];
	vm1 =	veq.f32 v22, $0.0e+00;
	v17, v20, _ =	vpop (xrf1)  }
0x265: {  	v18 =	vperm.xlane v18, v8;
	v22 =	vsel vm1, v2, v22;
	vm1 =	vge.f32 v14, v13;
	v23, v24, _ =	vpop (xrf1)  }
0x266: {  	v13 =	vsel vm1, v14, v13;
	v14 =	vperm.xlane v23, v8  }
0x267: {  	(xrf1) =	vsort.dscd.msk.f32 $0xffff, v22, v3;
	v22 =	vld [tilespmem:s30+$0xFFFFFE00];
	v16 =	vsel vm1, v16, v18;
	vm1 =	veq.f32 v15, $0.0e+00;
	v23 =	vperm.xlane v24, v8  }
0x268: {  	s8 =	spop (v2sf);
	(xrf1) =	vsort.dscd.msk.f32 $0xffff, v13, v16;
	v13 =	vsel vm1, v6, v15;
	vm1 =	vge.f32 v17, v14  }
0x269: {  	s1 =	sadd.f32 $9.999999680e-21, s8;
	(xrf1) =	vsort.dscd.msk.f32 $0xffff, v13, v7;
	v13 =	vsel vm1, v17, v14;
	v14 =	vsel vm1, v20, v23;
	vm1 =	veq.f32 v21, $0.0e+00  }
0x26a: {  	v18, _, _ =	vpop (xrf2);
	(xrf1) =	vsort.dscd.msk.f32 $0xffff, v13, v14;
	v13 =	vsel vm1, v4, v21  }
0x26b: {  	(v2sf) =	vpush v18, $0xF;
	v14 =	vmov s1  }
0x26c: {  	vm1 =	veq.f32 v22, $0.0e+00;
	(erf) = vrcp.f32 v14  }
0x26d: {  	(xrf1) =	vsort.dscd.msk.f32 $0xffff, v13, v5;
	v14 =	vsel vm1, v0, v22;
	v13, v15, _ =	vpop (xrf1)  }
0x26e: {  	v13 =	vperm.xlane v13, v8  }
0x26f: {  	v16, v17, _ =	vpop (xrf1)  }
0x270: {  	(xrf1) =	vsort.dscd.msk.f32 $0xffff, v14, v1;
	v15 =	vperm.xlane v15, v8;
	v14, v18, _ =	vpop (xrf1);
	vm1 =	vge.f32 v16, v13  }
0x271: {  	v14 =	vperm.xlane v14, v8;
	v13 =	vsel vm1, v16, v13;
	v16 =	vperm.xlane v18, v8  }
0x272: {  	v15 =	vsel vm1, v17, v15;
	v17, v18, _ =	vpop (xrf1)  }
0x273: {  	vm1 =	vge.f32 v17, v14  }
0x274: {  	v21 =	vmax.f32 v25, $0.0e+00;
	(xrf1) =	vsort.dscd.msk.f32 $0xffff, v13, v15;
	v13 =	vsel vm1, v17, v14;
	v14 =	vsel vm1, v18, v16  }
0x275: {  	(xrf1) =	vsort.dscd.msk.f32 $0xffff, v13, v14;
	v13 =	vnsel vm0, $0x0, v21;
	v16 =	vpop (erf)  }
0x276: {  	v12 =	vmul.f32 v16, v12;
	_ =	sdelay $0x1  }
0x277: {  	v14, v15, _ =	vpop (xrf1)  }
0x278: {  	s1 =	simm.s32 $0x81A0;
	(xrf2) =	vadd.scan.msk.f32 $0xffff, v13;
	v17, v13, _ =	vpop (xrf1)  }
0x279: {  	s8 =	simm.s32 $0x8A20;
	[tilespmem:s1+$0xFFFFFFE0] =	vst.msk $0xff, v9;
	s9 =	spop (v2sf);
	v16, v20, _ =	vpop (xrf1)  }
0x27a: {  	s3 =	sadd.f32 $9.999999680e-21, s9;
	v14 =	vperm.xlane v14, v8;
	[tilespmem:s8+$0xFFFFFFE0] =	vst.msk $0xff, v12;
	v16 =	vperm.xlane v16, v8;
	v9, v12, _ =	vpop (xrf1)  }
0x27b: {  	v15 =	vperm.xlane v15, v8;
	v18 =	vmax.f32 v17, $0.0e+00;
	v20 =	vperm.xlane v20, v8;
	v23, v24, _ =	vpop (xrf1)  }
0x27c: {  	v25 =	vmov s3;
	v22 =	vld [tilespmem:s25+$0xFFFFFE90];
	v17 =	vnsel vm0, $0x0, v18;
	vm1 =	vge.f32 v23, v16  }
0x27d: {  	(xrf2) =	vadd.scan.msk.f32 $0xffff, v17;
	v17 =	vmax.f32 v9, $0.0e+00;
	v16 =	vsel vm1, v23, v16;
	v20 =	vsel vm1, v24, v20  }
0x27e: {  	(erf) = vrcp.f32 v25;
	v23 =	vld [tilespmem:s25+$0xFFFFFEB0];
	v9, v24, _ =	vpop (xrf1);
	(xrf1) =	vsort.dscd.msk.f32 $0xffff, v16, v20;
	v16 =	vnsel vm0, $0x0, v17  }
0x27f: {  	vm1 =	vge.f32 v9, v14  }
0x280: {  	v9 =	vsel vm1, v9, v14;
	v14 =	vsel vm1, v24, v15  }
0x281: {  	(xrf2) =	vadd.scan.msk.f32 $0xffff, v16;
	vm1 =	veq.f32 v22, $0.0e+00;
	v16, v15, _ =	vpop (xrf1)  }
0x282: {  	v24, _, _ =	vpop (xrf2);
	(xrf1) =	vsort.dscd.msk.f32 $0xffff, v9, v14;
	v9 =	vsel vm1, v2, v22;
	v20 =	vmax.f32 v16, $0.0e+00  }
0x283: {  	v25 =	vld [tilespmem:s25+$0xFFFFFEA0];
	(v2sf) =	vpush v24, $0xF;
	(xrf1) =	vsort.dscd.msk.f32 $0xffff, v9, v3;
	vm1 =	veq.f32 v23, $0.0e+00;
	v9 =	vnsel vm0, $0x0, v20  }
0x284: {  	v22 =	vld [tilespmem:s25+$0xFFFFFE80];
	v16 =	vsel vm1, v6, v23;
	v23, v14, _ =	vpop (xrf1);
	(xrf2) =	vadd.scan.msk.f32 $0xffff, v9  }
0x285: {  	(xrf1) =	vsort.dscd.msk.f32 $0xffff, v16, v7;
	v16 =	vmax.f32 v23, $0.0e+00  }
0x286: {  	v9 =	vnsel vm0, $0x0, v16  }
0x287: {  	v24 =	vpop (erf)  }
0x288: {  	v19 =	vmul.f32 v24, v19;
	vm1 =	veq.f32 v25, $0.0e+00;
	(xrf2) =	vadd.scan.msk.f32 $0xffff, v9  }
0x289: {  	[tilespmem:s20+$0xFFFFFFE8] =	vst.msk $0xff, v11;
	v23 =	vsel vm1, v4, v25;
	vm1 =	veq.f32 v22, $0.0e+00;
	v9, _, _ =	vpop (xrf2)  }
0x28a: {  	[tilespmem:s21+$0xFFFFFFE8] =	vst.msk $0xff, v19;
	(xrf1) =	vsort.dscd.msk.f32 $0xffff, v23, v5;
	v22 =	vsel vm1, v0, v22;
	(v2sf) =	vpush v9, $0xF  }
0x28b: {  	(xrf1) =	vsort.dscd.msk.f32 $0xffff, v22, v1;
	v9 =	vld [tilespmem:s18+$0xFFFFFF30]  }
0x28c: {  	v19 =	vld [tilespmem:s18+$0xFFFFFF10]  }
0x28d: {  	v24 =	vld [tilespmem:s18+$0xFFFFFF20];
	v11, _, _ =	vpop (xrf2)  }
0x28e: {  	(v2sf) =	vpush v11, $0xF;
	v22, v23, _ =	vpop (xrf1)  }
0x28f: {  	v22 =	vperm.xlane v22, v8;
	v11, _, _ =	vpop (xrf2)  }
0x290: {  	vm1 =	veq.f32 v9, $0.0e+00;
	(v2sf) =	vpush v11, $0xF  }
0x291: {  	v25 =	vld [tilespmem:s18+$0xFFFFFF00];
	vm3 =	veq.f32 v19, $0.0e+00;
	v11, v26, _ =	vpop (xrf1);
	v9 =	vsel vm1, v6, v9  }
0x292: {  	v19 =	vsel vm3, v2, v19;
	v23 =	vperm.xlane v23, v8;
	vm1 =	veq.f32 v24, $0.0e+00;
	s4 =	spop (v2sf);
	v27, _, _ =	vpop (xrf2);
	(xrf1) =	vsort.dscd.msk.f32 $0xffff, v9, v7  }
0x293: {  	vm2 =	vge.f32 v11, v22;
	v28, v29, _ =	vpop (xrf1);
	v24 =	vsel vm1, v4, v24;
	s3 =	sadd.f32 $9.999999680e-21, s4;
	(xrf1) =	vsort.dscd.msk.f32 $0xffff, v19, v3  }
0x294: {  	v9 =	vsel vm2, v11, v22;
	v19 =	vsel vm2, v26, v23;
	v11, v22, _ =	vpop (xrf1);
	(xrf1) =	vsort.dscd.msk.f32 $0xffff, v24, v5  }
0x295: {  	(v2sf) =	vpush v27, $0xF;
	(xrf1) =	vsort.dscd.msk.f32 $0xffff, v9, v19;
	v9 =	vperm.xlane v22, v8;
	v22 =	vmov s3  }
0x296: {  	vm1 =	veq.f32 v25, $0.0e+00;
	(erf) = vrcp.f32 v22  }
0x297: {  	v11 =	vperm.xlane v11, v8;
	v19 =	vsel vm1, v0, v25  }
0x298: {  	v25 =	vperm.xlane v28, v8;
	v23, v24, _ =	vpop (xrf1);
	(xrf1) =	vsort.dscd.msk.f32 $0xffff, v19, v1  }
0x299: {  	v19 =	vperm.xlane v29, v8;
	vm1 =	vge.f32 v23, v11;
	v22, v26, _ =	vpop (xrf1);
	s5 =	spop (v2sf)  }
0x29a: {  	v11 =	vsel vm1, v23, v11;
	v9 =	vsel vm1, v24, v9;
	vm1 =	vge.f32 v22, v25;
	s3 =	sadd.f32 $9.999999680e-21, s5  }
0x29b: {  	(xrf1) =	vsort.dscd.msk.f32 $0xffff, v11, v9;
	v9 =	vsel vm1, v22, v25;
	v11 =	vsel vm1, v26, v19  }
0x29c: {  	(xrf1) =	vsort.dscd.msk.f32 $0xffff, v9, v11;
	v9 =	vmov s3  }
0x29d: {  	s9 =	spop (v2sf)  }
0x29e: {  	s3 =	sadd.f32 $9.999999680e-21, s9;
	(erf) = vrcp.f32 v9  }
0x29f: {  	s9 =	spop (v2sf);
	v9 =	vpop (erf)  }
0x2a0: {  	v11 =	vmov s3;
	v19, v22, _ =	vpop (xrf1);
	s4 =	sadd.f32 $9.999999680e-21, s9;
	v9 =	vmul.f32 v9, v21  }
0x2a1: {  	(erf) = vrcp.f32 v11;
	v11 =	vperm.xlane v19, v8;
	v19, v21, _ =	vpop (xrf1)  }
0x2a2: {  	[tilespmem:s15+$0xFFFFFFF0] =	vst.msk $0xff, v10;
	v22 =	vperm.xlane v22, v8;
	v23, v24, _ =	vpop (xrf1);
	v10 =	vmov s4  }
0x2a3: {  	vm1 =	vge.f32 v23, v11  }
0x2a4: {  	s5 =	spop (v2sf);
	[tilespmem:s16+$0xFFFFFFF0] =	vst.msk $0xff, v9;
	v22 =	vsel vm1, v24, v22  }
0x2a5: {  	s9 =	sadd.f32 $9.999999680e-21, s5;
	(erf) = vrcp.f32 v10;
	v25 =	vld [tilespmem:s17+$0xFFFFFF90];
	v11 =	vsel vm1, v23, v11;
	v10, v9, _ =	vpop (xrf1)  }
0x2a6: {  	v19 =	vperm.xlane v19, v8;
	(xrf1) =	vsort.dscd.msk.f32 $0xffff, v11, v22;
	v11 =	vld [tilespmem:s17+$0xFFFFFFB0];
	v23, v24, _ =	vpop (xrf1)  }
0x2a7: {  	v21 =	vperm.xlane v21, v8;
	v26 =	vld [tilespmem:s17+$0xFFFFFF80];
	v27 =	vmov s9;
	v22 =	vpop (erf)  }
0x2a8: {  	v10 =	vmax.f32 v10, $0.0e+00;
	vm1 =	vge.f32 v23, v19;
	v18 =	vmul.f32 v22, v18  }
0x2a9: {  	[tilespmem:s14+$0xFFFFFFF8] =	vst.msk $0xff, v13;
	(erf) = vrcp.f32 v27;
	v13 =	vnsel vm0, $0x0, v10;
	v19 =	vsel vm1, v23, v19;
	v23 =	vld [tilespmem:s17+$0xFFFFFFA0]  }
0x2aa: {  	v21 =	vsel vm1, v24, v21;
	v22, v24, _ =	vpop (xrf1);
	vm1 =	veq.f32 v25, $0.0e+00;
	(xrf2) =	vadd.scan.msk.f32 $0xffff, v13;
	[tilespmem:s13+$0xFFFFFFF8] =	vst.msk $0xff, v18  }
0x2ab: {  	(xrf1) =	vsort.dscd.msk.f32 $0xffff, v19, v21;
	v13 =	vperm.xlane v24, v8;
	v18 =	vsel vm1, v2, v25;
	vm2 =	veq.f32 v11, $0.0e+00;
	v24 =	vld [tilespmem:s19+$0x0]  }
0x2ac: {  	vm3 =	veq.f32 v26, $0.0e+00;
	v19 =	vperm.xlane v22, v8;
	v25 =	vpop (erf);
	(xrf1) =	vsort.dscd.msk.f32 $0xffff, v18, v3;
	v11 =	vsel vm2, v6, v11  }
0x2ad: {  	v26 =	vsel vm3, v0, v26;
	v18 =	vld [tilespmem:s19+$0x10];
	v17 =	vmul.f32 v25, v17;
	v21, v22, _ =	vpop (xrf1);
	(xrf1) =	vsort.dscd.msk.f32 $0xffff, v11, v7  }
0x2ae: {  	[tilespmem:s11+$0x0] =	vst.msk $0xff, v12;
	v25 =	vld [tilespmem:s19+$0x30];
	vm1 =	vge.f32 v21, v19;
	v12 =	vpop (erf);
	(xrf1) =	vsort.dscd.msk.f32 $0xffff, v26, v1;
	vm4 =	veq.f32 v23, $0.0e+00  }
0x2af: {  	v11 =	vld [tilespmem:s19+$0x20];
	[tilespmem:s12+$0x0] =	vst.msk $0xff, v17;
	v12 =	vmul.f32 v12, v20;
	v17 =	vsel vm1, v21, v19;
	v19 =	vsel vm4, v4, v23  }
0x2b0: {  	[tilespmem:s23+$0x10] =	vst.msk $0xff, v15;
	v20 =	vld [tilespmem:s24+$0x90];
	v13 =	vsel vm1, v22, v13;
	(xrf1) =	vsort.dscd.msk.f32 $0xffff, v19, v5;
	vm1 =	veq.f32 v24, $0.0e+00  }
0x2b1: {  	v15 =	vld [tilespmem:s24+$0xB0];
	[tilespmem:s22+$0x10] =	vst.msk $0xff, v12;
	(xrf1) =	vsort.dscd.msk.f32 $0xffff, v17, v13;
	v12 =	vsel vm1, v0, v24  }
0x2b2: {  	vm1 =	veq.f32 v18, $0.0e+00;
	v19 =	vpop (erf);
	(xrf1) =	vsort.dscd.msk.f32 $0xffff, v12, v1;
	v12 =	vld [tilespmem:s0+$0x190]  }
0x2b3: {  	v17 =	vsel vm1, v2, v18;
	vm1 =	veq.f32 v25, $0.0e+00;
	v13 =	vmul.f32 v19, v16;
	v16 =	vld [tilespmem:s0+$0x1B0]  }
0x2b4: {  	[tilespmem:s28+$0x8] =	vst.msk $0xff, v14;
	vm2 =	veq.f32 v11, $0.0e+00;
	v14 =	vsel vm1, v6, v25;
	(xrf1) =	vsort.dscd.msk.f32 $0xffff, v17, v3  }
0x2b5: {  	v11 =	vsel vm2, v4, v11;
	vm1 =	veq.f32 v20, $0.0e+00;
	(xrf1) =	vsort.dscd.msk.f32 $0xffff, v14, v7;
	[tilespmem:s26+$0x8] =	vst.msk $0xff, v13;
	v13 =	vld [tilespmem:s0+$0x1A0]  }
0x2b6: {  	(xrf1) =	vsort.dscd.msk.f32 $0xffff, v11, v5;
	v11 =	vsel vm1, v2, v20;
	vm1 =	veq.f32 v15, $0.0e+00;
	v14 =	vld [tilespmem:s29+$0x130]  }
0x2b7: {  	v19 =	vld [tilespmem:s0+$0x180];
	v17, v18, _ =	vpop (xrf1);
	v15 =	vsel vm1, v6, v15;
	(xrf1) =	vsort.dscd.msk.f32 $0xffff, v11, v3  }
0x2b8: {  	v17 =	vperm.xlane v17, v8;
	(xrf1) =	vsort.dscd.msk.f32 $0xffff, v15, v7;
	v15 =	vld [tilespmem:s29+$0x120];
	vm2 =	veq.f32 v12, $0.0e+00;
	vm1 =	veq.f32 v16, $0.0e+00  }
0x2b9: {  	v11 =	vld [tilespmem:s29+$0x110];
	v20, v21, _ =	vpop (xrf1);
	v12 =	vsel vm2, v2, v12;
	v16 =	vsel vm1, v6, v16  }
0x2ba: {  	v18 =	vperm.xlane v18, v8;
	vm1 =	vge.f32 v20, v17;
	vm2 =	veq.f32 v13, $0.0e+00;
	(xrf1) =	vsort.dscd.msk.f32 $0xffff, v16, v7  }
0x2bb: {  	v16 =	vsel vm1, v20, v17;
	vm3 =	veq.f32 v14, $0.0e+00;
	v13 =	vsel vm2, v4, v13;
	(xrf1) =	vsort.dscd.msk.f32 $0xffff, v12, v3  }
0x2bc: {  	v17 =	vld [tilespmem:s29+$0x100];
	v18 =	vsel vm1, v21, v18;
	vm1 =	veq.f32 v19, $0.0e+00;
	v12, v20, _ =	vpop (xrf1);
	v14 =	vsel vm3, v6, v14;
	(xrf1) =	vsort.dscd.msk.f32 $0xffff, v13, v5  }
0x2bd: {  	(xrf1) =	vsort.dscd.msk.f32 $0xffff, v14, v7;
	v14 =	vsel vm1, v0, v19;
	v19 =	vperm.xlane v12, v8;
	v12, v22, _ =	vpop (xrf1);
	vm1 =	veq.f32 v15, $0.0e+00  }
0x2be: {  	vm2 =	veq.f32 v11, $0.0e+00;
	(xrf1) =	vsort.dscd.msk.f32 $0xffff, v14, v1;
	v14 =	vperm.xlane v12, v8;
	v12 =	vsel vm1, v4, v15  }
0x2bf: {  	v11 =	vsel vm2, v2, v11  }
0x2c0: {  	v21 =	vld [tilespmem:s24+$0xA0];
	v24, v25, _ =	vpop (xrf1);
	(xrf1) =	vsort.dscd.msk.f32 $0xffff, v11, v3  }
0x2c1: {  	v11 =	vperm.xlane v22, v8;
	v15, v22, _ =	vpop (xrf1);
	vm2 =	veq.f32 v17, $0.0e+00;
	(xrf1) =	vsort.dscd.msk.f32 $0xffff, v12, v5  }
0x2c2: {  	v26, v12, _ =	vpop (xrf1);
	(xrf1) =	vsort.dscd.msk.f32 $0xffff, v16, v18;
	v16 =	vsel vm2, v0, v17  }
0x2c3: {  	v23 =	vld [tilespmem:s24+$0x80]  }
0x2c4: {  	vm1 =	vge.f32 v24, v19;
	vm3 =	vge.f32 v15, v14  }
0x2c5: {  	vm15 =	veq.f32 v21, $0.0e+00;
	v14 =	vsel vm3, v15, v14;
	v17 =	vsel vm1, v24, v19;
	v18, v19, _ =	vpop (xrf1)  }
0x2c6: {  	v21 =	vsel vm15, v4, v21;
	(xrf1) =	vsort.dscd.msk.f32 $0xffff, v16, v1;
	v15, v16, _ =	vpop (xrf1)  }
0x2c7: {  	v11 =	vsel vm3, v22, v11;
	(xrf1) =	vsort.dscd.msk.f32 $0xffff, v21, v5  }
0x2c8: {  	vm2 =	veq.f32 v23, $0.0e+00;
	(xrf1) =	vsort.dscd.msk.f32 $0xffff, v14, v11;
	v11 =	vperm.xlane v15, v8;
	v14, v15, _ =	vpop (xrf1)  }
0x2c9: {  	v20 =	vperm.xlane v20, v8;
	v21 =	vsel vm2, v0, v23;
	v14 =	vperm.xlane v14, v8  }
0x2ca: {  	v16 =	vperm.xlane v16, v8;
	v22, v23, _ =	vpop (xrf1);
	v15 =	vperm.xlane v15, v8  }
0x2cb: {  	v13, _, _ =	vpop (xrf2);
	v20 =	vsel vm1, v25, v20;
	vm1 =	vge.f32 v18, v11;
	vm2 =	vge.f32 v22, v14  }
0x2cc: {  	(xrf1) =	vsort.dscd.msk.f32 $0xffff, v21, v1;
	v21, v24, _ =	vpop (xrf1);
	v16 =	vsel vm1, v19, v16;
	v19 =	vsel vm2, v23, v15  }
0x2cd: {  	(xrf1) =	vsort.dscd.msk.f32 $0xffff, v17, v20;
	v11 =	vsel vm1, v18, v11;
	v18, v17, _ =	vpop (xrf1);
	v14 =	vsel vm2, v22, v14  }
0x2ce: {  	v20, v22, _ =	vpop (xrf1)  }
0x2cf: {  	(xrf1) =	vsort.dscd.msk.f32 $0xffff, v11, v16;
	v11 =	vperm.xlane v20, v8;
	v20, v23, _ =	vpop (xrf1)  }
0x2d0: {  	(v2sf) =	vpush v13, $0xF;
	v16 =	vperm.xlane v21, v8;
	(xrf1) =	vsort.dscd.msk.f32 $0xffff, v14, v19;
	v14, v19, _ =	vpop (xrf1)  }
0x2d1: {  	v15 =	vperm.xlane v24, v8;
	v13 =	vperm.xlane v22, v8;
	v21, v22, _ =	vpop (xrf1);
	vm1 =	vge.f32 v14, v11  }
0x2d2: {  	v20 =	vperm.xlane v20, v8;
	v11 =	vsel vm1, v14, v11;
	v21 =	vperm.xlane v21, v8  }
0x2d3: {  	v23 =	vperm.xlane v23, v8;
	v14 =	vsel vm1, v19, v13;
	v19, v24, _ =	vpop (xrf1);
	v22 =	vperm.xlane v22, v8  }
0x2d4: {  	v18 =	vperm.xlane v18, v8;
	v13 =	vmax.f32 v26, $0.0e+00;
	v25, v26, _ =	vpop (xrf1);
	vm1 =	vge.f32 v19, v20  }
0x2d5: {  	(xrf1) =	vsort.dscd.msk.f32 $0xffff, v11, v14;
	v27, v63, _ =	vpop (xrf1);
	v20 =	vsel vm1, v19, v20;
	v23 =	vsel vm1, v24, v23  }
0x2d6: {  	s31 =	simm.s32 $0x8A20;
	v24 =	vnsel vm0, $0x0, v13;
	v19 =	vperm.xlane v25, v8;
	vm1 =	vge.f32 v27, v21;
	(xrf1) =	vsort.dscd.msk.f32 $0xffff, v20, v23;
	v14, v11, _ =	vpop (xrf1)  }
0x2d7: {  	s3 =	simm.s32 $0x2200;
	s9 =	simm.s32 $0x38;
	s0 =	simm.s32 $0x81A0;
	(xrf2) =	vadd.scan.msk.f32 $0xffff, v24;
	v20 =	vperm.xlane v26, v8;
	v23 =	vsel vm1, v27, v21;
	v24 =	vsel vm1, v63, v22;
	v22, v21, _ =	vpop (xrf1)  }
.LBB2_2:
0x2d8: {  	v25 =	vld [tilespmem:s3+$0xFFFFFE10];
	v17 =	vperm.xlane v17, v8;
	v26, v27, _ =	vpop (xrf1);
	vm1 =	vge.f32 v22, v19;
	(xrf1) =	vsort.dscd.msk.f32 $0xffff, v23, v24  }
0x2d9: {  	v23, v24, _ =	vpop (xrf1);
	vm2 =	vge.f32 v26, v18;
	v19 =	vsel vm1, v22, v19;
	v28 =	vsel vm1, v21, v20  }
0x2da: {  	v26 =	vsel vm2, v26, v18;
	v17 =	vsel vm2, v27, v17;
	v21, v22, _ =	vpop (xrf1);
	(xrf1) =	vsort.dscd.msk.f32 $0xffff, v19, v28  }
0x2db: {  	v19 =	vld [tilespmem:s3+$0xFFFFFE30];
	vm1 =	vge.f32 v21, v16;
	(xrf1) =	vsort.dscd.msk.f32 $0xffff, v26, v17  }
0x2dc: {  	v17 =	vperm.xlane v23, v8;
	v18, v20, _ =	vpop (xrf1);
	v16 =	vsel vm1, v21, v16;
	v15 =	vsel vm1, v22, v15  }
0x2dd: {  	v21 =	vperm.xlane v24, v8;
	vm1 =	veq.f32 v25, $0.0e+00;
	(xrf1) =	vsort.dscd.msk.f32 $0xffff, v16, v15  }
0x2de: {  	v15 =	vld [tilespmem:s3+$0xFFFFFE00];
	v16 =	vsel vm1, v2, v25;
	vm1 =	vge.f32 v18, v17;
	v22, v23, _ =	vpop (xrf1)  }
0x2df: {  	v24 =	vld [tilespmem:s3+$0xFFFFFE20];
	(xrf1) =	vsort.dscd.msk.f32 $0xffff, v16, v3;
	v16 =	vsel vm1, v18, v17;
	v17 =	vsel vm1, v20, v21;
	v18, v20, _ =	vpop (xrf1)  }
0x2e0: {  	(xrf1) =	vsort.dscd.msk.f32 $0xffff, v16, v17;
	v16 =	vperm.xlane v18, v8  }
0x2e1: {  	vm1 =	veq.f32 v19, $0.0e+00;
	s4 =	spop (v2sf);
	v26 =	vperm.xlane v20, v8  }
0x2e2: {  	v25 =	vsel vm1, v6, v19;
	v21, _, _ =	vpop (xrf2);
	s4 =	sadd.f32 $9.999999680e-21, s4;
	vm1 =	vge.f32 v22, v16  }
0x2e3: {  	(xrf1) =	vsort.dscd.msk.f32 $0xffff, v25, v7;
	(v2sf) =	vpush v21, $0xF;
	v17, v18, _ =	vpop (xrf1);
	v16 =	vsel vm1, v22, v16;
	v20 =	vsel vm1, v23, v26  }
0x2e4: {  	v17 =	vperm.xlane v17, v8;
	v21 =	vmov s4;
	vm2 =	veq.f32 v24, $0.0e+00  }
0x2e5: {  	(xrf1) =	vsort.dscd.msk.f32 $0xffff, v16, v20;
	v20 =	vsel vm2, v4, v24  }
0x2e6: {  	vm1 =	veq.f32 v15, $0.0e+00;
	v16 =	vperm.xlane v18, v8;
	v18, v19, _ =	vpop (xrf1)  }
0x2e7: {  	vm2 =	vge.f32 v18, v17  }
0x2e8: {  	(xrf1) =	vsort.dscd.msk.f32 $0xffff, v20, v5;
	(erf) = vrcp.f32 v21;
	v18 =	vsel vm2, v18, v17;
	v19 =	vsel vm2, v19, v16;
	v20, v21, _ =	vpop (xrf1)  }
0x2e9: {  	v15 =	vsel vm1, v0, v15;
	v22 =	vperm.xlane v20, v8;
	(xrf1) =	vsort.dscd.msk.f32 $0xffff, v18, v19  }
0x2ea: {  	(xrf1) =	vsort.dscd.msk.f32 $0xffff, v15, v1;
	v15 =	vperm.xlane v21, v8;
	v16, v17, _ =	vpop (xrf1)  }
0x2eb: {  	v19, v20, _ =	vpop (xrf1);
	vm1 =	vge.f32 v16, v22  }
0x2ec: {  	v19 =	vperm.xlane v19, v8;
	v16 =	vsel vm1, v16, v22;
	v15 =	vsel vm1, v17, v15  }
0x2ed: {  	v23 =	vmax.f32 v14, $0.0e+00;
	v14 =	vperm.xlane v20, v8;
	v17, v18, _ =	vpop (xrf1);
	(xrf1) =	vsort.dscd.msk.f32 $0xffff, v16, v15  }
0x2ee: {  	v15 =	vnsel vm0, $0x0, v23;
	vm1 =	vge.f32 v17, v19  }
0x2ef: {  	v21, v22, _ =	vpop (xrf1);
	(xrf2) =	vadd.scan.msk.f32 $0xffff, v15;
	v15 =	vsel vm1, v17, v19;
	v19 =	vsel vm1, v18, v14  }
0x2f0: {  	v17, v16, _ =	vpop (xrf1);
	(xrf1) =	vsort.dscd.msk.f32 $0xffff, v15, v19  }
0x2f1: {  	v14 =	vpop (erf);
	v20 =	vmax.f32 v17, $0.0e+00  }
0x2f2: {  	s1 =	sadd.s32 $0x40, s1;
	v15, v18, _ =	vpop (xrf1);
	v10 =	vmul.f32 v14, v10;
	v17 =	vnsel vm0, $0x0, v20  }
0x2f3: {  	s8 =	sadd.s32 $0x40, s8;
	[tilespmem:s1+$0xFFFFFFE0] =	vst.msk $0xff, v9;
	s4 =	spop (v2sf);
	(xrf2) =	vadd.scan.msk.f32 $0xffff, v17  }
0x2f4: {  	[tilespmem:s8+$0xFFFFFFE0] =	vst.msk $0xff, v10;
	s4 =	sadd.f32 $9.999999680e-21, s4;
	v9, v14, _ =	vpop (xrf1)  }
0x2f5: {  	v15 =	vperm.xlane v15, v8;
	v10 =	vperm.xlane v22, v8;
	v19 =	vld [tilespmem:s30+$0xFFFFFE90];
	v17 =	vmax.f32 v9, $0.0e+00  }
0x2f6: {  	v9 =	vperm.xlane v18, v8;
	v18, v24, _ =	vpop (xrf1);
	v26 =	vnsel vm0, $0x0, v17  }
0x2f7: {  	vm1 =	vge.f32 v18, v15  }
0x2f8: {  	v27 =	vmov s4;
	v15 =	vsel vm1, v18, v15  }
0x2f9: {  	v21 =	vperm.xlane v21, v8;
	(erf) = vrcp.f32 v27;
	(xrf2) =	vadd.scan.msk.f32 $0xffff, v26;
	v25, v22, _ =	vpop (xrf1)  }
0x2fa: {  	v9 =	vsel vm1, v24, v9;
	v27 =	vld [tilespmem:s30+$0xFFFFFEB0];
	v24 =	vmax.f32 v25, $0.0e+00;
	v18, v26, _ =	vpop (xrf1)  }
0x2fb: {  	v25 =	vnsel vm0, $0x0, v24;
	vm1 =	vge.f32 v18, v21;
	(xrf1) =	vsort.dscd.msk.f32 $0xffff, v15, v9;
	v9 =	vld [tilespmem:s30+$0xFFFFFEA0];
	v15, _, _ =	vpop (xrf2)  }
0x2fc: {  	v21 =	vsel vm1, v18, v21;
	v10 =	vsel vm1, v26, v10;
	vm1 =	veq.f32 v19, $0.0e+00;
	(xrf2) =	vadd.scan.msk.f32 $0xffff, v25  }
0x2fd: {  	(xrf1) =	vsort.dscd.msk.f32 $0xffff, v21, v10;
	v26 =	vsel vm1, v2, v19;
	v19, v18, _ =	vpop (xrf1)  }
0x2fe: {  	v25 =	vld [tilespmem:s30+$0xFFFFFE80];
	(xrf1) =	vsort.dscd.msk.f32 $0xffff, v26, v3;
	v21 =	vmax.f32 v19, $0.0e+00  }
0x2ff: {  	vm1 =	veq.f32 v27, $0.0e+00;
	(v2sf) =	vpush v15, $0xF;
	v10, _, _ =	vpop (xrf2);
	v19 =	vnsel vm0, $0x0, v21  }
0x300: {  	v26 =	vsel vm1, v6, v27;
	vm2 =	veq.f32 v9, $0.0e+00;
	v27, v15, _ =	vpop (xrf1);
	(xrf2) =	vadd.scan.msk.f32 $0xffff, v19  }
0x301: {  	v28 =	vsel vm2, v4, v9;
	(xrf1) =	vsort.dscd.msk.f32 $0xffff, v26, v7;
	v19 =	vmax.f32 v27, $0.0e+00  }
0x302: {  	(xrf1) =	vsort.dscd.msk.f32 $0xffff, v28, v5;
	v9 =	vpop (erf);
	v26 =	vnsel vm0, $0x0, v19  }
0x303: {  	vm1 =	veq.f32 v25, $0.0e+00;
	v27, _, _ =	vpop (xrf2);
	(xrf2) =	vadd.scan.msk.f32 $0xffff, v26  }
0x304: {  	v13 =	vmul.f32 v9, v13;
	v25 =	vsel vm1, v0, v25  }
0x305: {  	(xrf1) =	vsort.dscd.msk.f32 $0xffff, v25, v1;
	[tilespmem:s0+$0xFFFFFFE8] =	vst.msk $0xff, v12;
	(v2sf) =	vpush v10, $0xF  }
0x306: {  	[tilespmem:s31+$0xFFFFFFE8] =	vst.msk $0xff, v13;
	v9, _, _ =	vpop (xrf2)  }
0x307: {  	v10 =	vld [tilespmem:s25+$0xFFFFFF30];
	(v2sf) =	vpush v9, $0xF  }
0x308: {  	v9 =	vld [tilespmem:s25+$0xFFFFFF10]  }
0x309: {  	v12, v13, _ =	vpop (xrf1);
	v25 =	vld [tilespmem:s25+$0xFFFFFF20];
	(v2sf) =	vpush v27, $0xF  }
0x30a: {  	v26, _, _ =	vpop (xrf2)  }
0x30b: {  	v12 =	vperm.xlane v12, v8;
	v27, v28, _ =	vpop (xrf1);
	v29 =	vld [tilespmem:s25+$0xFFFFFF00];
	(v2sf) =	vpush v26, $0xF  }
0x30c: {  	v13 =	vperm.xlane v13, v8;
	v26, v30, _ =	vpop (xrf1);
	vm1 =	veq.f32 v10, $0.0e+00  }
0x30d: {  	vm2 =	vge.f32 v27, v12;
	vm3 =	veq.f32 v9, $0.0e+00;
	v10 =	vsel vm1, v6, v10;
	v31, _, _ =	vpop (xrf2)  }
0x30e: {  	s4 =	spop (v2sf)  }
0x30f: {  	v9 =	vsel vm3, v2, v9;
	vm1 =	veq.f32 v25, $0.0e+00;
	(xrf1) =	vsort.dscd.msk.f32 $0xffff, v10, v7;
	(v2sf) =	vpush v31, $0xF;
	s4 =	sadd.f32 $9.999999680e-21, s4  }
0x310: {  	v10 =	vsel vm2, v27, v12;
	v12, v27, _ =	vpop (xrf1);
	v25 =	vsel vm1, v4, v25;
	(xrf1) =	vsort.dscd.msk.f32 $0xffff, v9, v3  }
0x311: {  	v9 =	vsel vm2, v28, v13;
	v13, v28, _ =	vpop (xrf1);
	(xrf1) =	vsort.dscd.msk.f32 $0xffff, v25, v5;
	v25 =	vmov s4  }
0x312: {  	v12 =	vperm.xlane v12, v8;
	vm1 =	veq.f32 v29, $0.0e+00  }
0x313: {  	(xrf1) =	vsort.dscd.msk.f32 $0xffff, v10, v9;
	v9 =	vperm.xlane v27, v8;
	v10 =	vsel vm1, v0, v29  }
0x314: {  	v26 =	vperm.xlane v26, v8;
	vm1 =	vge.f32 v13, v12;
	(xrf1) =	vsort.dscd.msk.f32 $0xffff, v10, v1;
	(erf) = vrcp.f32 v25  }
0x315: {  	v10 =	vperm.xlane v30, v8;
	v12 =	vsel vm1, v13, v12;
	v9 =	vsel vm1, v28, v9;
	v13, v25, _ =	vpop (xrf1)  }
0x316: {  	vm1 =	vge.f32 v13, v26;
	(xrf1) =	vsort.dscd.msk.f32 $0xffff, v12, v9;
	s4 =	spop (v2sf)  }
0x317: {  	v9 =	vsel vm1, v13, v26;
	v10 =	vsel vm1, v25, v10;
	s4 =	sadd.f32 $9.999999680e-21, s4  }
0x318: {  	(xrf1) =	vsort.dscd.msk.f32 $0xffff, v9, v10;
	s5 =	spop (v2sf)  }
0x319: {  	v9 =	vmov s4;
	s4 =	sadd.f32 $9.999999680e-21, s5  }
0x31a: {  	(erf) = vrcp.f32 v9;
	s5 =	spop (v2sf)  }
0x31b: {  	s5 =	sadd.f32 $9.999999680e-21, s5;
	v10 =	vmov s4  }
0x31c: {  	s4 =	spop (v2sf);
	(erf) = vrcp.f32 v10  }
0x31d: {  	v9 =	vpop (erf);
	v10 =	vmov s5;
	s4 =	sadd.f32 $9.999999680e-21, s4  }
0x31e: {  	v12, v13, _ =	vpop (xrf1);
	v29 =	vmul.f32 v9, v23;
	(erf) = vrcp.f32 v10  }
0x31f: {  	v10 =	vperm.xlane v12, v8;
	v12, v23, _ =	vpop (xrf1);
	[tilespmem:s20+$0xFFFFFFF0] =	vst.msk $0xff, v11;
	s5 =	spop (v2sf);
	v27 =	vmov s4  }
0x320: {  	v34 =	vperm.xlane v13, v8;
	v25, v26, _ =	vpop (xrf1);
	[tilespmem:s21+$0xFFFFFFF0] =	vst.msk $0xff, v29;
	s4 =	sadd.f32 $9.999999680e-21, s5;
	(erf) = vrcp.f32 v27  }
0x321: {  	v12 =	vperm.xlane v12, v8;
	v23 =	vperm.xlane v23, v8;
	v11, v9, _ =	vpop (xrf1);
	vm1 =	vge.f32 v25, v10;
	v27 =	vld [tilespmem:s18+$0xFFFFFF90]  }
0x322: {  	v33 =	vsel vm1, v25, v10;
	v31 =	vsel vm1, v26, v34;
	v26, v28, _ =	vpop (xrf1);
	v29 =	vld [tilespmem:s18+$0xFFFFFF80];
	v32 =	vmov s4  }
0x323: {  	v10 =	vmax.f32 v11, $0.0e+00;
	vm1 =	vge.f32 v26, v12;
	(xrf1) =	vsort.dscd.msk.f32 $0xffff, v33, v31;
	v11 =	vld [tilespmem:s18+$0xFFFFFFB0];
	v13 =	vpop (erf);
	(erf) = vrcp.f32 v32  }
0x324: {  	v25, v30, _ =	vpop (xrf1);
	v31 =	vsel vm1, v26, v12;
	v23 =	vsel vm1, v28, v23;
	v26 =	vld [tilespmem:s18+$0xFFFFFFA0];
	v13 =	vmul.f32 v13, v20  }
0x325: {  	v28 =	vnsel vm0, $0x0, v10;
	v25 =	vperm.xlane v25, v8;
	(xrf1) =	vsort.dscd.msk.f32 $0xffff, v31, v23;
	[tilespmem:s15+$0xFFFFFFF8] =	vst.msk $0xff, v16;
	v12 =	vpop (erf)  }
0x326: {  	(xrf2) =	vadd.scan.msk.f32 $0xffff, v28;
	v16, v20, _ =	vpop (xrf1);
	vm2 =	veq.f32 v27, $0.0e+00;
	[tilespmem:s16+$0xFFFFFFF8] =	vst.msk $0xff, v13;
	v12 =	vmul.f32 v12, v24  }
0x327: {  	v13 =	vperm.xlane v30, v8;
	vm1 =	vge.f32 v16, v25;
	v23 =	vsel vm2, v2, v27;
	v24 =	vld [tilespmem:s17+$0x0];
	v27 =	vpop (erf);
	[tilespmem:s23+$0x18] =	vst.msk $0xff, v22;
	s23 =	smov.u32 s28;
	s28 =	smov.u32 s11;
	s11 =	smov.u32 s14  }
0x328: {  	s14 =	smov.u32 s15;
	s15 =	smov.u32 s20;
	s20 =	smov.u32 s0;
	vm2 =	veq.f32 v11, $0.0e+00;
	(xrf1) =	vsort.dscd.msk.f32 $0xffff, v23, v3;
	v22 =	vld [tilespmem:s17+$0x10];
	v17 =	vmul.f32 v27, v17;
	[tilespmem:s22+$0x18] =	vst.msk $0xff, v12  }
0x329: {  	vm3 =	veq.f32 v29, $0.0e+00;
	s0 =	smov.u32 s1;
	s22 =	smov.u32 s26;
	s26 =	smov.u32 s12;
	vm4 =	veq.f32 v26, $0.0e+00;
	v11 =	vsel vm2, v6, v11;
	v12 =	vld [tilespmem:s17+$0x30];
	[tilespmem:s11+$0x0] =	vst.msk $0xff, v14;
	v14 =	vpop (erf)  }
0x32a: {  	v23 =	vsel vm3, v0, v29;
	s12 =	smov.u32 s13;
	(xrf1) =	vsort.dscd.msk.f32 $0xffff, v11, v7;
	v11 =	vld [tilespmem:s17+$0x20];
	[tilespmem:s13+$0x0] =	vst.msk $0xff, v17;
	v14 =	vmul.f32 v14, v21;
	s13 =	smov.u32 s16;
	s16 =	smov.u32 s21  }
0x32b: {  	v16 =	vsel vm1, v16, v25;
	v17 =	vsel vm4, v4, v26;
	s21 =	smov.u32 s31;
	s31 =	smov.u32 s8;
	(xrf1) =	vsort.dscd.msk.f32 $0xffff, v23, v1;
	v21 =	vld [tilespmem:s19+$0x90];
	[tilespmem:s23+$0x10] =	vst.msk $0xff, v18  }
0x32c: {  	v13 =	vsel vm1, v20, v13;
	(xrf1) =	vsort.dscd.msk.f32 $0xffff, v17, v5;
	vm1 =	veq.f32 v24, $0.0e+00;
	v17 =	vld [tilespmem:s19+$0xB0];
	v18 =	vpop (erf);
	[tilespmem:s22+$0x10] =	vst.msk $0xff, v14  }
0x32d: {  	(xrf1) =	vsort.dscd.msk.f32 $0xffff, v16, v13;
	v13 =	vsel vm1, v0, v24;
	vm1 =	veq.f32 v22, $0.0e+00;
	v14 =	vmul.f32 v18, v19;
	v16 =	vld [tilespmem:s29+$0x1B0]  }
0x32e: {  	v20 =	vsel vm1, v2, v22;
	vm1 =	veq.f32 v12, $0.0e+00;
	(xrf1) =	vsort.dscd.msk.f32 $0xffff, v13, v1;
	[tilespmem:s28+$0x8] =	vst.msk $0xff, v15;
	v13 =	vld [tilespmem:s29+$0x190]  }
0x32f: {  	vm2 =	veq.f32 v11, $0.0e+00;
	v12 =	vsel vm1, v6, v12;
	(xrf1) =	vsort.dscd.msk.f32 $0xffff, v20, v3;
	[tilespmem:s26+$0x8] =	vst.msk $0xff, v14;
	v14 =	vld [tilespmem:s29+$0x1A0]  }
0x330: {  	v18, _, _ =	vpop (xrf2);
	v11 =	vsel vm2, v4, v11;
	(xrf1) =	vsort.dscd.msk.f32 $0xffff, v12, v7;
	vm1 =	veq.f32 v21, $0.0e+00;
	v12 =	vld [tilespmem:s24+$0x130]  }
0x331: {  	v15, v19, _ =	vpop (xrf1)  }
0x332: {  	(xrf1) =	vsort.dscd.msk.f32 $0xffff, v11, v5;
	v11 =	vsel vm1, v2, v21;
	vm1 =	veq.f32 v17, $0.0e+00;
	v20 =	vld [tilespmem:s29+$0x180];
	s29 =	smov.u32 s24;
	s24 =	smov.u32 s19;
	s19 =	smov.u32 s17;
	v15 =	vperm.xlane v15, v8  }
0x333: {  	s17 =	smov.u32 s18;
	s18 =	smov.u32 s25;
	s25 =	smov.u32 s30;
	v17 =	vsel vm1, v6, v17;
	(xrf1) =	vsort.dscd.msk.f32 $0xffff, v11, v3;
	v11 =	vld [tilespmem:s29+$0x110];
	vm1 =	veq.f32 v16, $0.0e+00;
	v19 =	vperm.xlane v19, v8  }
0x334: {  	s30 =	smov.u32 s3;
	v21, v22, _ =	vpop (xrf1);
	(xrf1) =	vsort.dscd.msk.f32 $0xffff, v17, v7;
	v17 =	vld [tilespmem:s29+$0x120];
	vm2 =	veq.f32 v13, $0.0e+00;
	v16 =	vsel vm1, v6, v16  }
0x335: {  	vm1 =	vge.f32 v21, v15;
	v13 =	vsel vm2, v2, v13;
	vm2 =	veq.f32 v14, $0.0e+00;
	(xrf1) =	vsort.dscd.msk.f32 $0xffff, v16, v7  }
0x336: {  	v15 =	vsel vm1, v21, v15;
	v16 =	vld [tilespmem:s29+$0x100];
	vm3 =	veq.f32 v12, $0.0e+00;
	v14 =	vsel vm2, v4, v14;
	(xrf1) =	vsort.dscd.msk.f32 $0xffff, v13, v3  }
0x337: {  	v13 =	vsel vm1, v22, v19;
	v19, v21, _ =	vpop (xrf1);
	v22 =	vld [tilespmem:s24+$0xA0];
	v12 =	vsel vm3, v6, v12;
	vm1 =	veq.f32 v20, $0.0e+00;
	(xrf1) =	vsort.dscd.msk.f32 $0xffff, v14, v5  }
0x338: {  	v14 =	vperm.xlane v21, v8;
	vm2 =	veq.f32 v11, $0.0e+00;
	(xrf1) =	vsort.dscd.msk.f32 $0xffff, v12, v7;
	v12 =	vsel vm1, v0, v20  }
0x339: {  	v28 =	vperm.xlane v19, v8;
	v20, v21, _ =	vpop (xrf1);
	v23 =	vld [tilespmem:s24+$0x80];
	v11 =	vsel vm2, v2, v11;
	vm1 =	veq.f32 v17, $0.0e+00;
	(xrf1) =	vsort.dscd.msk.f32 $0xffff, v12, v1  }
0x33a: {  	v29 =	vperm.xlane v20, v8;
	v24, v25, _ =	vpop (xrf1);
	v27 =	vsel vm1, v4, v17;
	(xrf1) =	vsort.dscd.msk.f32 $0xffff, v11, v3  }
0x33b: {  	v11 =	vperm.xlane v21, v8;
	vm1 =	vge.f32 v24, v28;
	v17, v21, _ =	vpop (xrf1);
	vm2 =	veq.f32 v16, $0.0e+00;
	(xrf1) =	vsort.dscd.msk.f32 $0xffff, v27, v5  }
0x33c: {  	v26, v12, _ =	vpop (xrf1);
	(xrf1) =	vsort.dscd.msk.f32 $0xffff, v15, v13;
	vm3 =	vge.f32 v17, v29;
	vm4 =	veq.f32 v22, $0.0e+00;
	v13 =	vsel vm2, v0, v16  }
0x33d: {  	v15 =	vsel vm1, v24, v28;
	v16, v19, _ =	vpop (xrf1);
	v22 =	vsel vm4, v4, v22;
	(xrf1) =	vsort.dscd.msk.f32 $0xffff, v13, v1  }
0x33e: {  	v24 =	vsel vm3, v17, v29;
	v11 =	vsel vm3, v21, v11;
	v21, v20, _ =	vpop (xrf1);
	vm2 =	veq.f32 v23, $0.0e+00;
	(xrf1) =	vsort.dscd.msk.f32 $0xffff, v22, v5  }
0x33f: {  	(xrf1) =	vsort.dscd.msk.f32 $0xffff, v24, v11;
	v11 =	vperm.xlane v21, v8;
	v13, v17, _ =	vpop (xrf1);
	v21 =	vsel vm2, v0, v23  }
0x340: {  	v27 =	vsel vm1, v25, v14;
	v13 =	vperm.xlane v13, v8;
	v22, v23, _ =	vpop (xrf1);
	(xrf1) =	vsort.dscd.msk.f32 $0xffff, v21, v1  }
0x341: {  	v28 =	vperm.xlane v20, v8;
	v29 =	vperm.xlane v17, v8;
	vm1 =	vge.f32 v16, v11;
	v24, v25, _ =	vpop (xrf1)  }
0x342: {  	(xrf1) =	vsort.dscd.msk.f32 $0xffff, v15, v27;
	v11 =	vsel vm1, v16, v11;
	vm2 =	vge.f32 v22, v13;
	v14, v17, _ =	vpop (xrf1)  }
0x343: {  	v15 =	vsel vm1, v19, v28;
	v13 =	vsel vm2, v22, v13;
	v16 =	vsel vm2, v23, v29;
	v19, v20, _ =	vpop (xrf1)  }
0x344: {  	(xrf1) =	vsort.dscd.msk.f32 $0xffff, v11, v15;
	v15 =	vperm.xlane v25, v8;
	v11 =	vperm.xlane v19, v8;
	v19, v21, _ =	vpop (xrf1)  }
0x345: {  	s9 =	sadd.s32 $0x8, s9;
	(v2sf) =	vpush v18, $0xF;
	(xrf1) =	vsort.dscd.msk.f32 $0xffff, v13, v16;
	v16 =	vperm.xlane v24, v8;
	v13 =	vperm.xlane v20, v8;
	v20, v22, _ =	vpop (xrf1)  }
0x346: {  	p0 =	slt.u32 s9, $0xF8;
	v18 =	vperm.xlane v14, v8;
	v19 =	vperm.xlane v19, v8;
	v14, v23, _ =	vpop (xrf1);
	vm1 =	vge.f32 v20, v11  }
.Ltmp0:
0x347: {  	v32 =	vperm.xlane v21, v8;
	v30 =	vsel vm1, v20, v11;
	v20 =	vsel vm1, v22, v13;
	v22, v24, _ =	vpop (xrf1);
	(pc) =	sbr.rel @p0 .LBB2_2-.Ltmp0, $4  }
0x348: {  	v13 =	vmax.f32 v26, $0.0e+00;
	v25 =	vperm.xlane v14, v8;
	v26, v27, _ =	vpop (xrf1);
	vm1 =	vge.f32 v22, v19;
	(xrf1) =	vsort.dscd.msk.f32 $0xffff, v30, v20  }
0x349: {  	v28 =	vperm.xlane v23, v8;
	v23, v29, _ =	vpop (xrf1);
	v20 =	vsel vm1, v22, v19;
	v31 =	vsel vm1, v24, v32  }
0x34a: {  	v30 =	vnsel vm0, $0x0, v13;
	v19 =	vperm.xlane v26, v8;
	v14, v11, _ =	vpop (xrf1);
	vm1 =	vge.f32 v23, v25;
	(xrf1) =	vsort.dscd.msk.f32 $0xffff, v20, v31  }
0x34b: {  	s3 =	sadd.s32 $0x400, s3;
	v20 =	vperm.xlane v27, v8;
	(xrf2) =	vadd.scan.msk.f32 $0xffff, v30;
	v23 =	vsel vm1, v23, v25;
	v24 =	vsel vm1, v29, v28;
	v22, v21, _ =	vpop (xrf1)  }
0x34c: {  	v17 =	vperm.xlane v17, v8;
	v25, v26, _ =	vpop (xrf1);
	vm1 =	vge.f32 v22, v19;
	(xrf1) =	vsort.dscd.msk.f32 $0xffff, v23, v24  }
0x34d: {  	v23, v24, _ =	vpop (xrf1);
	vm2 =	vge.f32 v25, v18;
	v19 =	vsel vm1, v22, v19;
	v20 =	vsel vm1, v21, v20  }
0x34e: {  	v18 =	vsel vm2, v25, v18;
	v17 =	vsel vm2, v26, v17;
	v44, v43, _ =	vpop (xrf1);
	(xrf1) =	vsort.dscd.msk.f32 $0xffff, v19, v20  }
0x34f: {  	vm1 =	vge.f32 v44, v16;
	(xrf1) =	vsort.dscd.msk.f32 $0xffff, v18, v17  }
0x350: {  	v16 =	vsel vm1, v44, v16;
	v15 =	vsel vm1, v43, v15  }
0x351: {  	(xrf1) =	vsort.dscd.msk.f32 $0xffff, v16, v15;
	_ =	sdelay $0x2  }
0x352: {  	v45 =	vperm.xlane v23, v8;
	v15, v16, _ =	vpop (xrf1)  }
0x353: {  	v48 =	vperm.xlane v24, v8;
	s3 =	spop (v2sf);
	v47, v46, _ =	vpop (xrf1)  }
0x354: {  	vm1 =	vge.f32 v15, v45;
	s3 =	sadd.f32 $9.999999680e-21, s3;
	v49, v50, _ =	vpop (xrf1)  }
0x355: {  	v51, _, _ =	vpop (xrf2);
	v15 =	vsel vm1, v15, v45;
	v16 =	vsel vm1, v16, v48;
	v52 =	vperm.xlane v49, v8  }
0x356: {  	(v2sf) =	vpush v51, $0xF;
	v53, v54, _ =	vpop (xrf1);
	v22 =	vperm.xlane v50, v8;
	v59 =	vmov s3  }
0x357: {  	(xrf1) =	vsort.dscd.msk.f32 $0xffff, v15, v16;
	v20 =	vperm.xlane v53, v8;
	(erf) = vrcp.f32 v59;
	vm1 =	vge.f32 v47, v52  }
0x358: {  	v55 =	vperm.xlane v54, v8;
	v56, v57, _ =	vpop (xrf1);
	v17 =	vsel vm1, v47, v52;
	v58 =	vsel vm1, v46, v22  }
0x359: {  	vm1 =	vge.f32 v56, v20;
	v60, v19, _ =	vpop (xrf1);
	(xrf1) =	vsort.dscd.msk.f32 $0xffff, v17, v58  }
0x35a: {  	v16 =	vsel vm1, v56, v20;
	v15 =	vsel vm1, v57, v55;
	v61 =	vperm.xlane v60, v8;
	v24, v63, _ =	vpop (xrf1)  }
0x35b: {  	v62 =	vperm.xlane v19, v8;
	(xrf1) =	vsort.dscd.msk.f32 $0xffff, v16, v15;
	v26, v25, _ =	vpop (xrf1)  }
0x35c: {  	vm1 =	vge.f32 v24, v61;
	v19 =	vperm.xlane v26, v8  }
0x35d: {  	v16 =	vsel vm1, v24, v61;
	v15 =	vsel vm1, v63, v62;
	v27 =	vperm.xlane v25, v8;
	v28, v29, _ =	vpop (xrf1)  }
0x35e: {  	(xrf1) =	vsort.dscd.msk.f32 $0xffff, v16, v15;
	vm1 =	vge.f32 v28, v19  }
0x35f: {  	v22 =	vmax.f32 v14, $0.0e+00;
	v30 =	vsel vm1, v28, v19;
	v31 =	vsel vm1, v29, v27  }
0x360: {  	v14 =	vnsel vm0, $0x0, v22;
	v32 =	vpop (erf);
	(xrf1) =	vsort.dscd.msk.f32 $0xffff, v30, v31  }
0x361: {  	s1 =	sadd.s32 $0x40, s1;
	(xrf2) =	vadd.scan.msk.f32 $0xffff, v14;
	v10 =	vmul.f32 v32, v10  }
0x362: {  	s8 =	sadd.s32 $0x40, s8;
	[tilespmem:s1+$0xFFFFFFE0] =	vst.msk $0xff, v9  }
0x363: {  	[tilespmem:s8+$0xFFFFFFE0] =	vst.msk $0xff, v10  }
0x364: {  	v33 =	vld [tilespmem:s30+$0xFFFFFE90]  }
0x365: {  	s5 =	spop (v2sf)  }
0x366: {  	v9, v20, _ =	vpop (xrf1);
	s3 =	sadd.f32 $9.999999680e-21, s5  }
0x367: {  	v21 =	vmax.f32 v9, $0.0e+00;
	v9, v14, _ =	vpop (xrf1)  }
0x368: {  	v34 =	vnsel vm0, $0x0, v21;
	v17 =	vmax.f32 v9, $0.0e+00;
	v9 =	vmov s3  }
0x369: {  	v37 =	vld [tilespmem:s30+$0xFFFFFEB0];
	(xrf2) =	vadd.scan.msk.f32 $0xffff, v34;
	v35, v10, _ =	vpop (xrf1);
	vm1 =	veq.f32 v33, $0.0e+00;
	(erf) = vrcp.f32 v9  }
0x36a: {  	v36 =	vnsel vm0, $0x0, v17;
	v9 =	vmax.f32 v35, $0.0e+00;
	v15 =	vsel vm1, v2, v33  }
0x36b: {  	v41, _, _ =	vpop (xrf2);
	(xrf2) =	vadd.scan.msk.f32 $0xffff, v36;
	v39 =	vnsel vm0, $0x0, v9  }
0x36c: {  	(xrf2) =	vadd.scan.msk.f32 $0xffff, v39;
	v40, v16, _ =	vpop (xrf1)  }
0x36d: {  	v38 =	vld [tilespmem:s30+$0xFFFFFEA0];
	(v2sf) =	vpush v41, $0xF;
	v19 =	vmax.f32 v40, $0.0e+00  }
0x36e: {  	vm1 =	veq.f32 v37, $0.0e+00;
	(xrf1) =	vsort.dscd.msk.f32 $0xffff, v15, v3;
	v43 =	vnsel vm0, $0x0, v19;
	v44, v15, _ =	vpop (xrf1)  }
0x36f: {  	v42 =	vld [tilespmem:s30+$0xFFFFFE80];
	v23 =	vsel vm1, v6, v37;
	(xrf2) =	vadd.scan.msk.f32 $0xffff, v43;
	v18 =	vmax.f32 v44, $0.0e+00  }
0x370: {  	(xrf1) =	vsort.dscd.msk.f32 $0xffff, v23, v7;
	v46 =	vnsel vm0, $0x0, v18  }
0x371: {  	(xrf2) =	vadd.scan.msk.f32 $0xffff, v46  }
0x372: {  	vm2 =	veq.f32 v38, $0.0e+00;
	v47 =	vpop (erf)  }
0x373: {  	v45 =	vsel vm2, v4, v38;
	v48, _, _ =	vpop (xrf2);
	v13 =	vmul.f32 v47, v13  }
0x374: {  	[tilespmem:s0+$0xFFFFFFE8] =	vst.msk $0xff, v12;
	vm1 =	veq.f32 v42, $0.0e+00;
	(xrf1) =	vsort.dscd.msk.f32 $0xffff, v45, v5;
	(v2sf) =	vpush v48, $0xF  }
0x375: {  	v25 =	vsel vm1, v0, v42;
	v49, _, _ =	vpop (xrf2);
	[tilespmem:s31+$0xFFFFFFE8] =	vst.msk $0xff, v13  }
0x376: {  	(xrf1) =	vsort.dscd.msk.f32 $0xffff, v25, v1;
	v50, _, _ =	vpop (xrf2);
	v13 =	vld [tilespmem:s25+$0xFFFFFF30]  }
0x377: {  	(v2sf) =	vpush v50, $0xF;
	v51 =	vld [tilespmem:s25+$0xFFFFFF10]  }
0x378: {  	v52 =	vld [tilespmem:s25+$0xFFFFFF20];
	(v2sf) =	vpush v49, $0xF  }
0x379: {  	v54 =	vld [tilespmem:s25+$0xFFFFFF00];
	v53, _, _ =	vpop (xrf2)  }
0x37a: {  	(v2sf) =	vpush v53, $0xF  }
0x37b: {  	vm1 =	veq.f32 v13, $0.0e+00;
	v55, _, _ =	vpop (xrf2)  }
0x37c: {  	s9 =	spop (v2sf);
	vm2 =	veq.f32 v51, $0.0e+00;
	v13 =	vsel vm1, v6, v13;
	(v2sf) =	vpush v55, $0xF  }
0x37d: {  	v56, v27, _ =	vpop (xrf1);
	v12 =	vsel vm2, v2, v51;
	vm1 =	veq.f32 v52, $0.0e+00;
	(xrf1) =	vsort.dscd.msk.f32 $0xffff, v13, v7  }
0x37e: {  	s3 =	sadd.f32 $9.999999680e-21, s9;
	v57, v58, _ =	vpop (xrf1);
	v23 =	vsel vm1, v4, v52;
	vm1 =	veq.f32 v54, $0.0e+00;
	(xrf1) =	vsort.dscd.msk.f32 $0xffff, v12, v3  }
0x37f: {  	v24 =	vperm.xlane v58, v8;
	v25 =	vsel vm1, v0, v54;
	(xrf1) =	vsort.dscd.msk.f32 $0xffff, v23, v5  }
0x380: {  	v28 =	vmov s3;
	(xrf1) =	vsort.dscd.msk.f32 $0xffff, v25, v1  }
0x381: {  	(erf) = vrcp.f32 v28;
	v59 =	vperm.xlane v57, v8  }
0x382: {  	v60, v61, _ =	vpop (xrf1)  }
0x383: {  	v26 =	vperm.xlane v56, v8;
	vm1 =	vge.f32 v60, v59;
	s4 =	spop (v2sf)  }
0x384: {  	v63 =	vsel vm1, v61, v24;
	v23, v24, _ =	vpop (xrf1);
	s3 =	sadd.f32 $9.999999680e-21, s4  }
0x385: {  	v12 =	vsel vm1, v60, v59;
	vm1 =	vge.f32 v23, v26  }
0x386: {  	v62 =	vperm.xlane v27, v8;
	v23 =	vsel vm1, v23, v26;
	v26 =	vmov s3;
	s4 =	spop (v2sf)  }
0x387: {  	(xrf1) =	vsort.dscd.msk.f32 $0xffff, v12, v63;
	(erf) = vrcp.f32 v26;
	s5 =	sadd.f32 $9.999999680e-21, s4;
	s9 =	spop (v2sf)  }
0x388: {  	v25 =	vsel vm1, v24, v62;
	s4 =	sadd.f32 $9.999999680e-21, s9  }
0x389: {  	(xrf1) =	vsort.dscd.msk.f32 $0xffff, v23, v25;
	v27 =	vmov s5;
	s5 =	spop (v2sf)  }
0x38a: {  	v29 =	vpop (erf);
	(erf) = vrcp.f32 v27;
	v28 =	vmov s4;
	s3 =	sadd.f32 $9.999999680e-21, s5  }
0x38b: {  	v13 =	vmul.f32 v29, v22;
	(erf) = vrcp.f32 v28;
	v30, v31, _ =	vpop (xrf1);
	s9 =	spop (v2sf)  }
0x38c: {  	[tilespmem:s20+$0xFFFFFFF0] =	vst.msk $0xff, v11;
	v11 =	vmov s3;
	v32 =	vperm.xlane v30, v8;
	v33, v34, _ =	vpop (xrf1);
	v24 =	vperm.xlane v31, v8;
	s3 =	sadd.f32 $9.999999680e-21, s9  }
0x38d: {  	[tilespmem:s21+$0xFFFFFFF0] =	vst.msk $0xff, v13;
	(erf) = vrcp.f32 v11;
	v36, v35, _ =	vpop (xrf1);
	v11 =	vperm.xlane v33, v8  }
0x38e: {  	v38 =	vld [tilespmem:s18+$0xFFFFFF90];
	vm1 =	vge.f32 v36, v32;
	v41, v40, _ =	vpop (xrf1);
	v43 =	vmov s3  }
0x38f: {  	v44 =	vld [tilespmem:s18+$0xFFFFFFB0];
	v12 =	vsel vm1, v36, v32;
	v39 =	vsel vm1, v35, v24;
	vm1 =	vge.f32 v41, v11  }
0x390: {  	v42 =	vld [tilespmem:s18+$0xFFFFFF80];
	v37 =	vperm.xlane v34, v8;
	v45 =	vpop (erf);
	(erf) = vrcp.f32 v43;
	(xrf1) =	vsort.dscd.msk.f32 $0xffff, v12, v39;
	v11 =	vsel vm1, v41, v11  }
0x391: {  	v21 =	vmul.f32 v45, v21  }
0x392: {  	[tilespmem:s15+$0xFFFFFFF8] =	vst.msk $0xff, v20;
	v13 =	vsel vm1, v40, v37  }
0x393: {  	v48 =	vld [tilespmem:s18+$0xFFFFFFA0];
	[tilespmem:s16+$0xFFFFFFF8] =	vst.msk $0xff, v21;
	(xrf1) =	vsort.dscd.msk.f32 $0xffff, v11, v13;
	v11 =	vpop (erf)  }
0x394: {  	vm2 =	veq.f32 v44, $0.0e+00;
	v53 =	vld [tilespmem:s17+$0x0];
	v54 =	vpop (erf)  }
0x395: {  	[tilespmem:s14+$0x0] =	vst.msk $0xff, v14;
	vm3 =	veq.f32 v42, $0.0e+00;
	v47, v46, _ =	vpop (xrf1);
	vm1 =	veq.f32 v38, $0.0e+00;
	v55 =	vld [tilespmem:s17+$0x10];
	v17 =	vmul.f32 v54, v17  }
0x396: {  	[tilespmem:s28+$0x10] =	vst.msk $0xff, v16;
	v26 =	vsel vm3, v0, v42;
	v49 =	vperm.xlane v47, v8;
	v22 =	vsel vm1, v2, v38;
	v56 =	vld [tilespmem:s17+$0x30];
	v57 =	vpop (erf)  }
0x397: {  	v12 =	vsel vm2, v6, v44;
	v51, v50, _ =	vpop (xrf1);
	v58 =	vld [tilespmem:s17+$0x20];
	(xrf1) =	vsort.dscd.msk.f32 $0xffff, v22, v3;
	v14 =	vmul.f32 v57, v19;
	[tilespmem:s13+$0x0] =	vst.msk $0xff, v17  }
0x398: {  	vm4 =	veq.f32 v48, $0.0e+00;
	v52 =	vperm.xlane v46, v8;
	vm1 =	vge.f32 v51, v49;
	(xrf1) =	vsort.dscd.msk.f32 $0xffff, v12, v7;
	v60 =	vld [tilespmem:s19+$0x90]  }
0x399: {  	v59 =	vsel vm4, v4, v48;
	v13 =	vsel vm1, v51, v49;
	(xrf1) =	vsort.dscd.msk.f32 $0xffff, v26, v1;
	v62 =	vld [tilespmem:s19+$0xB0];
	v63 =	vpop (erf);
	[tilespmem:s26+$0x10] =	vst.msk $0xff, v14  }
0x39a: {  	v61 =	vsel vm1, v50, v52;
	(xrf1) =	vsort.dscd.msk.f32 $0xffff, v59, v5;
	vm1 =	veq.f32 v53, $0.0e+00;
	v23 =	vmul.f32 v63, v18;
	v26 =	vld [tilespmem:s29+$0x190]  }
0x39b: {  	[tilespmem:s11+$0x8] =	vst.msk $0xff, v15;
	(xrf1) =	vsort.dscd.msk.f32 $0xffff, v13, v61;
	v21 =	vsel vm1, v0, v53;
	vm1 =	veq.f32 v55, $0.0e+00;
	v24 =	vld [tilespmem:s29+$0x1B0]  }
0x39c: {  	v25 =	vsel vm1, v2, v55;
	vm1 =	veq.f32 v56, $0.0e+00;
	(xrf1) =	vsort.dscd.msk.f32 $0xffff, v21, v1;
	v29 =	vld [tilespmem:s29+$0x1A0];
	[tilespmem:s12+$0x8] =	vst.msk $0xff, v23  }
0x39d: {  	vm2 =	veq.f32 v58, $0.0e+00;
	v28 =	vsel vm1, v6, v56;
	(xrf1) =	vsort.dscd.msk.f32 $0xffff, v25, v3;
	v30 =	vld [tilespmem:s24+$0x130];
	vm1 =	veq.f32 v60, $0.0e+00  }
0x39e: {  	v12 =	vsel vm2, v4, v58;
	(xrf1) =	vsort.dscd.msk.f32 $0xffff, v28, v7;
	v35 =	vld [tilespmem:s24+$0x110];
	v32, v31, _ =	vpop (xrf1);
	v33 =	vsel vm1, v2, v60  }
0x39f: {  	v34 =	vld [tilespmem:s29+$0x180];
	(xrf1) =	vsort.dscd.msk.f32 $0xffff, v12, v5;
	vm1 =	veq.f32 v62, $0.0e+00;
	vm2 =	veq.f32 v26, $0.0e+00;
	v18 =	vperm.xlane v32, v8  }
0x3a0: {  	v38 =	vld [tilespmem:s24+$0x120];
	v17 =	vsel vm1, v6, v62;
	(xrf1) =	vsort.dscd.msk.f32 $0xffff, v33, v3;
	vm1 =	veq.f32 v24, $0.0e+00;
	v20 =	vperm.xlane v31, v8  }
0x3a1: {  	v44 =	vld [tilespmem:s19+$0xA0];
	v36, v37, _ =	vpop (xrf1);
	v13 =	vsel vm2, v2, v26;
	vm2 =	veq.f32 v29, $0.0e+00;
	(xrf1) =	vsort.dscd.msk.f32 $0xffff, v17, v7;
	v16 =	vsel vm1, v6, v24  }
0x3a2: {  	v14 =	vsel vm2, v4, v29;
	vm1 =	vge.f32 v36, v18;
	(xrf1) =	vsort.dscd.msk.f32 $0xffff, v16, v7  }
0x3a3: {  	vm3 =	veq.f32 v30, $0.0e+00;
	vm2 =	veq.f32 v35, $0.0e+00;
	v39 =	vsel vm1, v36, v18;
	(xrf1) =	vsort.dscd.msk.f32 $0xffff, v13, v3  }
0x3a4: {  	v40 =	vld [tilespmem:s24+$0x100];
	v41 =	vsel vm1, v37, v20;
	v15 =	vsel vm3, v6, v30;
	vm1 =	veq.f32 v34, $0.0e+00;
	(xrf1) =	vsort.dscd.msk.f32 $0xffff, v14, v5  }
0x3a5: {  	v43, v42, _ =	vpop (xrf1);
	v12 =	vsel vm2, v2, v35;
	v46 =	vsel vm1, v0, v34;
	vm1 =	veq.f32 v38, $0.0e+00;
	(xrf1) =	vsort.dscd.msk.f32 $0xffff, v15, v7  }
0x3a6: {  	vm13 =	veq.f32 v44, $0.0e+00;
	v49, v48, _ =	vpop (xrf1);
	v17 =	vsel vm1, v4, v38;
	(xrf1) =	vsort.dscd.msk.f32 $0xffff, v46, v1  }
0x3a7: {  	v50 =	vld [tilespmem:s19+$0x80];
	v60 =	vsel vm13, v4, v44;
	v53, v52, _ =	vpop (xrf1);
	(xrf1) =	vsort.dscd.msk.f32 $0xffff, v12, v3  }
0x3a8: {  	v45 =	vperm.xlane v42, v8;
	v51 =	vperm.xlane v49, v8;
	v55, v54, _ =	vpop (xrf1);
	(xrf1) =	vsort.dscd.msk.f32 $0xffff, v17, v5  }
0x3a9: {  	v47 =	vperm.xlane v43, v8;
	v21 =	vperm.xlane v48, v8;
	vm2 =	veq.f32 v40, $0.0e+00;
	v17, v12, _ =	vpop (xrf1)  }
0x3aa: {  	v56 =	vsel vm2, v0, v40;
	vm3 =	vge.f32 v55, v51;
	(xrf1) =	vsort.dscd.msk.f32 $0xffff, v39, v41;
	v58, v59, _ =	vpop (xrf1)  }
0x3ab: {  	vm1 =	vge.f32 v53, v47;
	v61 =	vsel vm3, v55, v51;
	(xrf1) =	vsort.dscd.msk.f32 $0xffff, v56, v1;
	v28, v63, _ =	vpop (xrf1)  }
0x3ac: {  	vm2 =	veq.f32 v50, $0.0e+00;
	v62 =	vsel vm3, v54, v21;
	v14 =	vsel vm1, v52, v45;
	(xrf1) =	vsort.dscd.msk.f32 $0xffff, v60, v5;
	v31, v30, _ =	vpop (xrf1)  }
0x3ad: {  	v32 =	vsel vm2, v0, v50;
	v29 =	vperm.xlane v28, v8;
	(xrf1) =	vsort.dscd.msk.f32 $0xffff, v61, v62;
	v33, v34, _ =	vpop (xrf1)  }
0x3ae: {  	v57 =	vsel vm1, v53, v47;
	v15 =	vperm.xlane v31, v8;
	(xrf1) =	vsort.dscd.msk.f32 $0xffff, v32, v1;
	v37, v36, _ =	vpop (xrf1)  }
0x3af: {  	v35 =	vperm.xlane v63, v8;
	vm1 =	vge.f32 v58, v29;
	(xrf1) =	vsort.dscd.msk.f32 $0xffff, v57, v14;
	v14, v16, _ =	vpop (xrf1)  }
0x3b0: {  	v20 =	vperm.xlane v30, v8;
	v13 =	vsel vm1, v58, v29;
	vm2 =	vge.f32 v33, v15;
	v41, v40, _ =	vpop (xrf1)  }
0x3b1: {  	v38 =	vsel vm1, v59, v35;
	v15 =	vsel vm2, v33, v15;
	v43 =	vperm.xlane v41, v8;
	v45, v44, _ =	vpop (xrf1)  }
0x3b2: {  	v39 =	vsel vm2, v34, v20;
	(xrf1) =	vsort.dscd.msk.f32 $0xffff, v13, v38;
	v42 =	vperm.xlane v36, v8;
	v49, v48, _ =	vpop (xrf1)  }
0x3b3: {  	v17 =	vmax.f32 v17, $0.0e+00;
	(xrf1) =	vsort.dscd.msk.f32 $0xffff, v15, v39;
	v47 =	vperm.xlane v40, v8;
	v50, v51, _ =	vpop (xrf1);
	vm1 =	vge.f32 v49, v43  }
0x3b4: {  	v46 =	vperm.xlane v37, v8;
	v20 =	vperm.xlane v45, v8;
	v13 =	vsel vm1, v49, v43;
	v52, v53, _ =	vpop (xrf1)  }
0x3b5: {  	v23 =	vperm.xlane v44, v8;
	v19 =	vsel vm1, v48, v47;
	v24 =	vperm.xlane v50, v8;
	v55, v54, _ =	vpop (xrf1)  }
0x3b6: {  	v63 =	vnsel vm0, $0x0, v17;
	v56 =	vperm.xlane v51, v8;
	vm1 =	vge.f32 v52, v20;
	(xrf1) =	vsort.dscd.msk.f32 $0xffff, v13, v19;
	v58, v57, _ =	vpop (xrf1)  }
0x3b7: {  	v20 =	vsel vm1, v52, v20;
	v59 =	vsel vm1, v53, v23;
	vm1 =	vge.f32 v58, v24  }
0x3b8: {  	(xrf2) =	vadd.scan.msk.f32 $0xffff, v63;
	v14 =	vperm.xlane v14, v8;
	v60 =	vperm.xlane v55, v8;
	v22, v13, _ =	vpop (xrf1);
	v19 =	vsel vm1, v57, v56  }
0x3b9: {  	v61 =	vperm.xlane v54, v8;
	(xrf1) =	vsort.dscd.msk.f32 $0xffff, v20, v59;
	v62 =	vsel vm1, v58, v24;
	v24, v25, _ =	vpop (xrf1)  }
0x3ba: {  	v16 =	vperm.xlane v16, v8;
	(xrf1) =	vsort.dscd.msk.f32 $0xffff, v62, v19;
	v32, v33, _ =	vpop (xrf1);
	vm1 =	vge.f32 v24, v60  }
0x3bb: {  	v19, v21, _ =	vpop (xrf1);
	vm2 =	vge.f32 v32, v14;
	v23 =	vsel vm1, v24, v60;
	v20 =	vsel vm1, v25, v61  }
0x3bc: {  	v14 =	vsel vm2, v32, v14;
	v16 =	vsel vm2, v33, v16;
	v34, v35, _ =	vpop (xrf1);
	(xrf1) =	vsort.dscd.msk.f32 $0xffff, v23, v20  }
0x3bd: {  	vm1 =	vge.f32 v34, v46;
	(xrf1) =	vsort.dscd.msk.f32 $0xffff, v14, v16  }
0x3be: {  	v36 =	vsel vm1, v34, v46;
	v37 =	vsel vm1, v35, v42  }
0x3bf: {  	v40, v39, _ =	vpop (xrf1);
	(xrf1) =	vsort.dscd.msk.f32 $0xffff, v36, v37  }
0x3c0: {  	v38 =	vperm.xlane v19, v8;
	v41, v42, _ =	vpop (xrf1)  }
0x3c1: {  	v43 =	vperm.xlane v21, v8;
	v45, v44, _ =	vpop (xrf1)  }
0x3c2: {  	vm1 =	vge.f32 v40, v38;
	v46 =	vperm.xlane v45, v8  }
0x3c3: {  	v14 =	vsel vm1, v40, v38;
	v16 =	vsel vm1, v39, v43  }
0x3c4: {  	v47, _, _ =	vpop (xrf2);
	(xrf1) =	vsort.dscd.msk.f32 $0xffff, v14, v16;
	vm1 =	vge.f32 v41, v46  }
0x3c5: {  	(v2sf) =	vpush v47, $0xF;
	v48 =	vperm.xlane v44, v8;
	v50, v49, _ =	vpop (xrf1);
	v15 =	vsel vm1, v41, v46  }
0x3c6: {  	v51 =	vperm.xlane v50, v8  }
0x3c7: {  	v52 =	vsel vm1, v42, v48;
	v53 =	vperm.xlane v49, v8;
	v19, v20, _ =	vpop (xrf1)  }
0x3c8: {  	(xrf1) =	vsort.dscd.msk.f32 $0xffff, v15, v52;
	vm1 =	vge.f32 v19, v51;
	v15, v16, _ =	vpop (xrf1)  }
0x3c9: {  	v14 =	vsel vm1, v19, v51;
	v18 =	vsel vm1, v20, v53;
	v15 =	vperm.xlane v15, v8  }
0x3ca: {  	v56 =	vperm.xlane v16, v8;
	(xrf1) =	vsort.dscd.msk.f32 $0xffff, v14, v18;
	v54, v55, _ =	vpop (xrf1)  }
0x3cb: {  	v58, v57, _ =	vpop (xrf1);
	vm1 =	vge.f32 v54, v15  }
0x3cc: {  	v16 =	vperm.xlane v58, v8;
	v15 =	vsel vm1, v54, v15;
	v14 =	vsel vm1, v55, v56  }
0x3cd: {  	v18 =	vperm.xlane v57, v8;
	v59, v60, _ =	vpop (xrf1);
	(xrf1) =	vsort.dscd.msk.f32 $0xffff, v15, v14  }
0x3ce: {  	vm1 =	vge.f32 v59, v16  }
0x3cf: {  	v61 =	vsel vm1, v59, v16;
	v62 =	vsel vm1, v60, v18  }
0x3d0: {  	v63 =	vmax.f32 v22, $0.0e+00;
	(xrf1) =	vsort.dscd.msk.f32 $0xffff, v61, v62  }
0x3d1: {  	v22 =	vnsel vm0, $0x0, v63  }
0x3d2: {  	(xrf2) =	vadd.scan.msk.f32 $0xffff, v22;
	v23, v16, _ =	vpop (xrf1)  }
0x3d3: {  	v18 =	vmax.f32 v23, $0.0e+00  }
0x3d4: {  	s4 =	spop (v2sf);
	v14 =	vnsel vm0, $0x0, v18  }
0x3d5: {  	s3 =	sadd.f32 $9.999999680e-21, s4;
	_ =	sdelay $0x1  }
0x3d6: {  	v25 =	vmov s3;
	v24, v20, _ =	vpop (xrf1)  }
0x3d7: {  	(erf) = vrcp.f32 v25;
	v19 =	vmax.f32 v24, $0.0e+00;
	(xrf2) =	vadd.scan.msk.f32 $0xffff, v14;
	v26, v14, _ =	vpop (xrf1)  }
0x3d8: {  	v27 =	vnsel vm0, $0x0, v19;
	v21 =	vmax.f32 v26, $0.0e+00  }
0x3d9: {  	(xrf2) =	vadd.scan.msk.f32 $0xffff, v27;
	v28 =	vnsel vm0, $0x0, v21  }
0x3da: {  	(xrf2) =	vadd.scan.msk.f32 $0xffff, v28;
	v29, v23, _ =	vpop (xrf1)  }
0x3db: {  	v30, _, _ =	vpop (xrf2);
	v22 =	vmax.f32 v29, $0.0e+00  }
0x3dc: {  	(v2sf) =	vpush v30, $0xF;
	v31 =	vnsel vm0, $0x0, v22  }
0x3dd: {  	v32, v26, _ =	vpop (xrf1);
	(xrf2) =	vadd.scan.msk.f32 $0xffff, v31  }
0x3de: {  	v24 =	vmax.f32 v32, $0.0e+00  }
0x3df: {  	v25 =	vnsel vm0, $0x0, v24  }
0x3e0: {  	v33 =	vpop (erf);
	(xrf2) =	vadd.scan.msk.f32 $0xffff, v25  }
0x3e1: {  	v17 =	vmul.f32 v33, v17;
	v34, _, _ =	vpop (xrf2)  }
0x3e2: {  	[tilespmem:s1+$0xFFFFFFE8] =	vst.msk $0xff, v12;
	(v2sf) =	vpush v34, $0xF  }
0x3e3: {  	[tilespmem:s8+$0xFFFFFFE8] =	vst.msk $0xff, v17;
	v35, _, _ =	vpop (xrf2)  }
0x3e4: {  	v37 =	vld [tilespmem:s30+$0xFFFFFF30];
	v36, _, _ =	vpop (xrf2)  }
0x3e5: {  	v38 =	vld [tilespmem:s30+$0xFFFFFF10];
	(v2sf) =	vpush v36, $0xF  }
0x3e6: {  	v39 =	vld [tilespmem:s30+$0xFFFFFF20];
	(v2sf) =	vpush v35, $0xF  }
0x3e7: {  	v40, _, _ =	vpop (xrf2)  }
0x3e8: {  	v41 =	vld [tilespmem:s30+$0xFFFFFF00];
	(v2sf) =	vpush v40, $0xF  }
0x3e9: {  	vm1 =	veq.f32 v37, $0.0e+00  }
0x3ea: {  	vm2 =	veq.f32 v38, $0.0e+00;
	v25 =	vsel vm1, v6, v37;
	v42, _, _ =	vpop (xrf2)  }
0x3eb: {  	s5 =	spop (v2sf);
	v43 =	vsel vm2, v2, v38;
	vm1 =	veq.f32 v39, $0.0e+00;
	(xrf1) =	vsort.dscd.msk.f32 $0xffff, v25, v7;
	(v2sf) =	vpush v42, $0xF  }
0x3ec: {  	s3 =	sadd.f32 $9.999999680e-21, s5;
	v44 =	vsel vm1, v4, v39;
	(xrf1) =	vsort.dscd.msk.f32 $0xffff, v43, v3  }
0x3ed: {  	vm1 =	veq.f32 v41, $0.0e+00;
	(xrf1) =	vsort.dscd.msk.f32 $0xffff, v44, v5  }
0x3ee: {  	v46 =	vmov s3;
	v45 =	vsel vm1, v0, v41  }
0x3ef: {  	(erf) = vrcp.f32 v46;
	(xrf1) =	vsort.dscd.msk.f32 $0xffff, v45, v1;
	_ =	sdelay $0x1  }
0x3f0: {  	s9 =	spop (v2sf)  }
0x3f1: {  	s3 =	sadd.f32 $9.999999680e-21, s9;
	_ =	sdelay $0x1  }
0x3f2: {  	v47 =	vmov s3;
	s29 =	spop (v2sf)  }
0x3f3: {  	(erf) = vrcp.f32 v47;
	s5 =	sadd.f32 $9.999999680e-21, s29;
	s9 =	spop (v2sf)  }
0x3f4: {  	s4 =	sadd.f32 $9.999999680e-21, s9  }
0x3f5: {  	v48 =	vmov s5;
	s29 =	spop (v2sf)  }
0x3f6: {  	v49 =	vpop (erf);
	(erf) = vrcp.f32 v48;
	v50 =	vmov s4;
	s3 =	sadd.f32 $9.999999680e-21, s29  }
0x3f7: {  	v12 =	vmul.f32 v49, v63;
	v25, v51, _ =	vpop (xrf1);
	(erf) = vrcp.f32 v50  }
0x3f8: {  	[tilespmem:s0+$0xFFFFFFF0] =	vst.msk $0xff, v13;
	v53 =	vperm.xlane v25, v8;
	v55, v54, _ =	vpop (xrf1);
	s5 =	spop (v2sf);
	v52 =	vmov s3  }
0x3f9: {  	[tilespmem:s31+$0xFFFFFFF0] =	vst.msk $0xff, v12;
	v56 =	vperm.xlane v51, v8;
	v57, v29, _ =	vpop (xrf1);
	s9 =	sadd.f32 $9.999999680e-21, s5;
	(erf) = vrcp.f32 v52  }
0x3fa: {  	v60 =	vld [tilespmem:s25+$0xFFFFFF90];
	v59 =	vperm.xlane v55, v8;
	v28 =	vperm.xlane v54, v8;
	vm1 =	vge.f32 v57, v53  }
0x3fb: {  	v30 =	vld [tilespmem:s25+$0xFFFFFFB0];
	v61, v62, _ =	vpop (xrf1);
	v17 =	vsel vm1, v57, v53;
	v13 =	vsel vm1, v29, v56;
	v58 =	vmov s9  }
0x3fc: {  	v31 =	vld [tilespmem:s25+$0xFFFFFF80];
	vm1 =	vge.f32 v61, v59;
	(xrf1) =	vsort.dscd.msk.f32 $0xffff, v17, v13;
	v63 =	vpop (erf);
	(erf) = vrcp.f32 v58  }
0x3fd: {  	[tilespmem:s23+$0x18] =	vst.msk $0xff, v10;
	v15 =	vsel vm1, v61, v59;
	v32 =	vsel vm1, v62, v28;
	v13 =	vmul.f32 v63, v18  }
0x3fe: {  	v9 =	vmul.f32 v11, v9;
	[tilespmem:s20+$0xFFFFFFF8] =	vst.msk $0xff, v16;
	v33 =	vld [tilespmem:s25+$0xFFFFFFA0];
	(xrf1) =	vsort.dscd.msk.f32 $0xffff, v15, v32  }
0x3ff: {  	vm1 =	veq.f32 v60, $0.0e+00;
	[tilespmem:s21+$0xFFFFFFF8] =	vst.msk $0xff, v13;
	v34 =	vpop (erf)  }
0x400: {  	[tilespmem:s22+$0x18] =	vst.msk $0xff, v9;
	v35 =	vsel vm1, v2, v60;
	vm1 =	veq.f32 v30, $0.0e+00;
	v16 =	vld [tilespmem:s18+$0x0];
	v36 =	vpop (erf)  }
0x401: {  	(xrf1) =	vsort.dscd.msk.f32 $0xffff, v35, v3;
	v38 =	vsel vm1, v6, v30;
	vm1 =	veq.f32 v31, $0.0e+00;
	v10 =	vld [tilespmem:s18+$0x10];
	v37 =	vmul.f32 v36, v19  }
0x402: {  	[tilespmem:s15+$0x0] =	vst.msk $0xff, v20;
	(xrf1) =	vsort.dscd.msk.f32 $0xffff, v38, v7;
	v12 =	vsel vm1, v0, v31;
	v39 =	vld [tilespmem:s18+$0x30];
	v40 =	vpop (erf)  }
0x403: {  	vm2 =	veq.f32 v33, $0.0e+00;
	(xrf1) =	vsort.dscd.msk.f32 $0xffff, v12, v1;
	v41 =	vld [tilespmem:s18+$0x20];
	[tilespmem:s16+$0x0] =	vst.msk $0xff, v37;
	v42 =	vmul.f32 v40, v22  }
0x404: {  	[tilespmem:s11+$0x10] =	vst.msk $0xff, v23;
	v11 =	vsel vm2, v4, v33;
	v43 =	vld [tilespmem:s17+$0x90]  }
0x405: {  	(xrf1) =	vsort.dscd.msk.f32 $0xffff, v11, v5;
	vm1 =	veq.f32 v16, $0.0e+00;
	v11 =	vld [tilespmem:s17+$0xB0];
	v44 =	vpop (erf);
	[tilespmem:s12+$0x10] =	vst.msk $0xff, v42  }
0x406: {  	[tilespmem:s14+$0x8] =	vst.msk $0xff, v26;
	v9 =	vsel vm1, v0, v16;
	vm1 =	veq.f32 v10, $0.0e+00;
	v45 =	vmul.f32 v44, v24;
	v46 =	vld [tilespmem:s24+$0x1B0]  }
0x407: {  	v15 =	vmul.f32 v34, v21;
	v10 =	vsel vm1, v2, v10;
	vm1 =	veq.f32 v39, $0.0e+00;
	(xrf1) =	vsort.dscd.msk.f32 $0xffff, v9, v1;
	v9 =	vld [tilespmem:s24+$0x190]  }
0x408: {  	vm2 =	veq.f32 v41, $0.0e+00;
	v47 =	vsel vm1, v6, v39;
	(xrf1) =	vsort.dscd.msk.f32 $0xffff, v10, v3;
	v10 =	vld [tilespmem:s24+$0x1A0];
	[tilespmem:s13+$0x8] =	vst.msk $0xff, v45  }
0x409: {  	[tilespmem:s28+$0x18] =	vst.msk $0xff, v14;
	v48 =	vsel vm2, v4, v41;
	(xrf1) =	vsort.dscd.msk.f32 $0xffff, v47, v7;
	vm1 =	veq.f32 v43, $0.0e+00;
	v49 =	vld [tilespmem:s19+$0x130]  }
0x40a: {  	v51, v50, _ =	vpop (xrf1);
	[tilespmem:s26+$0x18] =	vst.msk $0xff, v15;
	(xrf1) =	vsort.dscd.msk.f32 $0xffff, v48, v5;
	v52 =	vld [tilespmem:s24+$0x180];
	v12 =	vsel vm1, v2, v43;
	vm1 =	veq.f32 v11, $0.0e+00  }
0x40b: {  	v15 =	vperm.xlane v51, v8;
	v53 =	vld [tilespmem:s19+$0x110];
	v11 =	vsel vm1, v6, v11;
	(xrf1) =	vsort.dscd.msk.f32 $0xffff, v12, v3;
	vm1 =	veq.f32 v46, $0.0e+00  }
0x40c: {  	v17 =	vperm.xlane v50, v8;
	v54, v19, _ =	vpop (xrf1);
	(xrf1) =	vsort.dscd.msk.f32 $0xffff, v11, v7;
	v11 =	vld [tilespmem:s19+$0x120];
	vm2 =	veq.f32 v9, $0.0e+00;
	v16 =	vsel vm1, v6, v46  }
0x40d: {  	vm1 =	vge.f32 v54, v15;
	v9 =	vsel vm2, v2, v9;
	vm2 =	veq.f32 v10, $0.0e+00;
	(xrf1) =	vsort.dscd.msk.f32 $0xffff, v16, v7  }
0x40e: {  	v58 =	vld [tilespmem:s17+$0xA0];
	v15 =	vsel vm1, v54, v15;
	v10 =	vsel vm2, v4, v10;
	vm3 =	veq.f32 v49, $0.0e+00;
	(xrf1) =	vsort.dscd.msk.f32 $0xffff, v9, v3  }
0x40f: {  	v57, v56, _ =	vpop (xrf1);
	v55 =	vld [tilespmem:s19+$0x100];
	v9 =	vsel vm1, v19, v17;
	vm1 =	veq.f32 v52, $0.0e+00;
	v14 =	vsel vm3, v6, v49;
	(xrf1) =	vsort.dscd.msk.f32 $0xffff, v10, v5  }
0x410: {  	v60, v59, _ =	vpop (xrf1);
	vm2 =	veq.f32 v53, $0.0e+00;
	v13 =	vsel vm1, v0, v52;
	(xrf1) =	vsort.dscd.msk.f32 $0xffff, v14, v7  }
0x411: {  	v62 =	vperm.xlane v60, v8;
	v24, v63, _ =	vpop (xrf1);
	v12 =	vsel vm2, v2, v53;
	vm1 =	veq.f32 v11, $0.0e+00;
	(xrf1) =	vsort.dscd.msk.f32 $0xffff, v13, v1  }
0x412: {  	v61 =	vld [tilespmem:s17+$0x80];
	v17 =	vperm.xlane v57, v8;
	v11 =	vsel vm1, v4, v11;
	(xrf1) =	vsort.dscd.msk.f32 $0xffff, v12, v3  }
0x413: {  	v25 =	vperm.xlane v59, v8;
	vm14 =	veq.f32 v58, $0.0e+00;
	v10 =	vperm.xlane v56, v8;
	(xrf1) =	vsort.dscd.msk.f32 $0xffff, v11, v5  }
0x414: {  	v30 =	vsel vm14, v4, v58;
	vm2 =	veq.f32 v55, $0.0e+00;
	vm1 =	vge.f32 v24, v17;
	v27, v26, _ =	vpop (xrf1)  }
0x415: {  	v10 =	vsel vm1, v63, v10;
	(xrf1) =	vsort.dscd.msk.f32 $0xffff, v15, v9;
	v9 =	vsel vm2, v0, v55;
	v29, v28, _ =	vpop (xrf1)  }
0x416: {  	v11 =	vsel vm1, v24, v17;
	vm3 =	vge.f32 v27, v62;
	(xrf1) =	vsort.dscd.msk.f32 $0xffff, v9, v1;
	v32, v31, _ =	vpop (xrf1)  }
0x417: {  	vm2 =	veq.f32 v61, $0.0e+00;
	v9 =	vsel vm3, v27, v62;
	v12 =	vsel vm3, v26, v25;
	(xrf1) =	vsort.dscd.msk.f32 $0xffff, v30, v5;
	v33, v34, _ =	vpop (xrf1)  }
0x418: {  	v35 =	vsel vm2, v0, v61;
	(xrf1) =	vsort.dscd.msk.f32 $0xffff, v9, v12;
	v37, v36, _ =	vpop (xrf1)  }
0x419: {  	v9 =	vperm.xlane v32, v8;
	(xrf1) =	vsort.dscd.msk.f32 $0xffff, v35, v1;
	v40, v39, _ =	vpop (xrf1)  }
0x41a: {  	v12 =	vperm.xlane v33, v8;
	(xrf1) =	vsort.dscd.msk.f32 $0xffff, v11, v10;
	v10, v11, _ =	vpop (xrf1)  }
0x41b: {  	v38 =	vperm.xlane v31, v8;
	vm1 =	vge.f32 v29, v9;
	v15, v16, _ =	vpop (xrf1)  }
0x41c: {  	v13 =	vperm.xlane v34, v8;
	vm2 =	vge.f32 v37, v12;
	v9 =	vsel vm1, v29, v9;
	v44, v43, _ =	vpop (xrf1)  }
0x41d: {  	v41 =	vsel vm1, v28, v38;
	v12 =	vsel vm2, v37, v12;
	v42 =	vperm.xlane v15, v8;
	v48, v47, _ =	vpop (xrf1)  }
0x41e: {  	v13 =	vsel vm2, v36, v13;
	(xrf1) =	vsort.dscd.msk.f32 $0xffff, v9, v41;
	v46 =	vperm.xlane v16, v8;
	v49, v50, _ =	vpop (xrf1)  }
0x41f: {  	v15 =	vperm.xlane v44, v8;
	v18 =	vperm.xlane v43, v8;
	vm1 =	vge.f32 v48, v42;
	v51, v52, _ =	vpop (xrf1)  }
0x420: {  	(xrf1) =	vsort.dscd.msk.f32 $0xffff, v12, v13;
	v14 =	vsel vm1, v48, v42;
	v19 =	vperm.xlane v49, v8;
	v54, v53, _ =	vpop (xrf1)  }
0x421: {  	v13 =	vsel vm1, v47, v46;
	v55 =	vperm.xlane v50, v8;
	vm1 =	vge.f32 v51, v15;
	v56, v57, _ =	vpop (xrf1)  }
0x422: {  	v15 =	vsel vm1, v51, v15;
	v58 =	vsel vm1, v52, v18;
	vm1 =	vge.f32 v56, v19  }
0x423: {  	(xrf1) =	vsort.dscd.msk.f32 $0xffff, v14, v13;
	v14 =	vsel vm1, v56, v19  }
0x424: {  	v45 =	vperm.xlane v40, v8;
	v10 =	vperm.xlane v10, v8;
	v17, v18, _ =	vpop (xrf1);
	v13 =	vsel vm1, v57, v55  }
0x425: {  	v11 =	vperm.xlane v11, v8;
	v21 =	vperm.xlane v54, v8;
	v60, v61, _ =	vpop (xrf1)  }
0x426: {  	v9 =	vperm.xlane v39, v8;
	v59 =	vperm.xlane v53, v8;
	(xrf1) =	vsort.dscd.msk.f32 $0xffff, v15, v58;
	v63, v62, _ =	vpop (xrf1)  }
0x427: {  	vm1 =	vge.f32 v60, v21;
	(xrf1) =	vsort.dscd.msk.f32 $0xffff, v14, v13;
	vm2 =	vge.f32 v63, v10;
	v13, v14, _ =	vpop (xrf1)  }
0x428: {  	v16 =	vsel vm1, v60, v21;
	v15 =	vsel vm1, v61, v59;
	v10 =	vsel vm2, v63, v10;
	v24, v25, _ =	vpop (xrf1)  }
0x429: {  	v11 =	vsel vm2, v62, v11;
	(xrf1) =	vsort.dscd.msk.f32 $0xffff, v16, v15;
	vm1 =	vge.f32 v24, v45  }
0x42a: {  	(xrf1) =	vsort.dscd.msk.f32 $0xffff, v10, v11;
	v10 =	vsel vm1, v24, v45  }
0x42b: {  	v9 =	vsel vm1, v25, v9;
	_ =	sdelay $0x2  }
0x42c: {  	(xrf1) =	vsort.dscd.msk.f32 $0xffff, v10, v9;
	v9, v10, _ =	vpop (xrf1)  }
0x42d: {  	v11 =	vperm.xlane v13, v8;
	v26, v27, _ =	vpop (xrf1)  }
0x42e: {  	v15, v16, _ =	vpop (xrf1)  }
0x42f: {  	v14 =	vperm.xlane v14, v8;
	vm1 =	vge.f32 v9, v11;
	v15 =	vperm.xlane v15, v8  }
0x430: {  	v9 =	vsel vm1, v9, v11;
	v11 =	vperm.xlane v16, v8  }
0x431: {  	v10 =	vsel vm1, v10, v14;
	vm1 =	vge.f32 v26, v15  }
0x432: {  	v28, v29, _ =	vpop (xrf1);
	(xrf1) =	vsort.dscd.msk.f32 $0xffff, v9, v10;
	v11 =	vsel vm1, v27, v11  }
0x433: {  	v9 =	vperm.xlane v28, v8;
	v10 =	vsel vm1, v26, v15  }
0x434: {  	v30 =	vperm.xlane v29, v8;
	v32, v31, _ =	vpop (xrf1)  }
0x435: {  	vm1 =	vge.f32 v32, v9  }
0x436: {  	(xrf1) =	vsort.dscd.msk.f32 $0xffff, v10, v11;
	v9 =	vsel vm1, v32, v9;
	v12 =	vsel vm1, v31, v30;
	v10, v11, _ =	vpop (xrf1)  }
0x437: {  	(xrf1) =	vsort.dscd.msk.f32 $0xffff, v9, v12;
	v10 =	vperm.xlane v10, v8;
	v9 =	vperm.xlane v11, v8;
	v11, v33, _ =	vpop (xrf1)  }
0x438: {  	v34, v35, _ =	vpop (xrf1)  }
0x439: {  	vm1 =	vge.f32 v11, v10;
	v13 =	vperm.xlane v34, v8  }
0x43a: {  	v36, v37, _ =	vpop (xrf1);
	v10 =	vsel vm1, v11, v10;
	v9 =	vsel vm1, v33, v9;
	v11 =	vperm.xlane v35, v8  }
0x43b: {  	(xrf1) =	vsort.dscd.msk.f32 $0xffff, v10, v9;
	vm1 =	vge.f32 v36, v13  }
0x43c: {  	v9 =	vsel vm1, v36, v13;
	v10 =	vsel vm1, v37, v11;
	v11 =	vmax.f32 v17, $0.0e+00  }
0x43d: {  	(xrf1) =	vsort.dscd.msk.f32 $0xffff, v9, v10;
	v9 =	vnsel vm0, $0x0, v11;
	_ =	sdelay $0x2  }
0x43e: {  	(xrf2) =	vadd.scan.msk.f32 $0xffff, v9;
	v9, v38, _ =	vpop (xrf1)  }
0x43f: {  	v39 =	vmax.f32 v9, $0.0e+00  }
0x440: {  	v9 =	vnsel vm0, $0x0, v39;
	_ =	sdelay $0x2  }
0x441: {  	v10, v14, _ =	vpop (xrf1);
	(xrf2) =	vadd.scan.msk.f32 $0xffff, v9  }
0x442: {  	v40 =	vmax.f32 v10, $0.0e+00;
	v10, v9, _ =	vpop (xrf1)  }
0x443: {  	v41 =	vnsel vm0, $0x0, v40;
	v10 =	vmax.f32 v10, $0.0e+00  }
0x444: {  	(xrf2) =	vadd.scan.msk.f32 $0xffff, v41;
	v42 =	vnsel vm0, $0x0, v10  }
0x445: {  	(xrf2) =	vadd.scan.msk.f32 $0xffff, v42;
	v44, v43, _ =	vpop (xrf1)  }
0x446: {  	v45, _, _ =	vpop (xrf2);
	v16 =	vmax.f32 v44, $0.0e+00  }
0x447: {  	(v2sf) =	vpush v45, $0xF;
	v46 =	vnsel vm0, $0x0, v16  }
0x448: {  	v48, v47, _ =	vpop (xrf1);
	(xrf2) =	vadd.scan.msk.f32 $0xffff, v46  }
0x449: {  	v49 =	vmax.f32 v48, $0.0e+00  }
0x44a: {  	v20 =	vnsel vm0, $0x0, v49  }
0x44b: {  	v50, _, _ =	vpop (xrf2);
	(xrf2) =	vadd.scan.msk.f32 $0xffff, v20  }
0x44c: {  	(v2sf) =	vpush v50, $0xF;
	_ =	sdelay $0x1  }
0x44d: {  	v51, _, _ =	vpop (xrf2)  }
0x44e: {  	v52, _, _ =	vpop (xrf2)  }
0x44f: {  	(v2sf) =	vpush v52, $0xF  }
0x450: {  	(v2sf) =	vpush v51, $0xF  }
0x451: {  	v53, _, _ =	vpop (xrf2)  }
0x452: {  	(v2sf) =	vpush v53, $0xF;
	_ =	sdelay $0x1  }
0x453: {  	v54, _, _ =	vpop (xrf2)  }
0x454: {  	s24 =	spop (v2sf);
	(v2sf) =	vpush v54, $0xF  }
0x455: {  	s3 =	sadd.f32 $9.999999680e-21, s24;
	_ =	sdelay $0x1  }
0x456: {  	v55 =	vmov s3  }
0x457: {  	(erf) = vrcp.f32 v55  }
0x458: {  	s26 =	spop (v2sf)  }
0x459: {  	s3 =	sadd.f32 $9.999999680e-21, s26;
	_ =	sdelay $0x1  }
0x45a: {  	v56 =	vmov s3  }
0x45b: {  	(erf) = vrcp.f32 v56;
	s28 =	spop (v2sf)  }
0x45c: {  	s29 =	sadd.f32 $9.999999680e-21, s28;
	s5 =	spop (v2sf)  }
0x45d: {  	s4 =	sadd.f32 $9.999999680e-21, s5  }
0x45e: {  	v57 =	vmov s29;
	s9 =	spop (v2sf)  }
0x45f: {  	v59 =	vpop (erf);
	v58 =	vmov s4;
	(erf) = vrcp.f32 v57;
	s3 =	sadd.f32 $9.999999680e-21, s9  }
0x460: {  	v11 =	vmul.f32 v59, v11;
	(erf) = vrcp.f32 v58  }
0x461: {  	[tilespmem:s1+$0xFFFFFFF0] =	vst.msk $0xff, v18;
	s22 =	spop (v2sf);
	v60 =	vmov s3  }
0x462: {  	[tilespmem:s8+$0xFFFFFFF0] =	vst.msk $0xff, v11;
	s3 =	sadd.f32 $9.999999680e-21, s22;
	(erf) = vrcp.f32 v60  }
0x463: {  	v61 =	vld [tilespmem:s30+$0xFFFFFF90]  }
0x464: {  	v62 =	vld [tilespmem:s30+$0xFFFFFF80];
	v28 =	vpop (erf);
	v11 =	vmov s3  }
0x465: {  	v63 =	vld [tilespmem:s30+$0xFFFFFFB0];
	v13 =	vmul.f32 v28, v39;
	(erf) = vrcp.f32 v11  }
0x466: {  	[tilespmem:s0+$0xFFFFFFF8] =	vst.msk $0xff, v38;
	v29 =	vld [tilespmem:s30+$0xFFFFFFA0]  }
0x467: {  	[tilespmem:s31+$0xFFFFFFF8] =	vst.msk $0xff, v13  }
0x468: {  	v13 =	vld [tilespmem:s25+$0x0];
	v11 =	vpop (erf)  }
0x469: {  	vm1 =	veq.f32 v61, $0.0e+00;
	v32 =	vld [tilespmem:s25+$0x10];
	v31 =	vpop (erf)  }
0x46a: {  	[tilespmem:s20+$0x0] =	vst.msk $0xff, v14;
	v30 =	vsel vm1, v2, v61;
	vm1 =	veq.f32 v63, $0.0e+00;
	v15 =	vmul.f32 v31, v40  }
0x46b: {  	vm2 =	veq.f32 v62, $0.0e+00;
	vm3 =	veq.f32 v29, $0.0e+00;
	v34 =	vld [tilespmem:s25+$0x30];
	(xrf1) =	vsort.dscd.msk.f32 $0xffff, v30, v3;
	v33 =	vsel vm1, v6, v63;
	v35 =	vpop (erf)  }
0x46c: {  	v36 =	vld [tilespmem:s25+$0x20];
	v20 =	vsel vm2, v0, v62;
	(xrf1) =	vsort.dscd.msk.f32 $0xffff, v33, v7;
	[tilespmem:s21+$0x0] =	vst.msk $0xff, v15;
	v14 =	vmul.f32 v35, v16  }
0x46d: {  	[tilespmem:s14+$0x10] =	vst.msk $0xff, v43;
	v37 =	vsel vm3, v4, v29;
	(xrf1) =	vsort.dscd.msk.f32 $0xffff, v20, v1;
	vm1 =	veq.f32 v13, $0.0e+00;
	v38 =	vld [tilespmem:s18+$0x90]  }
0x46e: {  	(xrf1) =	vsort.dscd.msk.f32 $0xffff, v37, v5;
	v13 =	vsel vm1, v0, v13;
	vm1 =	veq.f32 v32, $0.0e+00;
	v39 =	vld [tilespmem:s18+$0xB0];
	v40 =	vpop (erf);
	[tilespmem:s13+$0x10] =	vst.msk $0xff, v14  }
0x46f: {  	v12 =	vsel vm1, v2, v32;
	(xrf1) =	vsort.dscd.msk.f32 $0xffff, v13, v1;
	v41 =	vmul.f32 v40, v49;
	v42 =	vld [tilespmem:s19+$0x1B0]  }
0x470: {  	[tilespmem:s15+$0x8] =	vst.msk $0xff, v47;
	vm1 =	veq.f32 v34, $0.0e+00;
	(xrf1) =	vsort.dscd.msk.f32 $0xffff, v12, v3;
	v43 =	vld [tilespmem:s19+$0x190]  }
0x471: {  	vm2 =	veq.f32 v36, $0.0e+00;
	v44 =	vsel vm1, v6, v34;
	v45 =	vld [tilespmem:s19+$0x1A0];
	[tilespmem:s16+$0x8] =	vst.msk $0xff, v41  }
0x472: {  	v46 =	vsel vm2, v4, v36;
	(xrf1) =	vsort.dscd.msk.f32 $0xffff, v44, v7;
	v47 =	vld [tilespmem:s17+$0x130];
	vm1 =	veq.f32 v38, $0.0e+00  }
0x473: {  	v49 =	vld [tilespmem:s19+$0x180];
	(xrf1) =	vsort.dscd.msk.f32 $0xffff, v46, v5;
	v48 =	vsel vm1, v2, v38;
	vm1 =	veq.f32 v39, $0.0e+00  }
0x474: {  	v50 =	vld [tilespmem:s17+$0x110];
	v15 =	vsel vm1, v6, v39;
	(xrf1) =	vsort.dscd.msk.f32 $0xffff, v48, v3;
	vm1 =	veq.f32 v42, $0.0e+00  }
0x475: {  	v51 =	vld [tilespmem:s17+$0x120];
	vm2 =	veq.f32 v43, $0.0e+00;
	(xrf1) =	vsort.dscd.msk.f32 $0xffff, v15, v7;
	v17 =	vsel vm1, v6, v42  }
0x476: {  	v13 =	vsel vm2, v2, v43;
	vm1 =	veq.f32 v45, $0.0e+00;
	(xrf1) =	vsort.dscd.msk.f32 $0xffff, v17, v7  }
0x477: {  	v55 =	vld [tilespmem:s18+$0xA0];
	vm2 =	veq.f32 v47, $0.0e+00;
	v12 =	vsel vm1, v4, v45;
	(xrf1) =	vsort.dscd.msk.f32 $0xffff, v13, v3  }
0x478: {  	vm1 =	veq.f32 v49, $0.0e+00;
	v18 =	vsel vm2, v6, v47;
	(xrf1) =	vsort.dscd.msk.f32 $0xffff, v12, v5  }
0x479: {  	v52 =	vld [tilespmem:s17+$0x100];
	v54, v53, _ =	vpop (xrf1);
	vm2 =	veq.f32 v50, $0.0e+00;
	v16 =	vsel vm1, v0, v49;
	(xrf1) =	vsort.dscd.msk.f32 $0xffff, v18, v7  }
0x47a: {  	v58, v57, _ =	vpop (xrf1);
	vm1 =	veq.f32 v51, $0.0e+00;
	v14 =	vsel vm2, v2, v50;
	(xrf1) =	vsort.dscd.msk.f32 $0xffff, v16, v1  }
0x47b: {  	v62, v61, _ =	vpop (xrf1);
	v15 =	vsel vm1, v4, v51;
	(xrf1) =	vsort.dscd.msk.f32 $0xffff, v14, v3  }
0x47c: {  	v59 =	vld [tilespmem:s18+$0x80];
	vm15 =	veq.f32 v55, $0.0e+00;
	v13 =	vperm.xlane v54, v8;
	v25, v24, _ =	vpop (xrf1);
	(xrf1) =	vsort.dscd.msk.f32 $0xffff, v15, v5  }
0x47d: {  	v20 =	vsel vm15, v4, v55;
	v56 =	vperm.xlane v53, v8;
	v60 =	vperm.xlane v58, v8;
	v27, v28, _ =	vpop (xrf1)  }
0x47e: {  	v63 =	vperm.xlane v57, v8;
	vm2 =	veq.f32 v52, $0.0e+00;
	vm1 =	vge.f32 v62, v13;
	v16, v19, _ =	vpop (xrf1)  }
0x47f: {  	v26 =	vsel vm2, v0, v52;
	vm3 =	vge.f32 v25, v60;
	v19 =	vperm.xlane v19, v8  }
0x480: {  	v13 =	vsel vm1, v62, v13;
	v29 =	vsel vm3, v25, v60;
	(xrf1) =	vsort.dscd.msk.f32 $0xffff, v26, v1;
	v31, v32, _ =	vpop (xrf1)  }
0x481: {  	vm2 =	veq.f32 v59, $0.0e+00;
	v14 =	vsel vm3, v24, v63;
	v30 =	vperm.xlane v16, v8;
	(xrf1) =	vsort.dscd.msk.f32 $0xffff, v20, v5;
	v34, v35, _ =	vpop (xrf1)  }
0x482: {  	v33 =	vsel vm2, v0, v59;
	v15 =	vperm.xlane v31, v8;
	(xrf1) =	vsort.dscd.msk.f32 $0xffff, v29, v14;
	v37, v36, _ =	vpop (xrf1)  }
0x483: {  	v12 =	vsel vm1, v61, v56;
	vm1 =	vge.f32 v27, v30;
	(xrf1) =	vsort.dscd.msk.f32 $0xffff, v33, v1;
	v39, v40, _ =	vpop (xrf1)  }
0x484: {  	v16 =	vperm.xlane v32, v8;
	vm2 =	vge.f32 v34, v15;
	v41 =	vsel vm1, v28, v19;
	v18, v19, _ =	vpop (xrf1)  }
0x485: {  	v38 =	vsel vm1, v27, v30;
	v15 =	vsel vm2, v34, v15;
	(xrf1) =	vsort.dscd.msk.f32 $0xffff, v13, v12;
	v45, v44, _ =	vpop (xrf1)  }
0x486: {  	v16 =	vsel vm2, v35, v16;
	(xrf1) =	vsort.dscd.msk.f32 $0xffff, v38, v41;
	v43 =	vperm.xlane v18, v8;
	v49, v48, _ =	vpop (xrf1)  }
0x487: {  	(xrf1) =	vsort.dscd.msk.f32 $0xffff, v15, v16;
	v50, v51, _ =	vpop (xrf1)  }
0x488: {  	v47 =	vperm.xlane v19, v8;
	v18 =	vperm.xlane v45, v8;
	vm1 =	vge.f32 v49, v43;
	v52, v53, _ =	vpop (xrf1)  }
0x489: {  	v21 =	vperm.xlane v44, v8;
	v17 =	vsel vm1, v49, v43;
	v22 =	vperm.xlane v50, v8;
	v55, v54, _ =	vpop (xrf1)  }
0x48a: {  	v16 =	vsel vm1, v48, v47;
	v56 =	vperm.xlane v51, v8;
	vm1 =	vge.f32 v52, v18;
	v57, v58, _ =	vpop (xrf1)  }
0x48b: {  	v18 =	vsel vm1, v52, v18;
	v59 =	vsel vm1, v53, v21;
	vm1 =	vge.f32 v57, v22  }
0x48c: {  	(xrf1) =	vsort.dscd.msk.f32 $0xffff, v17, v16;
	v17 =	vsel vm1, v57, v22  }
0x48d: {  	v16 =	vsel vm1, v58, v56  }
0x48e: {  	v42 =	vperm.xlane v36, v8;
	v60 =	vperm.xlane v55, v8;
	v62, v21, _ =	vpop (xrf1)  }
0x48f: {  	v46 =	vperm.xlane v37, v8;
	v13 =	vperm.xlane v39, v8;
	(xrf1) =	vsort.dscd.msk.f32 $0xffff, v18, v59;
	v63, v24, _ =	vpop (xrf1)  }
0x490: {  	v61 =	vperm.xlane v54, v8;
	vm1 =	vge.f32 v62, v60;
	(xrf1) =	vsort.dscd.msk.f32 $0xffff, v17, v16;
	v16, v17, _ =	vpop (xrf1)  }
0x491: {  	v14 =	vperm.xlane v40, v8;
	vm2 =	vge.f32 v63, v13;
	v19 =	vsel vm1, v62, v60;
	v25, v26, _ =	vpop (xrf1)  }
0x492: {  	v18 =	vsel vm1, v21, v61;
	v13 =	vsel vm2, v63, v13;
	vm1 =	vge.f32 v25, v46  }
0x493: {  	v12 =	vsel vm1, v26, v42  }
0x494: {  	v14 =	vsel vm2, v24, v14;
	(xrf1) =	vsort.dscd.msk.f32 $0xffff, v19, v18  }
0x495: {  	(xrf1) =	vsort.dscd.msk.f32 $0xffff, v13, v14;
	v27 =	vsel vm1, v25, v46  }
0x496: {  	(xrf1) =	vsort.dscd.msk.f32 $0xffff, v27, v12;
	v12, v13, _ =	vpop (xrf1)  }
0x497: {  	v29, v30, _ =	vpop (xrf1)  }
0x498: {  	v28 =	vperm.xlane v16, v8;
	v18, v19, _ =	vpop (xrf1)  }
0x499: {  	v17 =	vperm.xlane v17, v8;
	v18 =	vperm.xlane v18, v8  }
0x49a: {  	vm1 =	vge.f32 v12, v28;
	v31 =	vperm.xlane v19, v8  }
0x49b: {  	v12 =	vsel vm1, v12, v28;
	v13 =	vsel vm1, v13, v17;
	vm1 =	vge.f32 v29, v18  }
0x49c: {  	(xrf1) =	vsort.dscd.msk.f32 $0xffff, v12, v13;
	v14 =	vsel vm1, v30, v31  }
0x49d: {  	v32, v33, _ =	vpop (xrf1)  }
0x49e: {  	v34 =	vperm.xlane v32, v8  }
0x49f: {  	v36 =	vperm.xlane v33, v8;
	v38, v37, _ =	vpop (xrf1);
	v35 =	vsel vm1, v29, v18  }
0x4a0: {  	vm1 =	vge.f32 v38, v34;
	(xrf1) =	vsort.dscd.msk.f32 $0xffff, v35, v14;
	v13, v14, _ =	vpop (xrf1)  }
0x4a1: {  	v12 =	vsel vm1, v38, v34;
	v15 =	vsel vm1, v37, v36;
	v13 =	vperm.xlane v13, v8  }
0x4a2: {  	(xrf1) =	vsort.dscd.msk.f32 $0xffff, v12, v15;
	v39 =	vperm.xlane v14, v8;
	v41, v40, _ =	vpop (xrf1)  }
0x4a3: {  	v42, v43, _ =	vpop (xrf1);
	vm1 =	vge.f32 v41, v13  }
0x4a4: {  	v16 =	vperm.xlane v42, v8;
	v13 =	vsel vm1, v41, v13;
	v12 =	vsel vm1, v40, v39  }
0x4a5: {  	v44 =	vperm.xlane v43, v8;
	v45, v46, _ =	vpop (xrf1);
	(xrf1) =	vsort.dscd.msk.f32 $0xffff, v13, v12  }
0x4a6: {  	vm1 =	vge.f32 v45, v16  }
0x4a7: {  	v47 =	vsel vm1, v45, v16;
	v48 =	vsel vm1, v46, v44  }
0x4a8: {  	(xrf1) =	vsort.dscd.msk.f32 $0xffff, v47, v48;
	_ =	sdelay $0x1  }
0x4a9: {  	v50, v49, _ =	vpop (xrf1)  }
0x4aa: {  	v51 =	vmax.f32 v50, $0.0e+00  }
0x4ab: {  	v12 =	vnsel vm0, $0x0, v51;
	_ =	sdelay $0x2  }
0x4ac: {  	(xrf2) =	vadd.scan.msk.f32 $0xffff, v12;
	v53, v52, _ =	vpop (xrf1)  }
0x4ad: {  	v54 =	vmax.f32 v53, $0.0e+00;
	v55, v12, _ =	vpop (xrf1)  }
0x4ae: {  	v56 =	vnsel vm0, $0x0, v54;
	v13 =	vmax.f32 v55, $0.0e+00  }
0x4af: {  	(xrf2) =	vadd.scan.msk.f32 $0xffff, v56;
	v57 =	vnsel vm0, $0x0, v13  }
0x4b0: {  	(xrf2) =	vadd.scan.msk.f32 $0xffff, v57;
	v59, v58, _ =	vpop (xrf1)  }
0x4b1: {  	v18 =	vmax.f32 v59, $0.0e+00  }
0x4b2: {  	v60 =	vnsel vm0, $0x0, v18  }
0x4b3: {  	v62, v61, _ =	vpop (xrf1);
	(xrf2) =	vadd.scan.msk.f32 $0xffff, v60  }
0x4b4: {  	v63 =	vmax.f32 v62, $0.0e+00  }
0x4b5: {  	v21 =	vnsel vm0, $0x0, v63  }
0x4b6: {  	v26, _, _ =	vpop (xrf2);
	(xrf2) =	vadd.scan.msk.f32 $0xffff, v21  }
0x4b7: {  	(v2sf) =	vpush v26, $0xF;
	_ =	sdelay $0x1  }
0x4b8: {  	v27, _, _ =	vpop (xrf2)  }
0x4b9: {  	v28, _, _ =	vpop (xrf2)  }
0x4ba: {  	(v2sf) =	vpush v28, $0xF  }
0x4bb: {  	(v2sf) =	vpush v27, $0xF  }
0x4bc: {  	v29, _, _ =	vpop (xrf2)  }
0x4bd: {  	(v2sf) =	vpush v29, $0xF;
	_ =	sdelay $0x1  }
0x4be: {  	v30, _, _ =	vpop (xrf2)  }
0x4bf: {  	(v2sf) =	vpush v30, $0xF;
	_ =	sdelay $0x4  }
0x4c0: {  	s23 =	spop (v2sf)  }
0x4c1: {  	s3 =	sadd.f32 $9.999999680e-21, s23;
	_ =	sdelay $0x1  }
0x4c2: {  	v31 =	vmov s3  }
0x4c3: {  	(erf) = vrcp.f32 v31;
	s24 =	spop (v2sf)  }
0x4c4: {  	s26 =	sadd.f32 $9.999999680e-21, s24;
	s28 =	spop (v2sf)  }
0x4c5: {  	s4 =	sadd.f32 $9.999999680e-21, s28  }
0x4c6: {  	v32 =	vmov s26;
	s29 =	spop (v2sf)  }
0x4c7: {  	v33 =	vmov s4;
	(erf) = vrcp.f32 v32;
	s3 =	sadd.f32 $9.999999680e-21, s29  }
0x4c8: {  	(erf) = vrcp.f32 v33  }
0x4c9: {  	s4 =	spop (v2sf);
	v34 =	vmov s3  }
0x4ca: {  	s3 =	sadd.f32 $9.999999680e-21, s4;
	(erf) = vrcp.f32 v34;
	_ =	sdelay $0x1  }
0x4cb: {  	v36 =	vpop (erf);
	v35 =	vmov s3  }
0x4cc: {  	v15 =	vmul.f32 v36, v51;
	(erf) = vrcp.f32 v35  }
0x4cd: {  	[tilespmem:s1+$0xFFFFFFF8] =	vst.msk $0xff, v49  }
0x4ce: {  	[tilespmem:s8+$0xFFFFFFF8] =	vst.msk $0xff, v15  }
0x4cf: {  	v15 =	vld [tilespmem:s30+$0x0];
	v14 =	vpop (erf)  }
0x4d0: {  	v38 =	vld [tilespmem:s30+$0x10];
	v37 =	vpop (erf)  }
0x4d1: {  	v39 =	vld [tilespmem:s30+$0x30];
	v17 =	vmul.f32 v37, v54  }
0x4d2: {  	[tilespmem:s0+$0x0] =	vst.msk $0xff, v52;
	v41 =	vld [tilespmem:s30+$0x20];
	v40 =	vpop (erf)  }
0x4d3: {  	[tilespmem:s31+$0x0] =	vst.msk $0xff, v17;
	v16 =	vmul.f32 v40, v18  }
0x4d4: {  	[tilespmem:s15+$0x10] =	vst.msk $0xff, v58;
	vm1 =	veq.f32 v15, $0.0e+00;
	v17 =	vld [tilespmem:s25+$0x90]  }
0x4d5: {  	v15 =	vsel vm1, v0, v15;
	vm1 =	veq.f32 v38, $0.0e+00;
	v42 =	vld [tilespmem:s25+$0xB0];
	v43 =	vpop (erf);
	[tilespmem:s16+$0x10] =	vst.msk $0xff, v16  }
0x4d6: {  	v46 =	vsel vm1, v2, v38;
	vm1 =	veq.f32 v39, $0.0e+00;
	(xrf1) =	vsort.dscd.msk.f32 $0xffff, v15, v1;
	v44 =	vmul.f32 v43, v63;
	v45 =	vld [tilespmem:s17+$0x1B0]  }
0x4d7: {  	[tilespmem:s20+$0x8] =	vst.msk $0xff, v61;
	vm2 =	veq.f32 v41, $0.0e+00;
	v21 =	vsel vm1, v6, v39;
	(xrf1) =	vsort.dscd.msk.f32 $0xffff, v46, v3;
	v47 =	vld [tilespmem:s17+$0x190]  }
0x4d8: {  	v49 =	vsel vm2, v4, v41;
	(xrf1) =	vsort.dscd.msk.f32 $0xffff, v21, v7;
	v48 =	vld [tilespmem:s17+$0x1A0];
	[tilespmem:s21+$0x8] =	vst.msk $0xff, v44  }
0x4d9: {  	(xrf1) =	vsort.dscd.msk.f32 $0xffff, v49, v5;
	vm1 =	veq.f32 v17, $0.0e+00;
	v50 =	vld [tilespmem:s18+$0x130]  }
0x4da: {  	v51 =	vld [tilespmem:s17+$0x180];
	v17 =	vsel vm1, v2, v17;
	vm1 =	veq.f32 v42, $0.0e+00  }
0x4db: {  	v18 =	vsel vm1, v6, v42;
	(xrf1) =	vsort.dscd.msk.f32 $0xffff, v17, v3;
	vm1 =	veq.f32 v45, $0.0e+00  }
0x4dc: {  	v52 =	vld [tilespmem:s18+$0x110];
	(xrf1) =	vsort.dscd.msk.f32 $0xffff, v18, v7;
	vm2 =	veq.f32 v47, $0.0e+00;
	v19 =	vsel vm1, v6, v45  }
0x4dd: {  	v53 =	vld [tilespmem:s18+$0x120];
	v15 =	vsel vm2, v2, v47;
	vm1 =	veq.f32 v48, $0.0e+00;
	(xrf1) =	vsort.dscd.msk.f32 $0xffff, v19, v7  }
0x4de: {  	v54 =	vld [tilespmem:s18+$0x100];
	vm2 =	veq.f32 v50, $0.0e+00;
	v16 =	vsel vm1, v4, v48;
	(xrf1) =	vsort.dscd.msk.f32 $0xffff, v15, v3  }
0x4df: {  	v55 =	vld [tilespmem:s25+$0xA0];
	vm1 =	veq.f32 v51, $0.0e+00;
	v21 =	vsel vm2, v6, v50;
	(xrf1) =	vsort.dscd.msk.f32 $0xffff, v16, v5  }
0x4e0: {  	v57 =	vld [tilespmem:s25+$0x80];
	v56 =	vsel vm1, v0, v51;
	(xrf1) =	vsort.dscd.msk.f32 $0xffff, v21, v7  }
0x4e1: {  	vm2 =	veq.f32 v52, $0.0e+00;
	(xrf1) =	vsort.dscd.msk.f32 $0xffff, v56, v1  }
0x4e2: {  	vm1 =	veq.f32 v53, $0.0e+00;
	v17 =	vsel vm2, v2, v52  }
0x4e3: {  	v58 =	vsel vm1, v4, v53;
	vm1 =	veq.f32 v54, $0.0e+00;
	(xrf1) =	vsort.dscd.msk.f32 $0xffff, v17, v3  }
0x4e4: {  	vm2 =	veq.f32 v55, $0.0e+00;
	v61, v60, _ =	vpop (xrf1);
	v59 =	vsel vm1, v0, v54;
	(xrf1) =	vsort.dscd.msk.f32 $0xffff, v58, v5  }
0x4e5: {  	v15 =	vsel vm2, v4, v55;
	v62, v19, _ =	vpop (xrf1);
	vm1 =	veq.f32 v57, $0.0e+00;
	(xrf1) =	vsort.dscd.msk.f32 $0xffff, v59, v1  }
0x4e6: {  	v27, v26, _ =	vpop (xrf1);
	v20 =	vsel vm1, v0, v57;
	(xrf1) =	vsort.dscd.msk.f32 $0xffff, v15, v5  }
0x4e7: {  	v29, v28, _ =	vpop (xrf1);
	(xrf1) =	vsort.dscd.msk.f32 $0xffff, v20, v1  }
0x4e8: {  	v63 =	vperm.xlane v62, v8;
	v16 =	vperm.xlane v27, v8  }
0x4e9: {  	v19 =	vperm.xlane v19, v8;
	v32, v31, _ =	vpop (xrf1)  }
0x4ea: {  	v30 =	vperm.xlane v26, v8;
	vm1 =	vge.f32 v61, v63;
	vm2 =	vge.f32 v29, v16;
	v34, v33, _ =	vpop (xrf1)  }
0x4eb: {  	v18 =	vsel vm1, v60, v19;
	v15 =	vsel vm1, v61, v63;
	v16 =	vsel vm2, v29, v16;
	v37, v36, _ =	vpop (xrf1)  }
0x4ec: {  	v35 =	vsel vm2, v28, v30;
	(xrf1) =	vsort.dscd.msk.f32 $0xffff, v15, v18;
	v39 =	vperm.xlane v37, v8;
	v41, v40, _ =	vpop (xrf1)  }
0x4ed: {  	(xrf1) =	vsort.dscd.msk.f32 $0xffff, v16, v35;
	v43 =	vperm.xlane v36, v8;
	v44, v45, _ =	vpop (xrf1)  }
0x4ee: {  	v20 =	vperm.xlane v41, v8;
	v23 =	vperm.xlane v40, v8;
	v47, v46, _ =	vpop (xrf1);
	vm1 =	vge.f32 v44, v39  }
0x4ef: {  	v18 =	vsel vm1, v44, v39;
	v19 =	vsel vm1, v45, v43;
	v48, v49, _ =	vpop (xrf1)  }
0x4f0: {  	vm1 =	vge.f32 v48, v20;
	(xrf1) =	vsort.dscd.msk.f32 $0xffff, v18, v19  }
0x4f1: {  	v24 =	vperm.xlane v47, v8;
	v50, v51, _ =	vpop (xrf1);
	v20 =	vsel vm1, v48, v20;
	v55 =	vsel vm1, v49, v23  }
0x4f2: {  	v38 =	vperm.xlane v31, v8;
	v52 =	vperm.xlane v46, v8;
	v53, v54, _ =	vpop (xrf1);
	(xrf1) =	vsort.dscd.msk.f32 $0xffff, v20, v55  }
0x4f3: {  	v42 =	vperm.xlane v32, v8;
	v56 =	vperm.xlane v50, v8;
	vm1 =	vge.f32 v53, v24;
	v58, v23, _ =	vpop (xrf1)  }
0x4f4: {  	v57 =	vperm.xlane v51, v8;
	v19 =	vsel vm1, v53, v24;
	v18 =	vsel vm1, v54, v52;
	v61, v60, _ =	vpop (xrf1)  }
0x4f5: {  	v17 =	vperm.xlane v34, v8;
	vm1 =	vge.f32 v58, v56;
	(xrf1) =	vsort.dscd.msk.f32 $0xffff, v19, v18;
	v21, v22, _ =	vpop (xrf1)  }
0x4f6: {  	v62 =	vsel vm1, v58, v56;
	v63 =	vsel vm1, v23, v57;
	vm1 =	vge.f32 v21, v42  }
0x4f7: {  	v59 =	vperm.xlane v33, v8;
	v16 =	vsel vm1, v21, v42  }
0x4f8: {  	vm2 =	vge.f32 v61, v17;
	(xrf1) =	vsort.dscd.msk.f32 $0xffff, v62, v63;
	v15 =	vsel vm1, v22, v38  }
0x4f9: {  	v17 =	vsel vm2, v61, v17;
	v25 =	vsel vm2, v60, v59  }
0x4fa: {  	(xrf1) =	vsort.dscd.msk.f32 $0xffff, v17, v25  }
0x4fb: {  	(xrf1) =	vsort.dscd.msk.f32 $0xffff, v16, v15;
	v15, v16, _ =	vpop (xrf1)  }
0x4fc: {  	v27, v26, _ =	vpop (xrf1)  }
0x4fd: {  	v17 =	vperm.xlane v27, v8  }
0x4fe: {  	v18 =	vperm.xlane v26, v8;
	v28, v29, _ =	vpop (xrf1)  }
0x4ff: {  	vm1 =	vge.f32 v15, v17;
	v19 =	vperm.xlane v28, v8  }
0x500: {  	v16 =	vsel vm1, v16, v18;
	v31, v32, _ =	vpop (xrf1)  }
0x501: {  	v15 =	vsel vm1, v15, v17;
	v30 =	vperm.xlane v29, v8;
	vm1 =	vge.f32 v31, v19  }
0x502: {  	v18 =	vsel vm1, v31, v19  }
0x503: {  	v17 =	vsel vm1, v32, v30  }
0x504: {  	(xrf1) =	vsort.dscd.msk.f32 $0xffff, v15, v16;
	v15, v16, _ =	vpop (xrf1)  }
0x505: {  	v15 =	vperm.xlane v15, v8  }
0x506: {  	(xrf1) =	vsort.dscd.msk.f32 $0xffff, v18, v17;
	v16 =	vperm.xlane v16, v8;
	v17, v18, _ =	vpop (xrf1)  }
0x507: {  	vm1 =	vge.f32 v17, v15  }
0x508: {  	v15 =	vsel vm1, v17, v15;
	v16 =	vsel vm1, v18, v16  }
0x509: {  	v33, v34, _ =	vpop (xrf1);
	(xrf1) =	vsort.dscd.msk.f32 $0xffff, v15, v16;
	_ =	sdelay $0x1  }
0x50a: {  	v19 =	vperm.xlane v33, v8  }
0x50b: {  	v35 =	vperm.xlane v34, v8;
	v36, v37, _ =	vpop (xrf1)  }
0x50c: {  	vm1 =	vge.f32 v36, v19  }
0x50d: {  	v38 =	vsel vm1, v36, v19;
	v39 =	vsel vm1, v37, v35  }
0x50e: {  	(xrf1) =	vsort.dscd.msk.f32 $0xffff, v38, v39;
	_ =	sdelay $0x3  }
0x50f: {  	v40, v18, _ =	vpop (xrf1)  }
0x510: {  	v41 =	vmax.f32 v40, $0.0e+00;
	v42, v15, _ =	vpop (xrf1)  }
0x511: {  	v43 =	vnsel vm0, $0x0, v41;
	v16 =	vmax.f32 v42, $0.0e+00  }
0x512: {  	(xrf2) =	vadd.scan.msk.f32 $0xffff, v43;
	v44 =	vnsel vm0, $0x0, v16  }
0x513: {  	(xrf2) =	vadd.scan.msk.f32 $0xffff, v44;
	v46, v45, _ =	vpop (xrf1)  }
0x514: {  	v47 =	vmax.f32 v46, $0.0e+00  }
0x515: {  	v17 =	vnsel vm0, $0x0, v47  }
0x516: {  	(xrf2) =	vadd.scan.msk.f32 $0xffff, v17;
	_ =	sdelay $0x2  }
0x517: {  	v49, v48, _ =	vpop (xrf1)  }
0x518: {  	v22 =	vmax.f32 v49, $0.0e+00  }
0x519: {  	v50 =	vnsel vm0, $0x0, v22  }
0x51a: {  	v51, _, _ =	vpop (xrf2);
	(xrf2) =	vadd.scan.msk.f32 $0xffff, v50  }
0x51b: {  	v52, _, _ =	vpop (xrf2)  }
0x51c: {  	(v2sf) =	vpush v52, $0xF  }
0x51d: {  	(v2sf) =	vpush v51, $0xF  }
0x51e: {  	v53, _, _ =	vpop (xrf2)  }
0x51f: {  	(v2sf) =	vpush v53, $0xF;
	_ =	sdelay $0x4  }
0x520: {  	v54, _, _ =	vpop (xrf2)  }
0x521: {  	(v2sf) =	vpush v54, $0xF;
	_ =	sdelay $0x5  }
0x522: {  	s5 =	spop (v2sf)  }
0x523: {  	s3 =	sadd.f32 $9.999999680e-21, s5;
	s9 =	spop (v2sf)  }
0x524: {  	s4 =	sadd.f32 $9.999999680e-21, s9  }
0x525: {  	v55 =	vmov s3;
	s17 =	spop (v2sf)  }
0x526: {  	v56 =	vmov s4;
	(erf) = vrcp.f32 v55;
	s3 =	sadd.f32 $9.999999680e-21, s17  }
0x527: {  	(erf) = vrcp.f32 v56  }
0x528: {  	v57 =	vmov s3  }
0x529: {  	(erf) = vrcp.f32 v57;
	_ =	sdelay $0x1  }
0x52a: {  	s19 =	spop (v2sf)  }
0x52b: {  	s3 =	sadd.f32 $9.999999680e-21, s19;
	_ =	sdelay $0x1  }
0x52c: {  	v58 =	vmov s3  }
0x52d: {  	(erf) = vrcp.f32 v58;
	v17 =	vpop (erf)  }
0x52e: {  	v24 =	vpop (erf)  }
0x52f: {  	v19 =	vmul.f32 v24, v41  }
0x530: {  	[tilespmem:s1+$0x0] =	vst.msk $0xff, v18;
	v59 =	vpop (erf)  }
0x531: {  	[tilespmem:s8+$0x0] =	vst.msk $0xff, v19;
	v18 =	vmul.f32 v59, v47  }
0x532: {  	[tilespmem:s20+$0x10] =	vst.msk $0xff, v45;
	v19 =	vld [tilespmem:s30+$0x90]  }
0x533: {  	v60 =	vld [tilespmem:s30+$0xB0];
	[tilespmem:s21+$0x10] =	vst.msk $0xff, v18  }
0x534: {  	v63 =	vld [tilespmem:s18+$0x1B0]  }
0x535: {  	v28 =	vld [tilespmem:s18+$0x190]  }
0x536: {  	v61 =	vpop (erf);
	v29 =	vld [tilespmem:s18+$0x1A0]  }
0x537: {  	v62 =	vmul.f32 v61, v22;
	vm1 =	veq.f32 v19, $0.0e+00  }
0x538: {  	[tilespmem:s0+$0x8] =	vst.msk $0xff, v48;
	v19 =	vsel vm1, v2, v19;
	vm1 =	veq.f32 v60, $0.0e+00  }
0x539: {  	[tilespmem:s31+$0x8] =	vst.msk $0xff, v62;
	v20 =	vsel vm1, v6, v60;
	(xrf1) =	vsort.dscd.msk.f32 $0xffff, v19, v3;
	vm1 =	veq.f32 v63, $0.0e+00  }
0x53a: {  	v23 =	vld [tilespmem:s25+$0x130];
	(xrf1) =	vsort.dscd.msk.f32 $0xffff, v20, v7;
	vm2 =	veq.f32 v28, $0.0e+00;
	v21 =	vsel vm1, v6, v63  }
0x53b: {  	v30 =	vld [tilespmem:s18+$0x180];
	v22 =	vsel vm2, v2, v28;
	vm1 =	veq.f32 v29, $0.0e+00;
	(xrf1) =	vsort.dscd.msk.f32 $0xffff, v21, v7  }
0x53c: {  	v31 =	vld [tilespmem:s25+$0x110];
	v18 =	vsel vm1, v4, v29;
	(xrf1) =	vsort.dscd.msk.f32 $0xffff, v22, v3  }
0x53d: {  	v32 =	vld [tilespmem:s25+$0x120];
	(xrf1) =	vsort.dscd.msk.f32 $0xffff, v18, v5;
	_ =	sdelay $0x1  }
0x53e: {  	v33 =	vld [tilespmem:s25+$0x100];
	vm2 =	veq.f32 v23, $0.0e+00  }
0x53f: {  	vm1 =	veq.f32 v30, $0.0e+00;
	v23 =	vsel vm2, v6, v23  }
0x540: {  	v35 =	vsel vm1, v0, v30;
	vm2 =	veq.f32 v31, $0.0e+00;
	(xrf1) =	vsort.dscd.msk.f32 $0xffff, v23, v7  }
0x541: {  	v34 =	vld [tilespmem:s30+$0xA0];
	vm1 =	veq.f32 v32, $0.0e+00;
	v19 =	vsel vm2, v2, v31;
	(xrf1) =	vsort.dscd.msk.f32 $0xffff, v35, v1  }
0x542: {  	v37 =	vsel vm1, v4, v32;
	(xrf1) =	vsort.dscd.msk.f32 $0xffff, v19, v3  }
0x543: {  	vm1 =	veq.f32 v33, $0.0e+00;
	(xrf1) =	vsort.dscd.msk.f32 $0xffff, v37, v5  }
0x544: {  	v36 =	vld [tilespmem:s30+$0x80];
	v38 =	vsel vm1, v0, v33  }
0x545: {  	(xrf1) =	vsort.dscd.msk.f32 $0xffff, v38, v1  }
0x546: {  	vm2 =	veq.f32 v34, $0.0e+00;
	v42, v41, _ =	vpop (xrf1)  }
0x547: {  	v39 =	vsel vm2, v4, v34;
	v43, v44, _ =	vpop (xrf1)  }
0x548: {  	(xrf1) =	vsort.dscd.msk.f32 $0xffff, v39, v5;
	v45, v46, _ =	vpop (xrf1)  }
0x549: {  	vm1 =	veq.f32 v36, $0.0e+00;
	v22 =	vperm.xlane v45, v8;
	v48, v47, _ =	vpop (xrf1)  }
0x54a: {  	v40 =	vsel vm1, v0, v36;
	v23 =	vperm.xlane v46, v8;
	v50, v49, _ =	vpop (xrf1)  }
0x54b: {  	(xrf1) =	vsort.dscd.msk.f32 $0xffff, v40, v1;
	vm1 =	vge.f32 v50, v22  }
0x54c: {  	v23 =	vsel vm1, v49, v23  }
0x54d: {  	v22 =	vsel vm1, v50, v22  }
0x54e: {  	v24 =	vperm.xlane v48, v8;
	v52, v51, _ =	vpop (xrf1)  }
0x54f: {  	v25 =	vperm.xlane v47, v8;
	v53, v54, _ =	vpop (xrf1)  }
0x550: {  	v28 =	vperm.xlane v52, v8;
	(xrf1) =	vsort.dscd.msk.f32 $0xffff, v22, v23;
	vm1 =	vge.f32 v53, v24;
	v22, v23, _ =	vpop (xrf1)  }
0x551: {  	v29 =	vperm.xlane v51, v8;
	v24 =	vsel vm1, v53, v24;
	v25 =	vsel vm1, v54, v25;
	v55, v56, _ =	vpop (xrf1)  }
0x552: {  	(xrf1) =	vsort.dscd.msk.f32 $0xffff, v24, v25;
	v22 =	vperm.xlane v22, v8;
	vm1 =	vge.f32 v55, v28  }
0x553: {  	v23 =	vperm.xlane v23, v8;
	v59, v60, _ =	vpop (xrf1);
	v57 =	vsel vm1, v55, v28;
	v58 =	vsel vm1, v56, v29  }
0x554: {  	vm1 =	vge.f32 v59, v22;
	(xrf1) =	vsort.dscd.msk.f32 $0xffff, v57, v58  }
0x555: {  	v20 =	vperm.xlane v43, v8;
	v22 =	vsel vm1, v59, v22;
	v23 =	vsel vm1, v60, v23  }
0x556: {  	v21 =	vperm.xlane v44, v8;
	v61, v62, _ =	vpop (xrf1);
	(xrf1) =	vsort.dscd.msk.f32 $0xffff, v22, v23  }
0x557: {  	vm2 =	vge.f32 v61, v20  }
0x558: {  	v18 =	vperm.xlane v42, v8;
	v20 =	vsel vm2, v61, v20;
	v21 =	vsel vm2, v62, v21  }
0x559: {  	v19 =	vperm.xlane v41, v8;
	v24, v25, _ =	vpop (xrf1);
	(xrf1) =	vsort.dscd.msk.f32 $0xffff, v20, v21  }
0x55a: {  	vm1 =	vge.f32 v24, v18  }
0x55b: {  	v18 =	vsel vm1, v24, v18;
	v19 =	vsel vm1, v25, v19  }
0x55c: {  	(xrf1) =	vsort.dscd.msk.f32 $0xffff, v18, v19;
	_ =	sdelay $0x2  }
0x55d: {  	v18, v19, _ =	vpop (xrf1)  }
0x55e: {  	v18 =	vperm.xlane v18, v8  }
0x55f: {  	v19 =	vperm.xlane v19, v8;
	v20, v21, _ =	vpop (xrf1)  }
0x560: {  	vm1 =	vge.f32 v20, v18;
	v22, v23, _ =	vpop (xrf1)  }
0x561: {  	v19 =	vsel vm1, v21, v19;
	v22 =	vperm.xlane v22, v8  }
0x562: {  	v18 =	vsel vm1, v20, v18;
	v63 =	vperm.xlane v23, v8;
	v24, v25, _ =	vpop (xrf1)  }
0x563: {  	vm1 =	vge.f32 v24, v22  }
0x564: {  	(xrf1) =	vsort.dscd.msk.f32 $0xffff, v18, v19;
	v21 =	vsel vm1, v24, v22;
	v20 =	vsel vm1, v25, v63  }
0x565: {  	v18, v19, _ =	vpop (xrf1);
	(xrf1) =	vsort.dscd.msk.f32 $0xffff, v21, v20;
	_ =	sdelay $0x1  }
0x566: {  	v18 =	vperm.xlane v18, v8  }
0x567: {  	v19 =	vperm.xlane v19, v8;
	v26, v27, _ =	vpop (xrf1)  }
0x568: {  	vm1 =	vge.f32 v26, v18  }
0x569: {  	v18 =	vsel vm1, v26, v18;
	v19 =	vsel vm1, v27, v19  }
0x56a: {  	(xrf1) =	vsort.dscd.msk.f32 $0xffff, v18, v19;
	_ =	sdelay $0x6  }
0x56b: {  	v19, v18, _ =	vpop (xrf1)  }
0x56c: {  	v19 =	vmax.f32 v19, $0.0e+00;
	v20, v21, _ =	vpop (xrf1)  }
0x56d: {  	v28 =	vnsel vm0, $0x0, v19;
	v29 =	vmax.f32 v20, $0.0e+00  }
0x56e: {  	(xrf2) =	vadd.scan.msk.f32 $0xffff, v28;
	v20 =	vnsel vm0, $0x0, v29  }
0x56f: {  	(xrf2) =	vadd.scan.msk.f32 $0xffff, v20;
	_ =	sdelay $0x2  }
0x570: {  	v31, v30, _ =	vpop (xrf1)  }
0x571: {  	v22 =	vmax.f32 v31, $0.0e+00  }
0x572: {  	v32 =	vnsel vm0, $0x0, v22  }
0x573: {  	(xrf2) =	vadd.scan.msk.f32 $0xffff, v32;
	_ =	sdelay $0x2  }
0x574: {  	v33, _, _ =	vpop (xrf2)  }
0x575: {  	(v2sf) =	vpush v33, $0xF;
	v34, _, _ =	vpop (xrf2)  }
0x576: {  	(v2sf) =	vpush v34, $0xF;
	_ =	sdelay $0x4  }
0x577: {  	v35, _, _ =	vpop (xrf2)  }
0x578: {  	(v2sf) =	vpush v35, $0xF;
	_ =	sdelay $0x7  }
0x579: {  	s22 =	spop (v2sf)  }
0x57a: {  	s3 =	sadd.f32 $9.999999680e-21, s22;
	s23 =	spop (v2sf)  }
0x57b: {  	s4 =	sadd.f32 $9.999999680e-21, s23  }
0x57c: {  	v36 =	vmov s3  }
0x57d: {  	(erf) = vrcp.f32 v36;
	v37 =	vmov s4  }
0x57e: {  	(erf) = vrcp.f32 v37;
	_ =	sdelay $0x1  }
0x57f: {  	s24 =	spop (v2sf)  }
0x580: {  	s3 =	sadd.f32 $9.999999680e-21, s24;
	_ =	sdelay $0x1  }
0x581: {  	v38 =	vmov s3  }
0x582: {  	(erf) = vrcp.f32 v38;
	_ =	sdelay $0x1  }
0x583: {  	v20 =	vpop (erf)  }
0x584: {  	v39 =	vpop (erf)  }
0x585: {  	v23 =	vmul.f32 v39, v29  }
0x586: {  	[tilespmem:s0+$0x10] =	vst.msk $0xff, v21  }
0x587: {  	[tilespmem:s31+$0x10] =	vst.msk $0xff, v23  }
0x588: {  	v41 =	vld [tilespmem:s25+$0x1B0]  }
0x589: {  	v23 =	vld [tilespmem:s25+$0x190]  }
0x58a: {  	v40 =	vpop (erf);
	v42 =	vld [tilespmem:s25+$0x1A0]  }
0x58b: {  	v21 =	vmul.f32 v40, v22  }
0x58c: {  	[tilespmem:s1+$0x8] =	vst.msk $0xff, v30  }
0x58d: {  	[tilespmem:s8+$0x8] =	vst.msk $0xff, v21;
	vm1 =	veq.f32 v41, $0.0e+00  }
0x58e: {  	v24 =	vld [tilespmem:s30+$0x130];
	vm2 =	veq.f32 v23, $0.0e+00;
	v22 =	vsel vm1, v6, v41  }
0x58f: {  	v43 =	vld [tilespmem:s25+$0x180];
	v23 =	vsel vm2, v2, v23;
	vm1 =	veq.f32 v42, $0.0e+00;
	(xrf1) =	vsort.dscd.msk.f32 $0xffff, v22, v7  }
0x590: {  	v44 =	vld [tilespmem:s30+$0x110];
	v21 =	vsel vm1, v4, v42;
	(xrf1) =	vsort.dscd.msk.f32 $0xffff, v23, v3  }
0x591: {  	v45 =	vld [tilespmem:s30+$0x120];
	(xrf1) =	vsort.dscd.msk.f32 $0xffff, v21, v5;
	_ =	sdelay $0x1  }
0x592: {  	v46 =	vld [tilespmem:s30+$0x100];
	vm2 =	veq.f32 v24, $0.0e+00  }
0x593: {  	vm1 =	veq.f32 v43, $0.0e+00;
	v47 =	vsel vm2, v6, v24  }
0x594: {  	vm2 =	veq.f32 v44, $0.0e+00;
	v48 =	vsel vm1, v0, v43;
	(xrf1) =	vsort.dscd.msk.f32 $0xffff, v47, v7  }
0x595: {  	vm1 =	veq.f32 v45, $0.0e+00;
	v49 =	vsel vm2, v2, v44;
	(xrf1) =	vsort.dscd.msk.f32 $0xffff, v48, v1  }
0x596: {  	v50 =	vsel vm1, v4, v45;
	(xrf1) =	vsort.dscd.msk.f32 $0xffff, v49, v3  }
0x597: {  	vm1 =	veq.f32 v46, $0.0e+00;
	(xrf1) =	vsort.dscd.msk.f32 $0xffff, v50, v5  }
0x598: {  	v51 =	vsel vm1, v0, v46  }
0x599: {  	(xrf1) =	vsort.dscd.msk.f32 $0xffff, v51, v1;
	_ =	sdelay $0x2  }
0x59a: {  	v52, v22, _ =	vpop (xrf1)  }
0x59b: {  	v21 =	vperm.xlane v52, v8;
	v54, v53, _ =	vpop (xrf1)  }
0x59c: {  	v22 =	vperm.xlane v22, v8;
	v55, v56, _ =	vpop (xrf1)  }
0x59d: {  	vm1 =	vge.f32 v55, v21  }
0x59e: {  	v22 =	vsel vm1, v56, v22  }
0x59f: {  	v21 =	vsel vm1, v55, v21  }
0x5a0: {  	v23 =	vperm.xlane v54, v8;
	v58, v57, _ =	vpop (xrf1)  }
0x5a1: {  	v24 =	vperm.xlane v53, v8;
	v59, v60, _ =	vpop (xrf1)  }
0x5a2: {  	v27 =	vperm.xlane v58, v8;
	(xrf1) =	vsort.dscd.msk.f32 $0xffff, v21, v22;
	vm1 =	vge.f32 v59, v23;
	v21, v22, _ =	vpop (xrf1)  }
0x5a3: {  	v28 =	vperm.xlane v57, v8;
	v23 =	vsel vm1, v59, v23;
	v24 =	vsel vm1, v60, v24;
	v62, v61, _ =	vpop (xrf1)  }
0x5a4: {  	(xrf1) =	vsort.dscd.msk.f32 $0xffff, v23, v24;
	v21 =	vperm.xlane v21, v8;
	vm1 =	vge.f32 v62, v27  }
0x5a5: {  	v22 =	vperm.xlane v22, v8;
	v31, v30, _ =	vpop (xrf1);
	v63 =	vsel vm1, v62, v27;
	v29 =	vsel vm1, v61, v28  }
0x5a6: {  	vm1 =	vge.f32 v31, v21;
	(xrf1) =	vsort.dscd.msk.f32 $0xffff, v63, v29  }
0x5a7: {  	v21 =	vsel vm1, v31, v21;
	v22 =	vsel vm1, v30, v22  }
0x5a8: {  	(xrf1) =	vsort.dscd.msk.f32 $0xffff, v21, v22;
	_ =	sdelay $0x9  }
0x5a9: {  	v21, v22, _ =	vpop (xrf1)  }
0x5aa: {  	v23, v24, _ =	vpop (xrf1)  }
0x5ab: {  	v21 =	vperm.xlane v21, v8;
	v32, v33, _ =	vpop (xrf1)  }
0x5ac: {  	v22 =	vperm.xlane v22, v8;
	v25 =	vperm.xlane v32, v8  }
0x5ad: {  	vm1 =	vge.f32 v23, v21;
	v26 =	vperm.xlane v33, v8;
	v34, v35, _ =	vpop (xrf1)  }
0x5ae: {  	v21 =	vsel vm1, v23, v21;
	v22 =	vsel vm1, v24, v22;
	vm1 =	vge.f32 v34, v25  }
0x5af: {  	(xrf1) =	vsort.dscd.msk.f32 $0xffff, v21, v22;
	v36 =	vsel vm1, v34, v25;
	v37 =	vsel vm1, v35, v26  }
0x5b0: {  	(xrf1) =	vsort.dscd.msk.f32 $0xffff, v36, v37;
	_ =	sdelay $0xc  }
0x5b1: {  	v21, v22, _ =	vpop (xrf1)  }
0x5b2: {  	v21 =	vmax.f32 v21, $0.0e+00;
	v38, v39, _ =	vpop (xrf1)  }
0x5b3: {  	v40 =	vnsel vm0, $0x0, v21;
	v23 =	vmax.f32 v38, $0.0e+00  }
0x5b4: {  	(xrf2) =	vadd.scan.msk.f32 $0xffff, v40;
	v41 =	vnsel vm0, $0x0, v23  }
0x5b5: {  	(xrf2) =	vadd.scan.msk.f32 $0xffff, v41;
	_ =	sdelay $0x8  }
0x5b6: {  	v42, _, _ =	vpop (xrf2)  }
0x5b7: {  	(v2sf) =	vpush v42, $0xF;
	v43, _, _ =	vpop (xrf2)  }
0x5b8: {  	(v2sf) =	vpush v43, $0xF;
	_ =	sdelay $0xd  }
0x5b9: {  	s25 =	spop (v2sf)  }
0x5ba: {  	s3 =	sadd.f32 $9.999999680e-21, s25;
	s26 =	spop (v2sf)  }
0x5bb: {  	s4 =	sadd.f32 $9.999999680e-21, s26  }
0x5bc: {  	v44 =	vmov s3  }
0x5bd: {  	(erf) = vrcp.f32 v44;
	v45 =	vmov s4  }
0x5be: {  	(erf) = vrcp.f32 v45;
	_ =	sdelay $0x7  }
0x5bf: {  	v25 =	vpop (erf)  }
0x5c0: {  	v26 =	vpop (erf)  }
0x5c1: {  	v23 =	vmul.f32 v26, v23  }
0x5c2: {  	[tilespmem:s1+$0x10] =	vst.msk $0xff, v39  }
0x5c3: {  	[tilespmem:s8+$0x10] =	vst.msk $0xff, v23  }
0x5c4: {  	v23 =	vld [tilespmem:s30+$0x1B0]  }
0x5c5: {  	v24 =	vld [tilespmem:s30+$0x190]  }
0x5c6: {  	v46 =	vld [tilespmem:s30+$0x1A0];
	_ =	sdelay $0x1  }
0x5c7: {  	v47 =	vld [tilespmem:s30+$0x180]  }
0x5c8: {  	vm1 =	veq.f32 v23, $0.0e+00  }
0x5c9: {  	vm2 =	veq.f32 v24, $0.0e+00;
	v23 =	vsel vm1, v6, v23  }
0x5ca: {  	v24 =	vsel vm2, v2, v24;
	vm1 =	veq.f32 v46, $0.0e+00;
	(xrf1) =	vsort.dscd.msk.f32 $0xffff, v23, v7  }
0x5cb: {  	v48 =	vsel vm1, v4, v46;
	(xrf1) =	vsort.dscd.msk.f32 $0xffff, v24, v3  }
0x5cc: {  	vm1 =	veq.f32 v47, $0.0e+00;
	(xrf1) =	vsort.dscd.msk.f32 $0xffff, v48, v5  }
0x5cd: {  	v49 =	vsel vm1, v0, v47  }
0x5ce: {  	(xrf1) =	vsort.dscd.msk.f32 $0xffff, v49, v1;
	_ =	sdelay $0x9  }
0x5cf: {  	v51, v50, _ =	vpop (xrf1)  }
0x5d0: {  	v23 =	vperm.xlane v51, v8;
	v52, v53, _ =	vpop (xrf1)  }
0x5d1: {  	v24 =	vperm.xlane v50, v8;
	v55, v54, _ =	vpop (xrf1)  }
0x5d2: {  	v26 =	vperm.xlane v52, v8;
	vm1 =	vge.f32 v55, v23  }
0x5d3: {  	v27 =	vperm.xlane v53, v8;
	v56, v57, _ =	vpop (xrf1);
	v23 =	vsel vm1, v55, v23;
	v24 =	vsel vm1, v54, v24  }
0x5d4: {  	vm1 =	vge.f32 v56, v26;
	(xrf1) =	vsort.dscd.msk.f32 $0xffff, v23, v24  }
0x5d5: {  	v58 =	vsel vm1, v56, v26;
	v59 =	vsel vm1, v57, v27  }
0x5d6: {  	(xrf1) =	vsort.dscd.msk.f32 $0xffff, v58, v59;
	_ =	sdelay $0xb  }
0x5d7: {  	v23, v24, _ =	vpop (xrf1)  }
0x5d8: {  	v23 =	vperm.xlane v23, v8  }
0x5d9: {  	v24 =	vperm.xlane v24, v8;
	v60, v61, _ =	vpop (xrf1)  }
0x5da: {  	vm1 =	vge.f32 v60, v23  }
0x5db: {  	v23 =	vsel vm1, v60, v23;
	v24 =	vsel vm1, v61, v24  }
0x5dc: {  	(xrf1) =	vsort.dscd.msk.f32 $0xffff, v23, v24;
	_ =	sdelay $0xd  }
0x5dd: {  	v23, v24, _ =	vpop (xrf1)  }
0x5de: {  	v23 =	vmax.f32 v23, $0.0e+00  }
0x5df: {  	v62 =	vnsel vm0, $0x0, v23  }
0x5e0: {  	(xrf2) =	vadd.scan.msk.f32 $0xffff, v62;
	_ =	sdelay $0x9  }
0x5e1: {  	v26, _, _ =	vpop (xrf2)  }
0x5e2: {  	(v2sf) =	vpush v26, $0xF;
	_ =	sdelay $0xe  }
0x5e3: {  	s28 =	spop (v2sf)  }
0x5e4: {  	s3 =	sadd.f32 $9.999999680e-21, s28;
	_ =	sdelay $0x1  }
0x5e5: {  	v63 =	vmov s3  }
0x5e6: {  	v10 =	vmul.f32 v11, v10;
	(erf) = vrcp.f32 v63  }
0x5e7: {  	[tilespmem:s11+$0x18] =	vst.msk $0xff, v9  }
0x5e8: {  	[tilespmem:s12+$0x18] =	vst.msk $0xff, v10;
	v9 =	vmul.f32 v14, v13  }
0x5e9: {  	[tilespmem:s14+$0x18] =	vst.msk $0xff, v12  }
0x5ea: {  	[tilespmem:s13+$0x18] =	vst.msk $0xff, v9;
	v9 =	vmul.f32 v17, v16  }
0x5eb: {  	[tilespmem:s15+$0x18] =	vst.msk $0xff, v15  }
0x5ec: {  	[tilespmem:s16+$0x18] =	vst.msk $0xff, v9;
	v9 =	vmul.f32 v20, v19  }
0x5ed: {  	[tilespmem:s20+$0x18] =	vst.msk $0xff, v18  }
0x5ee: {  	[tilespmem:s21+$0x18] =	vst.msk $0xff, v9;
	v9 =	vmul.f32 v25, v21  }
0x5ef: {  	[tilespmem:s0+$0x18] =	vst.msk $0xff, v22;
	v10 =	vpop (erf)  }
0x5f0: {  	[tilespmem:s31+$0x18] =	vst.msk $0xff, v9;
	v9 =	vmul.f32 v10, v23  }
0x5f1: {  	[tilespmem:s1+$0x18] =	vst.msk $0xff, v24  }
0x5f2: {  	[tilespmem:s8+$0x18] =	vst.msk $0xff, v9  }
0x5f3: {  	s29 =	simm.s32 $0x8000;
	s0 =	rddreg [dreg:$0x5]  }
0x5f4: {  	[hbm4b:s0+s2] =	stream.linear.scatter [tilespmem:s29], [sflag:$0x1], $0x800, $0x38;
	[tilespmem:$0x9100] =	vst v63  }
0x5f5: {  	s10 =	sadd.s32 $0x1, s10;
	_ =	swait.ge [sflag:s7], $0x800  }
0x5f6: {  	p0 =	sne.s32 s10, s6;
	s31 =	simm.s32 $0x8880;
	[sflag:s7] =	ssyncset.done $0x0  }
.Ltmp1:
0x5f7: {  	s30 =	rddreg [dreg:$0x6];
	[sflag:s7] =	ssyncadd.s32 $0xFFFFF800;
	(pc) =	sbr.rel @p0 .LBB2_1-.Ltmp1, $4  }
0x5f8: {  	[hbm4b:s30+s2] =	stream.linear.scatter [tilespmem:s31], [sflag:$0x1], $0x800, $0x38;
	[tilespmem:$0x9100] =	vst v63  }
0x5f9: {  	_ =	swait.ge [sflag:s7], $0x800  }
0x5fa: {  	[sflag:s7] =	ssyncset.done $0x0  }
0x5fb: {  	[sflag:s7] =	ssyncadd.s32 $0xFFFFF800  }
0x5fc: {  	_ =	sfence.sel $0x180000  }
0x5fd: {  	[bflag:$0x0] =	sbarrier.arrive $0xFFFF  }
0x5fe: {  	_ =	strace $0x9000004A  }
0x5ff: {  	s0 =	stileid.u32;
	[bflag:$0x2] =	sbarrier.arrive $0xFFFF  }
0x600: {  	p0 =	sne.s32 s0, $0x0;
	s0 =	rddreg [dreg:$0x3]  }
0x601: {  	s0 =	sadd.s32 @!p0 $0x100000, s0  }
0x602: {  	[sflag:s0] =	ssyncadd.tile.s32 @!p0 $0x1;
	_ =	shalt  }
.Lfunc_end2:
_tile_overlayer_lowered:
.L_overlay_start_2:
0x603: {  	(tag) =	ssettag $0x2  }
0x604: {  	s0 =	rddreg [dreg:$0x0];
	s2 =	stileid.u32  }
0x605: {  	s1 =	rddreg [dreg:$0x1];
	p0 =	sne.s32 s2, $0x0  }
0x606: {  	s3 =	rddreg [dreg:$0x2];
	[bflag:$0x3] =	sbarrier.arrive $0xFFFF;
	s2 =	simm.s32 @!p0 $0x1C01  }
0x607: {  	[timem:s3], [sflag:s2] =	dma.local @!p0 [hbm:s0], s1  }
0x608: {  	s0 =	simm.s32 @!p0 $0x1  }
0x609: {  	_ =	swait.ge @!p0 [sflag:s0], s1  }
0x60a: {  	s1 =	ssub.s32 @!p0 $0x0, s1;
	[sflag:s0] =	ssyncset.done @!p0 $0x0  }
0x60b: {  	[sflag:s0] =	ssyncadd.s32 @!p0 s1  }
0x60c: {  	[bflag:$0x3] =	sbarrier.arrive $0xFFFF  }
0x60d: {  	_ =	shalt  }

</sc_bundles>
